<compile_context>
chip_gen: v7x
topology: tpu7x:2x2x1
jax: 0.10.2.dev20260603
libtpu: 0.0.44.dev20260713+nightly
codegen_flags: <defaults>
</compile_context>

<pallas_src>
import functools

import jax
import jax.numpy as jnp
from jax import lax
from jax.experimental import pallas as pl
from jax.experimental.pallas import tpu as pltpu
from jax.experimental.pallas import tpu_sc as plsc

N = 10000
E = 160000
IN_C = 256
HID = 512
OUT_C = 256

NC = 2
NS = 16
NW = NC * NS
PB = 64
NBT = 81
EP = NW * NBT * PB
ACC_ROWS = 10240
RPT = ACC_ROWS // NS
R = 1024
GRID = ACC_ROWS // R


DEGW = 128


def _zero_acc_slice(zbuf, zsem, acc, s):
    z16 = jnp.zeros((16,), jnp.float32)

    def fill(r, c):
        for k in range(8):
            zbuf[r, pl.ds(16 * k, 16)] = z16
        return c

    lax.fori_loop(0, PB, fill, 0)

    def zcopy(i, c):
        pltpu.async_copy(zbuf, acc.at[pl.ds(s * RPT + i * PB, PB)], zsem)
        return c

    lax.fori_loop(0, RPT // PB, zcopy, 0)

    def zdrain(i, c):
        pltpu.make_async_copy(
            zbuf, acc.at[pl.ds(s * RPT + i * PB, PB)], zsem).wait()
        return c

    lax.fori_loop(0, RPT // PB, zdrain, 0)


@functools.cache
def _make_deg_sc(w=DEGW):
    mesh = plsc.VectorSubcoreMesh(
        core_axis_name="c", subcore_axis_name="s",
        num_cores=NC, num_subcores=NS)
    return functools.partial(
        pl.kernel,
        out_type=jax.ShapeDtypeStruct((NC, ACC_ROWS, w), jnp.float32),
        mesh=mesh,
        scratch_types=[
            pltpu.VMEM((NBT, PB), jnp.int32),
            pltpu.VMEM((PB, w), jnp.float32),
            pltpu.SemaphoreType.DMA,
            pltpu.VMEM_SHARED((ACC_ROWS, w), jnp.float32),
        ],
    )(_deg_sc_body)


def _deg_sc_body(dstp_hbm, ones_hbm, out_hbm, dst_v, ones_v, sem, acc):
    ci = lax.axis_index("c")
    s = lax.axis_index("s")
    w = ci * NS + s
    pltpu.sync_copy(dstp_hbm.at[w], dst_v)
    _zero_acc_slice(ones_v, sem, acc, s)
    pltpu.sync_copy(ones_hbm, ones_v)
    plsc.subcore_barrier()

    def fire(j, carry):
        pltpu.async_copy(ones_v, acc.at[dst_v.at[j]], sem, add=True)
        return carry

    def drain(j, carry):
        pltpu.make_async_copy(ones_v, acc.at[dst_v.at[j]], sem).wait()
        return carry

    lax.fori_loop(0, 8, fire, 0)

    def step(j, carry):
        carry = drain(j - 8, carry)
        return fire(j, carry)

    lax.fori_loop(8, NBT, step, 0)
    lax.fori_loop(NBT - 8, NBT, drain, 0)
    plsc.subcore_barrier()
    pltpu.sync_copy(acc.at[pl.ds(s * RPT, RPT)],
                    out_hbm.at[ci, pl.ds(s * RPT, RPT)])


@functools.cache
def _make_agg_sc(nch):
    mesh = plsc.VectorSubcoreMesh(
        core_axis_name="c", subcore_axis_name="s",
        num_cores=NC, num_subcores=NS)
    return functools.partial(
        pl.kernel,
        out_type=jax.ShapeDtypeStruct((nch, NC, ACC_ROWS, 128), jnp.float32),
        mesh=mesh,
        scratch_types=[
            pltpu.VMEM((NBT, PB), jnp.int32),
            pltpu.VMEM((NBT, PB), jnp.int32),
            pltpu.VMEM((PB, 128), jnp.float32),
            pltpu.VMEM((PB, 128), jnp.float32),
            pltpu.VMEM((PB, 128), jnp.float32),
            pltpu.SemaphoreType.DMA,
            pltpu.SemaphoreType.DMA,
            pltpu.SemaphoreType.DMA,
            pltpu.SemaphoreType.DMA,
            pltpu.SemaphoreType.DMA,
            pltpu.SemaphoreType.DMA,
            pltpu.VMEM_SHARED((ACC_ROWS, 128), jnp.float32),
        ],
    )(functools.partial(_agg_sc_body, nch))


def _agg_sc_body(nch, *refs):
    gs = refs[0:nch]
    srcp_hbm, dstp_hbm, out_hbm = refs[nch:nch + 3]
    (src_v, dst_v, b0, b1, b2,
     gs0, gs1, gs2, ss0, ss1, ss2, acc) = refs[nch + 3:]
    bufs = (b0, b1, b2)
    gsem = (gs0, gs1, gs2)
    ssem = (ss0, ss1, ss2)
    ci = lax.axis_index("c")
    s = lax.axis_index("s")
    w = ci * NS + s
    pltpu.sync_copy(srcp_hbm.at[w], src_v)
    pltpu.sync_copy(dstp_hbm.at[w], dst_v)

    for c in range(nch):
        g_hbm = gs[c]

        def gather(j, b):
            pltpu.async_copy(g_hbm.at[src_v.at[j]], bufs[b], gsem[b])

        def wait_gather(j, b):
            pltpu.make_async_copy(
                g_hbm.at[src_v.at[j]], bufs[b], gsem[b]).wait()

        def scatter(j, b):
            pltpu.async_copy(bufs[b], acc.at[dst_v.at[j]], ssem[b], add=True)

        def wait_scatter(j, b):
            pltpu.make_async_copy(
                bufs[b], acc.at[dst_v.at[j]], ssem[b]).wait()

        gather(0, 0)
        gather(1, 1)
        _zero_acc_slice(b2, ss2, acc, s)
        plsc.subcore_barrier()

        gather(2, 2)
        wait_gather(0, 0)
        scatter(0, 0)

        wait_scatter(0, 0)
        gather(3, 0)
        wait_gather(1, 1)
        scatter(1, 1)

        wait_scatter(1, 1)
        gather(4, 1)
        wait_gather(2, 2)
        scatter(2, 2)

        def body(jj, carry):
            for t in range(3):
                j = 3 * jj + t
                bp = (t + 2) % 3
                m = jnp.minimum(j + 2, NBT - 1)
                wait_scatter(j - 1, bp)
                gather(m, bp)
                wait_gather(j, t)
                scatter(j, t)
            return carry

        lax.fori_loop(1, NBT // 3, body, 0)
        wait_scatter(NBT - 1, 2)
        wait_gather(NBT - 1, 0)
        wait_gather(NBT - 1, 1)
        plsc.subcore_barrier()
        pltpu.sync_copy(acc.at[pl.ds(s * RPT, RPT)],
                        out_hbm.at[c, ci, pl.ds(s * RPT, RPT)])



def _dinv_block(degp):
    d = degp[...]
    return lax.rsqrt(d[0, :, 0:1] + d[1, :, 0:1] + 1.0)


def _mm1_body(x_ref, w1_ref, degp_ref, o0, o1, o2, o3):
    dinv = _dinv_block(degp_ref)
    h = jnp.dot(x_ref[...], w1_ref[...], preferred_element_type=jnp.float32)
    g = h * dinv
    o0[...] = g[:, 0:128]
    o1[...] = g[:, 128:256]
    o2[...] = g[:, 256:384]
    o3[...] = g[:, 384:512]


_mm1 = pl.pallas_call(
    _mm1_body,
    grid=(GRID,),
    in_specs=[
        pl.BlockSpec((R, IN_C), lambda i: (i, 0)),
        pl.BlockSpec((IN_C, HID), lambda i: (0, 0)),
        pl.BlockSpec((NC, R, DEGW), lambda i: (0, i, 0)),
    ],
    out_specs=[pl.BlockSpec((R, 128), lambda i: (i, 0))] * 4,
    out_shape=[jax.ShapeDtypeStruct((N, 128), jnp.float32)] * 4,
)


def _mm2_body(p0, p1, p2, p3, g0, g1, g2, g3, degp_ref, b1_ref, w2_ref,
              o0, o1):
    dinv = _dinv_block(degp_ref)
    h2 = jnp.zeros((R, OUT_C), jnp.float32)
    for c, (p, g) in enumerate(zip((p0, p1, p2, p3), (g0, g1, g2, g3))):
        pc = p[...]
        acc = pc[0] + pc[1] + g[...]
        y = jnp.maximum(acc * dinv + b1_ref[0:1, 128 * c:128 * (c + 1)], 0.0)
        h2 = h2 + jnp.dot(y, w2_ref[128 * c:128 * (c + 1), :],
                          preferred_element_type=jnp.float32)
    g2o = h2 * dinv
    o0[...] = g2o[:, 0:128]
    o1[...] = g2o[:, 128:256]


_mm2 = pl.pallas_call(
    _mm2_body,
    grid=(GRID,),
    in_specs=(
        [pl.BlockSpec((NC, R, 128), lambda i: (0, i, 0))] * 4
        + [pl.BlockSpec((R, 128), lambda i: (i, 0))] * 4
        + [
            pl.BlockSpec((NC, R, DEGW), lambda i: (0, i, 0)),
            pl.BlockSpec((8, HID), lambda i: (0, 0)),
            pl.BlockSpec((HID, OUT_C), lambda i: (0, 0)),
        ]
    ),
    out_specs=[pl.BlockSpec((R, 128), lambda i: (i, 0))] * 2,
    out_shape=[jax.ShapeDtypeStruct((N, 128), jnp.float32)] * 2,
)


def _fin_body(q0, q1, g0, g1, degp_ref, b2_ref, out_ref):
    dinv = _dinv_block(degp_ref)
    cols = []
    for c, (q, g) in enumerate(zip((q0, q1), (g0, g1))):
        qc = q[...]
        acc = qc[0] + qc[1] + g[...]
        cols.append(acc * dinv + b2_ref[0:1, 128 * c:128 * (c + 1)])
    out_ref[...] = jnp.concatenate(cols, axis=1)


_fin = pl.pallas_call(
    _fin_body,
    grid=(GRID,),
    in_specs=(
        [pl.BlockSpec((NC, R, 128), lambda i: (0, i, 0))] * 2
        + [pl.BlockSpec((R, 128), lambda i: (i, 0))] * 2
        + [
            pl.BlockSpec((NC, R, DEGW), lambda i: (0, i, 0)),
            pl.BlockSpec((8, OUT_C), lambda i: (0, 0)),
        ]
    ),
    out_specs=pl.BlockSpec((R, OUT_C), lambda i: (i, 0)),
    out_shape=jax.ShapeDtypeStruct((N, OUT_C), jnp.float32),
)



def kernel(x, edge_index, W1, b1, W2, b2):
    x = x.astype(jnp.float32)
    src = edge_index[0].astype(jnp.int32)
    dst = edge_index[1].astype(jnp.int32)
    npad = EP - E
    pad_src = (jnp.arange(npad, dtype=jnp.int32) % N)
    pad_dst = jnp.full((npad,), N, jnp.int32)
    srcp = jnp.concatenate([src, pad_src]).reshape(NW, NBT, PB)
    dstp = jnp.concatenate([dst, pad_dst]).reshape(NW, NBT, PB)

    ones_deg = jnp.ones((PB, DEGW), jnp.float32)

    deg_sc = _make_deg_sc()
    agg_sc = _make_agg_sc(1)
    degp = deg_sc(dstp, ones_deg)
    g1 = _mm1(x, W1, degp)
    p1 = [agg_sc(gc, srcp, dstp)[0] for gc in g1]
    g2 = _mm2(*p1, *g1, degp, jnp.broadcast_to(b1, (8, HID)), W2)
    p2 = [agg_sc(gc, srcp, dstp)[0] for gc in g2]
    out = _fin(*p2, *g2, degp, jnp.broadcast_to(b2, (8, OUT_C)))
    return out

# --- scband reference (transcript-rebuilt; emitter-appended) ---
"""Pipeline reference for scband-gcnencoder-87625922773144 (READ-ONLY COPY).

The authoritative reference and input builder live on the scoring server;
editing this copy changes nothing except your own understanding.
"""

import jax, jax.numpy as jnp
import numpy as np

N = 10000
E = 160000
IN_C = 256
HID = 512  # 2 * out_channels
OUT_C = 256


def gcn_conv(x, edge_index, W, b, num_nodes):
    # Faithful PyG GCNConv: add self-loops, symmetric normalization, linear, scatter-add, bias.
    src = edge_index[0]
    dst = edge_index[1]
    loop = jnp.arange(num_nodes, dtype=src.dtype)
    src = jnp.concatenate([src, loop])
    dst = jnp.concatenate([dst, loop])
    ones = jnp.ones_like(src, dtype=x.dtype)
    deg = jax.ops.segment_sum(ones, dst, num_segments=num_nodes)
    deg_inv_sqrt = jnp.where(deg > 0, deg ** -0.5, 0.0)
    norm = deg_inv_sqrt[src] * deg_inv_sqrt[dst]
    h = x @ W  # linear (no bias inside message passing)
    msg = h[src] * norm[:, None]
    out = jax.ops.segment_sum(msg, dst, num_segments=num_nodes)
    return out + b


def setup_inputs(seed: int = 0) -> dict:
    key = jax.random.key(seed)
    k1, k2, k3, k4, k5, k6 = jax.random.split(key, 6)
    x = jax.random.normal(k1, (N, IN_C), dtype=jnp.float32)
    edge_index = jax.random.randint(k2, (2, E), 0, N, dtype=jnp.int32)
    # Glorot-style init for GCNConv weights; zeros bias (PyG default)
    W1 = jax.random.normal(k3, (IN_C, HID), dtype=jnp.float32) * (2.0 / (IN_C + HID)) ** 0.5
    b1 = jnp.zeros((HID,), dtype=jnp.float32)
    W2 = jax.random.normal(k4, (HID, OUT_C), dtype=jnp.float32) * (2.0 / (HID + OUT_C)) ** 0.5
    b2 = jnp.zeros((OUT_C,), dtype=jnp.float32)
    return {"x": x, "edge_index": edge_index, "W1": W1, "b1": b1, "W2": W2, "b2": b2}


def reference(x, edge_index, W1, b1, W2, b2):
    x = x.astype(jnp.float32)
    h = gcn_conv(x, edge_index, W1, b1, N)
    h = jax.nn.relu(h)
    out = gcn_conv(h, edge_index, W2, b2, N)
    return out

if __name__ == "__main__":
    import jax
    _d = setup_inputs()
    print(jax.jit(kernel)(*tuple(_d.values())))

</pallas_src>

<mosaic_0001>
#map = affine_map<(d0, d1) -> (0, 0)>
#map1 = affine_map<(d0, d1) -> (0, 0, 0)>
#map2 = affine_map<(d0, d1) -> (0, 0, 0, 0)>
module attributes {stable_mosaic.version = 14 : i64} {
  func.func @_agg_sc_body(%arg0: i32, %arg1: i32, %arg2: memref<10000x128xf32, #tpu.memory_space<hbm>>, %arg3: memref<32x81x64xi32, #tpu.memory_space<hbm>>, %arg4: memref<32x81x64xi32, #tpu.memory_space<hbm>>, %arg5: memref<1x2x10240x128xf32, #tpu.memory_space<hbm>>, %arg6: memref<81x64xi32, #tpu.memory_space<vmem>>, %arg7: memref<81x64xi32, #tpu.memory_space<vmem>>, %arg8: memref<64x128xf32, #tpu.memory_space<vmem>>, %arg9: memref<64x128xf32, #tpu.memory_space<vmem>>, %arg10: memref<64x128xf32, #tpu.memory_space<vmem>>, %arg11: memref<!tpu.dma_semaphore, #tpu.memory_space<semaphore_mem>>, %arg12: memref<!tpu.dma_semaphore, #tpu.memory_space<semaphore_mem>>, %arg13: memref<!tpu.dma_semaphore, #tpu.memory_space<semaphore_mem>>, %arg14: memref<!tpu.dma_semaphore, #tpu.memory_space<semaphore_mem>>, %arg15: memref<!tpu.dma_semaphore, #tpu.memory_space<semaphore_mem>>, %arg16: memref<!tpu.dma_semaphore, #tpu.memory_space<semaphore_mem>>, %arg17: memref<10240x128xf32, #tpu.memory_space<vmem_shared>>) attributes {dimension_semantics = [#tpu.dimension_semantics<core_parallel>, #tpu.dimension_semantics<subcore_parallel>], iteration_bounds = array<i64: 2, 16>, scalar_prefetch = 0 : i64, scratch_operands = 12 : i64, tpu.core_type = #tpu.core_type<sc_vector_subcore>, window_params = [{transform_indices = #map}, {transform_indices = #map1}, {transform_indices = #map1}, {transform_indices = #map2}]} {
    %mul3A = arith.constant 16 : i32
    %mul3A_0 = arith.muli %arg0, %mul3A : i32
    %add3A = arith.addi %mul3A_0, %arg1 : i32
    "tpu.region"() ({
      %run_scoped3A_140 = tpu.sem_alloc : memref<!tpu.dma_semaphore, #tpu.memory_space<semaphore_mem>>
      %dma_start3A_141 = arith.constant 0 : i32
      %dma_start3A_142 = arith.constant 0 : i32
      %dma_start3A_143 = tpu.memref_slice %arg3[%add3A, %dma_start3A_141, %dma_start3A_142] : memref<32x81x64xi32, #tpu.memory_space<hbm>> -> memref<1x81x64xi32, #tpu.memory_space<hbm>>
      %dma_start3A_144 = tpu.memref_squeeze %dma_start3A_143 : memref<1x81x64xi32, #tpu.memory_space<hbm>> -> memref<81x64xi32, #tpu.memory_space<hbm>>
      %dma_start3A_145 = arith.constant 0 : i32
      %dma_start3A_146 = arith.constant 0 : i32
      %dma_start3A_147 = tpu.memref_slice %arg3[%add3A, %dma_start3A_145, %dma_start3A_146] : memref<32x81x64xi32, #tpu.memory_space<hbm>> -> memref<1x81x64xi32, #tpu.memory_space<hbm>>
      %dma_start3A_148 = tpu.memref_squeeze %dma_start3A_147 : memref<1x81x64xi32, #tpu.memory_space<hbm>> -> memref<81x64xi32, #tpu.memory_space<hbm>>
      tpu.enqueue_dma source(%dma_start3A_148 : memref<81x64xi32, #tpu.memory_space<hbm>>) target(%arg6 : memref<81x64xi32, #tpu.memory_space<vmem>>) target_semaphore(%run_scoped3A_140 : memref<!tpu.dma_semaphore, #tpu.memory_space<semaphore_mem>>)
      %dma_wait3A_149 = arith.constant 0 : i32
      %dma_wait3A_150 = arith.constant 0 : i32
      %dma_wait3A_151 = tpu.memref_slice %arg3[%add3A, %dma_wait3A_149, %dma_wait3A_150] : memref<32x81x64xi32, #tpu.memory_space<hbm>> -> memref<1x81x64xi32, #tpu.memory_space<hbm>>
      %dma_wait3A_152 = tpu.memref_squeeze %dma_wait3A_151 : memref<1x81x64xi32, #tpu.memory_space<hbm>> -> memref<81x64xi32, #tpu.memory_space<hbm>>
      %dma_wait3A_153 = arith.constant 0 : i32
      %dma_wait3A_154 = arith.constant 0 : i32
      %dma_wait3A_155 = tpu.memref_slice %arg3[%add3A, %dma_wait3A_153, %dma_wait3A_154] : memref<32x81x64xi32, #tpu.memory_space<hbm>> -> memref<1x81x64xi32, #tpu.memory_space<hbm>>
      %dma_wait3A_156 = tpu.memref_squeeze %dma_wait3A_155 : memref<1x81x64xi32, #tpu.memory_space<hbm>> -> memref<81x64xi32, #tpu.memory_space<hbm>>
      tpu.wait_dma2 semaphore(%run_scoped3A_140 : memref<!tpu.dma_semaphore, #tpu.memory_space<semaphore_mem>>) src(%dma_wait3A_156 : memref<81x64xi32, #tpu.memory_space<hbm>>) dst(%arg6 : memref<81x64xi32, #tpu.memory_space<vmem>>)
      tpu.yield
    }) : () -> ()
    "tpu.region"() ({
      %run_scoped3A_140 = tpu.sem_alloc : memref<!tpu.dma_semaphore, #tpu.memory_space<semaphore_mem>>
      %dma_start3A_141 = arith.constant 0 : i32
      %dma_start3A_142 = arith.constant 0 : i32
      %dma_start3A_143 = tpu.memref_slice %arg4[%add3A, %dma_start3A_141, %dma_start3A_142] : memref<32x81x64xi32, #tpu.memory_space<hbm>> -> memref<1x81x64xi32, #tpu.memory_space<hbm>>
      %dma_start3A_144 = tpu.memref_squeeze %dma_start3A_143 : memref<1x81x64xi32, #tpu.memory_space<hbm>> -> memref<81x64xi32, #tpu.memory_space<hbm>>
      %dma_start3A_145 = arith.constant 0 : i32
      %dma_start3A_146 = arith.constant 0 : i32
      %dma_start3A_147 = tpu.memref_slice %arg4[%add3A, %dma_start3A_145, %dma_start3A_146] : memref<32x81x64xi32, #tpu.memory_space<hbm>> -> memref<1x81x64xi32, #tpu.memory_space<hbm>>
      %dma_start3A_148 = tpu.memref_squeeze %dma_start3A_147 : memref<1x81x64xi32, #tpu.memory_space<hbm>> -> memref<81x64xi32, #tpu.memory_space<hbm>>
      tpu.enqueue_dma source(%dma_start3A_148 : memref<81x64xi32, #tpu.memory_space<hbm>>) target(%arg7 : memref<81x64xi32, #tpu.memory_space<vmem>>) target_semaphore(%run_scoped3A_140 : memref<!tpu.dma_semaphore, #tpu.memory_space<semaphore_mem>>)
      %dma_wait3A_149 = arith.constant 0 : i32
      %dma_wait3A_150 = arith.constant 0 : i32
      %dma_wait3A_151 = tpu.memref_slice %arg4[%add3A, %dma_wait3A_149, %dma_wait3A_150] : memref<32x81x64xi32, #tpu.memory_space<hbm>> -> memref<1x81x64xi32, #tpu.memory_space<hbm>>
      %dma_wait3A_152 = tpu.memref_squeeze %dma_wait3A_151 : memref<1x81x64xi32, #tpu.memory_space<hbm>> -> memref<81x64xi32, #tpu.memory_space<hbm>>
      %dma_wait3A_153 = arith.constant 0 : i32
      %dma_wait3A_154 = arith.constant 0 : i32
      %dma_wait3A_155 = tpu.memref_slice %arg4[%add3A, %dma_wait3A_153, %dma_wait3A_154] : memref<32x81x64xi32, #tpu.memory_space<hbm>> -> memref<1x81x64xi32, #tpu.memory_space<hbm>>
      %dma_wait3A_156 = tpu.memref_squeeze %dma_wait3A_155 : memref<1x81x64xi32, #tpu.memory_space<hbm>> -> memref<81x64xi32, #tpu.memory_space<hbm>>
      tpu.wait_dma2 semaphore(%run_scoped3A_140 : memref<!tpu.dma_semaphore, #tpu.memory_space<semaphore_mem>>) src(%dma_wait3A_156 : memref<81x64xi32, #tpu.memory_space<hbm>>) dst(%arg7 : memref<81x64xi32, #tpu.memory_space<vmem>>)
      tpu.yield
    }) : () -> ()
    %dma_start3A = arith.constant 0 : i32
    %dma_start3A_1 = arith.constant 0 : i32
    %dma_start3A_2 = tpu.memref_slice %arg6[%dma_start3A, %dma_start3A_1] : memref<81x64xi32, #tpu.memory_space<vmem>> -> memref<1x64xi32, #tpu.memory_space<vmem>>
    %dma_start3A_3 = tpu.memref_squeeze %dma_start3A_2 : memref<1x64xi32, #tpu.memory_space<vmem>> -> memref<64xi32, #tpu.memory_space<vmem>>
    %dma_start3A_4 = arith.constant 0 : i32
    %dma_start3A_5 = arith.constant 0 : i32
    %dma_start3A_6 = tpu.memref_slice %arg2[%dma_start3A_4, %dma_start3A_5] : memref<10000x128xf32, #tpu.memory_space<hbm>> -> memref<10000x128xf32, #tpu.memory_space<hbm>>
    tpu.enqueue_indirect_dma source(%dma_start3A_6 : memref<10000x128xf32, #tpu.memory_space<hbm>>) target(%arg8 : memref<64x128xf32, #tpu.memory_space<vmem>>) offsets(%dma_start3A_3 : memref<64xi32, #tpu.memory_space<vmem>>) semaphore(%arg11 : memref<!tpu.dma_semaphore, #tpu.memory_space<semaphore_mem>>)
    %dma_start3A_7 = arith.constant 1 : i32
    %dma_start3A_8 = arith.constant 0 : i32
    %dma_start3A_9 = tpu.memref_slice %arg6[%dma_start3A_7, %dma_start3A_8] : memref<81x64xi32, #tpu.memory_space<vmem>> -> memref<1x64xi32, #tpu.memory_space<vmem>>
    %dma_start3A_10 = tpu.memref_squeeze %dma_start3A_9 : memref<1x64xi32, #tpu.memory_space<vmem>> -> memref<64xi32, #tpu.memory_space<vmem>>
    %dma_start3A_11 = arith.constant 0 : i32
    %dma_start3A_12 = arith.constant 0 : i32
    %dma_start3A_13 = tpu.memref_slice %arg2[%dma_start3A_11, %dma_start3A_12] : memref<10000x128xf32, #tpu.memory_space<hbm>> -> memref<10000x128xf32, #tpu.memory_space<hbm>>
    tpu.enqueue_indirect_dma source(%dma_start3A_13 : memref<10000x128xf32, #tpu.memory_space<hbm>>) target(%arg9 : memref<64x128xf32, #tpu.memory_space<vmem>>) offsets(%dma_start3A_10 : memref<64xi32, #tpu.memory_space<vmem>>) semaphore(%arg12 : memref<!tpu.dma_semaphore, #tpu.memory_space<semaphore_mem>>)
    %broadcast_in_dim3A = arith.constant 0.000000e+00 : f32
    %broadcast_in_dim3A_14 = vector.broadcast %broadcast_in_dim3A : f32 to vector<16xf32>
    %scan3A = arith.constant 0 : i32
    %scan3A_15 = arith.constant 0 : i32
    %scan3A_16 = arith.constant 64 : i32
    %scan3A_17 = arith.addi %scan3A_15, %scan3A_16 : i32
    %scan3A_18 = arith.constant 1 : i32
    scf.for %scan3A_140 = %scan3A_15 to %scan3A_17 step %scan3A_18  : i32 {
      %swap3A = arith.index_cast %scan3A_140 : i32 to index
      %swap3A_141 = arith.constant 0 : index
      %swap3A_142 = tpu.vector_load %arg10[%swap3A, %swap3A_141] {strides = array<i32>} : memref<64x128xf32, #tpu.memory_space<vmem>>, vector<1x16xf32>,
      %swap3A_143 = vector.shape_cast %swap3A_142 : vector<1x16xf32> to vector<16xf32>
      %swap3A_144 = vector.shape_cast %broadcast_in_dim3A_14 : vector<16xf32> to vector<1x16xf32>
      tpu.vector_store %arg10[%swap3A, %swap3A_141], %swap3A_144 {strides = array<i32>} : memref<64x128xf32, #tpu.memory_space<vmem>>, vector<1x16xf32>,
      %swap3A_145 = arith.index_cast %scan3A_140 : i32 to index
      %swap3A_146 = arith.constant 16 : index
      %swap3A_147 = tpu.vector_load %arg10[%swap3A_145, %swap3A_146] {strides = array<i32>} : memref<64x128xf32, #tpu.memory_space<vmem>>, vector<1x16xf32>,
      %swap3A_148 = vector.shape_cast %swap3A_147 : vector<1x16xf32> to vector<16xf32>
      %swap3A_149 = vector.shape_cast %broadcast_in_dim3A_14 : vector<16xf32> to vector<1x16xf32>
      tpu.vector_store %arg10[%swap3A_145, %swap3A_146], %swap3A_149 {strides = array<i32>} : memref<64x128xf32, #tpu.memory_space<vmem>>, vector<1x16xf32>,
      %swap3A_150 = arith.index_cast %scan3A_140 : i32 to index
      %swap3A_151 = arith.constant 32 : index
      %swap3A_152 = tpu.vector_load %arg10[%swap3A_150, %swap3A_151] {strides = array<i32>} : memref<64x128xf32, #tpu.memory_space<vmem>>, vector<1x16xf32>,
      %swap3A_153 = vector.shape_cast %swap3A_152 : vector<1x16xf32> to vector<16xf32>
      %swap3A_154 = vector.shape_cast %broadcast_in_dim3A_14 : vector<16xf32> to vector<1x16xf32>
      tpu.vector_store %arg10[%swap3A_150, %swap3A_151], %swap3A_154 {strides = array<i32>} : memref<64x128xf32, #tpu.memory_space<vmem>>, vector<1x16xf32>,
      %swap3A_155 = arith.index_cast %scan3A_140 : i32 to index
      %swap3A_156 = arith.constant 48 : index
      %swap3A_157 = tpu.vector_load %arg10[%swap3A_155, %swap3A_156] {strides = array<i32>} : memref<64x128xf32, #tpu.memory_space<vmem>>, vector<1x16xf32>,
      %swap3A_158 = vector.shape_cast %swap3A_157 : vector<1x16xf32> to vector<16xf32>
      %swap3A_159 = vector.shape_cast %broadcast_in_dim3A_14 : vector<16xf32> to vector<1x16xf32>
      tpu.vector_store %arg10[%swap3A_155, %swap3A_156], %swap3A_159 {strides = array<i32>} : memref<64x128xf32, #tpu.memory_space<vmem>>, vector<1x16xf32>,
      %swap3A_160 = arith.index_cast %scan3A_140 : i32 to index
      %swap3A_161 = arith.constant 64 : index
      %swap3A_162 = tpu.vector_load %arg10[%swap3A_160, %swap3A_161] {strides = array<i32>} : memref<64x128xf32, #tpu.memory_space<vmem>>, vector<1x16xf32>,
      %swap3A_163 = vector.shape_cast %swap3A_162 : vector<1x16xf32> to vector<16xf32>
      %swap3A_164 = vector.shape_cast %broadcast_in_dim3A_14 : vector<16xf32> to vector<1x16xf32>
      tpu.vector_store %arg10[%swap3A_160, %swap3A_161], %swap3A_164 {strides = array<i32>} : memref<64x128xf32, #tpu.memory_space<vmem>>, vector<1x16xf32>,
      %swap3A_165 = arith.index_cast %scan3A_140 : i32 to index
      %swap3A_166 = arith.constant 80 : index
      %swap3A_167 = tpu.vector_load %arg10[%swap3A_165, %swap3A_166] {strides = array<i32>} : memref<64x128xf32, #tpu.memory_space<vmem>>, vector<1x16xf32>,
      %swap3A_168 = vector.shape_cast %swap3A_167 : vector<1x16xf32> to vector<16xf32>
      %swap3A_169 = vector.shape_cast %broadcast_in_dim3A_14 : vector<16xf32> to vector<1x16xf32>
      tpu.vector_store %arg10[%swap3A_165, %swap3A_166], %swap3A_169 {strides = array<i32>} : memref<64x128xf32, #tpu.memory_space<vmem>>, vector<1x16xf32>,
      %swap3A_170 = arith.index_cast %scan3A_140 : i32 to index
      %swap3A_171 = arith.constant 96 : index
      %swap3A_172 = tpu.vector_load %arg10[%swap3A_170, %swap3A_171] {strides = array<i32>} : memref<64x128xf32, #tpu.memory_space<vmem>>, vector<1x16xf32>,
      %swap3A_173 = vector.shape_cast %swap3A_172 : vector<1x16xf32> to vector<16xf32>
      %swap3A_174 = vector.shape_cast %broadcast_in_dim3A_14 : vector<16xf32> to vector<1x16xf32>
      tpu.vector_store %arg10[%swap3A_170, %swap3A_171], %swap3A_174 {strides = array<i32>} : memref<64x128xf32, #tpu.memory_space<vmem>>, vector<1x16xf32>,
      %swap3A_175 = arith.index_cast %scan3A_140 : i32 to index
      %swap3A_176 = arith.constant 112 : index
      %swap3A_177 = tpu.vector_load %arg10[%swap3A_175, %swap3A_176] {strides = array<i32>} : memref<64x128xf32, #tpu.memory_space<vmem>>, vector<1x16xf32>,
      %swap3A_178 = vector.shape_cast %swap3A_177 : vector<1x16xf32> to vector<16xf32>
      %swap3A_179 = vector.shape_cast %broadcast_in_dim3A_14 : vector<16xf32> to vector<1x16xf32>
      tpu.vector_store %arg10[%swap3A_175, %swap3A_176], %swap3A_179 {strides = array<i32>} : memref<64x128xf32, #tpu.memory_space<vmem>>, vector<1x16xf32>,
    }
    %scan3A_19 = arith.constant 64 : i32
    %scan3A_20 = arith.constant 0 : i32
    %scan3A_21 = arith.constant 0 : i32
    %scan3A_22 = arith.constant 10 : i32
    %scan3A_23 = arith.addi %scan3A_21, %scan3A_22 : i32
    %scan3A_24 = arith.constant 1 : i32
    scf.for %scan3A_140 = %scan3A_21 to %scan3A_23 step %scan3A_24  : i32 {
      %mul3A_141 = arith.constant 640 : i32
      %mul3A_142 = arith.muli %arg1, %mul3A_141 : i32
      %mul3A_143 = arith.constant 64 : i32
      %mul3A_144 = arith.muli %scan3A_140, %mul3A_143 : i32
      %add3A_145 = arith.addi %mul3A_142, %mul3A_144 : i32
      %dma_start3A_146 = arith.constant 0 : i32
      %dma_start3A_147 = tpu.memref_slice %arg17[%add3A_145, %dma_start3A_146] : memref<10240x128xf32, #tpu.memory_space<vmem_shared>> -> memref<64x128xf32, #tpu.memory_space<vmem_shared>>
      %dma_start3A_148 = arith.constant 0 : i32
      %dma_start3A_149 = tpu.memref_slice %arg17[%add3A_145, %dma_start3A_148] : memref<10240x128xf32, #tpu.memory_space<vmem_shared>> -> memref<64x128xf32, #tpu.memory_space<vmem_shared>>
      tpu.enqueue_dma source(%arg10 : memref<64x128xf32, #tpu.memory_space<vmem>>) target(%dma_start3A_149 : memref<64x128xf32, #tpu.memory_space<vmem_shared>>) target_semaphore(%arg16 : memref<!tpu.dma_semaphore, #tpu.memory_space<semaphore_mem>>)
    }
    %scan3A_25 = arith.constant 10 : i32
    %scan3A_26 = arith.constant 0 : i32
    %scan3A_27 = arith.constant 0 : i32
    %scan3A_28 = arith.constant 10 : i32
    %scan3A_29 = arith.addi %scan3A_27, %scan3A_28 : i32
    %scan3A_30 = arith.constant 1 : i32
    scf.for %scan3A_140 = %scan3A_27 to %scan3A_29 step %scan3A_30  : i32 {
      %mul3A_141 = arith.constant 640 : i32
      %mul3A_142 = arith.muli %arg1, %mul3A_141 : i32
      %mul3A_143 = arith.constant 64 : i32
      %mul3A_144 = arith.muli %scan3A_140, %mul3A_143 : i32
      %add3A_145 = arith.addi %mul3A_142, %mul3A_144 : i32
      %dma_wait3A_146 = arith.constant 0 : i32
      %dma_wait3A_147 = tpu.memref_slice %arg17[%add3A_145, %dma_wait3A_146] : memref<10240x128xf32, #tpu.memory_space<vmem_shared>> -> memref<64x128xf32, #tpu.memory_space<vmem_shared>>
      %dma_wait3A_148 = arith.constant 0 : i32
      %dma_wait3A_149 = tpu.memref_slice %arg17[%add3A_145, %dma_wait3A_148] : memref<10240x128xf32, #tpu.memory_space<vmem_shared>> -> memref<64x128xf32, #tpu.memory_space<vmem_shared>>
      tpu.wait_dma2 semaphore(%arg16 : memref<!tpu.dma_semaphore, #tpu.memory_space<semaphore_mem>>) src(%arg10 : memref<64x128xf32, #tpu.memory_space<vmem>>) dst(%dma_wait3A_149 : memref<64x128xf32, #tpu.memory_space<vmem_shared>>)
    }
    %scan3A_31 = arith.constant 10 : i32
    %barrier3A = arith.constant 0 : index
    tpu.barrier barrier_id(%barrier3A)
    %dma_start3A_32 = arith.constant 2 : i32
    %dma_start3A_33 = arith.constant 0 : i32
    %dma_start3A_34 = tpu.memref_slice %arg6[%dma_start3A_32, %dma_start3A_33] : memref<81x64xi32, #tpu.memory_space<vmem>> -> memref<1x64xi32, #tpu.memory_space<vmem>>
    %dma_start3A_35 = tpu.memref_squeeze %dma_start3A_34 : memref<1x64xi32, #tpu.memory_space<vmem>> -> memref<64xi32, #tpu.memory_space<vmem>>
    %dma_start3A_36 = arith.constant 0 : i32
    %dma_start3A_37 = arith.constant 0 : i32
    %dma_start3A_38 = tpu.memref_slice %arg2[%dma_start3A_36, %dma_start3A_37] : memref<10000x128xf32, #tpu.memory_space<hbm>> -> memref<10000x128xf32, #tpu.memory_space<hbm>>
    tpu.enqueue_indirect_dma source(%dma_start3A_38 : memref<10000x128xf32, #tpu.memory_space<hbm>>) target(%arg10 : memref<64x128xf32, #tpu.memory_space<vmem>>) offsets(%dma_start3A_35 : memref<64xi32, #tpu.memory_space<vmem>>) semaphore(%arg13 : memref<!tpu.dma_semaphore, #tpu.memory_space<semaphore_mem>>)
    %dma_wait3A = arith.constant 0 : i32
    %dma_wait3A_39 = arith.constant 0 : i32
    %dma_wait3A_40 = tpu.memref_slice %arg6[%dma_wait3A, %dma_wait3A_39] : memref<81x64xi32, #tpu.memory_space<vmem>> -> memref<1x64xi32, #tpu.memory_space<vmem>>
    %dma_wait3A_41 = tpu.memref_squeeze %dma_wait3A_40 : memref<1x64xi32, #tpu.memory_space<vmem>> -> memref<64xi32, #tpu.memory_space<vmem>>
    %dma_wait3A_42 = arith.constant 0 : i32
    %dma_wait3A_43 = arith.constant 0 : i32
    %dma_wait3A_44 = tpu.memref_slice %arg2[%dma_wait3A_42, %dma_wait3A_43] : memref<10000x128xf32, #tpu.memory_space<hbm>> -> memref<10000x128xf32, #tpu.memory_space<hbm>>
    tpu.wait_indirect_dma semaphore(%arg11 : memref<!tpu.dma_semaphore, #tpu.memory_space<semaphore_mem>>) src(%dma_wait3A_44 : memref<10000x128xf32, #tpu.memory_space<hbm>>) dst(%arg8 : memref<64x128xf32, #tpu.memory_space<vmem>>)
    %dma_start3A_45 = arith.constant 0 : i32
    %dma_start3A_46 = arith.constant 0 : i32
    %dma_start3A_47 = tpu.memref_slice %arg7[%dma_start3A_45, %dma_start3A_46] : memref<81x64xi32, #tpu.memory_space<vmem>> -> memref<1x64xi32, #tpu.memory_space<vmem>>
    %dma_start3A_48 = tpu.memref_squeeze %dma_start3A_47 : memref<1x64xi32, #tpu.memory_space<vmem>> -> memref<64xi32, #tpu.memory_space<vmem>>
    %dma_start3A_49 = arith.constant 0 : i32
    %dma_start3A_50 = arith.constant 0 : i32
    %dma_start3A_51 = tpu.memref_slice %arg17[%dma_start3A_49, %dma_start3A_50] : memref<10240x128xf32, #tpu.memory_space<vmem_shared>> -> memref<10240x128xf32, #tpu.memory_space<vmem_shared>>
    tpu.enqueue_indirect_dma source(%arg8 : memref<64x128xf32, #tpu.memory_space<vmem>>) target(%dma_start3A_51 : memref<10240x128xf32, #tpu.memory_space<vmem_shared>>) offsets(%dma_start3A_48 : memref<64xi32, #tpu.memory_space<vmem>>) semaphore(%arg14 : memref<!tpu.dma_semaphore, #tpu.memory_space<semaphore_mem>>) {add = true}
    %dma_wait3A_52 = arith.constant 0 : i32
    %dma_wait3A_53 = arith.constant 0 : i32
    %dma_wait3A_54 = tpu.memref_slice %arg7[%dma_wait3A_52, %dma_wait3A_53] : memref<81x64xi32, #tpu.memory_space<vmem>> -> memref<1x64xi32, #tpu.memory_space<vmem>>
    %dma_wait3A_55 = tpu.memref_squeeze %dma_wait3A_54 : memref<1x64xi32, #tpu.memory_space<vmem>> -> memref<64xi32, #tpu.memory_space<vmem>>
    %dma_wait3A_56 = arith.constant 0 : i32
    %dma_wait3A_57 = arith.constant 0 : i32
    %dma_wait3A_58 = tpu.memref_slice %arg17[%dma_wait3A_56, %dma_wait3A_57] : memref<10240x128xf32, #tpu.memory_space<vmem_shared>> -> memref<10240x128xf32, #tpu.memory_space<vmem_shared>>
    tpu.wait_indirect_dma semaphore(%arg14 : memref<!tpu.dma_semaphore, #tpu.memory_space<semaphore_mem>>) src(%arg8 : memref<64x128xf32, #tpu.memory_space<vmem>>) dst(%dma_wait3A_58 : memref<10240x128xf32, #tpu.memory_space<vmem_shared>>)
    %dma_start3A_59 = arith.constant 3 : i32
    %dma_start3A_60 = arith.constant 0 : i32
    %dma_start3A_61 = tpu.memref_slice %arg6[%dma_start3A_59, %dma_start3A_60] : memref<81x64xi32, #tpu.memory_space<vmem>> -> memref<1x64xi32, #tpu.memory_space<vmem>>
    %dma_start3A_62 = tpu.memref_squeeze %dma_start3A_61 : memref<1x64xi32, #tpu.memory_space<vmem>> -> memref<64xi32, #tpu.memory_space<vmem>>
    %dma_start3A_63 = arith.constant 0 : i32
    %dma_start3A_64 = arith.constant 0 : i32
    %dma_start3A_65 = tpu.memref_slice %arg2[%dma_start3A_63, %dma_start3A_64] : memref<10000x128xf32, #tpu.memory_space<hbm>> -> memref<10000x128xf32, #tpu.memory_space<hbm>>
    tpu.enqueue_indirect_dma source(%dma_start3A_65 : memref<10000x128xf32, #tpu.memory_space<hbm>>) target(%arg8 : memref<64x128xf32, #tpu.memory_space<vmem>>) offsets(%dma_start3A_62 : memref<64xi32, #tpu.memory_space<vmem>>) semaphore(%arg11 : memref<!tpu.dma_semaphore, #tpu.memory_space<semaphore_mem>>)
    %dma_wait3A_66 = arith.constant 1 : i32
    %dma_wait3A_67 = arith.constant 0 : i32
    %dma_wait3A_68 = tpu.memref_slice %arg6[%dma_wait3A_66, %dma_wait3A_67] : memref<81x64xi32, #tpu.memory_space<vmem>> -> memref<1x64xi32, #tpu.memory_space<vmem>>
    %dma_wait3A_69 = tpu.memref_squeeze %dma_wait3A_68 : memref<1x64xi32, #tpu.memory_space<vmem>> -> memref<64xi32, #tpu.memory_space<vmem>>
    %dma_wait3A_70 = arith.constant 0 : i32
    %dma_wait3A_71 = arith.constant 0 : i32
    %dma_wait3A_72 = tpu.memref_slice %arg2[%dma_wait3A_70, %dma_wait3A_71] : memref<10000x128xf32, #tpu.memory_space<hbm>> -> memref<10000x128xf32, #tpu.memory_space<hbm>>
    tpu.wait_indirect_dma semaphore(%arg12 : memref<!tpu.dma_semaphore, #tpu.memory_space<semaphore_mem>>) src(%dma_wait3A_72 : memref<10000x128xf32, #tpu.memory_space<hbm>>) dst(%arg9 : memref<64x128xf32, #tpu.memory_space<vmem>>)
    %dma_start3A_73 = arith.constant 1 : i32
    %dma_start3A_74 = arith.constant 0 : i32
    %dma_start3A_75 = tpu.memref_slice %arg7[%dma_start3A_73, %dma_start3A_74] : memref<81x64xi32, #tpu.memory_space<vmem>> -> memref<1x64xi32, #tpu.memory_space<vmem>>
    %dma_start3A_76 = tpu.memref_squeeze %dma_start3A_75 : memref<1x64xi32, #tpu.memory_space<vmem>> -> memref<64xi32, #tpu.memory_space<vmem>>
    %dma_start3A_77 = arith.constant 0 : i32
    %dma_start3A_78 = arith.constant 0 : i32
    %dma_start3A_79 = tpu.memref_slice %arg17[%dma_start3A_77, %dma_start3A_78] : memref<10240x128xf32, #tpu.memory_space<vmem_shared>> -> memref<10240x128xf32, #tpu.memory_space<vmem_shared>>
    tpu.enqueue_indirect_dma source(%arg9 : memref<64x128xf32, #tpu.memory_space<vmem>>) target(%dma_start3A_79 : memref<10240x128xf32, #tpu.memory_space<vmem_shared>>) offsets(%dma_start3A_76 : memref<64xi32, #tpu.memory_space<vmem>>) semaphore(%arg15 : memref<!tpu.dma_semaphore, #tpu.memory_space<semaphore_mem>>) {add = true}
    %dma_wait3A_80 = arith.constant 1 : i32
    %dma_wait3A_81 = arith.constant 0 : i32
    %dma_wait3A_82 = tpu.memref_slice %arg7[%dma_wait3A_80, %dma_wait3A_81] : memref<81x64xi32, #tpu.memory_space<vmem>> -> memref<1x64xi32, #tpu.memory_space<vmem>>
    %dma_wait3A_83 = tpu.memref_squeeze %dma_wait3A_82 : memref<1x64xi32, #tpu.memory_space<vmem>> -> memref<64xi32, #tpu.memory_space<vmem>>
    %dma_wait3A_84 = arith.constant 0 : i32
    %dma_wait3A_85 = arith.constant 0 : i32
    %dma_wait3A_86 = tpu.memref_slice %arg17[%dma_wait3A_84, %dma_wait3A_85] : memref<10240x128xf32, #tpu.memory_space<vmem_shared>> -> memref<10240x128xf32, #tpu.memory_space<vmem_shared>>
    tpu.wait_indirect_dma semaphore(%arg15 : memref<!tpu.dma_semaphore, #tpu.memory_space<semaphore_mem>>) src(%arg9 : memref<64x128xf32, #tpu.memory_space<vmem>>) dst(%dma_wait3A_86 : memref<10240x128xf32, #tpu.memory_space<vmem_shared>>)
    %dma_start3A_87 = arith.constant 4 : i32
    %dma_start3A_88 = arith.constant 0 : i32
    %dma_start3A_89 = tpu.memref_slice %arg6[%dma_start3A_87, %dma_start3A_88] : memref<81x64xi32, #tpu.memory_space<vmem>> -> memref<1x64xi32, #tpu.memory_space<vmem>>
    %dma_start3A_90 = tpu.memref_squeeze %dma_start3A_89 : memref<1x64xi32, #tpu.memory_space<vmem>> -> memref<64xi32, #tpu.memory_space<vmem>>
    %dma_start3A_91 = arith.constant 0 : i32
    %dma_start3A_92 = arith.constant 0 : i32
    %dma_start3A_93 = tpu.memref_slice %arg2[%dma_start3A_91, %dma_start3A_92] : memref<10000x128xf32, #tpu.memory_space<hbm>> -> memref<10000x128xf32, #tpu.memory_space<hbm>>
    tpu.enqueue_indirect_dma source(%dma_start3A_93 : memref<10000x128xf32, #tpu.memory_space<hbm>>) target(%arg9 : memref<64x128xf32, #tpu.memory_space<vmem>>) offsets(%dma_start3A_90 : memref<64xi32, #tpu.memory_space<vmem>>) semaphore(%arg12 : memref<!tpu.dma_semaphore, #tpu.memory_space<semaphore_mem>>)
    %dma_wait3A_94 = arith.constant 2 : i32
    %dma_wait3A_95 = arith.constant 0 : i32
    %dma_wait3A_96 = tpu.memref_slice %arg6[%dma_wait3A_94, %dma_wait3A_95] : memref<81x64xi32, #tpu.memory_space<vmem>> -> memref<1x64xi32, #tpu.memory_space<vmem>>
    %dma_wait3A_97 = tpu.memref_squeeze %dma_wait3A_96 : memref<1x64xi32, #tpu.memory_space<vmem>> -> memref<64xi32, #tpu.memory_space<vmem>>
    %dma_wait3A_98 = arith.constant 0 : i32
    %dma_wait3A_99 = arith.constant 0 : i32
    %dma_wait3A_100 = tpu.memref_slice %arg2[%dma_wait3A_98, %dma_wait3A_99] : memref<10000x128xf32, #tpu.memory_space<hbm>> -> memref<10000x128xf32, #tpu.memory_space<hbm>>
    tpu.wait_indirect_dma semaphore(%arg13 : memref<!tpu.dma_semaphore, #tpu.memory_space<semaphore_mem>>) src(%dma_wait3A_100 : memref<10000x128xf32, #tpu.memory_space<hbm>>) dst(%arg10 : memref<64x128xf32, #tpu.memory_space<vmem>>)
    %dma_start3A_101 = arith.constant 2 : i32
    %dma_start3A_102 = arith.constant 0 : i32
    %dma_start3A_103 = tpu.memref_slice %arg7[%dma_start3A_101, %dma_start3A_102] : memref<81x64xi32, #tpu.memory_space<vmem>> -> memref<1x64xi32, #tpu.memory_space<vmem>>
    %dma_start3A_104 = tpu.memref_squeeze %dma_start3A_103 : memref<1x64xi32, #tpu.memory_space<vmem>> -> memref<64xi32, #tpu.memory_space<vmem>>
    %dma_start3A_105 = arith.constant 0 : i32
    %dma_start3A_106 = arith.constant 0 : i32
    %dma_start3A_107 = tpu.memref_slice %arg17[%dma_start3A_105, %dma_start3A_106] : memref<10240x128xf32, #tpu.memory_space<vmem_shared>> -> memref<10240x128xf32, #tpu.memory_space<vmem_shared>>
    tpu.enqueue_indirect_dma source(%arg10 : memref<64x128xf32, #tpu.memory_space<vmem>>) target(%dma_start3A_107 : memref<10240x128xf32, #tpu.memory_space<vmem_shared>>) offsets(%dma_start3A_104 : memref<64xi32, #tpu.memory_space<vmem>>) semaphore(%arg16 : memref<!tpu.dma_semaphore, #tpu.memory_space<semaphore_mem>>) {add = true}
    %scan3A_108 = arith.constant 0 : i32
    %scan3A_109 = arith.constant 1 : i32
    %scan3A_110 = arith.constant 26 : i32
    %scan3A_111 = arith.addi %scan3A_109, %scan3A_110 : i32
    %scan3A_112 = arith.constant 1 : i32
    scf.for %scan3A_140 = %scan3A_109 to %scan3A_111 step %scan3A_112  : i32 {
      %mul3A_141 = arith.constant 3 : i32
      %mul3A_142 = arith.muli %mul3A_141, %scan3A_140 : i32
      %add3A_143 = arith.constant 0 : i32
      %add3A_144 = arith.addi %mul3A_142, %add3A_143 : i32
      %add3A_145 = arith.constant 2 : i32
      %add3A_146 = arith.addi %add3A_144, %add3A_145 : i32
      %min3A = arith.constant 80 : i32
      %min3A_147 = arith.minsi %add3A_146, %min3A : i32
      %sub3A = arith.constant 1 : i32
      %sub3A_148 = arith.subi %add3A_144, %sub3A : i32
      %dma_wait3A_149 = arith.constant 0 : i32
      %dma_wait3A_150 = tpu.memref_slice %arg7[%sub3A_148, %dma_wait3A_149] : memref<81x64xi32, #tpu.memory_space<vmem>> -> memref<1x64xi32, #tpu.memory_space<vmem>>
      %dma_wait3A_151 = tpu.memref_squeeze %dma_wait3A_150 : memref<1x64xi32, #tpu.memory_space<vmem>> -> memref<64xi32, #tpu.memory_space<vmem>>
      %dma_wait3A_152 = arith.constant 0 : i32
      %dma_wait3A_153 = arith.constant 0 : i32
      %dma_wait3A_154 = tpu.memref_slice %arg17[%dma_wait3A_152, %dma_wait3A_153] : memref<10240x128xf32, #tpu.memory_space<vmem_shared>> -> memref<10240x128xf32, #tpu.memory_space<vmem_shared>>
      tpu.wait_indirect_dma semaphore(%arg16 : memref<!tpu.dma_semaphore, #tpu.memory_space<semaphore_mem>>) src(%arg10 : memref<64x128xf32, #tpu.memory_space<vmem>>) dst(%dma_wait3A_154 : memref<10240x128xf32, #tpu.memory_space<vmem_shared>>)
      %dma_start3A_155 = arith.constant 0 : i32
      %dma_start3A_156 = tpu.memref_slice %arg6[%min3A_147, %dma_start3A_155] : memref<81x64xi32, #tpu.memory_space<vmem>> -> memref<1x64xi32, #tpu.memory_space<vmem>>
      %dma_start3A_157 = tpu.memref_squeeze %dma_start3A_156 : memref<1x64xi32, #tpu.memory_space<vmem>> -> memref<64xi32, #tpu.memory_space<vmem>>
      %dma_start3A_158 = arith.constant 0 : i32
      %dma_start3A_159 = arith.constant 0 : i32
      %dma_start3A_160 = tpu.memref_slice %arg2[%dma_start3A_158, %dma_start3A_159] : memref<10000x128xf32, #tpu.memory_space<hbm>> -> memref<10000x128xf32, #tpu.memory_space<hbm>>
      tpu.enqueue_indirect_dma source(%dma_start3A_160 : memref<10000x128xf32, #tpu.memory_space<hbm>>) target(%arg10 : memref<64x128xf32, #tpu.memory_space<vmem>>) offsets(%dma_start3A_157 : memref<64xi32, #tpu.memory_space<vmem>>) semaphore(%arg13 : memref<!tpu.dma_semaphore, #tpu.memory_space<semaphore_mem>>)
      %dma_wait3A_161 = arith.constant 0 : i32
      %dma_wait3A_162 = tpu.memref_slice %arg6[%add3A_144, %dma_wait3A_161] : memref<81x64xi32, #tpu.memory_space<vmem>> -> memref<1x64xi32, #tpu.memory_space<vmem>>
      %dma_wait3A_163 = tpu.memref_squeeze %dma_wait3A_162 : memref<1x64xi32, #tpu.memory_space<vmem>> -> memref<64xi32, #tpu.memory_space<vmem>>
      %dma_wait3A_164 = arith.constant 0 : i32
      %dma_wait3A_165 = arith.constant 0 : i32
      %dma_wait3A_166 = tpu.memref_slice %arg2[%dma_wait3A_164, %dma_wait3A_165] : memref<10000x128xf32, #tpu.memory_space<hbm>> -> memref<10000x128xf32, #tpu.memory_space<hbm>>
      tpu.wait_indirect_dma semaphore(%arg11 : memref<!tpu.dma_semaphore, #tpu.memory_space<semaphore_mem>>) src(%dma_wait3A_166 : memref<10000x128xf32, #tpu.memory_space<hbm>>) dst(%arg8 : memref<64x128xf32, #tpu.memory_space<vmem>>)
      %dma_start3A_167 = arith.constant 0 : i32
      %dma_start3A_168 = tpu.memref_slice %arg7[%add3A_144, %dma_start3A_167] : memref<81x64xi32, #tpu.memory_space<vmem>> -> memref<1x64xi32, #tpu.memory_space<vmem>>
      %dma_start3A_169 = tpu.memref_squeeze %dma_start3A_168 : memref<1x64xi32, #tpu.memory_space<vmem>> -> memref<64xi32, #tpu.memory_space<vmem>>
      %dma_start3A_170 = arith.constant 0 : i32
      %dma_start3A_171 = arith.constant 0 : i32
      %dma_start3A_172 = tpu.memref_slice %arg17[%dma_start3A_170, %dma_start3A_171] : memref<10240x128xf32, #tpu.memory_space<vmem_shared>> -> memref<10240x128xf32, #tpu.memory_space<vmem_shared>>
      tpu.enqueue_indirect_dma source(%arg8 : memref<64x128xf32, #tpu.memory_space<vmem>>) target(%dma_start3A_172 : memref<10240x128xf32, #tpu.memory_space<vmem_shared>>) offsets(%dma_start3A_169 : memref<64xi32, #tpu.memory_space<vmem>>) semaphore(%arg14 : memref<!tpu.dma_semaphore, #tpu.memory_space<semaphore_mem>>) {add = true}
      %mul3A_173 = arith.constant 3 : i32
      %mul3A_174 = arith.muli %mul3A_173, %scan3A_140 : i32
      %add3A_175 = arith.constant 1 : i32
      %add3A_176 = arith.addi %mul3A_174, %add3A_175 : i32
      %add3A_177 = arith.constant 2 : i32
      %add3A_178 = arith.addi %add3A_176, %add3A_177 : i32
      %min3A_179 = arith.constant 80 : i32
      %min3A_180 = arith.minsi %add3A_178, %min3A_179 : i32
      %sub3A_181 = arith.constant 1 : i32
      %sub3A_182 = arith.subi %add3A_176, %sub3A_181 : i32
      %dma_wait3A_183 = arith.constant 0 : i32
      %dma_wait3A_184 = tpu.memref_slice %arg7[%sub3A_182, %dma_wait3A_183] : memref<81x64xi32, #tpu.memory_space<vmem>> -> memref<1x64xi32, #tpu.memory_space<vmem>>
      %dma_wait3A_185 = tpu.memref_squeeze %dma_wait3A_184 : memref<1x64xi32, #tpu.memory_space<vmem>> -> memref<64xi32, #tpu.memory_space<vmem>>
      %dma_wait3A_186 = arith.constant 0 : i32
      %dma_wait3A_187 = arith.constant 0 : i32
      %dma_wait3A_188 = tpu.memref_slice %arg17[%dma_wait3A_186, %dma_wait3A_187] : memref<10240x128xf32, #tpu.memory_space<vmem_shared>> -> memref<10240x128xf32, #tpu.memory_space<vmem_shared>>
      tpu.wait_indirect_dma semaphore(%arg14 : memref<!tpu.dma_semaphore, #tpu.memory_space<semaphore_mem>>) src(%arg8 : memref<64x128xf32, #tpu.memory_space<vmem>>) dst(%dma_wait3A_188 : memref<10240x128xf32, #tpu.memory_space<vmem_shared>>)
      %dma_start3A_189 = arith.constant 0 : i32
      %dma_start3A_190 = tpu.memref_slice %arg6[%min3A_180, %dma_start3A_189] : memref<81x64xi32, #tpu.memory_space<vmem>> -> memref<1x64xi32, #tpu.memory_space<vmem>>
      %dma_start3A_191 = tpu.memref_squeeze %dma_start3A_190 : memref<1x64xi32, #tpu.memory_space<vmem>> -> memref<64xi32, #tpu.memory_space<vmem>>
      %dma_start3A_192 = arith.constant 0 : i32
      %dma_start3A_193 = arith.constant 0 : i32
      %dma_start3A_194 = tpu.memref_slice %arg2[%dma_start3A_192, %dma_start3A_193] : memref<10000x128xf32, #tpu.memory_space<hbm>> -> memref<10000x128xf32, #tpu.memory_space<hbm>>
      tpu.enqueue_indirect_dma source(%dma_start3A_194 : memref<10000x128xf32, #tpu.memory_space<hbm>>) target(%arg8 : memref<64x128xf32, #tpu.memory_space<vmem>>) offsets(%dma_start3A_191 : memref<64xi32, #tpu.memory_space<vmem>>) semaphore(%arg11 : memref<!tpu.dma_semaphore, #tpu.memory_space<semaphore_mem>>)
      %dma_wait3A_195 = arith.constant 0 : i32
      %dma_wait3A_196 = tpu.memref_slice %arg6[%add3A_176, %dma_wait3A_195] : memref<81x64xi32, #tpu.memory_space<vmem>> -> memref<1x64xi32, #tpu.memory_space<vmem>>
      %dma_wait3A_197 = tpu.memref_squeeze %dma_wait3A_196 : memref<1x64xi32, #tpu.memory_space<vmem>> -> memref<64xi32, #tpu.memory_space<vmem>>
      %dma_wait3A_198 = arith.constant 0 : i32
      %dma_wait3A_199 = arith.constant 0 : i32
      %dma_wait3A_200 = tpu.memref_slice %arg2[%dma_wait3A_198, %dma_wait3A_199] : memref<10000x128xf32, #tpu.memory_space<hbm>> -> memref<10000x128xf32, #tpu.memory_space<hbm>>
      tpu.wait_indirect_dma semaphore(%arg12 : memref<!tpu.dma_semaphore, #tpu.memory_space<semaphore_mem>>) src(%dma_wait3A_200 : memref<10000x128xf32, #tpu.memory_space<hbm>>) dst(%arg9 : memref<64x128xf32, #tpu.memory_space<vmem>>)
      %dma_start3A_201 = arith.constant 0 : i32
      %dma_start3A_202 = tpu.memref_slice %arg7[%add3A_176, %dma_start3A_201] : memref<81x64xi32, #tpu.memory_space<vmem>> -> memref<1x64xi32, #tpu.memory_space<vmem>>
      %dma_start3A_203 = tpu.memref_squeeze %dma_start3A_202 : memref<1x64xi32, #tpu.memory_space<vmem>> -> memref<64xi32, #tpu.memory_space<vmem>>
      %dma_start3A_204 = arith.constant 0 : i32
      %dma_start3A_205 = arith.constant 0 : i32
      %dma_start3A_206 = tpu.memref_slice %arg17[%dma_start3A_204, %dma_start3A_205] : memref<10240x128xf32, #tpu.memory_space<vmem_shared>> -> memref<10240x128xf32, #tpu.memory_space<vmem_shared>>
      tpu.enqueue_indirect_dma source(%arg9 : memref<64x128xf32, #tpu.memory_space<vmem>>) target(%dma_start3A_206 : memref<10240x128xf32, #tpu.memory_space<vmem_shared>>) offsets(%dma_start3A_203 : memref<64xi32, #tpu.memory_space<vmem>>) semaphore(%arg15 : memref<!tpu.dma_semaphore, #tpu.memory_space<semaphore_mem>>) {add = true}
      %mul3A_207 = arith.constant 3 : i32
      %mul3A_208 = arith.muli %mul3A_207, %scan3A_140 : i32
      %add3A_209 = arith.constant 2 : i32
      %add3A_210 = arith.addi %mul3A_208, %add3A_209 : i32
      %add3A_211 = arith.constant 2 : i32
      %add3A_212 = arith.addi %add3A_210, %add3A_211 : i32
      %min3A_213 = arith.constant 80 : i32
      %min3A_214 = arith.minsi %add3A_212, %min3A_213 : i32
      %sub3A_215 = arith.constant 1 : i32
      %sub3A_216 = arith.subi %add3A_210, %sub3A_215 : i32
      %dma_wait3A_217 = arith.constant 0 : i32
      %dma_wait3A_218 = tpu.memref_slice %arg7[%sub3A_216, %dma_wait3A_217] : memref<81x64xi32, #tpu.memory_space<vmem>> -> memref<1x64xi32, #tpu.memory_space<vmem>>
      %dma_wait3A_219 = tpu.memref_squeeze %dma_wait3A_218 : memref<1x64xi32, #tpu.memory_space<vmem>> -> memref<64xi32, #tpu.memory_space<vmem>>
      %dma_wait3A_220 = arith.constant 0 : i32
      %dma_wait3A_221 = arith.constant 0 : i32
      %dma_wait3A_222 = tpu.memref_slice %arg17[%dma_wait3A_220, %dma_wait3A_221] : memref<10240x128xf32, #tpu.memory_space<vmem_shared>> -> memref<10240x128xf32, #tpu.memory_space<vmem_shared>>
      tpu.wait_indirect_dma semaphore(%arg15 : memref<!tpu.dma_semaphore, #tpu.memory_space<semaphore_mem>>) src(%arg9 : memref<64x128xf32, #tpu.memory_space<vmem>>) dst(%dma_wait3A_222 : memref<10240x128xf32, #tpu.memory_space<vmem_shared>>)
      %dma_start3A_223 = arith.constant 0 : i32
      %dma_start3A_224 = tpu.memref_slice %arg6[%min3A_214, %dma_start3A_223] : memref<81x64xi32, #tpu.memory_space<vmem>> -> memref<1x64xi32, #tpu.memory_space<vmem>>
      %dma_start3A_225 = tpu.memref_squeeze %dma_start3A_224 : memref<1x64xi32, #tpu.memory_space<vmem>> -> memref<64xi32, #tpu.memory_space<vmem>>
      %dma_start3A_226 = arith.constant 0 : i32
      %dma_start3A_227 = arith.constant 0 : i32
      %dma_start3A_228 = tpu.memref_slice %arg2[%dma_start3A_226, %dma_start3A_227] : memref<10000x128xf32, #tpu.memory_space<hbm>> -> memref<10000x128xf32, #tpu.memory_space<hbm>>
      tpu.enqueue_indirect_dma source(%dma_start3A_228 : memref<10000x128xf32, #tpu.memory_space<hbm>>) target(%arg9 : memref<64x128xf32, #tpu.memory_space<vmem>>) offsets(%dma_start3A_225 : memref<64xi32, #tpu.memory_space<vmem>>) semaphore(%arg12 : memref<!tpu.dma_semaphore, #tpu.memory_space<semaphore_mem>>)
      %dma_wait3A_229 = arith.constant 0 : i32
      %dma_wait3A_230 = tpu.memref_slice %arg6[%add3A_210, %dma_wait3A_229] : memref<81x64xi32, #tpu.memory_space<vmem>> -> memref<1x64xi32, #tpu.memory_space<vmem>>
      %dma_wait3A_231 = tpu.memref_squeeze %dma_wait3A_230 : memref<1x64xi32, #tpu.memory_space<vmem>> -> memref<64xi32, #tpu.memory_space<vmem>>
      %dma_wait3A_232 = arith.constant 0 : i32
      %dma_wait3A_233 = arith.constant 0 : i32
      %dma_wait3A_234 = tpu.memref_slice %arg2[%dma_wait3A_232, %dma_wait3A_233] : memref<10000x128xf32, #tpu.memory_space<hbm>> -> memref<10000x128xf32, #tpu.memory_space<hbm>>
      tpu.wait_indirect_dma semaphore(%arg13 : memref<!tpu.dma_semaphore, #tpu.memory_space<semaphore_mem>>) src(%dma_wait3A_234 : memref<10000x128xf32, #tpu.memory_space<hbm>>) dst(%arg10 : memref<64x128xf32, #tpu.memory_space<vmem>>)
      %dma_start3A_235 = arith.constant 0 : i32
      %dma_start3A_236 = tpu.memref_slice %arg7[%add3A_210, %dma_start3A_235] : memref<81x64xi32, #tpu.memory_space<vmem>> -> memref<1x64xi32, #tpu.memory_space<vmem>>
      %dma_start3A_237 = tpu.memref_squeeze %dma_start3A_236 : memref<1x64xi32, #tpu.memory_space<vmem>> -> memref<64xi32, #tpu.memory_space<vmem>>
      %dma_start3A_238 = arith.constant 0 : i32
      %dma_start3A_239 = arith.constant 0 : i32
      %dma_start3A_240 = tpu.memref_slice %arg17[%dma_start3A_238, %dma_start3A_239] : memref<10240x128xf32, #tpu.memory_space<vmem_shared>> -> memref<10240x128xf32, #tpu.memory_space<vmem_shared>>
      tpu.enqueue_indirect_dma source(%arg10 : memref<64x128xf32, #tpu.memory_space<vmem>>) target(%dma_start3A_240 : memref<10240x128xf32, #tpu.memory_space<vmem_shared>>) offsets(%dma_start3A_237 : memref<64xi32, #tpu.memory_space<vmem>>) semaphore(%arg16 : memref<!tpu.dma_semaphore, #tpu.memory_space<semaphore_mem>>) {add = true}
    }
    %scan3A_113 = arith.constant 26 : i32
    %dma_wait3A_114 = arith.constant 80 : i32
    %dma_wait3A_115 = arith.constant 0 : i32
    %dma_wait3A_116 = tpu.memref_slice %arg7[%dma_wait3A_114, %dma_wait3A_115] : memref<81x64xi32, #tpu.memory_space<vmem>> -> memref<1x64xi32, #tpu.memory_space<vmem>>
    %dma_wait3A_117 = tpu.memref_squeeze %dma_wait3A_116 : memref<1x64xi32, #tpu.memory_space<vmem>> -> memref<64xi32, #tpu.memory_space<vmem>>
    %dma_wait3A_118 = arith.constant 0 : i32
    %dma_wait3A_119 = arith.constant 0 : i32
    %dma_wait3A_120 = tpu.memref_slice %arg17[%dma_wait3A_118, %dma_wait3A_119] : memref<10240x128xf32, #tpu.memory_space<vmem_shared>> -> memref<10240x128xf32, #tpu.memory_space<vmem_shared>>
    tpu.wait_indirect_dma semaphore(%arg16 : memref<!tpu.dma_semaphore, #tpu.memory_space<semaphore_mem>>) src(%arg10 : memref<64x128xf32, #tpu.memory_space<vmem>>) dst(%dma_wait3A_120 : memref<10240x128xf32, #tpu.memory_space<vmem_shared>>)
    %dma_wait3A_121 = arith.constant 80 : i32
    %dma_wait3A_122 = arith.constant 0 : i32
    %dma_wait3A_123 = tpu.memref_slice %arg6[%dma_wait3A_121, %dma_wait3A_122] : memref<81x64xi32, #tpu.memory_space<vmem>> -> memref<1x64xi32, #tpu.memory_space<vmem>>
    %dma_wait3A_124 = tpu.memref_squeeze %dma_wait3A_123 : memref<1x64xi32, #tpu.memory_space<vmem>> -> memref<64xi32, #tpu.memory_space<vmem>>
    %dma_wait3A_125 = arith.constant 0 : i32
    %dma_wait3A_126 = arith.constant 0 : i32
    %dma_wait3A_127 = tpu.memref_slice %arg2[%dma_wait3A_125, %dma_wait3A_126] : memref<10000x128xf32, #tpu.memory_space<hbm>> -> memref<10000x128xf32, #tpu.memory_space<hbm>>
    tpu.wait_indirect_dma semaphore(%arg11 : memref<!tpu.dma_semaphore, #tpu.memory_space<semaphore_mem>>) src(%dma_wait3A_127 : memref<10000x128xf32, #tpu.memory_space<hbm>>) dst(%arg8 : memref<64x128xf32, #tpu.memory_space<vmem>>)
    %dma_wait3A_128 = arith.constant 80 : i32
    %dma_wait3A_129 = arith.constant 0 : i32
    %dma_wait3A_130 = tpu.memref_slice %arg6[%dma_wait3A_128, %dma_wait3A_129] : memref<81x64xi32, #tpu.memory_space<vmem>> -> memref<1x64xi32, #tpu.memory_space<vmem>>
    %dma_wait3A_131 = tpu.memref_squeeze %dma_wait3A_130 : memref<1x64xi32, #tpu.memory_space<vmem>> -> memref<64xi32, #tpu.memory_space<vmem>>
    %dma_wait3A_132 = arith.constant 0 : i32
    %dma_wait3A_133 = arith.constant 0 : i32
    %dma_wait3A_134 = tpu.memref_slice %arg2[%dma_wait3A_132, %dma_wait3A_133] : memref<10000x128xf32, #tpu.memory_space<hbm>> -> memref<10000x128xf32, #tpu.memory_space<hbm>>
    tpu.wait_indirect_dma semaphore(%arg12 : memref<!tpu.dma_semaphore, #tpu.memory_space<semaphore_mem>>) src(%dma_wait3A_134 : memref<10000x128xf32, #tpu.memory_space<hbm>>) dst(%arg9 : memref<64x128xf32, #tpu.memory_space<vmem>>)
    %barrier3A_135 = arith.constant 0 : index
    tpu.barrier barrier_id(%barrier3A_135)
    %mul3A_136 = arith.constant 640 : i32
    %mul3A_137 = arith.muli %arg1, %mul3A_136 : i32
    %mul3A_138 = arith.constant 640 : i32
    %mul3A_139 = arith.muli %arg1, %mul3A_138 : i32
    %run_scoped3A = arith.constant 0 : i32
    "tpu.region"() ({
      %run_scoped3A_140 = tpu.sem_alloc : memref<!tpu.dma_semaphore, #tpu.memory_space<semaphore_mem>>
      %dma_start3A_141 = arith.constant 0 : i32
      %dma_start3A_142 = tpu.memref_slice %arg5[%run_scoped3A, %arg0, %mul3A_139, %dma_start3A_141] : memref<1x2x10240x128xf32, #tpu.memory_space<hbm>> -> memref<1x1x640x128xf32, #tpu.memory_space<hbm>>
      %dma_start3A_143 = tpu.memref_squeeze %dma_start3A_142 : memref<1x1x640x128xf32, #tpu.memory_space<hbm>> -> memref<640x128xf32, #tpu.memory_space<hbm>>
      %dma_start3A_144 = arith.constant 0 : i32
      %dma_start3A_145 = tpu.memref_slice %arg17[%mul3A_137, %dma_start3A_144] : memref<10240x128xf32, #tpu.memory_space<vmem_shared>> -> memref<640x128xf32, #tpu.memory_space<vmem_shared>>
      tpu.enqueue_dma source(%dma_start3A_145 : memref<640x128xf32, #tpu.memory_space<vmem_shared>>) target(%dma_start3A_143 : memref<640x128xf32, #tpu.memory_space<hbm>>) target_semaphore(%run_scoped3A_140 : memref<!tpu.dma_semaphore, #tpu.memory_space<semaphore_mem>>)
      %dma_wait3A_146 = arith.constant 0 : i32
      %dma_wait3A_147 = tpu.memref_slice %arg5[%run_scoped3A, %arg0, %mul3A_139, %dma_wait3A_146] : memref<1x2x10240x128xf32, #tpu.memory_space<hbm>> -> memref<1x1x640x128xf32, #tpu.memory_space<hbm>>
      %dma_wait3A_148 = tpu.memref_squeeze %dma_wait3A_147 : memref<1x1x640x128xf32, #tpu.memory_space<hbm>> -> memref<640x128xf32, #tpu.memory_space<hbm>>
      %dma_wait3A_149 = arith.constant 0 : i32
      %dma_wait3A_150 = tpu.memref_slice %arg17[%mul3A_137, %dma_wait3A_149] : memref<10240x128xf32, #tpu.memory_space<vmem_shared>> -> memref<640x128xf32, #tpu.memory_space<vmem_shared>>
      tpu.wait_dma2 semaphore(%run_scoped3A_140 : memref<!tpu.dma_semaphore, #tpu.memory_space<semaphore_mem>>) src(%dma_wait3A_150 : memref<640x128xf32, #tpu.memory_space<vmem_shared>>) dst(%dma_wait3A_148 : memref<640x128xf32, #tpu.memory_space<hbm>>)
      tpu.yield
    }) : () -> ()
    return
  }
}

#map = affine_map<(d0, d1) -> (0, 0)>
#map1 = affine_map<(d0, d1) -> (0, 0, 0)>
#map2 = affine_map<(d0, d1) -> (0, 0, 0, 0)>
module attributes {stable_mosaic.version = 14 : i64} {
  func.func @_agg_sc_body(%arg0: i32, %arg1: i32, %arg2: memref<10000x128xf32, #tpu.memory_space<hbm>>, %arg3: memref<32x81x64xi32, #tpu.memory_space<hbm>>, %arg4: memref<32x81x64xi32, #tpu.memory_space<hbm>>, %arg5: memref<1x2x10240x128xf32, #tpu.memory_space<hbm>>, %arg6: memref<81x64xi32, #tpu.memory_space<vmem>>, %arg7: memref<81x64xi32, #tpu.memory_space<vmem>>, %arg8: memref<64x128xf32, #tpu.memory_space<vmem>>, %arg9: memref<64x128xf32, #tpu.memory_space<vmem>>, %arg10: memref<64x128xf32, #tpu.memory_space<vmem>>, %arg11: memref<!tpu.dma_semaphore, #tpu.memory_space<semaphore_mem>>, %arg12: memref<!tpu.dma_semaphore, #tpu.memory_space<semaphore_mem>>, %arg13: memref<!tpu.dma_semaphore, #tpu.memory_space<semaphore_mem>>, %arg14: memref<!tpu.dma_semaphore, #tpu.memory_space<semaphore_mem>>, %arg15: memref<!tpu.dma_semaphore, #tpu.memory_space<semaphore_mem>>, %arg16: memref<!tpu.dma_semaphore, #tpu.memory_space<semaphore_mem>>, %arg17: memref<10240x128xf32, #tpu.memory_space<vmem_shared>>) attributes {dimension_semantics = [#tpu.dimension_semantics<core_parallel>, #tpu.dimension_semantics<subcore_parallel>], iteration_bounds = array<i64: 2, 16>, scalar_prefetch = 0 : i64, scratch_operands = 12 : i64, tpu.core_type = #tpu.core_type<sc_vector_subcore>, window_params = [{transform_indices = #map}, {transform_indices = #map1}, {transform_indices = #map1}, {transform_indices = #map2}]} {
    %mul3A = arith.constant 16 : i32
    %mul3A_0 = arith.muli %arg0, %mul3A : i32
    %add3A = arith.addi %mul3A_0, %arg1 : i32
    "tpu.region"() ({
      %run_scoped3A_140 = tpu.sem_alloc : memref<!tpu.dma_semaphore, #tpu.memory_space<semaphore_mem>>
      %dma_start3A_141 = arith.constant 0 : i32
      %dma_start3A_142 = arith.constant 0 : i32
      %dma_start3A_143 = tpu.memref_slice %arg3[%add3A, %dma_start3A_141, %dma_start3A_142] : memref<32x81x64xi32, #tpu.memory_space<hbm>> -> memref<1x81x64xi32, #tpu.memory_space<hbm>>
      %dma_start3A_144 = tpu.memref_squeeze %dma_start3A_143 : memref<1x81x64xi32, #tpu.memory_space<hbm>> -> memref<81x64xi32, #tpu.memory_space<hbm>>
      %dma_start3A_145 = arith.constant 0 : i32
      %dma_start3A_146 = arith.constant 0 : i32
      %dma_start3A_147 = tpu.memref_slice %arg3[%add3A, %dma_start3A_145, %dma_start3A_146] : memref<32x81x64xi32, #tpu.memory_space<hbm>> -> memref<1x81x64xi32, #tpu.memory_space<hbm>>
      %dma_start3A_148 = tpu.memref_squeeze %dma_start3A_147 : memref<1x81x64xi32, #tpu.memory_space<hbm>> -> memref<81x64xi32, #tpu.memory_space<hbm>>
      tpu.enqueue_dma source(%dma_start3A_148 : memref<81x64xi32, #tpu.memory_space<hbm>>) target(%arg6 : memref<81x64xi32, #tpu.memory_space<vmem>>) target_semaphore(%run_scoped3A_140 : memref<!tpu.dma_semaphore, #tpu.memory_space<semaphore_mem>>)
      %dma_wait3A_149 = arith.constant 0 : i32
      %dma_wait3A_150 = arith.constant 0 : i32
      %dma_wait3A_151 = tpu.memref_slice %arg3[%add3A, %dma_wait3A_149, %dma_wait3A_150] : memref<32x81x64xi32, #tpu.memory_space<hbm>> -> memref<1x81x64xi32, #tpu.memory_space<hbm>>
      %dma_wait3A_152 = tpu.memref_squeeze %dma_wait3A_151 : memref<1x81x64xi32, #tpu.memory_space<hbm>> -> memref<81x64xi32, #tpu.memory_space<hbm>>
      %dma_wait3A_153 = arith.constant 0 : i32
      %dma_wait3A_154 = arith.constant 0 : i32
      %dma_wait3A_155 = tpu.memref_slice %arg3[%add3A, %dma_wait3A_153, %dma_wait3A_154] : memref<32x81x64xi32, #tpu.memory_space<hbm>> -> memref<1x81x64xi32, #tpu.memory_space<hbm>>
      %dma_wait3A_156 = tpu.memref_squeeze %dma_wait3A_155 : memref<1x81x64xi32, #tpu.memory_space<hbm>> -> memref<81x64xi32, #tpu.memory_space<hbm>>
      tpu.wait_dma2 semaphore(%run_scoped3A_140 : memref<!tpu.dma_semaphore, #tpu.memory_space<semaphore_mem>>) src(%dma_wait3A_156 : memref<81x64xi32, #tpu.memory_space<hbm>>) dst(%arg6 : memref<81x64xi32, #tpu.memory_space<vmem>>)
      tpu.yield
    }) : () -> ()
    "tpu.region"() ({
      %run_scoped3A_140 = tpu.sem_alloc : memref<!tpu.dma_semaphore, #tpu.memory_space<semaphore_mem>>
      %dma_start3A_141 = arith.constant 0 : i32
      %dma_start3A_142 = arith.constant 0 : i32
      %dma_start3A_143 = tpu.memref_slice %arg4[%add3A, %dma_start3A_141, %dma_start3A_142] : memref<32x81x64xi32, #tpu.memory_space<hbm>> -> memref<1x81x64xi32, #tpu.memory_space<hbm>>
      %dma_start3A_144 = tpu.memref_squeeze %dma_start3A_143 : memref<1x81x64xi32, #tpu.memory_space<hbm>> -> memref<81x64xi32, #tpu.memory_space<hbm>>
      %dma_start3A_145 = arith.constant 0 : i32
      %dma_start3A_146 = arith.constant 0 : i32
      %dma_start3A_147 = tpu.memref_slice %arg4[%add3A, %dma_start3A_145, %dma_start3A_146] : memref<32x81x64xi32, #tpu.memory_space<hbm>> -> memref<1x81x64xi32, #tpu.memory_space<hbm>>
      %dma_start3A_148 = tpu.memref_squeeze %dma_start3A_147 : memref<1x81x64xi32, #tpu.memory_space<hbm>> -> memref<81x64xi32, #tpu.memory_space<hbm>>
      tpu.enqueue_dma source(%dma_start3A_148 : memref<81x64xi32, #tpu.memory_space<hbm>>) target(%arg7 : memref<81x64xi32, #tpu.memory_space<vmem>>) target_semaphore(%run_scoped3A_140 : memref<!tpu.dma_semaphore, #tpu.memory_space<semaphore_mem>>)
      %dma_wait3A_149 = arith.constant 0 : i32
      %dma_wait3A_150 = arith.constant 0 : i32
      %dma_wait3A_151 = tpu.memref_slice %arg4[%add3A, %dma_wait3A_149, %dma_wait3A_150] : memref<32x81x64xi32, #tpu.memory_space<hbm>> -> memref<1x81x64xi32, #tpu.memory_space<hbm>>
      %dma_wait3A_152 = tpu.memref_squeeze %dma_wait3A_151 : memref<1x81x64xi32, #tpu.memory_space<hbm>> -> memref<81x64xi32, #tpu.memory_space<hbm>>
      %dma_wait3A_153 = arith.constant 0 : i32
      %dma_wait3A_154 = arith.constant 0 : i32
      %dma_wait3A_155 = tpu.memref_slice %arg4[%add3A, %dma_wait3A_153, %dma_wait3A_154] : memref<32x81x64xi32, #tpu.memory_space<hbm>> -> memref<1x81x64xi32, #tpu.memory_space<hbm>>
      %dma_wait3A_156 = tpu.memref_squeeze %dma_wait3A_155 : memref<1x81x64xi32, #tpu.memory_space<hbm>> -> memref<81x64xi32, #tpu.memory_space<hbm>>
      tpu.wait_dma2 semaphore(%run_scoped3A_140 : memref<!tpu.dma_semaphore, #tpu.memory_space<semaphore_mem>>) src(%dma_wait3A_156 : memref<81x64xi32, #tpu.memory_space<hbm>>) dst(%arg7 : memref<81x64xi32, #tpu.memory_space<vmem>>)
      tpu.yield
    }) : () -> ()
    %dma_start3A = arith.constant 0 : i32
    %dma_start3A_1 = arith.constant 0 : i32
    %dma_start3A_2 = tpu.memref_slice %arg6[%dma_start3A, %dma_start3A_1] : memref<81x64xi32, #tpu.memory_space<vmem>> -> memref<1x64xi32, #tpu.memory_space<vmem>>
    %dma_start3A_3 = tpu.memref_squeeze %dma_start3A_2 : memref<1x64xi32, #tpu.memory_space<vmem>> -> memref<64xi32, #tpu.memory_space<vmem>>
    %dma_start3A_4 = arith.constant 0 : i32
    %dma_start3A_5 = arith.constant 0 : i32
    %dma_start3A_6 = tpu.memref_slice %arg2[%dma_start3A_4, %dma_start3A_5] : memref<10000x128xf32, #tpu.memory_space<hbm>> -> memref<10000x128xf32, #tpu.memory_space<hbm>>
    tpu.enqueue_indirect_dma source(%dma_start3A_6 : memref<10000x128xf32, #tpu.memory_space<hbm>>) target(%arg8 : memref<64x128xf32, #tpu.memory_space<vmem>>) offsets(%dma_start3A_3 : memref<64xi32, #tpu.memory_space<vmem>>) semaphore(%arg11 : memref<!tpu.dma_semaphore, #tpu.memory_space<semaphore_mem>>)
    %dma_start3A_7 = arith.constant 1 : i32
    %dma_start3A_8 = arith.constant 0 : i32
    %dma_start3A_9 = tpu.memref_slice %arg6[%dma_start3A_7, %dma_start3A_8] : memref<81x64xi32, #tpu.memory_space<vmem>> -> memref<1x64xi32, #tpu.memory_space<vmem>>
    %dma_start3A_10 = tpu.memref_squeeze %dma_start3A_9 : memref<1x64xi32, #tpu.memory_space<vmem>> -> memref<64xi32, #tpu.memory_space<vmem>>
    %dma_start3A_11 = arith.constant 0 : i32
    %dma_start3A_12 = arith.constant 0 : i32
    %dma_start3A_13 = tpu.memref_slice %arg2[%dma_start3A_11, %dma_start3A_12] : memref<10000x128xf32, #tpu.memory_space<hbm>> -> memref<10000x128xf32, #tpu.memory_space<hbm>>
    tpu.enqueue_indirect_dma source(%dma_start3A_13 : memref<10000x128xf32, #tpu.memory_space<hbm>>) target(%arg9 : memref<64x128xf32, #tpu.memory_space<vmem>>) offsets(%dma_start3A_10 : memref<64xi32, #tpu.memory_space<vmem>>) semaphore(%arg12 : memref<!tpu.dma_semaphore, #tpu.memory_space<semaphore_mem>>)
    %broadcast_in_dim3A = arith.constant 0.000000e+00 : f32
    %broadcast_in_dim3A_14 = vector.broadcast %broadcast_in_dim3A : f32 to vector<16xf32>
    %scan3A = arith.constant 0 : i32
    %scan3A_15 = arith.constant 0 : i32
    %scan3A_16 = arith.constant 64 : i32
    %scan3A_17 = arith.addi %scan3A_15, %scan3A_16 : i32
    %scan3A_18 = arith.constant 1 : i32
    scf.for %scan3A_140 = %scan3A_15 to %scan3A_17 step %scan3A_18  : i32 {
      %swap3A = arith.index_cast %scan3A_140 : i32 to index
      %swap3A_141 = arith.constant 0 : index
      %swap3A_142 = tpu.vector_load %arg10[%swap3A, %swap3A_141] {strides = array<i32>} : memref<64x128xf32, #tpu.memory_space<vmem>>, vector<1x16xf32>,
      %swap3A_143 = vector.shape_cast %swap3A_142 : vector<1x16xf32> to vector<16xf32>
      %swap3A_144 = vector.shape_cast %broadcast_in_dim3A_14 : vector<16xf32> to vector<1x16xf32>
      tpu.vector_store %arg10[%swap3A, %swap3A_141], %swap3A_144 {strides = array<i32>} : memref<64x128xf32, #tpu.memory_space<vmem>>, vector<1x16xf32>,
      %swap3A_145 = arith.index_cast %scan3A_140 : i32 to index
      %swap3A_146 = arith.constant 16 : index
      %swap3A_147 = tpu.vector_load %arg10[%swap3A_145, %swap3A_146] {strides = array<i32>} : memref<64x128xf32, #tpu.memory_space<vmem>>, vector<1x16xf32>,
      %swap3A_148 = vector.shape_cast %swap3A_147 : vector<1x16xf32> to vector<16xf32>
      %swap3A_149 = vector.shape_cast %broadcast_in_dim3A_14 : vector<16xf32> to vector<1x16xf32>
      tpu.vector_store %arg10[%swap3A_145, %swap3A_146], %swap3A_149 {strides = array<i32>} : memref<64x128xf32, #tpu.memory_space<vmem>>, vector<1x16xf32>,
      %swap3A_150 = arith.index_cast %scan3A_140 : i32 to index
      %swap3A_151 = arith.constant 32 : index
      %swap3A_152 = tpu.vector_load %arg10[%swap3A_150, %swap3A_151] {strides = array<i32>} : memref<64x128xf32, #tpu.memory_space<vmem>>, vector<1x16xf32>,
      %swap3A_153 = vector.shape_cast %swap3A_152 : vector<1x16xf32> to vector<16xf32>
      %swap3A_154 = vector.shape_cast %broadcast_in_dim3A_14 : vector<16xf32> to vector<1x16xf32>
      tpu.vector_store %arg10[%swap3A_150, %swap3A_151], %swap3A_154 {strides = array<i32>} : memref<64x128xf32, #tpu.memory_space<vmem>>, vector<1x16xf32>,
      %swap3A_155 = arith.index_cast %scan3A_140 : i32 to index
      %swap3A_156 = arith.constant 48 : index
      %swap3A_157 = tpu.vector_load %arg10[%swap3A_155, %swap3A_156] {strides = array<i32>} : memref<64x128xf32, #tpu.memory_space<vmem>>, vector<1x16xf32>,
      %swap3A_158 = vector.shape_cast %swap3A_157 : vector<1x16xf32> to vector<16xf32>
      %swap3A_159 = vector.shape_cast %broadcast_in_dim3A_14 : vector<16xf32> to vector<1x16xf32>
      tpu.vector_store %arg10[%swap3A_155, %swap3A_156], %swap3A_159 {strides = array<i32>} : memref<64x128xf32, #tpu.memory_space<vmem>>, vector<1x16xf32>,
      %swap3A_160 = arith.index_cast %scan3A_140 : i32 to index
      %swap3A_161 = arith.constant 64 : index
      %swap3A_162 = tpu.vector_load %arg10[%swap3A_160, %swap3A_161] {strides = array<i32>} : memref<64x128xf32, #tpu.memory_space<vmem>>, vector<1x16xf32>,
      %swap3A_163 = vector.shape_cast %swap3A_162 : vector<1x16xf32> to vector<16xf32>
      %swap3A_164 = vector.shape_cast %broadcast_in_dim3A_14 : vector<16xf32> to vector<1x16xf32>
      tpu.vector_store %arg10[%swap3A_160, %swap3A_161], %swap3A_164 {strides = array<i32>} : memref<64x128xf32, #tpu.memory_space<vmem>>, vector<1x16xf32>,
      %swap3A_165 = arith.index_cast %scan3A_140 : i32 to index
      %swap3A_166 = arith.constant 80 : index
      %swap3A_167 = tpu.vector_load %arg10[%swap3A_165, %swap3A_166] {strides = array<i32>} : memref<64x128xf32, #tpu.memory_space<vmem>>, vector<1x16xf32>,
      %swap3A_168 = vector.shape_cast %swap3A_167 : vector<1x16xf32> to vector<16xf32>
      %swap3A_169 = vector.shape_cast %broadcast_in_dim3A_14 : vector<16xf32> to vector<1x16xf32>
      tpu.vector_store %arg10[%swap3A_165, %swap3A_166], %swap3A_169 {strides = array<i32>} : memref<64x128xf32, #tpu.memory_space<vmem>>, vector<1x16xf32>,
      %swap3A_170 = arith.index_cast %scan3A_140 : i32 to index
      %swap3A_171 = arith.constant 96 : index
      %swap3A_172 = tpu.vector_load %arg10[%swap3A_170, %swap3A_171] {strides = array<i32>} : memref<64x128xf32, #tpu.memory_space<vmem>>, vector<1x16xf32>,
      %swap3A_173 = vector.shape_cast %swap3A_172 : vector<1x16xf32> to vector<16xf32>
      %swap3A_174 = vector.shape_cast %broadcast_in_dim3A_14 : vector<16xf32> to vector<1x16xf32>
      tpu.vector_store %arg10[%swap3A_170, %swap3A_171], %swap3A_174 {strides = array<i32>} : memref<64x128xf32, #tpu.memory_space<vmem>>, vector<1x16xf32>,
      %swap3A_175 = arith.index_cast %scan3A_140 : i32 to index
      %swap3A_176 = arith.constant 112 : index
      %swap3A_177 = tpu.vector_load %arg10[%swap3A_175, %swap3A_176] {strides = array<i32>} : memref<64x128xf32, #tpu.memory_space<vmem>>, vector<1x16xf32>,
      %swap3A_178 = vector.shape_cast %swap3A_177 : vector<1x16xf32> to vector<16xf32>
      %swap3A_179 = vector.shape_cast %broadcast_in_dim3A_14 : vector<16xf32> to vector<1x16xf32>
      tpu.vector_store %arg10[%swap3A_175, %swap3A_176], %swap3A_179 {strides = array<i32>} : memref<64x128xf32, #tpu.memory_space<vmem>>, vector<1x16xf32>,
    }
    %scan3A_19 = arith.constant 64 : i32
    %scan3A_20 = arith.constant 0 : i32
    %scan3A_21 = arith.constant 0 : i32
    %scan3A_22 = arith.constant 10 : i32
    %scan3A_23 = arith.addi %scan3A_21, %scan3A_22 : i32
    %scan3A_24 = arith.constant 1 : i32
    scf.for %scan3A_140 = %scan3A_21 to %scan3A_23 step %scan3A_24  : i32 {
      %mul3A_141 = arith.constant 640 : i32
      %mul3A_142 = arith.muli %arg1, %mul3A_141 : i32
      %mul3A_143 = arith.constant 64 : i32
      %mul3A_144 = arith.muli %scan3A_140, %mul3A_143 : i32
      %add3A_145 = arith.addi %mul3A_142, %mul3A_144 : i32
      %dma_start3A_146 = arith.constant 0 : i32
      %dma_start3A_147 = tpu.memref_slice %arg17[%add3A_145, %dma_start3A_146] : memref<10240x128xf32, #tpu.memory_space<vmem_shared>> -> memref<64x128xf32, #tpu.memory_space<vmem_shared>>
      %dma_start3A_148 = arith.constant 0 : i32
      %dma_start3A_149 = tpu.memref_slice %arg17[%add3A_145, %dma_start3A_148] : memref<10240x128xf32, #tpu.memory_space<vmem_shared>> -> memref<64x128xf32, #tpu.memory_space<vmem_shared>>
      tpu.enqueue_dma source(%arg10 : memref<64x128xf32, #tpu.memory_space<vmem>>) target(%dma_start3A_149 : memref<64x128xf32, #tpu.memory_space<vmem_shared>>) target_semaphore(%arg16 : memref<!tpu.dma_semaphore, #tpu.memory_space<semaphore_mem>>)
    }
    %scan3A_25 = arith.constant 10 : i32
    %scan3A_26 = arith.constant 0 : i32
    %scan3A_27 = arith.constant 0 : i32
    %scan3A_28 = arith.constant 10 : i32
    %scan3A_29 = arith.addi %scan3A_27, %scan3A_28 : i32
    %scan3A_30 = arith.constant 1 : i32
    scf.for %scan3A_140 = %scan3A_27 to %scan3A_29 step %scan3A_30  : i32 {
      %mul3A_141 = arith.constant 640 : i32
      %mul3A_142 = arith.muli %arg1, %mul3A_141 : i32
      %mul3A_143 = arith.constant 64 : i32
      %mul3A_144 = arith.muli %scan3A_140, %mul3A_143 : i32
      %add3A_145 = arith.addi %mul3A_142, %mul3A_144 : i32
      %dma_wait3A_146 = arith.constant 0 : i32
      %dma_wait3A_147 = tpu.memref_slice %arg17[%add3A_145, %dma_wait3A_146] : memref<10240x128xf32, #tpu.memory_space<vmem_shared>> -> memref<64x128xf32, #tpu.memory_space<vmem_shared>>
      %dma_wait3A_148 = arith.constant 0 : i32
      %dma_wait3A_149 = tpu.memref_slice %arg17[%add3A_145, %dma_wait3A_148] : memref<10240x128xf32, #tpu.memory_space<vmem_shared>> -> memref<64x128xf32, #tpu.memory_space<vmem_shared>>
      tpu.wait_dma2 semaphore(%arg16 : memref<!tpu.dma_semaphore, #tpu.memory_space<semaphore_mem>>) src(%arg10 : memref<64x128xf32, #tpu.memory_space<vmem>>) dst(%dma_wait3A_149 : memref<64x128xf32, #tpu.memory_space<vmem_shared>>)
    }
    %scan3A_31 = arith.constant 10 : i32
    %barrier3A = arith.constant 0 : index
    tpu.barrier barrier_id(%barrier3A)
    %dma_start3A_32 = arith.constant 2 : i32
    %dma_start3A_33 = arith.constant 0 : i32
    %dma_start3A_34 = tpu.memref_slice %arg6[%dma_start3A_32, %dma_start3A_33] : memref<81x64xi32, #tpu.memory_space<vmem>> -> memref<1x64xi32, #tpu.memory_space<vmem>>
    %dma_start3A_35 = tpu.memref_squeeze %dma_start3A_34 : memref<1x64xi32, #tpu.memory_space<vmem>> -> memref<64xi32, #tpu.memory_space<vmem>>
    %dma_start3A_36 = arith.constant 0 : i32
    %dma_start3A_37 = arith.constant 0 : i32
    %dma_start3A_38 = tpu.memref_slice %arg2[%dma_start3A_36, %dma_start3A_37] : memref<10000x128xf32, #tpu.memory_space<hbm>> -> memref<10000x128xf32, #tpu.memory_space<hbm>>
    tpu.enqueue_indirect_dma source(%dma_start3A_38 : memref<10000x128xf32, #tpu.memory_space<hbm>>) target(%arg10 : memref<64x128xf32, #tpu.memory_space<vmem>>) offsets(%dma_start3A_35 : memref<64xi32, #tpu.memory_space<vmem>>) semaphore(%arg13 : memref<!tpu.dma_semaphore, #tpu.memory_space<semaphore_mem>>)
    %dma_wait3A = arith.constant 0 : i32
    %dma_wait3A_39 = arith.constant 0 : i32
    %dma_wait3A_40 = tpu.memref_slice %arg6[%dma_wait3A, %dma_wait3A_39] : memref<81x64xi32, #tpu.memory_space<vmem>> -> memref<1x64xi32, #tpu.memory_space<vmem>>
    %dma_wait3A_41 = tpu.memref_squeeze %dma_wait3A_40 : memref<1x64xi32, #tpu.memory_space<vmem>> -> memref<64xi32, #tpu.memory_space<vmem>>
    %dma_wait3A_42 = arith.constant 0 : i32
    %dma_wait3A_43 = arith.constant 0 : i32
    %dma_wait3A_44 = tpu.memref_slice %arg2[%dma_wait3A_42, %dma_wait3A_43] : memref<10000x128xf32, #tpu.memory_space<hbm>> -> memref<10000x128xf32, #tpu.memory_space<hbm>>
    tpu.wait_indirect_dma semaphore(%arg11 : memref<!tpu.dma_semaphore, #tpu.memory_space<semaphore_mem>>) src(%dma_wait3A_44 : memref<10000x128xf32, #tpu.memory_space<hbm>>) dst(%arg8 : memref<64x128xf32, #tpu.memory_space<vmem>>)
    %dma_start3A_45 = arith.constant 0 : i32
    %dma_start3A_46 = arith.constant 0 : i32
    %dma_start3A_47 = tpu.memref_slice %arg7[%dma_start3A_45, %dma_start3A_46] : memref<81x64xi32, #tpu.memory_space<vmem>> -> memref<1x64xi32, #tpu.memory_space<vmem>>
    %dma_start3A_48 = tpu.memref_squeeze %dma_start3A_47 : memref<1x64xi32, #tpu.memory_space<vmem>> -> memref<64xi32, #tpu.memory_space<vmem>>
    %dma_start3A_49 = arith.constant 0 : i32
    %dma_start3A_50 = arith.constant 0 : i32
    %dma_start3A_51 = tpu.memref_slice %arg17[%dma_start3A_49, %dma_start3A_50] : memref<10240x128xf32, #tpu.memory_space<vmem_shared>> -> memref<10240x128xf32, #tpu.memory_space<vmem_shared>>
    tpu.enqueue_indirect_dma source(%arg8 : memref<64x128xf32, #tpu.memory_space<vmem>>) target(%dma_start3A_51 : memref<10240x128xf32, #tpu.memory_space<vmem_shared>>) offsets(%dma_start3A_48 : memref<64xi32, #tpu.memory_space<vmem>>) semaphore(%arg14 : memref<!tpu.dma_semaphore, #tpu.memory_space<semaphore_mem>>) {add = true}
    %dma_wait3A_52 = arith.constant 0 : i32
    %dma_wait3A_53 = arith.constant 0 : i32
    %dma_wait3A_54 = tpu.memref_slice %arg7[%dma_wait3A_52, %dma_wait3A_53] : memref<81x64xi32, #tpu.memory_space<vmem>> -> memref<1x64xi32, #tpu.memory_space<vmem>>
    %dma_wait3A_55 = tpu.memref_squeeze %dma_wait3A_54 : memref<1x64xi32, #tpu.memory_space<vmem>> -> memref<64xi32, #tpu.memory_space<vmem>>
    %dma_wait3A_56 = arith.constant 0 : i32
    %dma_wait3A_57 = arith.constant 0 : i32
    %dma_wait3A_58 = tpu.memref_slice %arg17[%dma_wait3A_56, %dma_wait3A_57] : memref<10240x128xf32, #tpu.memory_space<vmem_shared>> -> memref<10240x128xf32, #tpu.memory_space<vmem_shared>>
    tpu.wait_indirect_dma semaphore(%arg14 : memref<!tpu.dma_semaphore, #tpu.memory_space<semaphore_mem>>) src(%arg8 : memref<64x128xf32, #tpu.memory_space<vmem>>) dst(%dma_wait3A_58 : memref<10240x128xf32, #tpu.memory_space<vmem_shared>>)
    %dma_start3A_59 = arith.constant 3 : i32
    %dma_start3A_60 = arith.constant 0 : i32
    %dma_start3A_61 = tpu.memref_slice %arg6[%dma_start3A_59, %dma_start3A_60] : memref<81x64xi32, #tpu.memory_space<vmem>> -> memref<1x64xi32, #tpu.memory_space<vmem>>
    %dma_start3A_62 = tpu.memref_squeeze %dma_start3A_61 : memref<1x64xi32, #tpu.memory_space<vmem>> -> memref<64xi32, #tpu.memory_space<vmem>>
    %dma_start3A_63 = arith.constant 0 : i32
    %dma_start3A_64 = arith.constant 0 : i32
    %dma_start3A_65 = tpu.memref_slice %arg2[%dma_start3A_63, %dma_start3A_64] : memref<10000x128xf32, #tpu.memory_space<hbm>> -> memref<10000x128xf32, #tpu.memory_space<hbm>>
    tpu.enqueue_indirect_dma source(%dma_start3A_65 : memref<10000x128xf32, #tpu.memory_space<hbm>>) target(%arg8 : memref<64x128xf32, #tpu.memory_space<vmem>>) offsets(%dma_start3A_62 : memref<64xi32, #tpu.memory_space<vmem>>) semaphore(%arg11 : memref<!tpu.dma_semaphore, #tpu.memory_space<semaphore_mem>>)
    %dma_wait3A_66 = arith.constant 1 : i32
    %dma_wait3A_67 = arith.constant 0 : i32
    %dma_wait3A_68 = tpu.memref_slice %arg6[%dma_wait3A_66, %dma_wait3A_67] : memref<81x64xi32, #tpu.memory_space<vmem>> -> memref<1x64xi32, #tpu.memory_space<vmem>>
    %dma_wait3A_69 = tpu.memref_squeeze %dma_wait3A_68 : memref<1x64xi32, #tpu.memory_space<vmem>> -> memref<64xi32, #tpu.memory_space<vmem>>
    %dma_wait3A_70 = arith.constant 0 : i32
    %dma_wait3A_71 = arith.constant 0 : i32
    %dma_wait3A_72 = tpu.memref_slice %arg2[%dma_wait3A_70, %dma_wait3A_71] : memref<10000x128xf32, #tpu.memory_space<hbm>> -> memref<10000x128xf32, #tpu.memory_space<hbm>>
    tpu.wait_indirect_dma semaphore(%arg12 : memref<!tpu.dma_semaphore, #tpu.memory_space<semaphore_mem>>) src(%dma_wait3A_72 : memref<10000x128xf32, #tpu.memory_space<hbm>>) dst(%arg9 : memref<64x128xf32, #tpu.memory_space<vmem>>)
    %dma_start3A_73 = arith.constant 1 : i32
    %dma_start3A_74 = arith.constant 0 : i32
    %dma_start3A_75 = tpu.memref_slice %arg7[%dma_start3A_73, %dma_start3A_74] : memref<81x64xi32, #tpu.memory_space<vmem>> -> memref<1x64xi32, #tpu.memory_space<vmem>>
    %dma_start3A_76 = tpu.memref_squeeze %dma_start3A_75 : memref<1x64xi32, #tpu.memory_space<vmem>> -> memref<64xi32, #tpu.memory_space<vmem>>
    %dma_start3A_77 = arith.constant 0 : i32
    %dma_start3A_78 = arith.constant 0 : i32
    %dma_start3A_79 = tpu.memref_slice %arg17[%dma_start3A_77, %dma_start3A_78] : memref<10240x128xf32, #tpu.memory_space<vmem_shared>> -> memref<10240x128xf32, #tpu.memory_space<vmem_shared>>
    tpu.enqueue_indirect_dma source(%arg9 : memref<64x128xf32, #tpu.memory_space<vmem>>) target(%dma_start3A_79 : memref<10240x128xf32, #tpu.memory_space<vmem_shared>>) offsets(%dma_start3A_76 : memref<64xi32, #tpu.memory_space<vmem>>) semaphore(%arg15 : memref<!tpu.dma_semaphore, #tpu.memory_space<semaphore_mem>>) {add = true}
    %dma_wait3A_80 = arith.constant 1 : i32
    %dma_wait3A_81 = arith.constant 0 : i32
    %dma_wait3A_82 = tpu.memref_slice %arg7[%dma_wait3A_80, %dma_wait3A_81] : memref<81x64xi32, #tpu.memory_space<vmem>> -> memref<1x64xi32, #tpu.memory_space<vmem>>
    %dma_wait3A_83 = tpu.memref_squeeze %dma_wait3A_82 : memref<1x64xi32, #tpu.memory_space<vmem>> -> memref<64xi32, #tpu.memory_space<vmem>>
    %dma_wait3A_84 = arith.constant 0 : i32
    %dma_wait3A_85 = arith.constant 0 : i32
    %dma_wait3A_86 = tpu.memref_slice %arg17[%dma_wait3A_84, %dma_wait3A_85] : memref<10240x128xf32, #tpu.memory_space<vmem_shared>> -> memref<10240x128xf32, #tpu.memory_space<vmem_shared>>
    tpu.wait_indirect_dma semaphore(%arg15 : memref<!tpu.dma_semaphore, #tpu.memory_space<semaphore_mem>>) src(%arg9 : memref<64x128xf32, #tpu.memory_space<vmem>>) dst(%dma_wait3A_86 : memref<10240x128xf32, #tpu.memory_space<vmem_shared>>)
    %dma_start3A_87 = arith.constant 4 : i32
    %dma_start3A_88 = arith.constant 0 : i32
    %dma_start3A_89 = tpu.memref_slice %arg6[%dma_start3A_87, %dma_start3A_88] : memref<81x64xi32, #tpu.memory_space<vmem>> -> memref<1x64xi32, #tpu.memory_space<vmem>>
    %dma_start3A_90 = tpu.memref_squeeze %dma_start3A_89 : memref<1x64xi32, #tpu.memory_space<vmem>> -> memref<64xi32, #tpu.memory_space<vmem>>
    %dma_start3A_91 = arith.constant 0 : i32
    %dma_start3A_92 = arith.constant 0 : i32
    %dma_start3A_93 = tpu.memref_slice %arg2[%dma_start3A_91, %dma_start3A_92] : memref<10000x128xf32, #tpu.memory_space<hbm>> -> memref<10000x128xf32, #tpu.memory_space<hbm>>
    tpu.enqueue_indirect_dma source(%dma_start3A_93 : memref<10000x128xf32, #tpu.memory_space<hbm>>) target(%arg9 : memref<64x128xf32, #tpu.memory_space<vmem>>) offsets(%dma_start3A_90 : memref<64xi32, #tpu.memory_space<vmem>>) semaphore(%arg12 : memref<!tpu.dma_semaphore, #tpu.memory_space<semaphore_mem>>)
    %dma_wait3A_94 = arith.constant 2 : i32
    %dma_wait3A_95 = arith.constant 0 : i32
    %dma_wait3A_96 = tpu.memref_slice %arg6[%dma_wait3A_94, %dma_wait3A_95] : memref<81x64xi32, #tpu.memory_space<vmem>> -> memref<1x64xi32, #tpu.memory_space<vmem>>
    %dma_wait3A_97 = tpu.memref_squeeze %dma_wait3A_96 : memref<1x64xi32, #tpu.memory_space<vmem>> -> memref<64xi32, #tpu.memory_space<vmem>>
    %dma_wait3A_98 = arith.constant 0 : i32
    %dma_wait3A_99 = arith.constant 0 : i32
    %dma_wait3A_100 = tpu.memref_slice %arg2[%dma_wait3A_98, %dma_wait3A_99] : memref<10000x128xf32, #tpu.memory_space<hbm>> -> memref<10000x128xf32, #tpu.memory_space<hbm>>
    tpu.wait_indirect_dma semaphore(%arg13 : memref<!tpu.dma_semaphore, #tpu.memory_space<semaphore_mem>>) src(%dma_wait3A_100 : memref<10000x128xf32, #tpu.memory_space<hbm>>) dst(%arg10 : memref<64x128xf32, #tpu.memory_space<vmem>>)
    %dma_start3A_101 = arith.constant 2 : i32
    %dma_start3A_102 = arith.constant 0 : i32
    %dma_start3A_103 = tpu.memref_slice %arg7[%dma_start3A_101, %dma_start3A_102] : memref<81x64xi32, #tpu.memory_space<vmem>> -> memref<1x64xi32, #tpu.memory_space<vmem>>
    %dma_start3A_104 = tpu.memref_squeeze %dma_start3A_103 : memref<1x64xi32, #tpu.memory_space<vmem>> -> memref<64xi32, #tpu.memory_space<vmem>>
    %dma_start3A_105 = arith.constant 0 : i32
    %dma_start3A_106 = arith.constant 0 : i32
    %dma_start3A_107 = tpu.memref_slice %arg17[%dma_start3A_105, %dma_start3A_106] : memref<10240x128xf32, #tpu.memory_space<vmem_shared>> -> memref<10240x128xf32, #tpu.memory_space<vmem_shared>>
    tpu.enqueue_indirect_dma source(%arg10 : memref<64x128xf32, #tpu.memory_space<vmem>>) target(%dma_start3A_107 : memref<10240x128xf32, #tpu.memory_space<vmem_shared>>) offsets(%dma_start3A_104 : memref<64xi32, #tpu.memory_space<vmem>>) semaphore(%arg16 : memref<!tpu.dma_semaphore, #tpu.memory_space<semaphore_mem>>) {add = true}
    %scan3A_108 = arith.constant 0 : i32
    %scan3A_109 = arith.constant 1 : i32
    %scan3A_110 = arith.constant 26 : i32
    %scan3A_111 = arith.addi %scan3A_109, %scan3A_110 : i32
    %scan3A_112 = arith.constant 1 : i32
    scf.for %scan3A_140 = %scan3A_109 to %scan3A_111 step %scan3A_112  : i32 {
      %mul3A_141 = arith.constant 3 : i32
      %mul3A_142 = arith.muli %mul3A_141, %scan3A_140 : i32
      %add3A_143 = arith.constant 0 : i32
      %add3A_144 = arith.addi %mul3A_142, %add3A_143 : i32
      %add3A_145 = arith.constant 2 : i32
      %add3A_146 = arith.addi %add3A_144, %add3A_145 : i32
      %min3A = arith.constant 80 : i32
      %min3A_147 = arith.minsi %add3A_146, %min3A : i32
      %sub3A = arith.constant 1 : i32
      %sub3A_148 = arith.subi %add3A_144, %sub3A : i32
      %dma_wait3A_149 = arith.constant 0 : i32
      %dma_wait3A_150 = tpu.memref_slice %arg7[%sub3A_148, %dma_wait3A_149] : memref<81x64xi32, #tpu.memory_space<vmem>> -> memref<1x64xi32, #tpu.memory_space<vmem>>
      %dma_wait3A_151 = tpu.memref_squeeze %dma_wait3A_150 : memref<1x64xi32, #tpu.memory_space<vmem>> -> memref<64xi32, #tpu.memory_space<vmem>>
      %dma_wait3A_152 = arith.constant 0 : i32
      %dma_wait3A_153 = arith.constant 0 : i32
      %dma_wait3A_154 = tpu.memref_slice %arg17[%dma_wait3A_152, %dma_wait3A_153] : memref<10240x128xf32, #tpu.memory_space<vmem_shared>> -> memref<10240x128xf32, #tpu.memory_space<vmem_shared>>
      tpu.wait_indirect_dma semaphore(%arg16 : memref<!tpu.dma_semaphore, #tpu.memory_space<semaphore_mem>>) src(%arg10 : memref<64x128xf32, #tpu.memory_space<vmem>>) dst(%dma_wait3A_154 : memref<10240x128xf32, #tpu.memory_space<vmem_shared>>)
      %dma_start3A_155 = arith.constant 0 : i32
      %dma_start3A_156 = tpu.memref_slice %arg6[%min3A_147, %dma_start3A_155] : memref<81x64xi32, #tpu.memory_space<vmem>> -> memref<1x64xi32, #tpu.memory_space<vmem>>
      %dma_start3A_157 = tpu.memref_squeeze %dma_start3A_156 : memref<1x64xi32, #tpu.memory_space<vmem>> -> memref<64xi32, #tpu.memory_space<vmem>>
      %dma_start3A_158 = arith.constant 0 : i32
      %dma_start3A_159 = arith.constant 0 : i32
      %dma_start3A_160 = tpu.memref_slice %arg2[%dma_start3A_158, %dma_start3A_159] : memref<10000x128xf32, #tpu.memory_space<hbm>> -> memref<10000x128xf32, #tpu.memory_space<hbm>>
      tpu.enqueue_indirect_dma source(%dma_start3A_160 : memref<10000x128xf32, #tpu.memory_space<hbm>>) target(%arg10 : memref<64x128xf32, #tpu.memory_space<vmem>>) offsets(%dma_start3A_157 : memref<64xi32, #tpu.memory_space<vmem>>) semaphore(%arg13 : memref<!tpu.dma_semaphore, #tpu.memory_space<semaphore_mem>>)
      %dma_wait3A_161 = arith.constant 0 : i32
      %dma_wait3A_162 = tpu.memref_slice %arg6[%add3A_144, %dma_wait3A_161] : memref<81x64xi32, #tpu.memory_space<vmem>> -> memref<1x64xi32, #tpu.memory_space<vmem>>
      %dma_wait3A_163 = tpu.memref_squeeze %dma_wait3A_162 : memref<1x64xi32, #tpu.memory_space<vmem>> -> memref<64xi32, #tpu.memory_space<vmem>>
      %dma_wait3A_164 = arith.constant 0 : i32
      %dma_wait3A_165 = arith.constant 0 : i32
      %dma_wait3A_166 = tpu.memref_slice %arg2[%dma_wait3A_164, %dma_wait3A_165] : memref<10000x128xf32, #tpu.memory_space<hbm>> -> memref<10000x128xf32, #tpu.memory_space<hbm>>
      tpu.wait_indirect_dma semaphore(%arg11 : memref<!tpu.dma_semaphore, #tpu.memory_space<semaphore_mem>>) src(%dma_wait3A_166 : memref<10000x128xf32, #tpu.memory_space<hbm>>) dst(%arg8 : memref<64x128xf32, #tpu.memory_space<vmem>>)
      %dma_start3A_167 = arith.constant 0 : i32
      %dma_start3A_168 = tpu.memref_slice %arg7[%add3A_144, %dma_start3A_167] : memref<81x64xi32, #tpu.memory_space<vmem>> -> memref<1x64xi32, #tpu.memory_space<vmem>>
      %dma_start3A_169 = tpu.memref_squeeze %dma_start3A_168 : memref<1x64xi32, #tpu.memory_space<vmem>> -> memref<64xi32, #tpu.memory_space<vmem>>
      %dma_start3A_170 = arith.constant 0 : i32
      %dma_start3A_171 = arith.constant 0 : i32
      %dma_start3A_172 = tpu.memref_slice %arg17[%dma_start3A_170, %dma_start3A_171] : memref<10240x128xf32, #tpu.memory_space<vmem_shared>> -> memref<10240x128xf32, #tpu.memory_space<vmem_shared>>
      tpu.enqueue_indirect_dma source(%arg8 : memref<64x128xf32, #tpu.memory_space<vmem>>) target(%dma_start3A_172 : memref<10240x128xf32, #tpu.memory_space<vmem_shared>>) offsets(%dma_start3A_169 : memref<64xi32, #tpu.memory_space<vmem>>) semaphore(%arg14 : memref<!tpu.dma_semaphore, #tpu.memory_space<semaphore_mem>>) {add = true}
      %mul3A_173 = arith.constant 3 : i32
      %mul3A_174 = arith.muli %mul3A_173, %scan3A_140 : i32
      %add3A_175 = arith.constant 1 : i32
      %add3A_176 = arith.addi %mul3A_174, %add3A_175 : i32
      %add3A_177 = arith.constant 2 : i32
      %add3A_178 = arith.addi %add3A_176, %add3A_177 : i32
      %min3A_179 = arith.constant 80 : i32
      %min3A_180 = arith.minsi %add3A_178, %min3A_179 : i32
      %sub3A_181 = arith.constant 1 : i32
      %sub3A_182 = arith.subi %add3A_176, %sub3A_181 : i32
      %dma_wait3A_183 = arith.constant 0 : i32
      %dma_wait3A_184 = tpu.memref_slice %arg7[%sub3A_182, %dma_wait3A_183] : memref<81x64xi32, #tpu.memory_space<vmem>> -> memref<1x64xi32, #tpu.memory_space<vmem>>
      %dma_wait3A_185 = tpu.memref_squeeze %dma_wait3A_184 : memref<1x64xi32, #tpu.memory_space<vmem>> -> memref<64xi32, #tpu.memory_space<vmem>>
      %dma_wait3A_186 = arith.constant 0 : i32
      %dma_wait3A_187 = arith.constant 0 : i32
      %dma_wait3A_188 = tpu.memref_slice %arg17[%dma_wait3A_186, %dma_wait3A_187] : memref<10240x128xf32, #tpu.memory_space<vmem_shared>> -> memref<10240x128xf32, #tpu.memory_space<vmem_shared>>
      tpu.wait_indirect_dma semaphore(%arg14 : memref<!tpu.dma_semaphore, #tpu.memory_space<semaphore_mem>>) src(%arg8 : memref<64x128xf32, #tpu.memory_space<vmem>>) dst(%dma_wait3A_188 : memref<10240x128xf32, #tpu.memory_space<vmem_shared>>)
      %dma_start3A_189 = arith.constant 0 : i32
      %dma_start3A_190 = tpu.memref_slice %arg6[%min3A_180, %dma_start3A_189] : memref<81x64xi32, #tpu.memory_space<vmem>> -> memref<1x64xi32, #tpu.memory_space<vmem>>
      %dma_start3A_191 = tpu.memref_squeeze %dma_start3A_190 : memref<1x64xi32, #tpu.memory_space<vmem>> -> memref<64xi32, #tpu.memory_space<vmem>>
      %dma_start3A_192 = arith.constant 0 : i32
      %dma_start3A_193 = arith.constant 0 : i32
      %dma_start3A_194 = tpu.memref_slice %arg2[%dma_start3A_192, %dma_start3A_193] : memref<10000x128xf32, #tpu.memory_space<hbm>> -> memref<10000x128xf32, #tpu.memory_space<hbm>>
      tpu.enqueue_indirect_dma source(%dma_start3A_194 : memref<10000x128xf32, #tpu.memory_space<hbm>>) target(%arg8 : memref<64x128xf32, #tpu.memory_space<vmem>>) offsets(%dma_start3A_191 : memref<64xi32, #tpu.memory_space<vmem>>) semaphore(%arg11 : memref<!tpu.dma_semaphore, #tpu.memory_space<semaphore_mem>>)
      %dma_wait3A_195 = arith.constant 0 : i32
      %dma_wait3A_196 = tpu.memref_slice %arg6[%add3A_176, %dma_wait3A_195] : memref<81x64xi32, #tpu.memory_space<vmem>> -> memref<1x64xi32, #tpu.memory_space<vmem>>
      %dma_wait3A_197 = tpu.memref_squeeze %dma_wait3A_196 : memref<1x64xi32, #tpu.memory_space<vmem>> -> memref<64xi32, #tpu.memory_space<vmem>>
      %dma_wait3A_198 = arith.constant 0 : i32
      %dma_wait3A_199 = arith.constant 0 : i32
      %dma_wait3A_200 = tpu.memref_slice %arg2[%dma_wait3A_198, %dma_wait3A_199] : memref<10000x128xf32, #tpu.memory_space<hbm>> -> memref<10000x128xf32, #tpu.memory_space<hbm>>
      tpu.wait_indirect_dma semaphore(%arg12 : memref<!tpu.dma_semaphore, #tpu.memory_space<semaphore_mem>>) src(%dma_wait3A_200 : memref<10000x128xf32, #tpu.memory_space<hbm>>) dst(%arg9 : memref<64x128xf32, #tpu.memory_space<vmem>>)
      %dma_start3A_201 = arith.constant 0 : i32
      %dma_start3A_202 = tpu.memref_slice %arg7[%add3A_176, %dma_start3A_201] : memref<81x64xi32, #tpu.memory_space<vmem>> -> memref<1x64xi32, #tpu.memory_space<vmem>>
      %dma_start3A_203 = tpu.memref_squeeze %dma_start3A_202 : memref<1x64xi32, #tpu.memory_space<vmem>> -> memref<64xi32, #tpu.memory_space<vmem>>
      %dma_start3A_204 = arith.constant 0 : i32
      %dma_start3A_205 = arith.constant 0 : i32
      %dma_start3A_206 = tpu.memref_slice %arg17[%dma_start3A_204, %dma_start3A_205] : memref<10240x128xf32, #tpu.memory_space<vmem_shared>> -> memref<10240x128xf32, #tpu.memory_space<vmem_shared>>
      tpu.enqueue_indirect_dma source(%arg9 : memref<64x128xf32, #tpu.memory_space<vmem>>) target(%dma_start3A_206 : memref<10240x128xf32, #tpu.memory_space<vmem_shared>>) offsets(%dma_start3A_203 : memref<64xi32, #tpu.memory_space<vmem>>) semaphore(%arg15 : memref<!tpu.dma_semaphore, #tpu.memory_space<semaphore_mem>>) {add = true}
      %mul3A_207 = arith.constant 3 : i32
      %mul3A_208 = arith.muli %mul3A_207, %scan3A_140 : i32
      %add3A_209 = arith.constant 2 : i32
      %add3A_210 = arith.addi %mul3A_208, %add3A_209 : i32
      %add3A_211 = arith.constant 2 : i32
      %add3A_212 = arith.addi %add3A_210, %add3A_211 : i32
      %min3A_213 = arith.constant 80 : i32
      %min3A_214 = arith.minsi %add3A_212, %min3A_213 : i32
      %sub3A_215 = arith.constant 1 : i32
      %sub3A_216 = arith.subi %add3A_210, %sub3A_215 : i32
      %dma_wait3A_217 = arith.constant 0 : i32
      %dma_wait3A_218 = tpu.memref_slice %arg7[%sub3A_216, %dma_wait3A_217] : memref<81x64xi32, #tpu.memory_space<vmem>> -> memref<1x64xi32, #tpu.memory_space<vmem>>
      %dma_wait3A_219 = tpu.memref_squeeze %dma_wait3A_218 : memref<1x64xi32, #tpu.memory_space<vmem>> -> memref<64xi32, #tpu.memory_space<vmem>>
      %dma_wait3A_220 = arith.constant 0 : i32
      %dma_wait3A_221 = arith.constant 0 : i32
      %dma_wait3A_222 = tpu.memref_slice %arg17[%dma_wait3A_220, %dma_wait3A_221] : memref<10240x128xf32, #tpu.memory_space<vmem_shared>> -> memref<10240x128xf32, #tpu.memory_space<vmem_shared>>
      tpu.wait_indirect_dma semaphore(%arg15 : memref<!tpu.dma_semaphore, #tpu.memory_space<semaphore_mem>>) src(%arg9 : memref<64x128xf32, #tpu.memory_space<vmem>>) dst(%dma_wait3A_222 : memref<10240x128xf32, #tpu.memory_space<vmem_shared>>)
      %dma_start3A_223 = arith.constant 0 : i32
      %dma_start3A_224 = tpu.memref_slice %arg6[%min3A_214, %dma_start3A_223] : memref<81x64xi32, #tpu.memory_space<vmem>> -> memref<1x64xi32, #tpu.memory_space<vmem>>
      %dma_start3A_225 = tpu.memref_squeeze %dma_start3A_224 : memref<1x64xi32, #tpu.memory_space<vmem>> -> memref<64xi32, #tpu.memory_space<vmem>>
      %dma_start3A_226 = arith.constant 0 : i32
      %dma_start3A_227 = arith.constant 0 : i32
      %dma_start3A_228 = tpu.memref_slice %arg2[%dma_start3A_226, %dma_start3A_227] : memref<10000x128xf32, #tpu.memory_space<hbm>> -> memref<10000x128xf32, #tpu.memory_space<hbm>>
      tpu.enqueue_indirect_dma source(%dma_start3A_228 : memref<10000x128xf32, #tpu.memory_space<hbm>>) target(%arg9 : memref<64x128xf32, #tpu.memory_space<vmem>>) offsets(%dma_start3A_225 : memref<64xi32, #tpu.memory_space<vmem>>) semaphore(%arg12 : memref<!tpu.dma_semaphore, #tpu.memory_space<semaphore_mem>>)
      %dma_wait3A_229 = arith.constant 0 : i32
      %dma_wait3A_230 = tpu.memref_slice %arg6[%add3A_210, %dma_wait3A_229] : memref<81x64xi32, #tpu.memory_space<vmem>> -> memref<1x64xi32, #tpu.memory_space<vmem>>
      %dma_wait3A_231 = tpu.memref_squeeze %dma_wait3A_230 : memref<1x64xi32, #tpu.memory_space<vmem>> -> memref<64xi32, #tpu.memory_space<vmem>>
      %dma_wait3A_232 = arith.constant 0 : i32
      %dma_wait3A_233 = arith.constant 0 : i32
      %dma_wait3A_234 = tpu.memref_slice %arg2[%dma_wait3A_232, %dma_wait3A_233] : memref<10000x128xf32, #tpu.memory_space<hbm>> -> memref<10000x128xf32, #tpu.memory_space<hbm>>
      tpu.wait_indirect_dma semaphore(%arg13 : memref<!tpu.dma_semaphore, #tpu.memory_space<semaphore_mem>>) src(%dma_wait3A_234 : memref<10000x128xf32, #tpu.memory_space<hbm>>) dst(%arg10 : memref<64x128xf32, #tpu.memory_space<vmem>>)
      %dma_start3A_235 = arith.constant 0 : i32
      %dma_start3A_236 = tpu.memref_slice %arg7[%add3A_210, %dma_start3A_235] : memref<81x64xi32, #tpu.memory_space<vmem>> -> memref<1x64xi32, #tpu.memory_space<vmem>>
      %dma_start3A_237 = tpu.memref_squeeze %dma_start3A_236 : memref<1x64xi32, #tpu.memory_space<vmem>> -> memref<64xi32, #tpu.memory_space<vmem>>
      %dma_start3A_238 = arith.constant 0 : i32
      %dma_start3A_239 = arith.constant 0 : i32
      %dma_start3A_240 = tpu.memref_slice %arg17[%dma_start3A_238, %dma_start3A_239] : memref<10240x128xf32, #tpu.memory_space<vmem_shared>> -> memref<10240x128xf32, #tpu.memory_space<vmem_shared>>
      tpu.enqueue_indirect_dma source(%arg10 : memref<64x128xf32, #tpu.memory_space<vmem>>) target(%dma_start3A_240 : memref<10240x128xf32, #tpu.memory_space<vmem_shared>>) offsets(%dma_start3A_237 : memref<64xi32, #tpu.memory_space<vmem>>) semaphore(%arg16 : memref<!tpu.dma_semaphore, #tpu.memory_space<semaphore_mem>>) {add = true}
    }
    %scan3A_113 = arith.constant 26 : i32
    %dma_wait3A_114 = arith.constant 80 : i32
    %dma_wait3A_115 = arith.constant 0 : i32
    %dma_wait3A_116 = tpu.memref_slice %arg7[%dma_wait3A_114, %dma_wait3A_115] : memref<81x64xi32, #tpu.memory_space<vmem>> -> memref<1x64xi32, #tpu.memory_space<vmem>>
    %dma_wait3A_117 = tpu.memref_squeeze %dma_wait3A_116 : memref<1x64xi32, #tpu.memory_space<vmem>> -> memref<64xi32, #tpu.memory_space<vmem>>
    %dma_wait3A_118 = arith.constant 0 : i32
    %dma_wait3A_119 = arith.constant 0 : i32
    %dma_wait3A_120 = tpu.memref_slice %arg17[%dma_wait3A_118, %dma_wait3A_119] : memref<10240x128xf32, #tpu.memory_space<vmem_shared>> -> memref<10240x128xf32, #tpu.memory_space<vmem_shared>>
    tpu.wait_indirect_dma semaphore(%arg16 : memref<!tpu.dma_semaphore, #tpu.memory_space<semaphore_mem>>) src(%arg10 : memref<64x128xf32, #tpu.memory_space<vmem>>) dst(%dma_wait3A_120 : memref<10240x128xf32, #tpu.memory_space<vmem_shared>>)
    %dma_wait3A_121 = arith.constant 80 : i32
    %dma_wait3A_122 = arith.constant 0 : i32
    %dma_wait3A_123 = tpu.memref_slice %arg6[%dma_wait3A_121, %dma_wait3A_122] : memref<81x64xi32, #tpu.memory_space<vmem>> -> memref<1x64xi32, #tpu.memory_space<vmem>>
    %dma_wait3A_124 = tpu.memref_squeeze %dma_wait3A_123 : memref<1x64xi32, #tpu.memory_space<vmem>> -> memref<64xi32, #tpu.memory_space<vmem>>
    %dma_wait3A_125 = arith.constant 0 : i32
    %dma_wait3A_126 = arith.constant 0 : i32
    %dma_wait3A_127 = tpu.memref_slice %arg2[%dma_wait3A_125, %dma_wait3A_126] : memref<10000x128xf32, #tpu.memory_space<hbm>> -> memref<10000x128xf32, #tpu.memory_space<hbm>>
    tpu.wait_indirect_dma semaphore(%arg11 : memref<!tpu.dma_semaphore, #tpu.memory_space<semaphore_mem>>) src(%dma_wait3A_127 : memref<10000x128xf32, #tpu.memory_space<hbm>>) dst(%arg8 : memref<64x128xf32, #tpu.memory_space<vmem>>)
    %dma_wait3A_128 = arith.constant 80 : i32
    %dma_wait3A_129 = arith.constant 0 : i32
    %dma_wait3A_130 = tpu.memref_slice %arg6[%dma_wait3A_128, %dma_wait3A_129] : memref<81x64xi32, #tpu.memory_space<vmem>> -> memref<1x64xi32, #tpu.memory_space<vmem>>
    %dma_wait3A_131 = tpu.memref_squeeze %dma_wait3A_130 : memref<1x64xi32, #tpu.memory_space<vmem>> -> memref<64xi32, #tpu.memory_space<vmem>>
    %dma_wait3A_132 = arith.constant 0 : i32
    %dma_wait3A_133 = arith.constant 0 : i32
    %dma_wait3A_134 = tpu.memref_slice %arg2[%dma_wait3A_132, %dma_wait3A_133] : memref<10000x128xf32, #tpu.memory_space<hbm>> -> memref<10000x128xf32, #tpu.memory_space<hbm>>
    tpu.wait_indirect_dma semaphore(%arg12 : memref<!tpu.dma_semaphore, #tpu.memory_space<semaphore_mem>>) src(%dma_wait3A_134 : memref<10000x128xf32, #tpu.memory_space<hbm>>) dst(%arg9 : memref<64x128xf32, #tpu.memory_space<vmem>>)
    %barrier3A_135 = arith.constant 0 : index
    tpu.barrier barrier_id(%barrier3A_135)
    %mul3A_136 = arith.constant 640 : i32
    %mul3A_137 = arith.muli %arg1, %mul3A_136 : i32
    %mul3A_138 = arith.constant 640 : i32
    %mul3A_139 = arith.muli %arg1, %mul3A_138 : i32
    %run_scoped3A = arith.constant 0 : i32
    "tpu.region"() ({
      %run_scoped3A_140 = tpu.sem_alloc : memref<!tpu.dma_semaphore, #tpu.memory_space<semaphore_mem>>
      %dma_start3A_141 = arith.constant 0 : i32
      %dma_start3A_142 = tpu.memref_slice %arg5[%run_scoped3A, %arg0, %mul3A_139, %dma_start3A_141] : memref<1x2x10240x128xf32, #tpu.memory_space<hbm>> -> memref<1x1x640x128xf32, #tpu.memory_space<hbm>>
      %dma_start3A_143 = tpu.memref_squeeze %dma_start3A_142 : memref<1x1x640x128xf32, #tpu.memory_space<hbm>> -> memref<640x128xf32, #tpu.memory_space<hbm>>
      %dma_start3A_144 = arith.constant 0 : i32
      %dma_start3A_145 = tpu.memref_slice %arg17[%mul3A_137, %dma_start3A_144] : memref<10240x128xf32, #tpu.memory_space<vmem_shared>> -> memref<640x128xf32, #tpu.memory_space<vmem_shared>>
      tpu.enqueue_dma source(%dma_start3A_145 : memref<640x128xf32, #tpu.memory_space<vmem_shared>>) target(%dma_start3A_143 : memref<640x128xf32, #tpu.memory_space<hbm>>) target_semaphore(%run_scoped3A_140 : memref<!tpu.dma_semaphore, #tpu.memory_space<semaphore_mem>>)
      %dma_wait3A_146 = arith.constant 0 : i32
      %dma_wait3A_147 = tpu.memref_slice %arg5[%run_scoped3A, %arg0, %mul3A_139, %dma_wait3A_146] : memref<1x2x10240x128xf32, #tpu.memory_space<hbm>> -> memref<1x1x640x128xf32, #tpu.memory_space<hbm>>
      %dma_wait3A_148 = tpu.memref_squeeze %dma_wait3A_147 : memref<1x1x640x128xf32, #tpu.memory_space<hbm>> -> memref<640x128xf32, #tpu.memory_space<hbm>>
      %dma_wait3A_149 = arith.constant 0 : i32
      %dma_wait3A_150 = tpu.memref_slice %arg17[%mul3A_137, %dma_wait3A_149] : memref<10240x128xf32, #tpu.memory_space<vmem_shared>> -> memref<640x128xf32, #tpu.memory_space<vmem_shared>>
      tpu.wait_dma2 semaphore(%run_scoped3A_140 : memref<!tpu.dma_semaphore, #tpu.memory_space<semaphore_mem>>) src(%dma_wait3A_150 : memref<640x128xf32, #tpu.memory_space<vmem_shared>>) dst(%dma_wait3A_148 : memref<640x128xf32, #tpu.memory_space<hbm>>)
      tpu.yield
    }) : () -> ()
    return
  }
}

#map = affine_map<(d0, d1) -> (0, 0, 0)>
#map1 = affine_map<(d0, d1) -> (0, 0)>
module attributes {stable_mosaic.version = 14 : i64} {
  func.func @_deg_sc_body(%arg0: i32, %arg1: i32, %arg2: memref<32x81x64xi32, #tpu.memory_space<hbm>>, %arg3: memref<64x128xf32, #tpu.memory_space<hbm>>, %arg4: memref<2x10240x128xf32, #tpu.memory_space<hbm>>, %arg5: memref<81x64xi32, #tpu.memory_space<vmem>>, %arg6: memref<64x128xf32, #tpu.memory_space<vmem>>, %arg7: memref<!tpu.dma_semaphore, #tpu.memory_space<semaphore_mem>>, %arg8: memref<10240x128xf32, #tpu.memory_space<vmem_shared>>) attributes {dimension_semantics = [#tpu.dimension_semantics<core_parallel>, #tpu.dimension_semantics<subcore_parallel>], iteration_bounds = array<i64: 2, 16>, scalar_prefetch = 0 : i64, scratch_operands = 4 : i64, tpu.core_type = #tpu.core_type<sc_vector_subcore>, window_params = [{transform_indices = #map}, {transform_indices = #map1}, {transform_indices = #map}]} {
    %mul3A = arith.constant 16 : i32
    %mul3A_0 = arith.muli %arg0, %mul3A : i32
    %add3A = arith.addi %mul3A_0, %arg1 : i32
    "tpu.region"() ({
      %run_scoped3A = tpu.sem_alloc : memref<!tpu.dma_semaphore, #tpu.memory_space<semaphore_mem>>
      %dma_start3A = arith.constant 0 : i32
      %dma_start3A_42 = arith.constant 0 : i32
      %dma_start3A_43 = tpu.memref_slice %arg2[%add3A, %dma_start3A, %dma_start3A_42] : memref<32x81x64xi32, #tpu.memory_space<hbm>> -> memref<1x81x64xi32, #tpu.memory_space<hbm>>
      %dma_start3A_44 = tpu.memref_squeeze %dma_start3A_43 : memref<1x81x64xi32, #tpu.memory_space<hbm>> -> memref<81x64xi32, #tpu.memory_space<hbm>>
      %dma_start3A_45 = arith.constant 0 : i32
      %dma_start3A_46 = arith.constant 0 : i32
      %dma_start3A_47 = tpu.memref_slice %arg2[%add3A, %dma_start3A_45, %dma_start3A_46] : memref<32x81x64xi32, #tpu.memory_space<hbm>> -> memref<1x81x64xi32, #tpu.memory_space<hbm>>
      %dma_start3A_48 = tpu.memref_squeeze %dma_start3A_47 : memref<1x81x64xi32, #tpu.memory_space<hbm>> -> memref<81x64xi32, #tpu.memory_space<hbm>>
      tpu.enqueue_dma source(%dma_start3A_48 : memref<81x64xi32, #tpu.memory_space<hbm>>) target(%arg5 : memref<81x64xi32, #tpu.memory_space<vmem>>) target_semaphore(%run_scoped3A : memref<!tpu.dma_semaphore, #tpu.memory_space<semaphore_mem>>)
      %dma_wait3A = arith.constant 0 : i32
      %dma_wait3A_49 = arith.constant 0 : i32
      %dma_wait3A_50 = tpu.memref_slice %arg2[%add3A, %dma_wait3A, %dma_wait3A_49] : memref<32x81x64xi32, #tpu.memory_space<hbm>> -> memref<1x81x64xi32, #tpu.memory_space<hbm>>
      %dma_wait3A_51 = tpu.memref_squeeze %dma_wait3A_50 : memref<1x81x64xi32, #tpu.memory_space<hbm>> -> memref<81x64xi32, #tpu.memory_space<hbm>>
      %dma_wait3A_52 = arith.constant 0 : i32
      %dma_wait3A_53 = arith.constant 0 : i32
      %dma_wait3A_54 = tpu.memref_slice %arg2[%add3A, %dma_wait3A_52, %dma_wait3A_53] : memref<32x81x64xi32, #tpu.memory_space<hbm>> -> memref<1x81x64xi32, #tpu.memory_space<hbm>>
      %dma_wait3A_55 = tpu.memref_squeeze %dma_wait3A_54 : memref<1x81x64xi32, #tpu.memory_space<hbm>> -> memref<81x64xi32, #tpu.memory_space<hbm>>
      tpu.wait_dma2 semaphore(%run_scoped3A : memref<!tpu.dma_semaphore, #tpu.memory_space<semaphore_mem>>) src(%dma_wait3A_55 : memref<81x64xi32, #tpu.memory_space<hbm>>) dst(%arg5 : memref<81x64xi32, #tpu.memory_space<vmem>>)
      tpu.yield
    }) : () -> ()
    %broadcast_in_dim3A = arith.constant 0.000000e+00 : f32
    %broadcast_in_dim3A_1 = vector.broadcast %broadcast_in_dim3A : f32 to vector<16xf32>
    %scan3A = arith.constant 0 : i32
    %scan3A_2 = arith.constant 0 : i32
    %scan3A_3 = arith.constant 64 : i32
    %scan3A_4 = arith.addi %scan3A_2, %scan3A_3 : i32
    %scan3A_5 = arith.constant 1 : i32
    scf.for %scan3A_42 = %scan3A_2 to %scan3A_4 step %scan3A_5  : i32 {
      %swap3A = arith.index_cast %scan3A_42 : i32 to index
      %swap3A_43 = arith.constant 0 : index
      %swap3A_44 = tpu.vector_load %arg6[%swap3A, %swap3A_43] {strides = array<i32>} : memref<64x128xf32, #tpu.memory_space<vmem>>, vector<1x16xf32>,
      %swap3A_45 = vector.shape_cast %swap3A_44 : vector<1x16xf32> to vector<16xf32>
      %swap3A_46 = vector.shape_cast %broadcast_in_dim3A_1 : vector<16xf32> to vector<1x16xf32>
      tpu.vector_store %arg6[%swap3A, %swap3A_43], %swap3A_46 {strides = array<i32>} : memref<64x128xf32, #tpu.memory_space<vmem>>, vector<1x16xf32>,
      %swap3A_47 = arith.index_cast %scan3A_42 : i32 to index
      %swap3A_48 = arith.constant 16 : index
      %swap3A_49 = tpu.vector_load %arg6[%swap3A_47, %swap3A_48] {strides = array<i32>} : memref<64x128xf32, #tpu.memory_space<vmem>>, vector<1x16xf32>,
      %swap3A_50 = vector.shape_cast %swap3A_49 : vector<1x16xf32> to vector<16xf32>
      %swap3A_51 = vector.shape_cast %broadcast_in_dim3A_1 : vector<16xf32> to vector<1x16xf32>
      tpu.vector_store %arg6[%swap3A_47, %swap3A_48], %swap3A_51 {strides = array<i32>} : memref<64x128xf32, #tpu.memory_space<vmem>>, vector<1x16xf32>,
      %swap3A_52 = arith.index_cast %scan3A_42 : i32 to index
      %swap3A_53 = arith.constant 32 : index
      %swap3A_54 = tpu.vector_load %arg6[%swap3A_52, %swap3A_53] {strides = array<i32>} : memref<64x128xf32, #tpu.memory_space<vmem>>, vector<1x16xf32>,
      %swap3A_55 = vector.shape_cast %swap3A_54 : vector<1x16xf32> to vector<16xf32>
      %swap3A_56 = vector.shape_cast %broadcast_in_dim3A_1 : vector<16xf32> to vector<1x16xf32>
      tpu.vector_store %arg6[%swap3A_52, %swap3A_53], %swap3A_56 {strides = array<i32>} : memref<64x128xf32, #tpu.memory_space<vmem>>, vector<1x16xf32>,
      %swap3A_57 = arith.index_cast %scan3A_42 : i32 to index
      %swap3A_58 = arith.constant 48 : index
      %swap3A_59 = tpu.vector_load %arg6[%swap3A_57, %swap3A_58] {strides = array<i32>} : memref<64x128xf32, #tpu.memory_space<vmem>>, vector<1x16xf32>,
      %swap3A_60 = vector.shape_cast %swap3A_59 : vector<1x16xf32> to vector<16xf32>
      %swap3A_61 = vector.shape_cast %broadcast_in_dim3A_1 : vector<16xf32> to vector<1x16xf32>
      tpu.vector_store %arg6[%swap3A_57, %swap3A_58], %swap3A_61 {strides = array<i32>} : memref<64x128xf32, #tpu.memory_space<vmem>>, vector<1x16xf32>,
      %swap3A_62 = arith.index_cast %scan3A_42 : i32 to index
      %swap3A_63 = arith.constant 64 : index
      %swap3A_64 = tpu.vector_load %arg6[%swap3A_62, %swap3A_63] {strides = array<i32>} : memref<64x128xf32, #tpu.memory_space<vmem>>, vector<1x16xf32>,
      %swap3A_65 = vector.shape_cast %swap3A_64 : vector<1x16xf32> to vector<16xf32>
      %swap3A_66 = vector.shape_cast %broadcast_in_dim3A_1 : vector<16xf32> to vector<1x16xf32>
      tpu.vector_store %arg6[%swap3A_62, %swap3A_63], %swap3A_66 {strides = array<i32>} : memref<64x128xf32, #tpu.memory_space<vmem>>, vector<1x16xf32>,
      %swap3A_67 = arith.index_cast %scan3A_42 : i32 to index
      %swap3A_68 = arith.constant 80 : index
      %swap3A_69 = tpu.vector_load %arg6[%swap3A_67, %swap3A_68] {strides = array<i32>} : memref<64x128xf32, #tpu.memory_space<vmem>>, vector<1x16xf32>,
      %swap3A_70 = vector.shape_cast %swap3A_69 : vector<1x16xf32> to vector<16xf32>
      %swap3A_71 = vector.shape_cast %broadcast_in_dim3A_1 : vector<16xf32> to vector<1x16xf32>
      tpu.vector_store %arg6[%swap3A_67, %swap3A_68], %swap3A_71 {strides = array<i32>} : memref<64x128xf32, #tpu.memory_space<vmem>>, vector<1x16xf32>,
      %swap3A_72 = arith.index_cast %scan3A_42 : i32 to index
      %swap3A_73 = arith.constant 96 : index
      %swap3A_74 = tpu.vector_load %arg6[%swap3A_72, %swap3A_73] {strides = array<i32>} : memref<64x128xf32, #tpu.memory_space<vmem>>, vector<1x16xf32>,
      %swap3A_75 = vector.shape_cast %swap3A_74 : vector<1x16xf32> to vector<16xf32>
      %swap3A_76 = vector.shape_cast %broadcast_in_dim3A_1 : vector<16xf32> to vector<1x16xf32>
      tpu.vector_store %arg6[%swap3A_72, %swap3A_73], %swap3A_76 {strides = array<i32>} : memref<64x128xf32, #tpu.memory_space<vmem>>, vector<1x16xf32>,
      %swap3A_77 = arith.index_cast %scan3A_42 : i32 to index
      %swap3A_78 = arith.constant 112 : index
      %swap3A_79 = tpu.vector_load %arg6[%swap3A_77, %swap3A_78] {strides = array<i32>} : memref<64x128xf32, #tpu.memory_space<vmem>>, vector<1x16xf32>,
      %swap3A_80 = vector.shape_cast %swap3A_79 : vector<1x16xf32> to vector<16xf32>
      %swap3A_81 = vector.shape_cast %broadcast_in_dim3A_1 : vector<16xf32> to vector<1x16xf32>
      tpu.vector_store %arg6[%swap3A_77, %swap3A_78], %swap3A_81 {strides = array<i32>} : memref<64x128xf32, #tpu.memory_space<vmem>>, vector<1x16xf32>,
    }
    %scan3A_6 = arith.constant 64 : i32
    %scan3A_7 = arith.constant 0 : i32
    %scan3A_8 = arith.constant 0 : i32
    %scan3A_9 = arith.constant 10 : i32
    %scan3A_10 = arith.addi %scan3A_8, %scan3A_9 : i32
    %scan3A_11 = arith.constant 1 : i32
    scf.for %scan3A_42 = %scan3A_8 to %scan3A_10 step %scan3A_11  : i32 {
      %mul3A_43 = arith.constant 640 : i32
      %mul3A_44 = arith.muli %arg1, %mul3A_43 : i32
      %mul3A_45 = arith.constant 64 : i32
      %mul3A_46 = arith.muli %scan3A_42, %mul3A_45 : i32
      %add3A_47 = arith.addi %mul3A_44, %mul3A_46 : i32
      %dma_start3A = arith.constant 0 : i32
      %dma_start3A_48 = tpu.memref_slice %arg8[%add3A_47, %dma_start3A] : memref<10240x128xf32, #tpu.memory_space<vmem_shared>> -> memref<64x128xf32, #tpu.memory_space<vmem_shared>>
      %dma_start3A_49 = arith.constant 0 : i32
      %dma_start3A_50 = tpu.memref_slice %arg8[%add3A_47, %dma_start3A_49] : memref<10240x128xf32, #tpu.memory_space<vmem_shared>> -> memref<64x128xf32, #tpu.memory_space<vmem_shared>>
      tpu.enqueue_dma source(%arg6 : memref<64x128xf32, #tpu.memory_space<vmem>>) target(%dma_start3A_50 : memref<64x128xf32, #tpu.memory_space<vmem_shared>>) target_semaphore(%arg7 : memref<!tpu.dma_semaphore, #tpu.memory_space<semaphore_mem>>)
    }
    %scan3A_12 = arith.constant 10 : i32
    %scan3A_13 = arith.constant 0 : i32
    %scan3A_14 = arith.constant 0 : i32
    %scan3A_15 = arith.constant 10 : i32
    %scan3A_16 = arith.addi %scan3A_14, %scan3A_15 : i32
    %scan3A_17 = arith.constant 1 : i32
    scf.for %scan3A_42 = %scan3A_14 to %scan3A_16 step %scan3A_17  : i32 {
      %mul3A_43 = arith.constant 640 : i32
      %mul3A_44 = arith.muli %arg1, %mul3A_43 : i32
      %mul3A_45 = arith.constant 64 : i32
      %mul3A_46 = arith.muli %scan3A_42, %mul3A_45 : i32
      %add3A_47 = arith.addi %mul3A_44, %mul3A_46 : i32
      %dma_wait3A = arith.constant 0 : i32
      %dma_wait3A_48 = tpu.memref_slice %arg8[%add3A_47, %dma_wait3A] : memref<10240x128xf32, #tpu.memory_space<vmem_shared>> -> memref<64x128xf32, #tpu.memory_space<vmem_shared>>
      %dma_wait3A_49 = arith.constant 0 : i32
      %dma_wait3A_50 = tpu.memref_slice %arg8[%add3A_47, %dma_wait3A_49] : memref<10240x128xf32, #tpu.memory_space<vmem_shared>> -> memref<64x128xf32, #tpu.memory_space<vmem_shared>>
      tpu.wait_dma2 semaphore(%arg7 : memref<!tpu.dma_semaphore, #tpu.memory_space<semaphore_mem>>) src(%arg6 : memref<64x128xf32, #tpu.memory_space<vmem>>) dst(%dma_wait3A_50 : memref<64x128xf32, #tpu.memory_space<vmem_shared>>)
    }
    %scan3A_18 = arith.constant 10 : i32
    "tpu.region"() ({
      %run_scoped3A = tpu.sem_alloc : memref<!tpu.dma_semaphore, #tpu.memory_space<semaphore_mem>>
      tpu.enqueue_dma source(%arg3 : memref<64x128xf32, #tpu.memory_space<hbm>>) target(%arg6 : memref<64x128xf32, #tpu.memory_space<vmem>>) target_semaphore(%run_scoped3A : memref<!tpu.dma_semaphore, #tpu.memory_space<semaphore_mem>>)
      tpu.wait_dma2 semaphore(%run_scoped3A : memref<!tpu.dma_semaphore, #tpu.memory_space<semaphore_mem>>) src(%arg3 : memref<64x128xf32, #tpu.memory_space<hbm>>) dst(%arg6 : memref<64x128xf32, #tpu.memory_space<vmem>>)
      tpu.yield
    }) : () -> ()
    %barrier3A = arith.constant 0 : index
    tpu.barrier barrier_id(%barrier3A)
    %scan3A_19 = arith.constant 0 : i32
    %scan3A_20 = arith.constant 0 : i32
    %scan3A_21 = arith.constant 8 : i32
    %scan3A_22 = arith.addi %scan3A_20, %scan3A_21 : i32
    %scan3A_23 = arith.constant 1 : i32
    scf.for %scan3A_42 = %scan3A_20 to %scan3A_22 step %scan3A_23  : i32 {
      %dma_start3A = arith.constant 0 : i32
      %dma_start3A_43 = tpu.memref_slice %arg5[%scan3A_42, %dma_start3A] : memref<81x64xi32, #tpu.memory_space<vmem>> -> memref<1x64xi32, #tpu.memory_space<vmem>>
      %dma_start3A_44 = tpu.memref_squeeze %dma_start3A_43 : memref<1x64xi32, #tpu.memory_space<vmem>> -> memref<64xi32, #tpu.memory_space<vmem>>
      %dma_start3A_45 = arith.constant 0 : i32
      %dma_start3A_46 = arith.constant 0 : i32
      %dma_start3A_47 = tpu.memref_slice %arg8[%dma_start3A_45, %dma_start3A_46] : memref<10240x128xf32, #tpu.memory_space<vmem_shared>> -> memref<10240x128xf32, #tpu.memory_space<vmem_shared>>
      tpu.enqueue_indirect_dma source(%arg6 : memref<64x128xf32, #tpu.memory_space<vmem>>) target(%dma_start3A_47 : memref<10240x128xf32, #tpu.memory_space<vmem_shared>>) offsets(%dma_start3A_44 : memref<64xi32, #tpu.memory_space<vmem>>) semaphore(%arg7 : memref<!tpu.dma_semaphore, #tpu.memory_space<semaphore_mem>>) {add = true}
    }
    %scan3A_24 = arith.constant 8 : i32
    %scan3A_25 = arith.constant 0 : i32
    %scan3A_26 = arith.constant 8 : i32
    %scan3A_27 = arith.constant 73 : i32
    %scan3A_28 = arith.addi %scan3A_26, %scan3A_27 : i32
    %scan3A_29 = arith.constant 1 : i32
    scf.for %scan3A_42 = %scan3A_26 to %scan3A_28 step %scan3A_29  : i32 {
      %sub3A = arith.constant 8 : i32
      %sub3A_43 = arith.subi %scan3A_42, %sub3A : i32
      %dma_wait3A = arith.constant 0 : i32
      %dma_wait3A_44 = tpu.memref_slice %arg5[%sub3A_43, %dma_wait3A] : memref<81x64xi32, #tpu.memory_space<vmem>> -> memref<1x64xi32, #tpu.memory_space<vmem>>
      %dma_wait3A_45 = tpu.memref_squeeze %dma_wait3A_44 : memref<1x64xi32, #tpu.memory_space<vmem>> -> memref<64xi32, #tpu.memory_space<vmem>>
      %dma_wait3A_46 = arith.constant 0 : i32
      %dma_wait3A_47 = arith.constant 0 : i32
      %dma_wait3A_48 = tpu.memref_slice %arg8[%dma_wait3A_46, %dma_wait3A_47] : memref<10240x128xf32, #tpu.memory_space<vmem_shared>> -> memref<10240x128xf32, #tpu.memory_space<vmem_shared>>
      tpu.wait_indirect_dma semaphore(%arg7 : memref<!tpu.dma_semaphore, #tpu.memory_space<semaphore_mem>>) src(%arg6 : memref<64x128xf32, #tpu.memory_space<vmem>>) dst(%dma_wait3A_48 : memref<10240x128xf32, #tpu.memory_space<vmem_shared>>)
      %dma_start3A = arith.constant 0 : i32
      %dma_start3A_49 = tpu.memref_slice %arg5[%scan3A_42, %dma_start3A] : memref<81x64xi32, #tpu.memory_space<vmem>> -> memref<1x64xi32, #tpu.memory_space<vmem>>
      %dma_start3A_50 = tpu.memref_squeeze %dma_start3A_49 : memref<1x64xi32, #tpu.memory_space<vmem>> -> memref<64xi32, #tpu.memory_space<vmem>>
      %dma_start3A_51 = arith.constant 0 : i32
      %dma_start3A_52 = arith.constant 0 : i32
      %dma_start3A_53 = tpu.memref_slice %arg8[%dma_start3A_51, %dma_start3A_52] : memref<10240x128xf32, #tpu.memory_space<vmem_shared>> -> memref<10240x128xf32, #tpu.memory_space<vmem_shared>>
      tpu.enqueue_indirect_dma source(%arg6 : memref<64x128xf32, #tpu.memory_space<vmem>>) target(%dma_start3A_53 : memref<10240x128xf32, #tpu.memory_space<vmem_shared>>) offsets(%dma_start3A_50 : memref<64xi32, #tpu.memory_space<vmem>>) semaphore(%arg7 : memref<!tpu.dma_semaphore, #tpu.memory_space<semaphore_mem>>) {add = true}
    }
    %scan3A_30 = arith.constant 73 : i32
    %scan3A_31 = arith.constant 0 : i32
    %scan3A_32 = arith.constant 73 : i32
    %scan3A_33 = arith.constant 8 : i32
    %scan3A_34 = arith.addi %scan3A_32, %scan3A_33 : i32
    %scan3A_35 = arith.constant 1 : i32
    scf.for %scan3A_42 = %scan3A_32 to %scan3A_34 step %scan3A_35  : i32 {
      %dma_wait3A = arith.constant 0 : i32
      %dma_wait3A_43 = tpu.memref_slice %arg5[%scan3A_42, %dma_wait3A] : memref<81x64xi32, #tpu.memory_space<vmem>> -> memref<1x64xi32, #tpu.memory_space<vmem>>
      %dma_wait3A_44 = tpu.memref_squeeze %dma_wait3A_43 : memref<1x64xi32, #tpu.memory_space<vmem>> -> memref<64xi32, #tpu.memory_space<vmem>>
      %dma_wait3A_45 = arith.constant 0 : i32
      %dma_wait3A_46 = arith.constant 0 : i32
      %dma_wait3A_47 = tpu.memref_slice %arg8[%dma_wait3A_45, %dma_wait3A_46] : memref<10240x128xf32, #tpu.memory_space<vmem_shared>> -> memref<10240x128xf32, #tpu.memory_space<vmem_shared>>
      tpu.wait_indirect_dma semaphore(%arg7 : memref<!tpu.dma_semaphore, #tpu.memory_space<semaphore_mem>>) src(%arg6 : memref<64x128xf32, #tpu.memory_space<vmem>>) dst(%dma_wait3A_47 : memref<10240x128xf32, #tpu.memory_space<vmem_shared>>)
    }
    %scan3A_36 = arith.constant 8 : i32
    %barrier3A_37 = arith.constant 0 : index
    tpu.barrier barrier_id(%barrier3A_37)
    %mul3A_38 = arith.constant 640 : i32
    %mul3A_39 = arith.muli %arg1, %mul3A_38 : i32
    %mul3A_40 = arith.constant 640 : i32
    %mul3A_41 = arith.muli %arg1, %mul3A_40 : i32
    "tpu.region"() ({
      %run_scoped3A = tpu.sem_alloc : memref<!tpu.dma_semaphore, #tpu.memory_space<semaphore_mem>>
      %dma_start3A = arith.constant 0 : i32
      %dma_start3A_42 = tpu.memref_slice %arg4[%arg0, %mul3A_41, %dma_start3A] : memref<2x10240x128xf32, #tpu.memory_space<hbm>> -> memref<1x640x128xf32, #tpu.memory_space<hbm>>
      %dma_start3A_43 = tpu.memref_squeeze %dma_start3A_42 : memref<1x640x128xf32, #tpu.memory_space<hbm>> -> memref<640x128xf32, #tpu.memory_space<hbm>>
      %dma_start3A_44 = arith.constant 0 : i32
      %dma_start3A_45 = tpu.memref_slice %arg8[%mul3A_39, %dma_start3A_44] : memref<10240x128xf32, #tpu.memory_space<vmem_shared>> -> memref<640x128xf32, #tpu.memory_space<vmem_shared>>
      tpu.enqueue_dma source(%dma_start3A_45 : memref<640x128xf32, #tpu.memory_space<vmem_shared>>) target(%dma_start3A_43 : memref<640x128xf32, #tpu.memory_space<hbm>>) target_semaphore(%run_scoped3A : memref<!tpu.dma_semaphore, #tpu.memory_space<semaphore_mem>>)
      %dma_wait3A = arith.constant 0 : i32
      %dma_wait3A_46 = tpu.memref_slice %arg4[%arg0, %mul3A_41, %dma_wait3A] : memref<2x10240x128xf32, #tpu.memory_space<hbm>> -> memref<1x640x128xf32, #tpu.memory_space<hbm>>
      %dma_wait3A_47 = tpu.memref_squeeze %dma_wait3A_46 : memref<1x640x128xf32, #tpu.memory_space<hbm>> -> memref<640x128xf32, #tpu.memory_space<hbm>>
      %dma_wait3A_48 = arith.constant 0 : i32
      %dma_wait3A_49 = tpu.memref_slice %arg8[%mul3A_39, %dma_wait3A_48] : memref<10240x128xf32, #tpu.memory_space<vmem_shared>> -> memref<640x128xf32, #tpu.memory_space<vmem_shared>>
      tpu.wait_dma2 semaphore(%run_scoped3A : memref<!tpu.dma_semaphore, #tpu.memory_space<semaphore_mem>>) src(%dma_wait3A_49 : memref<640x128xf32, #tpu.memory_space<vmem_shared>>) dst(%dma_wait3A_47 : memref<640x128xf32, #tpu.memory_space<hbm>>)
      tpu.yield
    }) : () -> ()
    return
  }
}

#map = affine_map<(d0, d1) -> (0, 0)>
#map1 = affine_map<(d0, d1) -> (0, 0, 0)>
#map2 = affine_map<(d0, d1) -> (0, 0, 0, 0)>
module attributes {stable_mosaic.version = 14 : i64} {
  func.func @_agg_sc_body(%arg0: i32, %arg1: i32, %arg2: memref<10000x128xf32, #tpu.memory_space<hbm>>, %arg3: memref<32x81x64xi32, #tpu.memory_space<hbm>>, %arg4: memref<32x81x64xi32, #tpu.memory_space<hbm>>, %arg5: memref<1x2x10240x128xf32, #tpu.memory_space<hbm>>, %arg6: memref<81x64xi32, #tpu.memory_space<vmem>>, %arg7: memref<81x64xi32, #tpu.memory_space<vmem>>, %arg8: memref<64x128xf32, #tpu.memory_space<vmem>>, %arg9: memref<64x128xf32, #tpu.memory_space<vmem>>, %arg10: memref<64x128xf32, #tpu.memory_space<vmem>>, %arg11: memref<!tpu.dma_semaphore, #tpu.memory_space<semaphore_mem>>, %arg12: memref<!tpu.dma_semaphore, #tpu.memory_space<semaphore_mem>>, %arg13: memref<!tpu.dma_semaphore, #tpu.memory_space<semaphore_mem>>, %arg14: memref<!tpu.dma_semaphore, #tpu.memory_space<semaphore_mem>>, %arg15: memref<!tpu.dma_semaphore, #tpu.memory_space<semaphore_mem>>, %arg16: memref<!tpu.dma_semaphore, #tpu.memory_space<semaphore_mem>>, %arg17: memref<10240x128xf32, #tpu.memory_space<vmem_shared>>) attributes {dimension_semantics = [#tpu.dimension_semantics<core_parallel>, #tpu.dimension_semantics<subcore_parallel>], iteration_bounds = array<i64: 2, 16>, scalar_prefetch = 0 : i64, scratch_operands = 12 : i64, tpu.core_type = #tpu.core_type<sc_vector_subcore>, window_params = [{transform_indices = #map}, {transform_indices = #map1}, {transform_indices = #map1}, {transform_indices = #map2}]} {
    %mul3A = arith.constant 16 : i32
    %mul3A_0 = arith.muli %arg0, %mul3A : i32
    %add3A = arith.addi %mul3A_0, %arg1 : i32
    "tpu.region"() ({
      %run_scoped3A_140 = tpu.sem_alloc : memref<!tpu.dma_semaphore, #tpu.memory_space<semaphore_mem>>
      %dma_start3A_141 = arith.constant 0 : i32
      %dma_start3A_142 = arith.constant 0 : i32
      %dma_start3A_143 = tpu.memref_slice %arg3[%add3A, %dma_start3A_141, %dma_start3A_142] : memref<32x81x64xi32, #tpu.memory_space<hbm>> -> memref<1x81x64xi32, #tpu.memory_space<hbm>>
      %dma_start3A_144 = tpu.memref_squeeze %dma_start3A_143 : memref<1x81x64xi32, #tpu.memory_space<hbm>> -> memref<81x64xi32, #tpu.memory_space<hbm>>
      %dma_start3A_145 = arith.constant 0 : i32
      %dma_start3A_146 = arith.constant 0 : i32
      %dma_start3A_147 = tpu.memref_slice %arg3[%add3A, %dma_start3A_145, %dma_start3A_146] : memref<32x81x64xi32, #tpu.memory_space<hbm>> -> memref<1x81x64xi32, #tpu.memory_space<hbm>>
      %dma_start3A_148 = tpu.memref_squeeze %dma_start3A_147 : memref<1x81x64xi32, #tpu.memory_space<hbm>> -> memref<81x64xi32, #tpu.memory_space<hbm>>
      tpu.enqueue_dma source(%dma_start3A_148 : memref<81x64xi32, #tpu.memory_space<hbm>>) target(%arg6 : memref<81x64xi32, #tpu.memory_space<vmem>>) target_semaphore(%run_scoped3A_140 : memref<!tpu.dma_semaphore, #tpu.memory_space<semaphore_mem>>)
      %dma_wait3A_149 = arith.constant 0 : i32
      %dma_wait3A_150 = arith.constant 0 : i32
      %dma_wait3A_151 = tpu.memref_slice %arg3[%add3A, %dma_wait3A_149, %dma_wait3A_150] : memref<32x81x64xi32, #tpu.memory_space<hbm>> -> memref<1x81x64xi32, #tpu.memory_space<hbm>>
      %dma_wait3A_152 = tpu.memref_squeeze %dma_wait3A_151 : memref<1x81x64xi32, #tpu.memory_space<hbm>> -> memref<81x64xi32, #tpu.memory_space<hbm>>
      %dma_wait3A_153 = arith.constant 0 : i32
      %dma_wait3A_154 = arith.constant 0 : i32
      %dma_wait3A_155 = tpu.memref_slice %arg3[%add3A, %dma_wait3A_153, %dma_wait3A_154] : memref<32x81x64xi32, #tpu.memory_space<hbm>> -> memref<1x81x64xi32, #tpu.memory_space<hbm>>
      %dma_wait3A_156 = tpu.memref_squeeze %dma_wait3A_155 : memref<1x81x64xi32, #tpu.memory_space<hbm>> -> memref<81x64xi32, #tpu.memory_space<hbm>>
      tpu.wait_dma2 semaphore(%run_scoped3A_140 : memref<!tpu.dma_semaphore, #tpu.memory_space<semaphore_mem>>) src(%dma_wait3A_156 : memref<81x64xi32, #tpu.memory_space<hbm>>) dst(%arg6 : memref<81x64xi32, #tpu.memory_space<vmem>>)
      tpu.yield
    }) : () -> ()
    "tpu.region"() ({
      %run_scoped3A_140 = tpu.sem_alloc : memref<!tpu.dma_semaphore, #tpu.memory_space<semaphore_mem>>
      %dma_start3A_141 = arith.constant 0 : i32
      %dma_start3A_142 = arith.constant 0 : i32
      %dma_start3A_143 = tpu.memref_slice %arg4[%add3A, %dma_start3A_141, %dma_start3A_142] : memref<32x81x64xi32, #tpu.memory_space<hbm>> -> memref<1x81x64xi32, #tpu.memory_space<hbm>>
      %dma_start3A_144 = tpu.memref_squeeze %dma_start3A_143 : memref<1x81x64xi32, #tpu.memory_space<hbm>> -> memref<81x64xi32, #tpu.memory_space<hbm>>
      %dma_start3A_145 = arith.constant 0 : i32
      %dma_start3A_146 = arith.constant 0 : i32
      %dma_start3A_147 = tpu.memref_slice %arg4[%add3A, %dma_start3A_145, %dma_start3A_146] : memref<32x81x64xi32, #tpu.memory_space<hbm>> -> memref<1x81x64xi32, #tpu.memory_space<hbm>>
      %dma_start3A_148 = tpu.memref_squeeze %dma_start3A_147 : memref<1x81x64xi32, #tpu.memory_space<hbm>> -> memref<81x64xi32, #tpu.memory_space<hbm>>
      tpu.enqueue_dma source(%dma_start3A_148 : memref<81x64xi32, #tpu.memory_space<hbm>>) target(%arg7 : memref<81x64xi32, #tpu.memory_space<vmem>>) target_semaphore(%run_scoped3A_140 : memref<!tpu.dma_semaphore, #tpu.memory_space<semaphore_mem>>)
      %dma_wait3A_149 = arith.constant 0 : i32
      %dma_wait3A_150 = arith.constant 0 : i32
      %dma_wait3A_151 = tpu.memref_slice %arg4[%add3A, %dma_wait3A_149, %dma_wait3A_150] : memref<32x81x64xi32, #tpu.memory_space<hbm>> -> memref<1x81x64xi32, #tpu.memory_space<hbm>>
      %dma_wait3A_152 = tpu.memref_squeeze %dma_wait3A_151 : memref<1x81x64xi32, #tpu.memory_space<hbm>> -> memref<81x64xi32, #tpu.memory_space<hbm>>
      %dma_wait3A_153 = arith.constant 0 : i32
      %dma_wait3A_154 = arith.constant 0 : i32
      %dma_wait3A_155 = tpu.memref_slice %arg4[%add3A, %dma_wait3A_153, %dma_wait3A_154] : memref<32x81x64xi32, #tpu.memory_space<hbm>> -> memref<1x81x64xi32, #tpu.memory_space<hbm>>
      %dma_wait3A_156 = tpu.memref_squeeze %dma_wait3A_155 : memref<1x81x64xi32, #tpu.memory_space<hbm>> -> memref<81x64xi32, #tpu.memory_space<hbm>>
      tpu.wait_dma2 semaphore(%run_scoped3A_140 : memref<!tpu.dma_semaphore, #tpu.memory_space<semaphore_mem>>) src(%dma_wait3A_156 : memref<81x64xi32, #tpu.memory_space<hbm>>) dst(%arg7 : memref<81x64xi32, #tpu.memory_space<vmem>>)
      tpu.yield
    }) : () -> ()
    %dma_start3A = arith.constant 0 : i32
    %dma_start3A_1 = arith.constant 0 : i32
    %dma_start3A_2 = tpu.memref_slice %arg6[%dma_start3A, %dma_start3A_1] : memref<81x64xi32, #tpu.memory_space<vmem>> -> memref<1x64xi32, #tpu.memory_space<vmem>>
    %dma_start3A_3 = tpu.memref_squeeze %dma_start3A_2 : memref<1x64xi32, #tpu.memory_space<vmem>> -> memref<64xi32, #tpu.memory_space<vmem>>
    %dma_start3A_4 = arith.constant 0 : i32
    %dma_start3A_5 = arith.constant 0 : i32
    %dma_start3A_6 = tpu.memref_slice %arg2[%dma_start3A_4, %dma_start3A_5] : memref<10000x128xf32, #tpu.memory_space<hbm>> -> memref<10000x128xf32, #tpu.memory_space<hbm>>
    tpu.enqueue_indirect_dma source(%dma_start3A_6 : memref<10000x128xf32, #tpu.memory_space<hbm>>) target(%arg8 : memref<64x128xf32, #tpu.memory_space<vmem>>) offsets(%dma_start3A_3 : memref<64xi32, #tpu.memory_space<vmem>>) semaphore(%arg11 : memref<!tpu.dma_semaphore, #tpu.memory_space<semaphore_mem>>)
    %dma_start3A_7 = arith.constant 1 : i32
    %dma_start3A_8 = arith.constant 0 : i32
    %dma_start3A_9 = tpu.memref_slice %arg6[%dma_start3A_7, %dma_start3A_8] : memref<81x64xi32, #tpu.memory_space<vmem>> -> memref<1x64xi32, #tpu.memory_space<vmem>>
    %dma_start3A_10 = tpu.memref_squeeze %dma_start3A_9 : memref<1x64xi32, #tpu.memory_space<vmem>> -> memref<64xi32, #tpu.memory_space<vmem>>
    %dma_start3A_11 = arith.constant 0 : i32
    %dma_start3A_12 = arith.constant 0 : i32
    %dma_start3A_13 = tpu.memref_slice %arg2[%dma_start3A_11, %dma_start3A_12] : memref<10000x128xf32, #tpu.memory_space<hbm>> -> memref<10000x128xf32, #tpu.memory_space<hbm>>
    tpu.enqueue_indirect_dma source(%dma_start3A_13 : memref<10000x128xf32, #tpu.memory_space<hbm>>) target(%arg9 : memref<64x128xf32, #tpu.memory_space<vmem>>) offsets(%dma_start3A_10 : memref<64xi32, #tpu.memory_space<vmem>>) semaphore(%arg12 : memref<!tpu.dma_semaphore, #tpu.memory_space<semaphore_mem>>)
    %broadcast_in_dim3A = arith.constant 0.000000e+00 : f32
    %broadcast_in_dim3A_14 = vector.broadcast %broadcast_in_dim3A : f32 to vector<16xf32>
    %scan3A = arith.constant 0 : i32
    %scan3A_15 = arith.constant 0 : i32
    %scan3A_16 = arith.constant 64 : i32
    %scan3A_17 = arith.addi %scan3A_15, %scan3A_16 : i32
    %scan3A_18 = arith.constant 1 : i32
    scf.for %scan3A_140 = %scan3A_15 to %scan3A_17 step %scan3A_18  : i32 {
      %swap3A = arith.index_cast %scan3A_140 : i32 to index
      %swap3A_141 = arith.constant 0 : index
      %swap3A_142 = tpu.vector_load %arg10[%swap3A, %swap3A_141] {strides = array<i32>} : memref<64x128xf32, #tpu.memory_space<vmem>>, vector<1x16xf32>,
      %swap3A_143 = vector.shape_cast %swap3A_142 : vector<1x16xf32> to vector<16xf32>
      %swap3A_144 = vector.shape_cast %broadcast_in_dim3A_14 : vector<16xf32> to vector<1x16xf32>
      tpu.vector_store %arg10[%swap3A, %swap3A_141], %swap3A_144 {strides = array<i32>} : memref<64x128xf32, #tpu.memory_space<vmem>>, vector<1x16xf32>,
      %swap3A_145 = arith.index_cast %scan3A_140 : i32 to index
      %swap3A_146 = arith.constant 16 : index
      %swap3A_147 = tpu.vector_load %arg10[%swap3A_145, %swap3A_146] {strides = array<i32>} : memref<64x128xf32, #tpu.memory_space<vmem>>, vector<1x16xf32>,
      %swap3A_148 = vector.shape_cast %swap3A_147 : vector<1x16xf32> to vector<16xf32>
      %swap3A_149 = vector.shape_cast %broadcast_in_dim3A_14 : vector<16xf32> to vector<1x16xf32>
      tpu.vector_store %arg10[%swap3A_145, %swap3A_146], %swap3A_149 {strides = array<i32>} : memref<64x128xf32, #tpu.memory_space<vmem>>, vector<1x16xf32>,
      %swap3A_150 = arith.index_cast %scan3A_140 : i32 to index
      %swap3A_151 = arith.constant 32 : index
      %swap3A_152 = tpu.vector_load %arg10[%swap3A_150, %swap3A_151] {strides = array<i32>} : memref<64x128xf32, #tpu.memory_space<vmem>>, vector<1x16xf32>,
      %swap3A_153 = vector.shape_cast %swap3A_152 : vector<1x16xf32> to vector<16xf32>
      %swap3A_154 = vector.shape_cast %broadcast_in_dim3A_14 : vector<16xf32> to vector<1x16xf32>
      tpu.vector_store %arg10[%swap3A_150, %swap3A_151], %swap3A_154 {strides = array<i32>} : memref<64x128xf32, #tpu.memory_space<vmem>>, vector<1x16xf32>,
      %swap3A_155 = arith.index_cast %scan3A_140 : i32 to index
      %swap3A_156 = arith.constant 48 : index
      %swap3A_157 = tpu.vector_load %arg10[%swap3A_155, %swap3A_156] {strides = array<i32>} : memref<64x128xf32, #tpu.memory_space<vmem>>, vector<1x16xf32>,
      %swap3A_158 = vector.shape_cast %swap3A_157 : vector<1x16xf32> to vector<16xf32>
      %swap3A_159 = vector.shape_cast %broadcast_in_dim3A_14 : vector<16xf32> to vector<1x16xf32>
      tpu.vector_store %arg10[%swap3A_155, %swap3A_156], %swap3A_159 {strides = array<i32>} : memref<64x128xf32, #tpu.memory_space<vmem>>, vector<1x16xf32>,
      %swap3A_160 = arith.index_cast %scan3A_140 : i32 to index
      %swap3A_161 = arith.constant 64 : index
      %swap3A_162 = tpu.vector_load %arg10[%swap3A_160, %swap3A_161] {strides = array<i32>} : memref<64x128xf32, #tpu.memory_space<vmem>>, vector<1x16xf32>,
      %swap3A_163 = vector.shape_cast %swap3A_162 : vector<1x16xf32> to vector<16xf32>
      %swap3A_164 = vector.shape_cast %broadcast_in_dim3A_14 : vector<16xf32> to vector<1x16xf32>
      tpu.vector_store %arg10[%swap3A_160, %swap3A_161], %swap3A_164 {strides = array<i32>} : memref<64x128xf32, #tpu.memory_space<vmem>>, vector<1x16xf32>,
      %swap3A_165 = arith.index_cast %scan3A_140 : i32 to index
      %swap3A_166 = arith.constant 80 : index
      %swap3A_167 = tpu.vector_load %arg10[%swap3A_165, %swap3A_166] {strides = array<i32>} : memref<64x128xf32, #tpu.memory_space<vmem>>, vector<1x16xf32>,
      %swap3A_168 = vector.shape_cast %swap3A_167 : vector<1x16xf32> to vector<16xf32>
      %swap3A_169 = vector.shape_cast %broadcast_in_dim3A_14 : vector<16xf32> to vector<1x16xf32>
      tpu.vector_store %arg10[%swap3A_165, %swap3A_166], %swap3A_169 {strides = array<i32>} : memref<64x128xf32, #tpu.memory_space<vmem>>, vector<1x16xf32>,
      %swap3A_170 = arith.index_cast %scan3A_140 : i32 to index
      %swap3A_171 = arith.constant 96 : index
      %swap3A_172 = tpu.vector_load %arg10[%swap3A_170, %swap3A_171] {strides = array<i32>} : memref<64x128xf32, #tpu.memory_space<vmem>>, vector<1x16xf32>,
      %swap3A_173 = vector.shape_cast %swap3A_172 : vector<1x16xf32> to vector<16xf32>
      %swap3A_174 = vector.shape_cast %broadcast_in_dim3A_14 : vector<16xf32> to vector<1x16xf32>
      tpu.vector_store %arg10[%swap3A_170, %swap3A_171], %swap3A_174 {strides = array<i32>} : memref<64x128xf32, #tpu.memory_space<vmem>>, vector<1x16xf32>,
      %swap3A_175 = arith.index_cast %scan3A_140 : i32 to index
      %swap3A_176 = arith.constant 112 : index
      %swap3A_177 = tpu.vector_load %arg10[%swap3A_175, %swap3A_176] {strides = array<i32>} : memref<64x128xf32, #tpu.memory_space<vmem>>, vector<1x16xf32>,
      %swap3A_178 = vector.shape_cast %swap3A_177 : vector<1x16xf32> to vector<16xf32>
      %swap3A_179 = vector.shape_cast %broadcast_in_dim3A_14 : vector<16xf32> to vector<1x16xf32>
      tpu.vector_store %arg10[%swap3A_175, %swap3A_176], %swap3A_179 {strides = array<i32>} : memref<64x128xf32, #tpu.memory_space<vmem>>, vector<1x16xf32>,
    }
    %scan3A_19 = arith.constant 64 : i32
    %scan3A_20 = arith.constant 0 : i32
    %scan3A_21 = arith.constant 0 : i32
    %scan3A_22 = arith.constant 10 : i32
    %scan3A_23 = arith.addi %scan3A_21, %scan3A_22 : i32
    %scan3A_24 = arith.constant 1 : i32
    scf.for %scan3A_140 = %scan3A_21 to %scan3A_23 step %scan3A_24  : i32 {
      %mul3A_141 = arith.constant 640 : i32
      %mul3A_142 = arith.muli %arg1, %mul3A_141 : i32
      %mul3A_143 = arith.constant 64 : i32
      %mul3A_144 = arith.muli %scan3A_140, %mul3A_143 : i32
      %add3A_145 = arith.addi %mul3A_142, %mul3A_144 : i32
      %dma_start3A_146 = arith.constant 0 : i32
      %dma_start3A_147 = tpu.memref_slice %arg17[%add3A_145, %dma_start3A_146] : memref<10240x128xf32, #tpu.memory_space<vmem_shared>> -> memref<64x128xf32, #tpu.memory_space<vmem_shared>>
      %dma_start3A_148 = arith.constant 0 : i32
      %dma_start3A_149 = tpu.memref_slice %arg17[%add3A_145, %dma_start3A_148] : memref<10240x128xf32, #tpu.memory_space<vmem_shared>> -> memref<64x128xf32, #tpu.memory_space<vmem_shared>>
      tpu.enqueue_dma source(%arg10 : memref<64x128xf32, #tpu.memory_space<vmem>>) target(%dma_start3A_149 : memref<64x128xf32, #tpu.memory_space<vmem_shared>>) target_semaphore(%arg16 : memref<!tpu.dma_semaphore, #tpu.memory_space<semaphore_mem>>)
    }
    %scan3A_25 = arith.constant 10 : i32
    %scan3A_26 = arith.constant 0 : i32
    %scan3A_27 = arith.constant 0 : i32
    %scan3A_28 = arith.constant 10 : i32
    %scan3A_29 = arith.addi %scan3A_27, %scan3A_28 : i32
    %scan3A_30 = arith.constant 1 : i32
    scf.for %scan3A_140 = %scan3A_27 to %scan3A_29 step %scan3A_30  : i32 {
      %mul3A_141 = arith.constant 640 : i32
      %mul3A_142 = arith.muli %arg1, %mul3A_141 : i32
      %mul3A_143 = arith.constant 64 : i32
      %mul3A_144 = arith.muli %scan3A_140, %mul3A_143 : i32
      %add3A_145 = arith.addi %mul3A_142, %mul3A_144 : i32
      %dma_wait3A_146 = arith.constant 0 : i32
      %dma_wait3A_147 = tpu.memref_slice %arg17[%add3A_145, %dma_wait3A_146] : memref<10240x128xf32, #tpu.memory_space<vmem_shared>> -> memref<64x128xf32, #tpu.memory_space<vmem_shared>>
      %dma_wait3A_148 = arith.constant 0 : i32
      %dma_wait3A_149 = tpu.memref_slice %arg17[%add3A_145, %dma_wait3A_148] : memref<10240x128xf32, #tpu.memory_space<vmem_shared>> -> memref<64x128xf32, #tpu.memory_space<vmem_shared>>
      tpu.wait_dma2 semaphore(%arg16 : memref<!tpu.dma_semaphore, #tpu.memory_space<semaphore_mem>>) src(%arg10 : memref<64x128xf32, #tpu.memory_space<vmem>>) dst(%dma_wait3A_149 : memref<64x128xf32, #tpu.memory_space<vmem_shared>>)
    }
    %scan3A_31 = arith.constant 10 : i32
    %barrier3A = arith.constant 0 : index
    tpu.barrier barrier_id(%barrier3A)
    %dma_start3A_32 = arith.constant 2 : i32
    %dma_start3A_33 = arith.constant 0 : i32
    %dma_start3A_34 = tpu.memref_slice %arg6[%dma_start3A_32, %dma_start3A_33] : memref<81x64xi32, #tpu.memory_space<vmem>> -> memref<1x64xi32, #tpu.memory_space<vmem>>
    %dma_start3A_35 = tpu.memref_squeeze %dma_start3A_34 : memref<1x64xi32, #tpu.memory_space<vmem>> -> memref<64xi32, #tpu.memory_space<vmem>>
    %dma_start3A_36 = arith.constant 0 : i32
    %dma_start3A_37 = arith.constant 0 : i32
    %dma_start3A_38 = tpu.memref_slice %arg2[%dma_start3A_36, %dma_start3A_37] : memref<10000x128xf32, #tpu.memory_space<hbm>> -> memref<10000x128xf32, #tpu.memory_space<hbm>>
    tpu.enqueue_indirect_dma source(%dma_start3A_38 : memref<10000x128xf32, #tpu.memory_space<hbm>>) target(%arg10 : memref<64x128xf32, #tpu.memory_space<vmem>>) offsets(%dma_start3A_35 : memref<64xi32, #tpu.memory_space<vmem>>) semaphore(%arg13 : memref<!tpu.dma_semaphore, #tpu.memory_space<semaphore_mem>>)
    %dma_wait3A = arith.constant 0 : i32
    %dma_wait3A_39 = arith.constant 0 : i32
    %dma_wait3A_40 = tpu.memref_slice %arg6[%dma_wait3A, %dma_wait3A_39] : memref<81x64xi32, #tpu.memory_space<vmem>> -> memref<1x64xi32, #tpu.memory_space<vmem>>
    %dma_wait3A_41 = tpu.memref_squeeze %dma_wait3A_40 : memref<1x64xi32, #tpu.memory_space<vmem>> -> memref<64xi32, #tpu.memory_space<vmem>>
    %dma_wait3A_42 = arith.constant 0 : i32
    %dma_wait3A_43 = arith.constant 0 : i32
    %dma_wait3A_44 = tpu.memref_slice %arg2[%dma_wait3A_42, %dma_wait3A_43] : memref<10000x128xf32, #tpu.memory_space<hbm>> -> memref<10000x128xf32, #tpu.memory_space<hbm>>
    tpu.wait_indirect_dma semaphore(%arg11 : memref<!tpu.dma_semaphore, #tpu.memory_space<semaphore_mem>>) src(%dma_wait3A_44 : memref<10000x128xf32, #tpu.memory_space<hbm>>) dst(%arg8 : memref<64x128xf32, #tpu.memory_space<vmem>>)
    %dma_start3A_45 = arith.constant 0 : i32
    %dma_start3A_46 = arith.constant 0 : i32
    %dma_start3A_47 = tpu.memref_slice %arg7[%dma_start3A_45, %dma_start3A_46] : memref<81x64xi32, #tpu.memory_space<vmem>> -> memref<1x64xi32, #tpu.memory_space<vmem>>
    %dma_start3A_48 = tpu.memref_squeeze %dma_start3A_47 : memref<1x64xi32, #tpu.memory_space<vmem>> -> memref<64xi32, #tpu.memory_space<vmem>>
    %dma_start3A_49 = arith.constant 0 : i32
    %dma_start3A_50 = arith.constant 0 : i32
    %dma_start3A_51 = tpu.memref_slice %arg17[%dma_start3A_49, %dma_start3A_50] : memref<10240x128xf32, #tpu.memory_space<vmem_shared>> -> memref<10240x128xf32, #tpu.memory_space<vmem_shared>>
    tpu.enqueue_indirect_dma source(%arg8 : memref<64x128xf32, #tpu.memory_space<vmem>>) target(%dma_start3A_51 : memref<10240x128xf32, #tpu.memory_space<vmem_shared>>) offsets(%dma_start3A_48 : memref<64xi32, #tpu.memory_space<vmem>>) semaphore(%arg14 : memref<!tpu.dma_semaphore, #tpu.memory_space<semaphore_mem>>) {add = true}
    %dma_wait3A_52 = arith.constant 0 : i32
    %dma_wait3A_53 = arith.constant 0 : i32
    %dma_wait3A_54 = tpu.memref_slice %arg7[%dma_wait3A_52, %dma_wait3A_53] : memref<81x64xi32, #tpu.memory_space<vmem>> -> memref<1x64xi32, #tpu.memory_space<vmem>>
    %dma_wait3A_55 = tpu.memref_squeeze %dma_wait3A_54 : memref<1x64xi32, #tpu.memory_space<vmem>> -> memref<64xi32, #tpu.memory_space<vmem>>
    %dma_wait3A_56 = arith.constant 0 : i32
    %dma_wait3A_57 = arith.constant 0 : i32
    %dma_wait3A_58 = tpu.memref_slice %arg17[%dma_wait3A_56, %dma_wait3A_57] : memref<10240x128xf32, #tpu.memory_space<vmem_shared>> -> memref<10240x128xf32, #tpu.memory_space<vmem_shared>>
    tpu.wait_indirect_dma semaphore(%arg14 : memref<!tpu.dma_semaphore, #tpu.memory_space<semaphore_mem>>) src(%arg8 : memref<64x128xf32, #tpu.memory_space<vmem>>) dst(%dma_wait3A_58 : memref<10240x128xf32, #tpu.memory_space<vmem_shared>>)
    %dma_start3A_59 = arith.constant 3 : i32
    %dma_start3A_60 = arith.constant 0 : i32
    %dma_start3A_61 = tpu.memref_slice %arg6[%dma_start3A_59, %dma_start3A_60] : memref<81x64xi32, #tpu.memory_space<vmem>> -> memref<1x64xi32, #tpu.memory_space<vmem>>
    %dma_start3A_62 = tpu.memref_squeeze %dma_start3A_61 : memref<1x64xi32, #tpu.memory_space<vmem>> -> memref<64xi32, #tpu.memory_space<vmem>>
    %dma_start3A_63 = arith.constant 0 : i32
    %dma_start3A_64 = arith.constant 0 : i32
    %dma_start3A_65 = tpu.memref_slice %arg2[%dma_start3A_63, %dma_start3A_64] : memref<10000x128xf32, #tpu.memory_space<hbm>> -> memref<10000x128xf32, #tpu.memory_space<hbm>>
    tpu.enqueue_indirect_dma source(%dma_start3A_65 : memref<10000x128xf32, #tpu.memory_space<hbm>>) target(%arg8 : memref<64x128xf32, #tpu.memory_space<vmem>>) offsets(%dma_start3A_62 : memref<64xi32, #tpu.memory_space<vmem>>) semaphore(%arg11 : memref<!tpu.dma_semaphore, #tpu.memory_space<semaphore_mem>>)
    %dma_wait3A_66 = arith.constant 1 : i32
    %dma_wait3A_67 = arith.constant 0 : i32
    %dma_wait3A_68 = tpu.memref_slice %arg6[%dma_wait3A_66, %dma_wait3A_67] : memref<81x64xi32, #tpu.memory_space<vmem>> -> memref<1x64xi32, #tpu.memory_space<vmem>>
    %dma_wait3A_69 = tpu.memref_squeeze %dma_wait3A_68 : memref<1x64xi32, #tpu.memory_space<vmem>> -> memref<64xi32, #tpu.memory_space<vmem>>
    %dma_wait3A_70 = arith.constant 0 : i32
    %dma_wait3A_71 = arith.constant 0 : i32
    %dma_wait3A_72 = tpu.memref_slice %arg2[%dma_wait3A_70, %dma_wait3A_71] : memref<10000x128xf32, #tpu.memory_space<hbm>> -> memref<10000x128xf32, #tpu.memory_space<hbm>>
    tpu.wait_indirect_dma semaphore(%arg12 : memref<!tpu.dma_semaphore, #tpu.memory_space<semaphore_mem>>) src(%dma_wait3A_72 : memref<10000x128xf32, #tpu.memory_space<hbm>>) dst(%arg9 : memref<64x128xf32, #tpu.memory_space<vmem>>)
    %dma_start3A_73 = arith.constant 1 : i32
    %dma_start3A_74 = arith.constant 0 : i32
    %dma_start3A_75 = tpu.memref_slice %arg7[%dma_start3A_73, %dma_start3A_74] : memref<81x64xi32, #tpu.memory_space<vmem>> -> memref<1x64xi32, #tpu.memory_space<vmem>>
    %dma_start3A_76 = tpu.memref_squeeze %dma_start3A_75 : memref<1x64xi32, #tpu.memory_space<vmem>> -> memref<64xi32, #tpu.memory_space<vmem>>
    %dma_start3A_77 = arith.constant 0 : i32
    %dma_start3A_78 = arith.constant 0 : i32
    %dma_start3A_79 = tpu.memref_slice %arg17[%dma_start3A_77, %dma_start3A_78] : memref<10240x128xf32, #tpu.memory_space<vmem_shared>> -> memref<10240x128xf32, #tpu.memory_space<vmem_shared>>
    tpu.enqueue_indirect_dma source(%arg9 : memref<64x128xf32, #tpu.memory_space<vmem>>) target(%dma_start3A_79 : memref<10240x128xf32, #tpu.memory_space<vmem_shared>>) offsets(%dma_start3A_76 : memref<64xi32, #tpu.memory_space<vmem>>) semaphore(%arg15 : memref<!tpu.dma_semaphore, #tpu.memory_space<semaphore_mem>>) {add = true}
    %dma_wait3A_80 = arith.constant 1 : i32
    %dma_wait3A_81 = arith.constant 0 : i32
    %dma_wait3A_82 = tpu.memref_slice %arg7[%dma_wait3A_80, %dma_wait3A_81] : memref<81x64xi32, #tpu.memory_space<vmem>> -> memref<1x64xi32, #tpu.memory_space<vmem>>
    %dma_wait3A_83 = tpu.memref_squeeze %dma_wait3A_82 : memref<1x64xi32, #tpu.memory_space<vmem>> -> memref<64xi32, #tpu.memory_space<vmem>>
    %dma_wait3A_84 = arith.constant 0 : i32
    %dma_wait3A_85 = arith.constant 0 : i32
    %dma_wait3A_86 = tpu.memref_slice %arg17[%dma_wait3A_84, %dma_wait3A_85] : memref<10240x128xf32, #tpu.memory_space<vmem_shared>> -> memref<10240x128xf32, #tpu.memory_space<vmem_shared>>
    tpu.wait_indirect_dma semaphore(%arg15 : memref<!tpu.dma_semaphore, #tpu.memory_space<semaphore_mem>>) src(%arg9 : memref<64x128xf32, #tpu.memory_space<vmem>>) dst(%dma_wait3A_86 : memref<10240x128xf32, #tpu.memory_space<vmem_shared>>)
    %dma_start3A_87 = arith.constant 4 : i32
    %dma_start3A_88 = arith.constant 0 : i32
    %dma_start3A_89 = tpu.memref_slice %arg6[%dma_start3A_87, %dma_start3A_88] : memref<81x64xi32, #tpu.memory_space<vmem>> -> memref<1x64xi32, #tpu.memory_space<vmem>>
    %dma_start3A_90 = tpu.memref_squeeze %dma_start3A_89 : memref<1x64xi32, #tpu.memory_space<vmem>> -> memref<64xi32, #tpu.memory_space<vmem>>
    %dma_start3A_91 = arith.constant 0 : i32
    %dma_start3A_92 = arith.constant 0 : i32
    %dma_start3A_93 = tpu.memref_slice %arg2[%dma_start3A_91, %dma_start3A_92] : memref<10000x128xf32, #tpu.memory_space<hbm>> -> memref<10000x128xf32, #tpu.memory_space<hbm>>
    tpu.enqueue_indirect_dma source(%dma_start3A_93 : memref<10000x128xf32, #tpu.memory_space<hbm>>) target(%arg9 : memref<64x128xf32, #tpu.memory_space<vmem>>) offsets(%dma_start3A_90 : memref<64xi32, #tpu.memory_space<vmem>>) semaphore(%arg12 : memref<!tpu.dma_semaphore, #tpu.memory_space<semaphore_mem>>)
    %dma_wait3A_94 = arith.constant 2 : i32
    %dma_wait3A_95 = arith.constant 0 : i32
    %dma_wait3A_96 = tpu.memref_slice %arg6[%dma_wait3A_94, %dma_wait3A_95] : memref<81x64xi32, #tpu.memory_space<vmem>> -> memref<1x64xi32, #tpu.memory_space<vmem>>
    %dma_wait3A_97 = tpu.memref_squeeze %dma_wait3A_96 : memref<1x64xi32, #tpu.memory_space<vmem>> -> memref<64xi32, #tpu.memory_space<vmem>>
    %dma_wait3A_98 = arith.constant 0 : i32
    %dma_wait3A_99 = arith.constant 0 : i32
    %dma_wait3A_100 = tpu.memref_slice %arg2[%dma_wait3A_98, %dma_wait3A_99] : memref<10000x128xf32, #tpu.memory_space<hbm>> -> memref<10000x128xf32, #tpu.memory_space<hbm>>
    tpu.wait_indirect_dma semaphore(%arg13 : memref<!tpu.dma_semaphore, #tpu.memory_space<semaphore_mem>>) src(%dma_wait3A_100 : memref<10000x128xf32, #tpu.memory_space<hbm>>) dst(%arg10 : memref<64x128xf32, #tpu.memory_space<vmem>>)
    %dma_start3A_101 = arith.constant 2 : i32
    %dma_start3A_102 = arith.constant 0 : i32
    %dma_start3A_103 = tpu.memref_slice %arg7[%dma_start3A_101, %dma_start3A_102] : memref<81x64xi32, #tpu.memory_space<vmem>> -> memref<1x64xi32, #tpu.memory_space<vmem>>
    %dma_start3A_104 = tpu.memref_squeeze %dma_start3A_103 : memref<1x64xi32, #tpu.memory_space<vmem>> -> memref<64xi32, #tpu.memory_space<vmem>>
    %dma_start3A_105 = arith.constant 0 : i32
    %dma_start3A_106 = arith.constant 0 : i32
    %dma_start3A_107 = tpu.memref_slice %arg17[%dma_start3A_105, %dma_start3A_106] : memref<10240x128xf32, #tpu.memory_space<vmem_shared>> -> memref<10240x128xf32, #tpu.memory_space<vmem_shared>>
    tpu.enqueue_indirect_dma source(%arg10 : memref<64x128xf32, #tpu.memory_space<vmem>>) target(%dma_start3A_107 : memref<10240x128xf32, #tpu.memory_space<vmem_shared>>) offsets(%dma_start3A_104 : memref<64xi32, #tpu.memory_space<vmem>>) semaphore(%arg16 : memref<!tpu.dma_semaphore, #tpu.memory_space<semaphore_mem>>) {add = true}
    %scan3A_108 = arith.constant 0 : i32
    %scan3A_109 = arith.constant 1 : i32
    %scan3A_110 = arith.constant 26 : i32
    %scan3A_111 = arith.addi %scan3A_109, %scan3A_110 : i32
    %scan3A_112 = arith.constant 1 : i32
    scf.for %scan3A_140 = %scan3A_109 to %scan3A_111 step %scan3A_112  : i32 {
      %mul3A_141 = arith.constant 3 : i32
      %mul3A_142 = arith.muli %mul3A_141, %scan3A_140 : i32
      %add3A_143 = arith.constant 0 : i32
      %add3A_144 = arith.addi %mul3A_142, %add3A_143 : i32
      %add3A_145 = arith.constant 2 : i32
      %add3A_146 = arith.addi %add3A_144, %add3A_145 : i32
      %min3A = arith.constant 80 : i32
      %min3A_147 = arith.minsi %add3A_146, %min3A : i32
      %sub3A = arith.constant 1 : i32
      %sub3A_148 = arith.subi %add3A_144, %sub3A : i32
      %dma_wait3A_149 = arith.constant 0 : i32
      %dma_wait3A_150 = tpu.memref_slice %arg7[%sub3A_148, %dma_wait3A_149] : memref<81x64xi32, #tpu.memory_space<vmem>> -> memref<1x64xi32, #tpu.memory_space<vmem>>
      %dma_wait3A_151 = tpu.memref_squeeze %dma_wait3A_150 : memref<1x64xi32, #tpu.memory_space<vmem>> -> memref<64xi32, #tpu.memory_space<vmem>>
      %dma_wait3A_152 = arith.constant 0 : i32
      %dma_wait3A_153 = arith.constant 0 : i32
      %dma_wait3A_154 = tpu.memref_slice %arg17[%dma_wait3A_152, %dma_wait3A_153] : memref<10240x128xf32, #tpu.memory_space<vmem_shared>> -> memref<10240x128xf32, #tpu.memory_space<vmem_shared>>
      tpu.wait_indirect_dma semaphore(%arg16 : memref<!tpu.dma_semaphore, #tpu.memory_space<semaphore_mem>>) src(%arg10 : memref<64x128xf32, #tpu.memory_space<vmem>>) dst(%dma_wait3A_154 : memref<10240x128xf32, #tpu.memory_space<vmem_shared>>)
      %dma_start3A_155 = arith.constant 0 : i32
      %dma_start3A_156 = tpu.memref_slice %arg6[%min3A_147, %dma_start3A_155] : memref<81x64xi32, #tpu.memory_space<vmem>> -> memref<1x64xi32, #tpu.memory_space<vmem>>
      %dma_start3A_157 = tpu.memref_squeeze %dma_start3A_156 : memref<1x64xi32, #tpu.memory_space<vmem>> -> memref<64xi32, #tpu.memory_space<vmem>>
      %dma_start3A_158 = arith.constant 0 : i32
      %dma_start3A_159 = arith.constant 0 : i32
      %dma_start3A_160 = tpu.memref_slice %arg2[%dma_start3A_158, %dma_start3A_159] : memref<10000x128xf32, #tpu.memory_space<hbm>> -> memref<10000x128xf32, #tpu.memory_space<hbm>>
      tpu.enqueue_indirect_dma source(%dma_start3A_160 : memref<10000x128xf32, #tpu.memory_space<hbm>>) target(%arg10 : memref<64x128xf32, #tpu.memory_space<vmem>>) offsets(%dma_start3A_157 : memref<64xi32, #tpu.memory_space<vmem>>) semaphore(%arg13 : memref<!tpu.dma_semaphore, #tpu.memory_space<semaphore_mem>>)
      %dma_wait3A_161 = arith.constant 0 : i32
      %dma_wait3A_162 = tpu.memref_slice %arg6[%add3A_144, %dma_wait3A_161] : memref<81x64xi32, #tpu.memory_space<vmem>> -> memref<1x64xi32, #tpu.memory_space<vmem>>
      %dma_wait3A_163 = tpu.memref_squeeze %dma_wait3A_162 : memref<1x64xi32, #tpu.memory_space<vmem>> -> memref<64xi32, #tpu.memory_space<vmem>>
      %dma_wait3A_164 = arith.constant 0 : i32
      %dma_wait3A_165 = arith.constant 0 : i32
      %dma_wait3A_166 = tpu.memref_slice %arg2[%dma_wait3A_164, %dma_wait3A_165] : memref<10000x128xf32, #tpu.memory_space<hbm>> -> memref<10000x128xf32, #tpu.memory_space<hbm>>
      tpu.wait_indirect_dma semaphore(%arg11 : memref<!tpu.dma_semaphore, #tpu.memory_space<semaphore_mem>>) src(%dma_wait3A_166 : memref<10000x128xf32, #tpu.memory_space<hbm>>) dst(%arg8 : memref<64x128xf32, #tpu.memory_space<vmem>>)
      %dma_start3A_167 = arith.constant 0 : i32
      %dma_start3A_168 = tpu.memref_slice %arg7[%add3A_144, %dma_start3A_167] : memref<81x64xi32, #tpu.memory_space<vmem>> -> memref<1x64xi32, #tpu.memory_space<vmem>>
      %dma_start3A_169 = tpu.memref_squeeze %dma_start3A_168 : memref<1x64xi32, #tpu.memory_space<vmem>> -> memref<64xi32, #tpu.memory_space<vmem>>
      %dma_start3A_170 = arith.constant 0 : i32
      %dma_start3A_171 = arith.constant 0 : i32
      %dma_start3A_172 = tpu.memref_slice %arg17[%dma_start3A_170, %dma_start3A_171] : memref<10240x128xf32, #tpu.memory_space<vmem_shared>> -> memref<10240x128xf32, #tpu.memory_space<vmem_shared>>
      tpu.enqueue_indirect_dma source(%arg8 : memref<64x128xf32, #tpu.memory_space<vmem>>) target(%dma_start3A_172 : memref<10240x128xf32, #tpu.memory_space<vmem_shared>>) offsets(%dma_start3A_169 : memref<64xi32, #tpu.memory_space<vmem>>) semaphore(%arg14 : memref<!tpu.dma_semaphore, #tpu.memory_space<semaphore_mem>>) {add = true}
      %mul3A_173 = arith.constant 3 : i32
      %mul3A_174 = arith.muli %mul3A_173, %scan3A_140 : i32
      %add3A_175 = arith.constant 1 : i32
      %add3A_176 = arith.addi %mul3A_174, %add3A_175 : i32
      %add3A_177 = arith.constant 2 : i32
      %add3A_178 = arith.addi %add3A_176, %add3A_177 : i32
      %min3A_179 = arith.constant 80 : i32
      %min3A_180 = arith.minsi %add3A_178, %min3A_179 : i32
      %sub3A_181 = arith.constant 1 : i32
      %sub3A_182 = arith.subi %add3A_176, %sub3A_181 : i32
      %dma_wait3A_183 = arith.constant 0 : i32
      %dma_wait3A_184 = tpu.memref_slice %arg7[%sub3A_182, %dma_wait3A_183] : memref<81x64xi32, #tpu.memory_space<vmem>> -> memref<1x64xi32, #tpu.memory_space<vmem>>
      %dma_wait3A_185 = tpu.memref_squeeze %dma_wait3A_184 : memref<1x64xi32, #tpu.memory_space<vmem>> -> memref<64xi32, #tpu.memory_space<vmem>>
      %dma_wait3A_186 = arith.constant 0 : i32
      %dma_wait3A_187 = arith.constant 0 : i32
      %dma_wait3A_188 = tpu.memref_slice %arg17[%dma_wait3A_186, %dma_wait3A_187] : memref<10240x128xf32, #tpu.memory_space<vmem_shared>> -> memref<10240x128xf32, #tpu.memory_space<vmem_shared>>
      tpu.wait_indirect_dma semaphore(%arg14 : memref<!tpu.dma_semaphore, #tpu.memory_space<semaphore_mem>>) src(%arg8 : memref<64x128xf32, #tpu.memory_space<vmem>>) dst(%dma_wait3A_188 : memref<10240x128xf32, #tpu.memory_space<vmem_shared>>)
      %dma_start3A_189 = arith.constant 0 : i32
      %dma_start3A_190 = tpu.memref_slice %arg6[%min3A_180, %dma_start3A_189] : memref<81x64xi32, #tpu.memory_space<vmem>> -> memref<1x64xi32, #tpu.memory_space<vmem>>
      %dma_start3A_191 = tpu.memref_squeeze %dma_start3A_190 : memref<1x64xi32, #tpu.memory_space<vmem>> -> memref<64xi32, #tpu.memory_space<vmem>>
      %dma_start3A_192 = arith.constant 0 : i32
      %dma_start3A_193 = arith.constant 0 : i32
      %dma_start3A_194 = tpu.memref_slice %arg2[%dma_start3A_192, %dma_start3A_193] : memref<10000x128xf32, #tpu.memory_space<hbm>> -> memref<10000x128xf32, #tpu.memory_space<hbm>>
      tpu.enqueue_indirect_dma source(%dma_start3A_194 : memref<10000x128xf32, #tpu.memory_space<hbm>>) target(%arg8 : memref<64x128xf32, #tpu.memory_space<vmem>>) offsets(%dma_start3A_191 : memref<64xi32, #tpu.memory_space<vmem>>) semaphore(%arg11 : memref<!tpu.dma_semaphore, #tpu.memory_space<semaphore_mem>>)
      %dma_wait3A_195 = arith.constant 0 : i32
      %dma_wait3A_196 = tpu.memref_slice %arg6[%add3A_176, %dma_wait3A_195] : memref<81x64xi32, #tpu.memory_space<vmem>> -> memref<1x64xi32, #tpu.memory_space<vmem>>
      %dma_wait3A_197 = tpu.memref_squeeze %dma_wait3A_196 : memref<1x64xi32, #tpu.memory_space<vmem>> -> memref<64xi32, #tpu.memory_space<vmem>>
      %dma_wait3A_198 = arith.constant 0 : i32
      %dma_wait3A_199 = arith.constant 0 : i32
      %dma_wait3A_200 = tpu.memref_slice %arg2[%dma_wait3A_198, %dma_wait3A_199] : memref<10000x128xf32, #tpu.memory_space<hbm>> -> memref<10000x128xf32, #tpu.memory_space<hbm>>
      tpu.wait_indirect_dma semaphore(%arg12 : memref<!tpu.dma_semaphore, #tpu.memory_space<semaphore_mem>>) src(%dma_wait3A_200 : memref<10000x128xf32, #tpu.memory_space<hbm>>) dst(%arg9 : memref<64x128xf32, #tpu.memory_space<vmem>>)
      %dma_start3A_201 = arith.constant 0 : i32
      %dma_start3A_202 = tpu.memref_slice %arg7[%add3A_176, %dma_start3A_201] : memref<81x64xi32, #tpu.memory_space<vmem>> -> memref<1x64xi32, #tpu.memory_space<vmem>>
      %dma_start3A_203 = tpu.memref_squeeze %dma_start3A_202 : memref<1x64xi32, #tpu.memory_space<vmem>> -> memref<64xi32, #tpu.memory_space<vmem>>
      %dma_start3A_204 = arith.constant 0 : i32
      %dma_start3A_205 = arith.constant 0 : i32
      %dma_start3A_206 = tpu.memref_slice %arg17[%dma_start3A_204, %dma_start3A_205] : memref<10240x128xf32, #tpu.memory_space<vmem_shared>> -> memref<10240x128xf32, #tpu.memory_space<vmem_shared>>
      tpu.enqueue_indirect_dma source(%arg9 : memref<64x128xf32, #tpu.memory_space<vmem>>) target(%dma_start3A_206 : memref<10240x128xf32, #tpu.memory_space<vmem_shared>>) offsets(%dma_start3A_203 : memref<64xi32, #tpu.memory_space<vmem>>) semaphore(%arg15 : memref<!tpu.dma_semaphore, #tpu.memory_space<semaphore_mem>>) {add = true}
      %mul3A_207 = arith.constant 3 : i32
      %mul3A_208 = arith.muli %mul3A_207, %scan3A_140 : i32
      %add3A_209 = arith.constant 2 : i32
      %add3A_210 = arith.addi %mul3A_208, %add3A_209 : i32
      %add3A_211 = arith.constant 2 : i32
      %add3A_212 = arith.addi %add3A_210, %add3A_211 : i32
      %min3A_213 = arith.constant 80 : i32
      %min3A_214 = arith.minsi %add3A_212, %min3A_213 : i32
      %sub3A_215 = arith.constant 1 : i32
      %sub3A_216 = arith.subi %add3A_210, %sub3A_215 : i32
      %dma_wait3A_217 = arith.constant 0 : i32
      %dma_wait3A_218 = tpu.memref_slice %arg7[%sub3A_216, %dma_wait3A_217] : memref<81x64xi32, #tpu.memory_space<vmem>> -> memref<1x64xi32, #tpu.memory_space<vmem>>
      %dma_wait3A_219 = tpu.memref_squeeze %dma_wait3A_218 : memref<1x64xi32, #tpu.memory_space<vmem>> -> memref<64xi32, #tpu.memory_space<vmem>>
      %dma_wait3A_220 = arith.constant 0 : i32
      %dma_wait3A_221 = arith.constant 0 : i32
      %dma_wait3A_222 = tpu.memref_slice %arg17[%dma_wait3A_220, %dma_wait3A_221] : memref<10240x128xf32, #tpu.memory_space<vmem_shared>> -> memref<10240x128xf32, #tpu.memory_space<vmem_shared>>
      tpu.wait_indirect_dma semaphore(%arg15 : memref<!tpu.dma_semaphore, #tpu.memory_space<semaphore_mem>>) src(%arg9 : memref<64x128xf32, #tpu.memory_space<vmem>>) dst(%dma_wait3A_222 : memref<10240x128xf32, #tpu.memory_space<vmem_shared>>)
      %dma_start3A_223 = arith.constant 0 : i32
      %dma_start3A_224 = tpu.memref_slice %arg6[%min3A_214, %dma_start3A_223] : memref<81x64xi32, #tpu.memory_space<vmem>> -> memref<1x64xi32, #tpu.memory_space<vmem>>
      %dma_start3A_225 = tpu.memref_squeeze %dma_start3A_224 : memref<1x64xi32, #tpu.memory_space<vmem>> -> memref<64xi32, #tpu.memory_space<vmem>>
      %dma_start3A_226 = arith.constant 0 : i32
      %dma_start3A_227 = arith.constant 0 : i32
      %dma_start3A_228 = tpu.memref_slice %arg2[%dma_start3A_226, %dma_start3A_227] : memref<10000x128xf32, #tpu.memory_space<hbm>> -> memref<10000x128xf32, #tpu.memory_space<hbm>>
      tpu.enqueue_indirect_dma source(%dma_start3A_228 : memref<10000x128xf32, #tpu.memory_space<hbm>>) target(%arg9 : memref<64x128xf32, #tpu.memory_space<vmem>>) offsets(%dma_start3A_225 : memref<64xi32, #tpu.memory_space<vmem>>) semaphore(%arg12 : memref<!tpu.dma_semaphore, #tpu.memory_space<semaphore_mem>>)
      %dma_wait3A_229 = arith.constant 0 : i32
      %dma_wait3A_230 = tpu.memref_slice %arg6[%add3A_210, %dma_wait3A_229] : memref<81x64xi32, #tpu.memory_space<vmem>> -> memref<1x64xi32, #tpu.memory_space<vmem>>
      %dma_wait3A_231 = tpu.memref_squeeze %dma_wait3A_230 : memref<1x64xi32, #tpu.memory_space<vmem>> -> memref<64xi32, #tpu.memory_space<vmem>>
      %dma_wait3A_232 = arith.constant 0 : i32
      %dma_wait3A_233 = arith.constant 0 : i32
      %dma_wait3A_234 = tpu.memref_slice %arg2[%dma_wait3A_232, %dma_wait3A_233] : memref<10000x128xf32, #tpu.memory_space<hbm>> -> memref<10000x128xf32, #tpu.memory_space<hbm>>
      tpu.wait_indirect_dma semaphore(%arg13 : memref<!tpu.dma_semaphore, #tpu.memory_space<semaphore_mem>>) src(%dma_wait3A_234 : memref<10000x128xf32, #tpu.memory_space<hbm>>) dst(%arg10 : memref<64x128xf32, #tpu.memory_space<vmem>>)
      %dma_start3A_235 = arith.constant 0 : i32
      %dma_start3A_236 = tpu.memref_slice %arg7[%add3A_210, %dma_start3A_235] : memref<81x64xi32, #tpu.memory_space<vmem>> -> memref<1x64xi32, #tpu.memory_space<vmem>>
      %dma_start3A_237 = tpu.memref_squeeze %dma_start3A_236 : memref<1x64xi32, #tpu.memory_space<vmem>> -> memref<64xi32, #tpu.memory_space<vmem>>
      %dma_start3A_238 = arith.constant 0 : i32
      %dma_start3A_239 = arith.constant 0 : i32
      %dma_start3A_240 = tpu.memref_slice %arg17[%dma_start3A_238, %dma_start3A_239] : memref<10240x128xf32, #tpu.memory_space<vmem_shared>> -> memref<10240x128xf32, #tpu.memory_space<vmem_shared>>
      tpu.enqueue_indirect_dma source(%arg10 : memref<64x128xf32, #tpu.memory_space<vmem>>) target(%dma_start3A_240 : memref<10240x128xf32, #tpu.memory_space<vmem_shared>>) offsets(%dma_start3A_237 : memref<64xi32, #tpu.memory_space<vmem>>) semaphore(%arg16 : memref<!tpu.dma_semaphore, #tpu.memory_space<semaphore_mem>>) {add = true}
    }
    %scan3A_113 = arith.constant 26 : i32
    %dma_wait3A_114 = arith.constant 80 : i32
    %dma_wait3A_115 = arith.constant 0 : i32
    %dma_wait3A_116 = tpu.memref_slice %arg7[%dma_wait3A_114, %dma_wait3A_115] : memref<81x64xi32, #tpu.memory_space<vmem>> -> memref<1x64xi32, #tpu.memory_space<vmem>>
    %dma_wait3A_117 = tpu.memref_squeeze %dma_wait3A_116 : memref<1x64xi32, #tpu.memory_space<vmem>> -> memref<64xi32, #tpu.memory_space<vmem>>
    %dma_wait3A_118 = arith.constant 0 : i32
    %dma_wait3A_119 = arith.constant 0 : i32
    %dma_wait3A_120 = tpu.memref_slice %arg17[%dma_wait3A_118, %dma_wait3A_119] : memref<10240x128xf32, #tpu.memory_space<vmem_shared>> -> memref<10240x128xf32, #tpu.memory_space<vmem_shared>>
    tpu.wait_indirect_dma semaphore(%arg16 : memref<!tpu.dma_semaphore, #tpu.memory_space<semaphore_mem>>) src(%arg10 : memref<64x128xf32, #tpu.memory_space<vmem>>) dst(%dma_wait3A_120 : memref<10240x128xf32, #tpu.memory_space<vmem_shared>>)
    %dma_wait3A_121 = arith.constant 80 : i32
    %dma_wait3A_122 = arith.constant 0 : i32
    %dma_wait3A_123 = tpu.memref_slice %arg6[%dma_wait3A_121, %dma_wait3A_122] : memref<81x64xi32, #tpu.memory_space<vmem>> -> memref<1x64xi32, #tpu.memory_space<vmem>>
    %dma_wait3A_124 = tpu.memref_squeeze %dma_wait3A_123 : memref<1x64xi32, #tpu.memory_space<vmem>> -> memref<64xi32, #tpu.memory_space<vmem>>
    %dma_wait3A_125 = arith.constant 0 : i32
    %dma_wait3A_126 = arith.constant 0 : i32
    %dma_wait3A_127 = tpu.memref_slice %arg2[%dma_wait3A_125, %dma_wait3A_126] : memref<10000x128xf32, #tpu.memory_space<hbm>> -> memref<10000x128xf32, #tpu.memory_space<hbm>>
    tpu.wait_indirect_dma semaphore(%arg11 : memref<!tpu.dma_semaphore, #tpu.memory_space<semaphore_mem>>) src(%dma_wait3A_127 : memref<10000x128xf32, #tpu.memory_space<hbm>>) dst(%arg8 : memref<64x128xf32, #tpu.memory_space<vmem>>)
    %dma_wait3A_128 = arith.constant 80 : i32
    %dma_wait3A_129 = arith.constant 0 : i32
    %dma_wait3A_130 = tpu.memref_slice %arg6[%dma_wait3A_128, %dma_wait3A_129] : memref<81x64xi32, #tpu.memory_space<vmem>> -> memref<1x64xi32, #tpu.memory_space<vmem>>
    %dma_wait3A_131 = tpu.memref_squeeze %dma_wait3A_130 : memref<1x64xi32, #tpu.memory_space<vmem>> -> memref<64xi32, #tpu.memory_space<vmem>>
    %dma_wait3A_132 = arith.constant 0 : i32
    %dma_wait3A_133 = arith.constant 0 : i32
    %dma_wait3A_134 = tpu.memref_slice %arg2[%dma_wait3A_132, %dma_wait3A_133] : memref<10000x128xf32, #tpu.memory_space<hbm>> -> memref<10000x128xf32, #tpu.memory_space<hbm>>
    tpu.wait_indirect_dma semaphore(%arg12 : memref<!tpu.dma_semaphore, #tpu.memory_space<semaphore_mem>>) src(%dma_wait3A_134 : memref<10000x128xf32, #tpu.memory_space<hbm>>) dst(%arg9 : memref<64x128xf32, #tpu.memory_space<vmem>>)
    %barrier3A_135 = arith.constant 0 : index
    tpu.barrier barrier_id(%barrier3A_135)
    %mul3A_136 = arith.constant 640 : i32
    %mul3A_137 = arith.muli %arg1, %mul3A_136 : i32
    %mul3A_138 = arith.constant 640 : i32
    %mul3A_139 = arith.muli %arg1, %mul3A_138 : i32
    %run_scoped3A = arith.constant 0 : i32
    "tpu.region"() ({
      %run_scoped3A_140 = tpu.sem_alloc : memref<!tpu.dma_semaphore, #tpu.memory_space<semaphore_mem>>
      %dma_start3A_141 = arith.constant 0 : i32
      %dma_start3A_142 = tpu.memref_slice %arg5[%run_scoped3A, %arg0, %mul3A_139, %dma_start3A_141] : memref<1x2x10240x128xf32, #tpu.memory_space<hbm>> -> memref<1x1x640x128xf32, #tpu.memory_space<hbm>>
      %dma_start3A_143 = tpu.memref_squeeze %dma_start3A_142 : memref<1x1x640x128xf32, #tpu.memory_space<hbm>> -> memref<640x128xf32, #tpu.memory_space<hbm>>
      %dma_start3A_144 = arith.constant 0 : i32
      %dma_start3A_145 = tpu.memref_slice %arg17[%mul3A_137, %dma_start3A_144] : memref<10240x128xf32, #tpu.memory_space<vmem_shared>> -> memref<640x128xf32, #tpu.memory_space<vmem_shared>>
      tpu.enqueue_dma source(%dma_start3A_145 : memref<640x128xf32, #tpu.memory_space<vmem_shared>>) target(%dma_start3A_143 : memref<640x128xf32, #tpu.memory_space<hbm>>) target_semaphore(%run_scoped3A_140 : memref<!tpu.dma_semaphore, #tpu.memory_space<semaphore_mem>>)
      %dma_wait3A_146 = arith.constant 0 : i32
      %dma_wait3A_147 = tpu.memref_slice %arg5[%run_scoped3A, %arg0, %mul3A_139, %dma_wait3A_146] : memref<1x2x10240x128xf32, #tpu.memory_space<hbm>> -> memref<1x1x640x128xf32, #tpu.memory_space<hbm>>
      %dma_wait3A_148 = tpu.memref_squeeze %dma_wait3A_147 : memref<1x1x640x128xf32, #tpu.memory_space<hbm>> -> memref<640x128xf32, #tpu.memory_space<hbm>>
      %dma_wait3A_149 = arith.constant 0 : i32
      %dma_wait3A_150 = tpu.memref_slice %arg17[%mul3A_137, %dma_wait3A_149] : memref<10240x128xf32, #tpu.memory_space<vmem_shared>> -> memref<640x128xf32, #tpu.memory_space<vmem_shared>>
      tpu.wait_dma2 semaphore(%run_scoped3A_140 : memref<!tpu.dma_semaphore, #tpu.memory_space<semaphore_mem>>) src(%dma_wait3A_150 : memref<640x128xf32, #tpu.memory_space<vmem_shared>>) dst(%dma_wait3A_148 : memref<640x128xf32, #tpu.memory_space<hbm>>)
      tpu.yield
    }) : () -> ()
    return
  }
}

#map = affine_map<(d0, d1) -> (0, 0)>
#map1 = affine_map<(d0, d1) -> (0, 0, 0)>
#map2 = affine_map<(d0, d1) -> (0, 0, 0, 0)>
module attributes {stable_mosaic.version = 14 : i64} {
  func.func @_agg_sc_body(%arg0: i32, %arg1: i32, %arg2: memref<10000x128xf32, #tpu.memory_space<hbm>>, %arg3: memref<32x81x64xi32, #tpu.memory_space<hbm>>, %arg4: memref<32x81x64xi32, #tpu.memory_space<hbm>>, %arg5: memref<1x2x10240x128xf32, #tpu.memory_space<hbm>>, %arg6: memref<81x64xi32, #tpu.memory_space<vmem>>, %arg7: memref<81x64xi32, #tpu.memory_space<vmem>>, %arg8: memref<64x128xf32, #tpu.memory_space<vmem>>, %arg9: memref<64x128xf32, #tpu.memory_space<vmem>>, %arg10: memref<64x128xf32, #tpu.memory_space<vmem>>, %arg11: memref<!tpu.dma_semaphore, #tpu.memory_space<semaphore_mem>>, %arg12: memref<!tpu.dma_semaphore, #tpu.memory_space<semaphore_mem>>, %arg13: memref<!tpu.dma_semaphore, #tpu.memory_space<semaphore_mem>>, %arg14: memref<!tpu.dma_semaphore, #tpu.memory_space<semaphore_mem>>, %arg15: memref<!tpu.dma_semaphore, #tpu.memory_space<semaphore_mem>>, %arg16: memref<!tpu.dma_semaphore, #tpu.memory_space<semaphore_mem>>, %arg17: memref<10240x128xf32, #tpu.memory_space<vmem_shared>>) attributes {dimension_semantics = [#tpu.dimension_semantics<core_parallel>, #tpu.dimension_semantics<subcore_parallel>], iteration_bounds = array<i64: 2, 16>, scalar_prefetch = 0 : i64, scratch_operands = 12 : i64, tpu.core_type = #tpu.core_type<sc_vector_subcore>, window_params = [{transform_indices = #map}, {transform_indices = #map1}, {transform_indices = #map1}, {transform_indices = #map2}]} {
    %mul3A = arith.constant 16 : i32
    %mul3A_0 = arith.muli %arg0, %mul3A : i32
    %add3A = arith.addi %mul3A_0, %arg1 : i32
    "tpu.region"() ({
      %run_scoped3A_140 = tpu.sem_alloc : memref<!tpu.dma_semaphore, #tpu.memory_space<semaphore_mem>>
      %dma_start3A_141 = arith.constant 0 : i32
      %dma_start3A_142 = arith.constant 0 : i32
      %dma_start3A_143 = tpu.memref_slice %arg3[%add3A, %dma_start3A_141, %dma_start3A_142] : memref<32x81x64xi32, #tpu.memory_space<hbm>> -> memref<1x81x64xi32, #tpu.memory_space<hbm>>
      %dma_start3A_144 = tpu.memref_squeeze %dma_start3A_143 : memref<1x81x64xi32, #tpu.memory_space<hbm>> -> memref<81x64xi32, #tpu.memory_space<hbm>>
      %dma_start3A_145 = arith.constant 0 : i32
      %dma_start3A_146 = arith.constant 0 : i32
      %dma_start3A_147 = tpu.memref_slice %arg3[%add3A, %dma_start3A_145, %dma_start3A_146] : memref<32x81x64xi32, #tpu.memory_space<hbm>> -> memref<1x81x64xi32, #tpu.memory_space<hbm>>
      %dma_start3A_148 = tpu.memref_squeeze %dma_start3A_147 : memref<1x81x64xi32, #tpu.memory_space<hbm>> -> memref<81x64xi32, #tpu.memory_space<hbm>>
      tpu.enqueue_dma source(%dma_start3A_148 : memref<81x64xi32, #tpu.memory_space<hbm>>) target(%arg6 : memref<81x64xi32, #tpu.memory_space<vmem>>) target_semaphore(%run_scoped3A_140 : memref<!tpu.dma_semaphore, #tpu.memory_space<semaphore_mem>>)
      %dma_wait3A_149 = arith.constant 0 : i32
      %dma_wait3A_150 = arith.constant 0 : i32
      %dma_wait3A_151 = tpu.memref_slice %arg3[%add3A, %dma_wait3A_149, %dma_wait3A_150] : memref<32x81x64xi32, #tpu.memory_space<hbm>> -> memref<1x81x64xi32, #tpu.memory_space<hbm>>
      %dma_wait3A_152 = tpu.memref_squeeze %dma_wait3A_151 : memref<1x81x64xi32, #tpu.memory_space<hbm>> -> memref<81x64xi32, #tpu.memory_space<hbm>>
      %dma_wait3A_153 = arith.constant 0 : i32
      %dma_wait3A_154 = arith.constant 0 : i32
      %dma_wait3A_155 = tpu.memref_slice %arg3[%add3A, %dma_wait3A_153, %dma_wait3A_154] : memref<32x81x64xi32, #tpu.memory_space<hbm>> -> memref<1x81x64xi32, #tpu.memory_space<hbm>>
      %dma_wait3A_156 = tpu.memref_squeeze %dma_wait3A_155 : memref<1x81x64xi32, #tpu.memory_space<hbm>> -> memref<81x64xi32, #tpu.memory_space<hbm>>
      tpu.wait_dma2 semaphore(%run_scoped3A_140 : memref<!tpu.dma_semaphore, #tpu.memory_space<semaphore_mem>>) src(%dma_wait3A_156 : memref<81x64xi32, #tpu.memory_space<hbm>>) dst(%arg6 : memref<81x64xi32, #tpu.memory_space<vmem>>)
      tpu.yield
    }) : () -> ()
    "tpu.region"() ({
      %run_scoped3A_140 = tpu.sem_alloc : memref<!tpu.dma_semaphore, #tpu.memory_space<semaphore_mem>>
      %dma_start3A_141 = arith.constant 0 : i32
      %dma_start3A_142 = arith.constant 0 : i32
      %dma_start3A_143 = tpu.memref_slice %arg4[%add3A, %dma_start3A_141, %dma_start3A_142] : memref<32x81x64xi32, #tpu.memory_space<hbm>> -> memref<1x81x64xi32, #tpu.memory_space<hbm>>
      %dma_start3A_144 = tpu.memref_squeeze %dma_start3A_143 : memref<1x81x64xi32, #tpu.memory_space<hbm>> -> memref<81x64xi32, #tpu.memory_space<hbm>>
      %dma_start3A_145 = arith.constant 0 : i32
      %dma_start3A_146 = arith.constant 0 : i32
      %dma_start3A_147 = tpu.memref_slice %arg4[%add3A, %dma_start3A_145, %dma_start3A_146] : memref<32x81x64xi32, #tpu.memory_space<hbm>> -> memref<1x81x64xi32, #tpu.memory_space<hbm>>
      %dma_start3A_148 = tpu.memref_squeeze %dma_start3A_147 : memref<1x81x64xi32, #tpu.memory_space<hbm>> -> memref<81x64xi32, #tpu.memory_space<hbm>>
      tpu.enqueue_dma source(%dma_start3A_148 : memref<81x64xi32, #tpu.memory_space<hbm>>) target(%arg7 : memref<81x64xi32, #tpu.memory_space<vmem>>) target_semaphore(%run_scoped3A_140 : memref<!tpu.dma_semaphore, #tpu.memory_space<semaphore_mem>>)
      %dma_wait3A_149 = arith.constant 0 : i32
      %dma_wait3A_150 = arith.constant 0 : i32
      %dma_wait3A_151 = tpu.memref_slice %arg4[%add3A, %dma_wait3A_149, %dma_wait3A_150] : memref<32x81x64xi32, #tpu.memory_space<hbm>> -> memref<1x81x64xi32, #tpu.memory_space<hbm>>
      %dma_wait3A_152 = tpu.memref_squeeze %dma_wait3A_151 : memref<1x81x64xi32, #tpu.memory_space<hbm>> -> memref<81x64xi32, #tpu.memory_space<hbm>>
      %dma_wait3A_153 = arith.constant 0 : i32
      %dma_wait3A_154 = arith.constant 0 : i32
      %dma_wait3A_155 = tpu.memref_slice %arg4[%add3A, %dma_wait3A_153, %dma_wait3A_154] : memref<32x81x64xi32, #tpu.memory_space<hbm>> -> memref<1x81x64xi32, #tpu.memory_space<hbm>>
      %dma_wait3A_156 = tpu.memref_squeeze %dma_wait3A_155 : memref<1x81x64xi32, #tpu.memory_space<hbm>> -> memref<81x64xi32, #tpu.memory_space<hbm>>
      tpu.wait_dma2 semaphore(%run_scoped3A_140 : memref<!tpu.dma_semaphore, #tpu.memory_space<semaphore_mem>>) src(%dma_wait3A_156 : memref<81x64xi32, #tpu.memory_space<hbm>>) dst(%arg7 : memref<81x64xi32, #tpu.memory_space<vmem>>)
      tpu.yield
    }) : () -> ()
    %dma_start3A = arith.constant 0 : i32
    %dma_start3A_1 = arith.constant 0 : i32
    %dma_start3A_2 = tpu.memref_slice %arg6[%dma_start3A, %dma_start3A_1] : memref<81x64xi32, #tpu.memory_space<vmem>> -> memref<1x64xi32, #tpu.memory_space<vmem>>
    %dma_start3A_3 = tpu.memref_squeeze %dma_start3A_2 : memref<1x64xi32, #tpu.memory_space<vmem>> -> memref<64xi32, #tpu.memory_space<vmem>>
    %dma_start3A_4 = arith.constant 0 : i32
    %dma_start3A_5 = arith.constant 0 : i32
    %dma_start3A_6 = tpu.memref_slice %arg2[%dma_start3A_4, %dma_start3A_5] : memref<10000x128xf32, #tpu.memory_space<hbm>> -> memref<10000x128xf32, #tpu.memory_space<hbm>>
    tpu.enqueue_indirect_dma source(%dma_start3A_6 : memref<10000x128xf32, #tpu.memory_space<hbm>>) target(%arg8 : memref<64x128xf32, #tpu.memory_space<vmem>>) offsets(%dma_start3A_3 : memref<64xi32, #tpu.memory_space<vmem>>) semaphore(%arg11 : memref<!tpu.dma_semaphore, #tpu.memory_space<semaphore_mem>>)
    %dma_start3A_7 = arith.constant 1 : i32
    %dma_start3A_8 = arith.constant 0 : i32
    %dma_start3A_9 = tpu.memref_slice %arg6[%dma_start3A_7, %dma_start3A_8] : memref<81x64xi32, #tpu.memory_space<vmem>> -> memref<1x64xi32, #tpu.memory_space<vmem>>
    %dma_start3A_10 = tpu.memref_squeeze %dma_start3A_9 : memref<1x64xi32, #tpu.memory_space<vmem>> -> memref<64xi32, #tpu.memory_space<vmem>>
    %dma_start3A_11 = arith.constant 0 : i32
    %dma_start3A_12 = arith.constant 0 : i32
    %dma_start3A_13 = tpu.memref_slice %arg2[%dma_start3A_11, %dma_start3A_12] : memref<10000x128xf32, #tpu.memory_space<hbm>> -> memref<10000x128xf32, #tpu.memory_space<hbm>>
    tpu.enqueue_indirect_dma source(%dma_start3A_13 : memref<10000x128xf32, #tpu.memory_space<hbm>>) target(%arg9 : memref<64x128xf32, #tpu.memory_space<vmem>>) offsets(%dma_start3A_10 : memref<64xi32, #tpu.memory_space<vmem>>) semaphore(%arg12 : memref<!tpu.dma_semaphore, #tpu.memory_space<semaphore_mem>>)
    %broadcast_in_dim3A = arith.constant 0.000000e+00 : f32
    %broadcast_in_dim3A_14 = vector.broadcast %broadcast_in_dim3A : f32 to vector<16xf32>
    %scan3A = arith.constant 0 : i32
    %scan3A_15 = arith.constant 0 : i32
    %scan3A_16 = arith.constant 64 : i32
    %scan3A_17 = arith.addi %scan3A_15, %scan3A_16 : i32
    %scan3A_18 = arith.constant 1 : i32
    scf.for %scan3A_140 = %scan3A_15 to %scan3A_17 step %scan3A_18  : i32 {
      %swap3A = arith.index_cast %scan3A_140 : i32 to index
      %swap3A_141 = arith.constant 0 : index
      %swap3A_142 = tpu.vector_load %arg10[%swap3A, %swap3A_141] {strides = array<i32>} : memref<64x128xf32, #tpu.memory_space<vmem>>, vector<1x16xf32>,
      %swap3A_143 = vector.shape_cast %swap3A_142 : vector<1x16xf32> to vector<16xf32>
      %swap3A_144 = vector.shape_cast %broadcast_in_dim3A_14 : vector<16xf32> to vector<1x16xf32>
      tpu.vector_store %arg10[%swap3A, %swap3A_141], %swap3A_144 {strides = array<i32>} : memref<64x128xf32, #tpu.memory_space<vmem>>, vector<1x16xf32>,
      %swap3A_145 = arith.index_cast %scan3A_140 : i32 to index
      %swap3A_146 = arith.constant 16 : index
      %swap3A_147 = tpu.vector_load %arg10[%swap3A_145, %swap3A_146] {strides = array<i32>} : memref<64x128xf32, #tpu.memory_space<vmem>>, vector<1x16xf32>,
      %swap3A_148 = vector.shape_cast %swap3A_147 : vector<1x16xf32> to vector<16xf32>
      %swap3A_149 = vector.shape_cast %broadcast_in_dim3A_14 : vector<16xf32> to vector<1x16xf32>
      tpu.vector_store %arg10[%swap3A_145, %swap3A_146], %swap3A_149 {strides = array<i32>} : memref<64x128xf32, #tpu.memory_space<vmem>>, vector<1x16xf32>,
      %swap3A_150 = arith.index_cast %scan3A_140 : i32 to index
      %swap3A_151 = arith.constant 32 : index
      %swap3A_152 = tpu.vector_load %arg10[%swap3A_150, %swap3A_151] {strides = array<i32>} : memref<64x128xf32, #tpu.memory_space<vmem>>, vector<1x16xf32>,
      %swap3A_153 = vector.shape_cast %swap3A_152 : vector<1x16xf32> to vector<16xf32>
      %swap3A_154 = vector.shape_cast %broadcast_in_dim3A_14 : vector<16xf32> to vector<1x16xf32>
      tpu.vector_store %arg10[%swap3A_150, %swap3A_151], %swap3A_154 {strides = array<i32>} : memref<64x128xf32, #tpu.memory_space<vmem>>, vector<1x16xf32>,
      %swap3A_155 = arith.index_cast %scan3A_140 : i32 to index
      %swap3A_156 = arith.constant 48 : index
      %swap3A_157 = tpu.vector_load %arg10[%swap3A_155, %swap3A_156] {strides = array<i32>} : memref<64x128xf32, #tpu.memory_space<vmem>>, vector<1x16xf32>,
      %swap3A_158 = vector.shape_cast %swap3A_157 : vector<1x16xf32> to vector<16xf32>
      %swap3A_159 = vector.shape_cast %broadcast_in_dim3A_14 : vector<16xf32> to vector<1x16xf32>
      tpu.vector_store %arg10[%swap3A_155, %swap3A_156], %swap3A_159 {strides = array<i32>} : memref<64x128xf32, #tpu.memory_space<vmem>>, vector<1x16xf32>,
      %swap3A_160 = arith.index_cast %scan3A_140 : i32 to index
      %swap3A_161 = arith.constant 64 : index
      %swap3A_162 = tpu.vector_load %arg10[%swap3A_160, %swap3A_161] {strides = array<i32>} : memref<64x128xf32, #tpu.memory_space<vmem>>, vector<1x16xf32>,
      %swap3A_163 = vector.shape_cast %swap3A_162 : vector<1x16xf32> to vector<16xf32>
      %swap3A_164 = vector.shape_cast %broadcast_in_dim3A_14 : vector<16xf32> to vector<1x16xf32>
      tpu.vector_store %arg10[%swap3A_160, %swap3A_161], %swap3A_164 {strides = array<i32>} : memref<64x128xf32, #tpu.memory_space<vmem>>, vector<1x16xf32>,
      %swap3A_165 = arith.index_cast %scan3A_140 : i32 to index
      %swap3A_166 = arith.constant 80 : index
      %swap3A_167 = tpu.vector_load %arg10[%swap3A_165, %swap3A_166] {strides = array<i32>} : memref<64x128xf32, #tpu.memory_space<vmem>>, vector<1x16xf32>,
      %swap3A_168 = vector.shape_cast %swap3A_167 : vector<1x16xf32> to vector<16xf32>
      %swap3A_169 = vector.shape_cast %broadcast_in_dim3A_14 : vector<16xf32> to vector<1x16xf32>
      tpu.vector_store %arg10[%swap3A_165, %swap3A_166], %swap3A_169 {strides = array<i32>} : memref<64x128xf32, #tpu.memory_space<vmem>>, vector<1x16xf32>,
      %swap3A_170 = arith.index_cast %scan3A_140 : i32 to index
      %swap3A_171 = arith.constant 96 : index
      %swap3A_172 = tpu.vector_load %arg10[%swap3A_170, %swap3A_171] {strides = array<i32>} : memref<64x128xf32, #tpu.memory_space<vmem>>, vector<1x16xf32>,
      %swap3A_173 = vector.shape_cast %swap3A_172 : vector<1x16xf32> to vector<16xf32>
      %swap3A_174 = vector.shape_cast %broadcast_in_dim3A_14 : vector<16xf32> to vector<1x16xf32>
      tpu.vector_store %arg10[%swap3A_170, %swap3A_171], %swap3A_174 {strides = array<i32>} : memref<64x128xf32, #tpu.memory_space<vmem>>, vector<1x16xf32>,
      %swap3A_175 = arith.index_cast %scan3A_140 : i32 to index
      %swap3A_176 = arith.constant 112 : index
      %swap3A_177 = tpu.vector_load %arg10[%swap3A_175, %swap3A_176] {strides = array<i32>} : memref<64x128xf32, #tpu.memory_space<vmem>>, vector<1x16xf32>,
      %swap3A_178 = vector.shape_cast %swap3A_177 : vector<1x16xf32> to vector<16xf32>
      %swap3A_179 = vector.shape_cast %broadcast_in_dim3A_14 : vector<16xf32> to vector<1x16xf32>
      tpu.vector_store %arg10[%swap3A_175, %swap3A_176], %swap3A_179 {strides = array<i32>} : memref<64x128xf32, #tpu.memory_space<vmem>>, vector<1x16xf32>,
    }
    %scan3A_19 = arith.constant 64 : i32
    %scan3A_20 = arith.constant 0 : i32
    %scan3A_21 = arith.constant 0 : i32
    %scan3A_22 = arith.constant 10 : i32
    %scan3A_23 = arith.addi %scan3A_21, %scan3A_22 : i32
    %scan3A_24 = arith.constant 1 : i32
    scf.for %scan3A_140 = %scan3A_21 to %scan3A_23 step %scan3A_24  : i32 {
      %mul3A_141 = arith.constant 640 : i32
      %mul3A_142 = arith.muli %arg1, %mul3A_141 : i32
      %mul3A_143 = arith.constant 64 : i32
      %mul3A_144 = arith.muli %scan3A_140, %mul3A_143 : i32
      %add3A_145 = arith.addi %mul3A_142, %mul3A_144 : i32
      %dma_start3A_146 = arith.constant 0 : i32
      %dma_start3A_147 = tpu.memref_slice %arg17[%add3A_145, %dma_start3A_146] : memref<10240x128xf32, #tpu.memory_space<vmem_shared>> -> memref<64x128xf32, #tpu.memory_space<vmem_shared>>
      %dma_start3A_148 = arith.constant 0 : i32
      %dma_start3A_149 = tpu.memref_slice %arg17[%add3A_145, %dma_start3A_148] : memref<10240x128xf32, #tpu.memory_space<vmem_shared>> -> memref<64x128xf32, #tpu.memory_space<vmem_shared>>
      tpu.enqueue_dma source(%arg10 : memref<64x128xf32, #tpu.memory_space<vmem>>) target(%dma_start3A_149 : memref<64x128xf32, #tpu.memory_space<vmem_shared>>) target_semaphore(%arg16 : memref<!tpu.dma_semaphore, #tpu.memory_space<semaphore_mem>>)
    }
    %scan3A_25 = arith.constant 10 : i32
    %scan3A_26 = arith.constant 0 : i32
    %scan3A_27 = arith.constant 0 : i32
    %scan3A_28 = arith.constant 10 : i32
    %scan3A_29 = arith.addi %scan3A_27, %scan3A_28 : i32
    %scan3A_30 = arith.constant 1 : i32
    scf.for %scan3A_140 = %scan3A_27 to %scan3A_29 step %scan3A_30  : i32 {
      %mul3A_141 = arith.constant 640 : i32
      %mul3A_142 = arith.muli %arg1, %mul3A_141 : i32
      %mul3A_143 = arith.constant 64 : i32
      %mul3A_144 = arith.muli %scan3A_140, %mul3A_143 : i32
      %add3A_145 = arith.addi %mul3A_142, %mul3A_144 : i32
      %dma_wait3A_146 = arith.constant 0 : i32
      %dma_wait3A_147 = tpu.memref_slice %arg17[%add3A_145, %dma_wait3A_146] : memref<10240x128xf32, #tpu.memory_space<vmem_shared>> -> memref<64x128xf32, #tpu.memory_space<vmem_shared>>
      %dma_wait3A_148 = arith.constant 0 : i32
      %dma_wait3A_149 = tpu.memref_slice %arg17[%add3A_145, %dma_wait3A_148] : memref<10240x128xf32, #tpu.memory_space<vmem_shared>> -> memref<64x128xf32, #tpu.memory_space<vmem_shared>>
      tpu.wait_dma2 semaphore(%arg16 : memref<!tpu.dma_semaphore, #tpu.memory_space<semaphore_mem>>) src(%arg10 : memref<64x128xf32, #tpu.memory_space<vmem>>) dst(%dma_wait3A_149 : memref<64x128xf32, #tpu.memory_space<vmem_shared>>)
    }
    %scan3A_31 = arith.constant 10 : i32
    %barrier3A = arith.constant 0 : index
    tpu.barrier barrier_id(%barrier3A)
    %dma_start3A_32 = arith.constant 2 : i32
    %dma_start3A_33 = arith.constant 0 : i32
    %dma_start3A_34 = tpu.memref_slice %arg6[%dma_start3A_32, %dma_start3A_33] : memref<81x64xi32, #tpu.memory_space<vmem>> -> memref<1x64xi32, #tpu.memory_space<vmem>>
    %dma_start3A_35 = tpu.memref_squeeze %dma_start3A_34 : memref<1x64xi32, #tpu.memory_space<vmem>> -> memref<64xi32, #tpu.memory_space<vmem>>
    %dma_start3A_36 = arith.constant 0 : i32
    %dma_start3A_37 = arith.constant 0 : i32
    %dma_start3A_38 = tpu.memref_slice %arg2[%dma_start3A_36, %dma_start3A_37] : memref<10000x128xf32, #tpu.memory_space<hbm>> -> memref<10000x128xf32, #tpu.memory_space<hbm>>
    tpu.enqueue_indirect_dma source(%dma_start3A_38 : memref<10000x128xf32, #tpu.memory_space<hbm>>) target(%arg10 : memref<64x128xf32, #tpu.memory_space<vmem>>) offsets(%dma_start3A_35 : memref<64xi32, #tpu.memory_space<vmem>>) semaphore(%arg13 : memref<!tpu.dma_semaphore, #tpu.memory_space<semaphore_mem>>)
    %dma_wait3A = arith.constant 0 : i32
    %dma_wait3A_39 = arith.constant 0 : i32
    %dma_wait3A_40 = tpu.memref_slice %arg6[%dma_wait3A, %dma_wait3A_39] : memref<81x64xi32, #tpu.memory_space<vmem>> -> memref<1x64xi32, #tpu.memory_space<vmem>>
    %dma_wait3A_41 = tpu.memref_squeeze %dma_wait3A_40 : memref<1x64xi32, #tpu.memory_space<vmem>> -> memref<64xi32, #tpu.memory_space<vmem>>
    %dma_wait3A_42 = arith.constant 0 : i32
    %dma_wait3A_43 = arith.constant 0 : i32
    %dma_wait3A_44 = tpu.memref_slice %arg2[%dma_wait3A_42, %dma_wait3A_43] : memref<10000x128xf32, #tpu.memory_space<hbm>> -> memref<10000x128xf32, #tpu.memory_space<hbm>>
    tpu.wait_indirect_dma semaphore(%arg11 : memref<!tpu.dma_semaphore, #tpu.memory_space<semaphore_mem>>) src(%dma_wait3A_44 : memref<10000x128xf32, #tpu.memory_space<hbm>>) dst(%arg8 : memref<64x128xf32, #tpu.memory_space<vmem>>)
    %dma_start3A_45 = arith.constant 0 : i32
    %dma_start3A_46 = arith.constant 0 : i32
    %dma_start3A_47 = tpu.memref_slice %arg7[%dma_start3A_45, %dma_start3A_46] : memref<81x64xi32, #tpu.memory_space<vmem>> -> memref<1x64xi32, #tpu.memory_space<vmem>>
    %dma_start3A_48 = tpu.memref_squeeze %dma_start3A_47 : memref<1x64xi32, #tpu.memory_space<vmem>> -> memref<64xi32, #tpu.memory_space<vmem>>
    %dma_start3A_49 = arith.constant 0 : i32
    %dma_start3A_50 = arith.constant 0 : i32
    %dma_start3A_51 = tpu.memref_slice %arg17[%dma_start3A_49, %dma_start3A_50] : memref<10240x128xf32, #tpu.memory_space<vmem_shared>> -> memref<10240x128xf32, #tpu.memory_space<vmem_shared>>
    tpu.enqueue_indirect_dma source(%arg8 : memref<64x128xf32, #tpu.memory_space<vmem>>) target(%dma_start3A_51 : memref<10240x128xf32, #tpu.memory_space<vmem_shared>>) offsets(%dma_start3A_48 : memref<64xi32, #tpu.memory_space<vmem>>) semaphore(%arg14 : memref<!tpu.dma_semaphore, #tpu.memory_space<semaphore_mem>>) {add = true}
    %dma_wait3A_52 = arith.constant 0 : i32
    %dma_wait3A_53 = arith.constant 0 : i32
    %dma_wait3A_54 = tpu.memref_slice %arg7[%dma_wait3A_52, %dma_wait3A_53] : memref<81x64xi32, #tpu.memory_space<vmem>> -> memref<1x64xi32, #tpu.memory_space<vmem>>
    %dma_wait3A_55 = tpu.memref_squeeze %dma_wait3A_54 : memref<1x64xi32, #tpu.memory_space<vmem>> -> memref<64xi32, #tpu.memory_space<vmem>>
    %dma_wait3A_56 = arith.constant 0 : i32
    %dma_wait3A_57 = arith.constant 0 : i32
    %dma_wait3A_58 = tpu.memref_slice %arg17[%dma_wait3A_56, %dma_wait3A_57] : memref<10240x128xf32, #tpu.memory_space<vmem_shared>> -> memref<10240x128xf32, #tpu.memory_space<vmem_shared>>
    tpu.wait_indirect_dma semaphore(%arg14 : memref<!tpu.dma_semaphore, #tpu.memory_space<semaphore_mem>>) src(%arg8 : memref<64x128xf32, #tpu.memory_space<vmem>>) dst(%dma_wait3A_58 : memref<10240x128xf32, #tpu.memory_space<vmem_shared>>)
    %dma_start3A_59 = arith.constant 3 : i32
    %dma_start3A_60 = arith.constant 0 : i32
    %dma_start3A_61 = tpu.memref_slice %arg6[%dma_start3A_59, %dma_start3A_60] : memref<81x64xi32, #tpu.memory_space<vmem>> -> memref<1x64xi32, #tpu.memory_space<vmem>>
    %dma_start3A_62 = tpu.memref_squeeze %dma_start3A_61 : memref<1x64xi32, #tpu.memory_space<vmem>> -> memref<64xi32, #tpu.memory_space<vmem>>
    %dma_start3A_63 = arith.constant 0 : i32
    %dma_start3A_64 = arith.constant 0 : i32
    %dma_start3A_65 = tpu.memref_slice %arg2[%dma_start3A_63, %dma_start3A_64] : memref<10000x128xf32, #tpu.memory_space<hbm>> -> memref<10000x128xf32, #tpu.memory_space<hbm>>
    tpu.enqueue_indirect_dma source(%dma_start3A_65 : memref<10000x128xf32, #tpu.memory_space<hbm>>) target(%arg8 : memref<64x128xf32, #tpu.memory_space<vmem>>) offsets(%dma_start3A_62 : memref<64xi32, #tpu.memory_space<vmem>>) semaphore(%arg11 : memref<!tpu.dma_semaphore, #tpu.memory_space<semaphore_mem>>)
    %dma_wait3A_66 = arith.constant 1 : i32
    %dma_wait3A_67 = arith.constant 0 : i32
    %dma_wait3A_68 = tpu.memref_slice %arg6[%dma_wait3A_66, %dma_wait3A_67] : memref<81x64xi32, #tpu.memory_space<vmem>> -> memref<1x64xi32, #tpu.memory_space<vmem>>
    %dma_wait3A_69 = tpu.memref_squeeze %dma_wait3A_68 : memref<1x64xi32, #tpu.memory_space<vmem>> -> memref<64xi32, #tpu.memory_space<vmem>>
    %dma_wait3A_70 = arith.constant 0 : i32
    %dma_wait3A_71 = arith.constant 0 : i32
    %dma_wait3A_72 = tpu.memref_slice %arg2[%dma_wait3A_70, %dma_wait3A_71] : memref<10000x128xf32, #tpu.memory_space<hbm>> -> memref<10000x128xf32, #tpu.memory_space<hbm>>
    tpu.wait_indirect_dma semaphore(%arg12 : memref<!tpu.dma_semaphore, #tpu.memory_space<semaphore_mem>>) src(%dma_wait3A_72 : memref<10000x128xf32, #tpu.memory_space<hbm>>) dst(%arg9 : memref<64x128xf32, #tpu.memory_space<vmem>>)
    %dma_start3A_73 = arith.constant 1 : i32
    %dma_start3A_74 = arith.constant 0 : i32
    %dma_start3A_75 = tpu.memref_slice %arg7[%dma_start3A_73, %dma_start3A_74] : memref<81x64xi32, #tpu.memory_space<vmem>> -> memref<1x64xi32, #tpu.memory_space<vmem>>
    %dma_start3A_76 = tpu.memref_squeeze %dma_start3A_75 : memref<1x64xi32, #tpu.memory_space<vmem>> -> memref<64xi32, #tpu.memory_space<vmem>>
    %dma_start3A_77 = arith.constant 0 : i32
    %dma_start3A_78 = arith.constant 0 : i32
    %dma_start3A_79 = tpu.memref_slice %arg17[%dma_start3A_77, %dma_start3A_78] : memref<10240x128xf32, #tpu.memory_space<vmem_shared>> -> memref<10240x128xf32, #tpu.memory_space<vmem_shared>>
    tpu.enqueue_indirect_dma source(%arg9 : memref<64x128xf32, #tpu.memory_space<vmem>>) target(%dma_start3A_79 : memref<10240x128xf32, #tpu.memory_space<vmem_shared>>) offsets(%dma_start3A_76 : memref<64xi32, #tpu.memory_space<vmem>>) semaphore(%arg15 : memref<!tpu.dma_semaphore, #tpu.memory_space<semaphore_mem>>) {add = true}
    %dma_wait3A_80 = arith.constant 1 : i32
    %dma_wait3A_81 = arith.constant 0 : i32
    %dma_wait3A_82 = tpu.memref_slice %arg7[%dma_wait3A_80, %dma_wait3A_81] : memref<81x64xi32, #tpu.memory_space<vmem>> -> memref<1x64xi32, #tpu.memory_space<vmem>>
    %dma_wait3A_83 = tpu.memref_squeeze %dma_wait3A_82 : memref<1x64xi32, #tpu.memory_space<vmem>> -> memref<64xi32, #tpu.memory_space<vmem>>
    %dma_wait3A_84 = arith.constant 0 : i32
    %dma_wait3A_85 = arith.constant 0 : i32
    %dma_wait3A_86 = tpu.memref_slice %arg17[%dma_wait3A_84, %dma_wait3A_85] : memref<10240x128xf32, #tpu.memory_space<vmem_shared>> -> memref<10240x128xf32, #tpu.memory_space<vmem_shared>>
    tpu.wait_indirect_dma semaphore(%arg15 : memref<!tpu.dma_semaphore, #tpu.memory_space<semaphore_mem>>) src(%arg9 : memref<64x128xf32, #tpu.memory_space<vmem>>) dst(%dma_wait3A_86 : memref<10240x128xf32, #tpu.memory_space<vmem_shared>>)
    %dma_start3A_87 = arith.constant 4 : i32
    %dma_start3A_88 = arith.constant 0 : i32
    %dma_start3A_89 = tpu.memref_slice %arg6[%dma_start3A_87, %dma_start3A_88] : memref<81x64xi32, #tpu.memory_space<vmem>> -> memref<1x64xi32, #tpu.memory_space<vmem>>
    %dma_start3A_90 = tpu.memref_squeeze %dma_start3A_89 : memref<1x64xi32, #tpu.memory_space<vmem>> -> memref<64xi32, #tpu.memory_space<vmem>>
    %dma_start3A_91 = arith.constant 0 : i32
    %dma_start3A_92 = arith.constant 0 : i32
    %dma_start3A_93 = tpu.memref_slice %arg2[%dma_start3A_91, %dma_start3A_92] : memref<10000x128xf32, #tpu.memory_space<hbm>> -> memref<10000x128xf32, #tpu.memory_space<hbm>>
    tpu.enqueue_indirect_dma source(%dma_start3A_93 : memref<10000x128xf32, #tpu.memory_space<hbm>>) target(%arg9 : memref<64x128xf32, #tpu.memory_space<vmem>>) offsets(%dma_start3A_90 : memref<64xi32, #tpu.memory_space<vmem>>) semaphore(%arg12 : memref<!tpu.dma_semaphore, #tpu.memory_space<semaphore_mem>>)
    %dma_wait3A_94 = arith.constant 2 : i32
    %dma_wait3A_95 = arith.constant 0 : i32
    %dma_wait3A_96 = tpu.memref_slice %arg6[%dma_wait3A_94, %dma_wait3A_95] : memref<81x64xi32, #tpu.memory_space<vmem>> -> memref<1x64xi32, #tpu.memory_space<vmem>>
    %dma_wait3A_97 = tpu.memref_squeeze %dma_wait3A_96 : memref<1x64xi32, #tpu.memory_space<vmem>> -> memref<64xi32, #tpu.memory_space<vmem>>
    %dma_wait3A_98 = arith.constant 0 : i32
    %dma_wait3A_99 = arith.constant 0 : i32
    %dma_wait3A_100 = tpu.memref_slice %arg2[%dma_wait3A_98, %dma_wait3A_99] : memref<10000x128xf32, #tpu.memory_space<hbm>> -> memref<10000x128xf32, #tpu.memory_space<hbm>>
    tpu.wait_indirect_dma semaphore(%arg13 : memref<!tpu.dma_semaphore, #tpu.memory_space<semaphore_mem>>) src(%dma_wait3A_100 : memref<10000x128xf32, #tpu.memory_space<hbm>>) dst(%arg10 : memref<64x128xf32, #tpu.memory_space<vmem>>)
    %dma_start3A_101 = arith.constant 2 : i32
    %dma_start3A_102 = arith.constant 0 : i32
    %dma_start3A_103 = tpu.memref_slice %arg7[%dma_start3A_101, %dma_start3A_102] : memref<81x64xi32, #tpu.memory_space<vmem>> -> memref<1x64xi32, #tpu.memory_space<vmem>>
    %dma_start3A_104 = tpu.memref_squeeze %dma_start3A_103 : memref<1x64xi32, #tpu.memory_space<vmem>> -> memref<64xi32, #tpu.memory_space<vmem>>
    %dma_start3A_105 = arith.constant 0 : i32
    %dma_start3A_106 = arith.constant 0 : i32
    %dma_start3A_107 = tpu.memref_slice %arg17[%dma_start3A_105, %dma_start3A_106] : memref<10240x128xf32, #tpu.memory_space<vmem_shared>> -> memref<10240x128xf32, #tpu.memory_space<vmem_shared>>
    tpu.enqueue_indirect_dma source(%arg10 : memref<64x128xf32, #tpu.memory_space<vmem>>) target(%dma_start3A_107 : memref<10240x128xf32, #tpu.memory_space<vmem_shared>>) offsets(%dma_start3A_104 : memref<64xi32, #tpu.memory_space<vmem>>) semaphore(%arg16 : memref<!tpu.dma_semaphore, #tpu.memory_space<semaphore_mem>>) {add = true}
    %scan3A_108 = arith.constant 0 : i32
    %scan3A_109 = arith.constant 1 : i32
    %scan3A_110 = arith.constant 26 : i32
    %scan3A_111 = arith.addi %scan3A_109, %scan3A_110 : i32
    %scan3A_112 = arith.constant 1 : i32
    scf.for %scan3A_140 = %scan3A_109 to %scan3A_111 step %scan3A_112  : i32 {
      %mul3A_141 = arith.constant 3 : i32
      %mul3A_142 = arith.muli %mul3A_141, %scan3A_140 : i32
      %add3A_143 = arith.constant 0 : i32
      %add3A_144 = arith.addi %mul3A_142, %add3A_143 : i32
      %add3A_145 = arith.constant 2 : i32
      %add3A_146 = arith.addi %add3A_144, %add3A_145 : i32
      %min3A = arith.constant 80 : i32
      %min3A_147 = arith.minsi %add3A_146, %min3A : i32
      %sub3A = arith.constant 1 : i32
      %sub3A_148 = arith.subi %add3A_144, %sub3A : i32
      %dma_wait3A_149 = arith.constant 0 : i32
      %dma_wait3A_150 = tpu.memref_slice %arg7[%sub3A_148, %dma_wait3A_149] : memref<81x64xi32, #tpu.memory_space<vmem>> -> memref<1x64xi32, #tpu.memory_space<vmem>>
      %dma_wait3A_151 = tpu.memref_squeeze %dma_wait3A_150 : memref<1x64xi32, #tpu.memory_space<vmem>> -> memref<64xi32, #tpu.memory_space<vmem>>
      %dma_wait3A_152 = arith.constant 0 : i32
      %dma_wait3A_153 = arith.constant 0 : i32
      %dma_wait3A_154 = tpu.memref_slice %arg17[%dma_wait3A_152, %dma_wait3A_153] : memref<10240x128xf32, #tpu.memory_space<vmem_shared>> -> memref<10240x128xf32, #tpu.memory_space<vmem_shared>>
      tpu.wait_indirect_dma semaphore(%arg16 : memref<!tpu.dma_semaphore, #tpu.memory_space<semaphore_mem>>) src(%arg10 : memref<64x128xf32, #tpu.memory_space<vmem>>) dst(%dma_wait3A_154 : memref<10240x128xf32, #tpu.memory_space<vmem_shared>>)
      %dma_start3A_155 = arith.constant 0 : i32
      %dma_start3A_156 = tpu.memref_slice %arg6[%min3A_147, %dma_start3A_155] : memref<81x64xi32, #tpu.memory_space<vmem>> -> memref<1x64xi32, #tpu.memory_space<vmem>>
      %dma_start3A_157 = tpu.memref_squeeze %dma_start3A_156 : memref<1x64xi32, #tpu.memory_space<vmem>> -> memref<64xi32, #tpu.memory_space<vmem>>
      %dma_start3A_158 = arith.constant 0 : i32
      %dma_start3A_159 = arith.constant 0 : i32
      %dma_start3A_160 = tpu.memref_slice %arg2[%dma_start3A_158, %dma_start3A_159] : memref<10000x128xf32, #tpu.memory_space<hbm>> -> memref<10000x128xf32, #tpu.memory_space<hbm>>
      tpu.enqueue_indirect_dma source(%dma_start3A_160 : memref<10000x128xf32, #tpu.memory_space<hbm>>) target(%arg10 : memref<64x128xf32, #tpu.memory_space<vmem>>) offsets(%dma_start3A_157 : memref<64xi32, #tpu.memory_space<vmem>>) semaphore(%arg13 : memref<!tpu.dma_semaphore, #tpu.memory_space<semaphore_mem>>)
      %dma_wait3A_161 = arith.constant 0 : i32
      %dma_wait3A_162 = tpu.memref_slice %arg6[%add3A_144, %dma_wait3A_161] : memref<81x64xi32, #tpu.memory_space<vmem>> -> memref<1x64xi32, #tpu.memory_space<vmem>>
      %dma_wait3A_163 = tpu.memref_squeeze %dma_wait3A_162 : memref<1x64xi32, #tpu.memory_space<vmem>> -> memref<64xi32, #tpu.memory_space<vmem>>
      %dma_wait3A_164 = arith.constant 0 : i32
      %dma_wait3A_165 = arith.constant 0 : i32
      %dma_wait3A_166 = tpu.memref_slice %arg2[%dma_wait3A_164, %dma_wait3A_165] : memref<10000x128xf32, #tpu.memory_space<hbm>> -> memref<10000x128xf32, #tpu.memory_space<hbm>>
      tpu.wait_indirect_dma semaphore(%arg11 : memref<!tpu.dma_semaphore, #tpu.memory_space<semaphore_mem>>) src(%dma_wait3A_166 : memref<10000x128xf32, #tpu.memory_space<hbm>>) dst(%arg8 : memref<64x128xf32, #tpu.memory_space<vmem>>)
      %dma_start3A_167 = arith.constant 0 : i32
      %dma_start3A_168 = tpu.memref_slice %arg7[%add3A_144, %dma_start3A_167] : memref<81x64xi32, #tpu.memory_space<vmem>> -> memref<1x64xi32, #tpu.memory_space<vmem>>
      %dma_start3A_169 = tpu.memref_squeeze %dma_start3A_168 : memref<1x64xi32, #tpu.memory_space<vmem>> -> memref<64xi32, #tpu.memory_space<vmem>>
      %dma_start3A_170 = arith.constant 0 : i32
      %dma_start3A_171 = arith.constant 0 : i32
      %dma_start3A_172 = tpu.memref_slice %arg17[%dma_start3A_170, %dma_start3A_171] : memref<10240x128xf32, #tpu.memory_space<vmem_shared>> -> memref<10240x128xf32, #tpu.memory_space<vmem_shared>>
      tpu.enqueue_indirect_dma source(%arg8 : memref<64x128xf32, #tpu.memory_space<vmem>>) target(%dma_start3A_172 : memref<10240x128xf32, #tpu.memory_space<vmem_shared>>) offsets(%dma_start3A_169 : memref<64xi32, #tpu.memory_space<vmem>>) semaphore(%arg14 : memref<!tpu.dma_semaphore, #tpu.memory_space<semaphore_mem>>) {add = true}
      %mul3A_173 = arith.constant 3 : i32
      %mul3A_174 = arith.muli %mul3A_173, %scan3A_140 : i32
      %add3A_175 = arith.constant 1 : i32
      %add3A_176 = arith.addi %mul3A_174, %add3A_175 : i32
      %add3A_177 = arith.constant 2 : i32
      %add3A_178 = arith.addi %add3A_176, %add3A_177 : i32
      %min3A_179 = arith.constant 80 : i32
      %min3A_180 = arith.minsi %add3A_178, %min3A_179 : i32
      %sub3A_181 = arith.constant 1 : i32
      %sub3A_182 = arith.subi %add3A_176, %sub3A_181 : i32
      %dma_wait3A_183 = arith.constant 0 : i32
      %dma_wait3A_184 = tpu.memref_slice %arg7[%sub3A_182, %dma_wait3A_183] : memref<81x64xi32, #tpu.memory_space<vmem>> -> memref<1x64xi32, #tpu.memory_space<vmem>>
      %dma_wait3A_185 = tpu.memref_squeeze %dma_wait3A_184 : memref<1x64xi32, #tpu.memory_space<vmem>> -> memref<64xi32, #tpu.memory_space<vmem>>
      %dma_wait3A_186 = arith.constant 0 : i32
      %dma_wait3A_187 = arith.constant 0 : i32
      %dma_wait3A_188 = tpu.memref_slice %arg17[%dma_wait3A_186, %dma_wait3A_187] : memref<10240x128xf32, #tpu.memory_space<vmem_shared>> -> memref<10240x128xf32, #tpu.memory_space<vmem_shared>>
      tpu.wait_indirect_dma semaphore(%arg14 : memref<!tpu.dma_semaphore, #tpu.memory_space<semaphore_mem>>) src(%arg8 : memref<64x128xf32, #tpu.memory_space<vmem>>) dst(%dma_wait3A_188 : memref<10240x128xf32, #tpu.memory_space<vmem_shared>>)
      %dma_start3A_189 = arith.constant 0 : i32
      %dma_start3A_190 = tpu.memref_slice %arg6[%min3A_180, %dma_start3A_189] : memref<81x64xi32, #tpu.memory_space<vmem>> -> memref<1x64xi32, #tpu.memory_space<vmem>>
      %dma_start3A_191 = tpu.memref_squeeze %dma_start3A_190 : memref<1x64xi32, #tpu.memory_space<vmem>> -> memref<64xi32, #tpu.memory_space<vmem>>
      %dma_start3A_192 = arith.constant 0 : i32
      %dma_start3A_193 = arith.constant 0 : i32
      %dma_start3A_194 = tpu.memref_slice %arg2[%dma_start3A_192, %dma_start3A_193] : memref<10000x128xf32, #tpu.memory_space<hbm>> -> memref<10000x128xf32, #tpu.memory_space<hbm>>
      tpu.enqueue_indirect_dma source(%dma_start3A_194 : memref<10000x128xf32, #tpu.memory_space<hbm>>) target(%arg8 : memref<64x128xf32, #tpu.memory_space<vmem>>) offsets(%dma_start3A_191 : memref<64xi32, #tpu.memory_space<vmem>>) semaphore(%arg11 : memref<!tpu.dma_semaphore, #tpu.memory_space<semaphore_mem>>)
      %dma_wait3A_195 = arith.constant 0 : i32
      %dma_wait3A_196 = tpu.memref_slice %arg6[%add3A_176, %dma_wait3A_195] : memref<81x64xi32, #tpu.memory_space<vmem>> -> memref<1x64xi32, #tpu.memory_space<vmem>>
      %dma_wait3A_197 = tpu.memref_squeeze %dma_wait3A_196 : memref<1x64xi32, #tpu.memory_space<vmem>> -> memref<64xi32, #tpu.memory_space<vmem>>
      %dma_wait3A_198 = arith.constant 0 : i32
      %dma_wait3A_199 = arith.constant 0 : i32
      %dma_wait3A_200 = tpu.memref_slice %arg2[%dma_wait3A_198, %dma_wait3A_199] : memref<10000x128xf32, #tpu.memory_space<hbm>> -> memref<10000x128xf32, #tpu.memory_space<hbm>>
      tpu.wait_indirect_dma semaphore(%arg12 : memref<!tpu.dma_semaphore, #tpu.memory_space<semaphore_mem>>) src(%dma_wait3A_200 : memref<10000x128xf32, #tpu.memory_space<hbm>>) dst(%arg9 : memref<64x128xf32, #tpu.memory_space<vmem>>)
      %dma_start3A_201 = arith.constant 0 : i32
      %dma_start3A_202 = tpu.memref_slice %arg7[%add3A_176, %dma_start3A_201] : memref<81x64xi32, #tpu.memory_space<vmem>> -> memref<1x64xi32, #tpu.memory_space<vmem>>
      %dma_start3A_203 = tpu.memref_squeeze %dma_start3A_202 : memref<1x64xi32, #tpu.memory_space<vmem>> -> memref<64xi32, #tpu.memory_space<vmem>>
      %dma_start3A_204 = arith.constant 0 : i32
      %dma_start3A_205 = arith.constant 0 : i32
      %dma_start3A_206 = tpu.memref_slice %arg17[%dma_start3A_204, %dma_start3A_205] : memref<10240x128xf32, #tpu.memory_space<vmem_shared>> -> memref<10240x128xf32, #tpu.memory_space<vmem_shared>>
      tpu.enqueue_indirect_dma source(%arg9 : memref<64x128xf32, #tpu.memory_space<vmem>>) target(%dma_start3A_206 : memref<10240x128xf32, #tpu.memory_space<vmem_shared>>) offsets(%dma_start3A_203 : memref<64xi32, #tpu.memory_space<vmem>>) semaphore(%arg15 : memref<!tpu.dma_semaphore, #tpu.memory_space<semaphore_mem>>) {add = true}
      %mul3A_207 = arith.constant 3 : i32
      %mul3A_208 = arith.muli %mul3A_207, %scan3A_140 : i32
      %add3A_209 = arith.constant 2 : i32
      %add3A_210 = arith.addi %mul3A_208, %add3A_209 : i32
      %add3A_211 = arith.constant 2 : i32
      %add3A_212 = arith.addi %add3A_210, %add3A_211 : i32
      %min3A_213 = arith.constant 80 : i32
      %min3A_214 = arith.minsi %add3A_212, %min3A_213 : i32
      %sub3A_215 = arith.constant 1 : i32
      %sub3A_216 = arith.subi %add3A_210, %sub3A_215 : i32
      %dma_wait3A_217 = arith.constant 0 : i32
      %dma_wait3A_218 = tpu.memref_slice %arg7[%sub3A_216, %dma_wait3A_217] : memref<81x64xi32, #tpu.memory_space<vmem>> -> memref<1x64xi32, #tpu.memory_space<vmem>>
      %dma_wait3A_219 = tpu.memref_squeeze %dma_wait3A_218 : memref<1x64xi32, #tpu.memory_space<vmem>> -> memref<64xi32, #tpu.memory_space<vmem>>
      %dma_wait3A_220 = arith.constant 0 : i32
      %dma_wait3A_221 = arith.constant 0 : i32
      %dma_wait3A_222 = tpu.memref_slice %arg17[%dma_wait3A_220, %dma_wait3A_221] : memref<10240x128xf32, #tpu.memory_space<vmem_shared>> -> memref<10240x128xf32, #tpu.memory_space<vmem_shared>>
      tpu.wait_indirect_dma semaphore(%arg15 : memref<!tpu.dma_semaphore, #tpu.memory_space<semaphore_mem>>) src(%arg9 : memref<64x128xf32, #tpu.memory_space<vmem>>) dst(%dma_wait3A_222 : memref<10240x128xf32, #tpu.memory_space<vmem_shared>>)
      %dma_start3A_223 = arith.constant 0 : i32
      %dma_start3A_224 = tpu.memref_slice %arg6[%min3A_214, %dma_start3A_223] : memref<81x64xi32, #tpu.memory_space<vmem>> -> memref<1x64xi32, #tpu.memory_space<vmem>>
      %dma_start3A_225 = tpu.memref_squeeze %dma_start3A_224 : memref<1x64xi32, #tpu.memory_space<vmem>> -> memref<64xi32, #tpu.memory_space<vmem>>
      %dma_start3A_226 = arith.constant 0 : i32
      %dma_start3A_227 = arith.constant 0 : i32
      %dma_start3A_228 = tpu.memref_slice %arg2[%dma_start3A_226, %dma_start3A_227] : memref<10000x128xf32, #tpu.memory_space<hbm>> -> memref<10000x128xf32, #tpu.memory_space<hbm>>
      tpu.enqueue_indirect_dma source(%dma_start3A_228 : memref<10000x128xf32, #tpu.memory_space<hbm>>) target(%arg9 : memref<64x128xf32, #tpu.memory_space<vmem>>) offsets(%dma_start3A_225 : memref<64xi32, #tpu.memory_space<vmem>>) semaphore(%arg12 : memref<!tpu.dma_semaphore, #tpu.memory_space<semaphore_mem>>)
      %dma_wait3A_229 = arith.constant 0 : i32
      %dma_wait3A_230 = tpu.memref_slice %arg6[%add3A_210, %dma_wait3A_229] : memref<81x64xi32, #tpu.memory_space<vmem>> -> memref<1x64xi32, #tpu.memory_space<vmem>>
      %dma_wait3A_231 = tpu.memref_squeeze %dma_wait3A_230 : memref<1x64xi32, #tpu.memory_space<vmem>> -> memref<64xi32, #tpu.memory_space<vmem>>
      %dma_wait3A_232 = arith.constant 0 : i32
      %dma_wait3A_233 = arith.constant 0 : i32
      %dma_wait3A_234 = tpu.memref_slice %arg2[%dma_wait3A_232, %dma_wait3A_233] : memref<10000x128xf32, #tpu.memory_space<hbm>> -> memref<10000x128xf32, #tpu.memory_space<hbm>>
      tpu.wait_indirect_dma semaphore(%arg13 : memref<!tpu.dma_semaphore, #tpu.memory_space<semaphore_mem>>) src(%dma_wait3A_234 : memref<10000x128xf32, #tpu.memory_space<hbm>>) dst(%arg10 : memref<64x128xf32, #tpu.memory_space<vmem>>)
      %dma_start3A_235 = arith.constant 0 : i32
      %dma_start3A_236 = tpu.memref_slice %arg7[%add3A_210, %dma_start3A_235] : memref<81x64xi32, #tpu.memory_space<vmem>> -> memref<1x64xi32, #tpu.memory_space<vmem>>
      %dma_start3A_237 = tpu.memref_squeeze %dma_start3A_236 : memref<1x64xi32, #tpu.memory_space<vmem>> -> memref<64xi32, #tpu.memory_space<vmem>>
      %dma_start3A_238 = arith.constant 0 : i32
      %dma_start3A_239 = arith.constant 0 : i32
      %dma_start3A_240 = tpu.memref_slice %arg17[%dma_start3A_238, %dma_start3A_239] : memref<10240x128xf32, #tpu.memory_space<vmem_shared>> -> memref<10240x128xf32, #tpu.memory_space<vmem_shared>>
      tpu.enqueue_indirect_dma source(%arg10 : memref<64x128xf32, #tpu.memory_space<vmem>>) target(%dma_start3A_240 : memref<10240x128xf32, #tpu.memory_space<vmem_shared>>) offsets(%dma_start3A_237 : memref<64xi32, #tpu.memory_space<vmem>>) semaphore(%arg16 : memref<!tpu.dma_semaphore, #tpu.memory_space<semaphore_mem>>) {add = true}
    }
    %scan3A_113 = arith.constant 26 : i32
    %dma_wait3A_114 = arith.constant 80 : i32
    %dma_wait3A_115 = arith.constant 0 : i32
    %dma_wait3A_116 = tpu.memref_slice %arg7[%dma_wait3A_114, %dma_wait3A_115] : memref<81x64xi32, #tpu.memory_space<vmem>> -> memref<1x64xi32, #tpu.memory_space<vmem>>
    %dma_wait3A_117 = tpu.memref_squeeze %dma_wait3A_116 : memref<1x64xi32, #tpu.memory_space<vmem>> -> memref<64xi32, #tpu.memory_space<vmem>>
    %dma_wait3A_118 = arith.constant 0 : i32
    %dma_wait3A_119 = arith.constant 0 : i32
    %dma_wait3A_120 = tpu.memref_slice %arg17[%dma_wait3A_118, %dma_wait3A_119] : memref<10240x128xf32, #tpu.memory_space<vmem_shared>> -> memref<10240x128xf32, #tpu.memory_space<vmem_shared>>
    tpu.wait_indirect_dma semaphore(%arg16 : memref<!tpu.dma_semaphore, #tpu.memory_space<semaphore_mem>>) src(%arg10 : memref<64x128xf32, #tpu.memory_space<vmem>>) dst(%dma_wait3A_120 : memref<10240x128xf32, #tpu.memory_space<vmem_shared>>)
    %dma_wait3A_121 = arith.constant 80 : i32
    %dma_wait3A_122 = arith.constant 0 : i32
    %dma_wait3A_123 = tpu.memref_slice %arg6[%dma_wait3A_121, %dma_wait3A_122] : memref<81x64xi32, #tpu.memory_space<vmem>> -> memref<1x64xi32, #tpu.memory_space<vmem>>
    %dma_wait3A_124 = tpu.memref_squeeze %dma_wait3A_123 : memref<1x64xi32, #tpu.memory_space<vmem>> -> memref<64xi32, #tpu.memory_space<vmem>>
    %dma_wait3A_125 = arith.constant 0 : i32
    %dma_wait3A_126 = arith.constant 0 : i32
    %dma_wait3A_127 = tpu.memref_slice %arg2[%dma_wait3A_125, %dma_wait3A_126] : memref<10000x128xf32, #tpu.memory_space<hbm>> -> memref<10000x128xf32, #tpu.memory_space<hbm>>
    tpu.wait_indirect_dma semaphore(%arg11 : memref<!tpu.dma_semaphore, #tpu.memory_space<semaphore_mem>>) src(%dma_wait3A_127 : memref<10000x128xf32, #tpu.memory_space<hbm>>) dst(%arg8 : memref<64x128xf32, #tpu.memory_space<vmem>>)
    %dma_wait3A_128 = arith.constant 80 : i32
    %dma_wait3A_129 = arith.constant 0 : i32
    %dma_wait3A_130 = tpu.memref_slice %arg6[%dma_wait3A_128, %dma_wait3A_129] : memref<81x64xi32, #tpu.memory_space<vmem>> -> memref<1x64xi32, #tpu.memory_space<vmem>>
    %dma_wait3A_131 = tpu.memref_squeeze %dma_wait3A_130 : memref<1x64xi32, #tpu.memory_space<vmem>> -> memref<64xi32, #tpu.memory_space<vmem>>
    %dma_wait3A_132 = arith.constant 0 : i32
    %dma_wait3A_133 = arith.constant 0 : i32
    %dma_wait3A_134 = tpu.memref_slice %arg2[%dma_wait3A_132, %dma_wait3A_133] : memref<10000x128xf32, #tpu.memory_space<hbm>> -> memref<10000x128xf32, #tpu.memory_space<hbm>>
    tpu.wait_indirect_dma semaphore(%arg12 : memref<!tpu.dma_semaphore, #tpu.memory_space<semaphore_mem>>) src(%dma_wait3A_134 : memref<10000x128xf32, #tpu.memory_space<hbm>>) dst(%arg9 : memref<64x128xf32, #tpu.memory_space<vmem>>)
    %barrier3A_135 = arith.constant 0 : index
    tpu.barrier barrier_id(%barrier3A_135)
    %mul3A_136 = arith.constant 640 : i32
    %mul3A_137 = arith.muli %arg1, %mul3A_136 : i32
    %mul3A_138 = arith.constant 640 : i32
    %mul3A_139 = arith.muli %arg1, %mul3A_138 : i32
    %run_scoped3A = arith.constant 0 : i32
    "tpu.region"() ({
      %run_scoped3A_140 = tpu.sem_alloc : memref<!tpu.dma_semaphore, #tpu.memory_space<semaphore_mem>>
      %dma_start3A_141 = arith.constant 0 : i32
      %dma_start3A_142 = tpu.memref_slice %arg5[%run_scoped3A, %arg0, %mul3A_139, %dma_start3A_141] : memref<1x2x10240x128xf32, #tpu.memory_space<hbm>> -> memref<1x1x640x128xf32, #tpu.memory_space<hbm>>
      %dma_start3A_143 = tpu.memref_squeeze %dma_start3A_142 : memref<1x1x640x128xf32, #tpu.memory_space<hbm>> -> memref<640x128xf32, #tpu.memory_space<hbm>>
      %dma_start3A_144 = arith.constant 0 : i32
      %dma_start3A_145 = tpu.memref_slice %arg17[%mul3A_137, %dma_start3A_144] : memref<10240x128xf32, #tpu.memory_space<vmem_shared>> -> memref<640x128xf32, #tpu.memory_space<vmem_shared>>
      tpu.enqueue_dma source(%dma_start3A_145 : memref<640x128xf32, #tpu.memory_space<vmem_shared>>) target(%dma_start3A_143 : memref<640x128xf32, #tpu.memory_space<hbm>>) target_semaphore(%run_scoped3A_140 : memref<!tpu.dma_semaphore, #tpu.memory_space<semaphore_mem>>)
      %dma_wait3A_146 = arith.constant 0 : i32
      %dma_wait3A_147 = tpu.memref_slice %arg5[%run_scoped3A, %arg0, %mul3A_139, %dma_wait3A_146] : memref<1x2x10240x128xf32, #tpu.memory_space<hbm>> -> memref<1x1x640x128xf32, #tpu.memory_space<hbm>>
      %dma_wait3A_148 = tpu.memref_squeeze %dma_wait3A_147 : memref<1x1x640x128xf32, #tpu.memory_space<hbm>> -> memref<640x128xf32, #tpu.memory_space<hbm>>
      %dma_wait3A_149 = arith.constant 0 : i32
      %dma_wait3A_150 = tpu.memref_slice %arg17[%mul3A_137, %dma_wait3A_149] : memref<10240x128xf32, #tpu.memory_space<vmem_shared>> -> memref<640x128xf32, #tpu.memory_space<vmem_shared>>
      tpu.wait_dma2 semaphore(%run_scoped3A_140 : memref<!tpu.dma_semaphore, #tpu.memory_space<semaphore_mem>>) src(%dma_wait3A_150 : memref<640x128xf32, #tpu.memory_space<vmem_shared>>) dst(%dma_wait3A_148 : memref<640x128xf32, #tpu.memory_space<hbm>>)
      tpu.yield
    }) : () -> ()
    return
  }
}

#map = affine_map<(d0, d1) -> (0, 0)>
#map1 = affine_map<(d0, d1) -> (0, 0, 0)>
#map2 = affine_map<(d0, d1) -> (0, 0, 0, 0)>
module attributes {stable_mosaic.version = 14 : i64} {
  func.func @_agg_sc_body(%arg0: i32, %arg1: i32, %arg2: memref<10000x128xf32, #tpu.memory_space<hbm>>, %arg3: memref<32x81x64xi32, #tpu.memory_space<hbm>>, %arg4: memref<32x81x64xi32, #tpu.memory_space<hbm>>, %arg5: memref<1x2x10240x128xf32, #tpu.memory_space<hbm>>, %arg6: memref<81x64xi32, #tpu.memory_space<vmem>>, %arg7: memref<81x64xi32, #tpu.memory_space<vmem>>, %arg8: memref<64x128xf32, #tpu.memory_space<vmem>>, %arg9: memref<64x128xf32, #tpu.memory_space<vmem>>, %arg10: memref<64x128xf32, #tpu.memory_space<vmem>>, %arg11: memref<!tpu.dma_semaphore, #tpu.memory_space<semaphore_mem>>, %arg12: memref<!tpu.dma_semaphore, #tpu.memory_space<semaphore_mem>>, %arg13: memref<!tpu.dma_semaphore, #tpu.memory_space<semaphore_mem>>, %arg14: memref<!tpu.dma_semaphore, #tpu.memory_space<semaphore_mem>>, %arg15: memref<!tpu.dma_semaphore, #tpu.memory_space<semaphore_mem>>, %arg16: memref<!tpu.dma_semaphore, #tpu.memory_space<semaphore_mem>>, %arg17: memref<10240x128xf32, #tpu.memory_space<vmem_shared>>) attributes {dimension_semantics = [#tpu.dimension_semantics<core_parallel>, #tpu.dimension_semantics<subcore_parallel>], iteration_bounds = array<i64: 2, 16>, scalar_prefetch = 0 : i64, scratch_operands = 12 : i64, tpu.core_type = #tpu.core_type<sc_vector_subcore>, window_params = [{transform_indices = #map}, {transform_indices = #map1}, {transform_indices = #map1}, {transform_indices = #map2}]} {
    %mul3A = arith.constant 16 : i32
    %mul3A_0 = arith.muli %arg0, %mul3A : i32
    %add3A = arith.addi %mul3A_0, %arg1 : i32
    "tpu.region"() ({
      %run_scoped3A_140 = tpu.sem_alloc : memref<!tpu.dma_semaphore, #tpu.memory_space<semaphore_mem>>
      %dma_start3A_141 = arith.constant 0 : i32
      %dma_start3A_142 = arith.constant 0 : i32
      %dma_start3A_143 = tpu.memref_slice %arg3[%add3A, %dma_start3A_141, %dma_start3A_142] : memref<32x81x64xi32, #tpu.memory_space<hbm>> -> memref<1x81x64xi32, #tpu.memory_space<hbm>>
      %dma_start3A_144 = tpu.memref_squeeze %dma_start3A_143 : memref<1x81x64xi32, #tpu.memory_space<hbm>> -> memref<81x64xi32, #tpu.memory_space<hbm>>
      %dma_start3A_145 = arith.constant 0 : i32
      %dma_start3A_146 = arith.constant 0 : i32
      %dma_start3A_147 = tpu.memref_slice %arg3[%add3A, %dma_start3A_145, %dma_start3A_146] : memref<32x81x64xi32, #tpu.memory_space<hbm>> -> memref<1x81x64xi32, #tpu.memory_space<hbm>>
      %dma_start3A_148 = tpu.memref_squeeze %dma_start3A_147 : memref<1x81x64xi32, #tpu.memory_space<hbm>> -> memref<81x64xi32, #tpu.memory_space<hbm>>
      tpu.enqueue_dma source(%dma_start3A_148 : memref<81x64xi32, #tpu.memory_space<hbm>>) target(%arg6 : memref<81x64xi32, #tpu.memory_space<vmem>>) target_semaphore(%run_scoped3A_140 : memref<!tpu.dma_semaphore, #tpu.memory_space<semaphore_mem>>)
      %dma_wait3A_149 = arith.constant 0 : i32
      %dma_wait3A_150 = arith.constant 0 : i32
      %dma_wait3A_151 = tpu.memref_slice %arg3[%add3A, %dma_wait3A_149, %dma_wait3A_150] : memref<32x81x64xi32, #tpu.memory_space<hbm>> -> memref<1x81x64xi32, #tpu.memory_space<hbm>>
      %dma_wait3A_152 = tpu.memref_squeeze %dma_wait3A_151 : memref<1x81x64xi32, #tpu.memory_space<hbm>> -> memref<81x64xi32, #tpu.memory_space<hbm>>
      %dma_wait3A_153 = arith.constant 0 : i32
      %dma_wait3A_154 = arith.constant 0 : i32
      %dma_wait3A_155 = tpu.memref_slice %arg3[%add3A, %dma_wait3A_153, %dma_wait3A_154] : memref<32x81x64xi32, #tpu.memory_space<hbm>> -> memref<1x81x64xi32, #tpu.memory_space<hbm>>
      %dma_wait3A_156 = tpu.memref_squeeze %dma_wait3A_155 : memref<1x81x64xi32, #tpu.memory_space<hbm>> -> memref<81x64xi32, #tpu.memory_space<hbm>>
      tpu.wait_dma2 semaphore(%run_scoped3A_140 : memref<!tpu.dma_semaphore, #tpu.memory_space<semaphore_mem>>) src(%dma_wait3A_156 : memref<81x64xi32, #tpu.memory_space<hbm>>) dst(%arg6 : memref<81x64xi32, #tpu.memory_space<vmem>>)
      tpu.yield
    }) : () -> ()
    "tpu.region"() ({
      %run_scoped3A_140 = tpu.sem_alloc : memref<!tpu.dma_semaphore, #tpu.memory_space<semaphore_mem>>
      %dma_start3A_141 = arith.constant 0 : i32
      %dma_start3A_142 = arith.constant 0 : i32
      %dma_start3A_143 = tpu.memref_slice %arg4[%add3A, %dma_start3A_141, %dma_start3A_142] : memref<32x81x64xi32, #tpu.memory_space<hbm>> -> memref<1x81x64xi32, #tpu.memory_space<hbm>>
      %dma_start3A_144 = tpu.memref_squeeze %dma_start3A_143 : memref<1x81x64xi32, #tpu.memory_space<hbm>> -> memref<81x64xi32, #tpu.memory_space<hbm>>
      %dma_start3A_145 = arith.constant 0 : i32
      %dma_start3A_146 = arith.constant 0 : i32
      %dma_start3A_147 = tpu.memref_slice %arg4[%add3A, %dma_start3A_145, %dma_start3A_146] : memref<32x81x64xi32, #tpu.memory_space<hbm>> -> memref<1x81x64xi32, #tpu.memory_space<hbm>>
      %dma_start3A_148 = tpu.memref_squeeze %dma_start3A_147 : memref<1x81x64xi32, #tpu.memory_space<hbm>> -> memref<81x64xi32, #tpu.memory_space<hbm>>
      tpu.enqueue_dma source(%dma_start3A_148 : memref<81x64xi32, #tpu.memory_space<hbm>>) target(%arg7 : memref<81x64xi32, #tpu.memory_space<vmem>>) target_semaphore(%run_scoped3A_140 : memref<!tpu.dma_semaphore, #tpu.memory_space<semaphore_mem>>)
      %dma_wait3A_149 = arith.constant 0 : i32
      %dma_wait3A_150 = arith.constant 0 : i32
      %dma_wait3A_151 = tpu.memref_slice %arg4[%add3A, %dma_wait3A_149, %dma_wait3A_150] : memref<32x81x64xi32, #tpu.memory_space<hbm>> -> memref<1x81x64xi32, #tpu.memory_space<hbm>>
      %dma_wait3A_152 = tpu.memref_squeeze %dma_wait3A_151 : memref<1x81x64xi32, #tpu.memory_space<hbm>> -> memref<81x64xi32, #tpu.memory_space<hbm>>
      %dma_wait3A_153 = arith.constant 0 : i32
      %dma_wait3A_154 = arith.constant 0 : i32
      %dma_wait3A_155 = tpu.memref_slice %arg4[%add3A, %dma_wait3A_153, %dma_wait3A_154] : memref<32x81x64xi32, #tpu.memory_space<hbm>> -> memref<1x81x64xi32, #tpu.memory_space<hbm>>
      %dma_wait3A_156 = tpu.memref_squeeze %dma_wait3A_155 : memref<1x81x64xi32, #tpu.memory_space<hbm>> -> memref<81x64xi32, #tpu.memory_space<hbm>>
      tpu.wait_dma2 semaphore(%run_scoped3A_140 : memref<!tpu.dma_semaphore, #tpu.memory_space<semaphore_mem>>) src(%dma_wait3A_156 : memref<81x64xi32, #tpu.memory_space<hbm>>) dst(%arg7 : memref<81x64xi32, #tpu.memory_space<vmem>>)
      tpu.yield
    }) : () -> ()
    %dma_start3A = arith.constant 0 : i32
    %dma_start3A_1 = arith.constant 0 : i32
    %dma_start3A_2 = tpu.memref_slice %arg6[%dma_start3A, %dma_start3A_1] : memref<81x64xi32, #tpu.memory_space<vmem>> -> memref<1x64xi32, #tpu.memory_space<vmem>>
    %dma_start3A_3 = tpu.memref_squeeze %dma_start3A_2 : memref<1x64xi32, #tpu.memory_space<vmem>> -> memref<64xi32, #tpu.memory_space<vmem>>
    %dma_start3A_4 = arith.constant 0 : i32
    %dma_start3A_5 = arith.constant 0 : i32
    %dma_start3A_6 = tpu.memref_slice %arg2[%dma_start3A_4, %dma_start3A_5] : memref<10000x128xf32, #tpu.memory_space<hbm>> -> memref<10000x128xf32, #tpu.memory_space<hbm>>
    tpu.enqueue_indirect_dma source(%dma_start3A_6 : memref<10000x128xf32, #tpu.memory_space<hbm>>) target(%arg8 : memref<64x128xf32, #tpu.memory_space<vmem>>) offsets(%dma_start3A_3 : memref<64xi32, #tpu.memory_space<vmem>>) semaphore(%arg11 : memref<!tpu.dma_semaphore, #tpu.memory_space<semaphore_mem>>)
    %dma_start3A_7 = arith.constant 1 : i32
    %dma_start3A_8 = arith.constant 0 : i32
    %dma_start3A_9 = tpu.memref_slice %arg6[%dma_start3A_7, %dma_start3A_8] : memref<81x64xi32, #tpu.memory_space<vmem>> -> memref<1x64xi32, #tpu.memory_space<vmem>>
    %dma_start3A_10 = tpu.memref_squeeze %dma_start3A_9 : memref<1x64xi32, #tpu.memory_space<vmem>> -> memref<64xi32, #tpu.memory_space<vmem>>
    %dma_start3A_11 = arith.constant 0 : i32
    %dma_start3A_12 = arith.constant 0 : i32
    %dma_start3A_13 = tpu.memref_slice %arg2[%dma_start3A_11, %dma_start3A_12] : memref<10000x128xf32, #tpu.memory_space<hbm>> -> memref<10000x128xf32, #tpu.memory_space<hbm>>
    tpu.enqueue_indirect_dma source(%dma_start3A_13 : memref<10000x128xf32, #tpu.memory_space<hbm>>) target(%arg9 : memref<64x128xf32, #tpu.memory_space<vmem>>) offsets(%dma_start3A_10 : memref<64xi32, #tpu.memory_space<vmem>>) semaphore(%arg12 : memref<!tpu.dma_semaphore, #tpu.memory_space<semaphore_mem>>)
    %broadcast_in_dim3A = arith.constant 0.000000e+00 : f32
    %broadcast_in_dim3A_14 = vector.broadcast %broadcast_in_dim3A : f32 to vector<16xf32>
    %scan3A = arith.constant 0 : i32
    %scan3A_15 = arith.constant 0 : i32
    %scan3A_16 = arith.constant 64 : i32
    %scan3A_17 = arith.addi %scan3A_15, %scan3A_16 : i32
    %scan3A_18 = arith.constant 1 : i32
    scf.for %scan3A_140 = %scan3A_15 to %scan3A_17 step %scan3A_18  : i32 {
      %swap3A = arith.index_cast %scan3A_140 : i32 to index
      %swap3A_141 = arith.constant 0 : index
      %swap3A_142 = tpu.vector_load %arg10[%swap3A, %swap3A_141] {strides = array<i32>} : memref<64x128xf32, #tpu.memory_space<vmem>>, vector<1x16xf32>,
      %swap3A_143 = vector.shape_cast %swap3A_142 : vector<1x16xf32> to vector<16xf32>
      %swap3A_144 = vector.shape_cast %broadcast_in_dim3A_14 : vector<16xf32> to vector<1x16xf32>
      tpu.vector_store %arg10[%swap3A, %swap3A_141], %swap3A_144 {strides = array<i32>} : memref<64x128xf32, #tpu.memory_space<vmem>>, vector<1x16xf32>,
      %swap3A_145 = arith.index_cast %scan3A_140 : i32 to index
      %swap3A_146 = arith.constant 16 : index
      %swap3A_147 = tpu.vector_load %arg10[%swap3A_145, %swap3A_146] {strides = array<i32>} : memref<64x128xf32, #tpu.memory_space<vmem>>, vector<1x16xf32>,
      %swap3A_148 = vector.shape_cast %swap3A_147 : vector<1x16xf32> to vector<16xf32>
      %swap3A_149 = vector.shape_cast %broadcast_in_dim3A_14 : vector<16xf32> to vector<1x16xf32>
      tpu.vector_store %arg10[%swap3A_145, %swap3A_146], %swap3A_149 {strides = array<i32>} : memref<64x128xf32, #tpu.memory_space<vmem>>, vector<1x16xf32>,
      %swap3A_150 = arith.index_cast %scan3A_140 : i32 to index
      %swap3A_151 = arith.constant 32 : index
      %swap3A_152 = tpu.vector_load %arg10[%swap3A_150, %swap3A_151] {strides = array<i32>} : memref<64x128xf32, #tpu.memory_space<vmem>>, vector<1x16xf32>,
      %swap3A_153 = vector.shape_cast %swap3A_152 : vector<1x16xf32> to vector<16xf32>
      %swap3A_154 = vector.shape_cast %broadcast_in_dim3A_14 : vector<16xf32> to vector<1x16xf32>
      tpu.vector_store %arg10[%swap3A_150, %swap3A_151], %swap3A_154 {strides = array<i32>} : memref<64x128xf32, #tpu.memory_space<vmem>>, vector<1x16xf32>,
      %swap3A_155 = arith.index_cast %scan3A_140 : i32 to index
      %swap3A_156 = arith.constant 48 : index
      %swap3A_157 = tpu.vector_load %arg10[%swap3A_155, %swap3A_156] {strides = array<i32>} : memref<64x128xf32, #tpu.memory_space<vmem>>, vector<1x16xf32>,
      %swap3A_158 = vector.shape_cast %swap3A_157 : vector<1x16xf32> to vector<16xf32>
      %swap3A_159 = vector.shape_cast %broadcast_in_dim3A_14 : vector<16xf32> to vector<1x16xf32>
      tpu.vector_store %arg10[%swap3A_155, %swap3A_156], %swap3A_159 {strides = array<i32>} : memref<64x128xf32, #tpu.memory_space<vmem>>, vector<1x16xf32>,
      %swap3A_160 = arith.index_cast %scan3A_140 : i32 to index
      %swap3A_161 = arith.constant 64 : index
      %swap3A_162 = tpu.vector_load %arg10[%swap3A_160, %swap3A_161] {strides = array<i32>} : memref<64x128xf32, #tpu.memory_space<vmem>>, vector<1x16xf32>,
      %swap3A_163 = vector.shape_cast %swap3A_162 : vector<1x16xf32> to vector<16xf32>
      %swap3A_164 = vector.shape_cast %broadcast_in_dim3A_14 : vector<16xf32> to vector<1x16xf32>
      tpu.vector_store %arg10[%swap3A_160, %swap3A_161], %swap3A_164 {strides = array<i32>} : memref<64x128xf32, #tpu.memory_space<vmem>>, vector<1x16xf32>,
      %swap3A_165 = arith.index_cast %scan3A_140 : i32 to index
      %swap3A_166 = arith.constant 80 : index
      %swap3A_167 = tpu.vector_load %arg10[%swap3A_165, %swap3A_166] {strides = array<i32>} : memref<64x128xf32, #tpu.memory_space<vmem>>, vector<1x16xf32>,
      %swap3A_168 = vector.shape_cast %swap3A_167 : vector<1x16xf32> to vector<16xf32>
      %swap3A_169 = vector.shape_cast %broadcast_in_dim3A_14 : vector<16xf32> to vector<1x16xf32>
      tpu.vector_store %arg10[%swap3A_165, %swap3A_166], %swap3A_169 {strides = array<i32>} : memref<64x128xf32, #tpu.memory_space<vmem>>, vector<1x16xf32>,
      %swap3A_170 = arith.index_cast %scan3A_140 : i32 to index
      %swap3A_171 = arith.constant 96 : index
      %swap3A_172 = tpu.vector_load %arg10[%swap3A_170, %swap3A_171] {strides = array<i32>} : memref<64x128xf32, #tpu.memory_space<vmem>>, vector<1x16xf32>,
      %swap3A_173 = vector.shape_cast %swap3A_172 : vector<1x16xf32> to vector<16xf32>
      %swap3A_174 = vector.shape_cast %broadcast_in_dim3A_14 : vector<16xf32> to vector<1x16xf32>
      tpu.vector_store %arg10[%swap3A_170, %swap3A_171], %swap3A_174 {strides = array<i32>} : memref<64x128xf32, #tpu.memory_space<vmem>>, vector<1x16xf32>,
      %swap3A_175 = arith.index_cast %scan3A_140 : i32 to index
      %swap3A_176 = arith.constant 112 : index
      %swap3A_177 = tpu.vector_load %arg10[%swap3A_175, %swap3A_176] {strides = array<i32>} : memref<64x128xf32, #tpu.memory_space<vmem>>, vector<1x16xf32>,
      %swap3A_178 = vector.shape_cast %swap3A_177 : vector<1x16xf32> to vector<16xf32>
      %swap3A_179 = vector.shape_cast %broadcast_in_dim3A_14 : vector<16xf32> to vector<1x16xf32>
      tpu.vector_store %arg10[%swap3A_175, %swap3A_176], %swap3A_179 {strides = array<i32>} : memref<64x128xf32, #tpu.memory_space<vmem>>, vector<1x16xf32>,
    }
    %scan3A_19 = arith.constant 64 : i32
    %scan3A_20 = arith.constant 0 : i32
    %scan3A_21 = arith.constant 0 : i32
    %scan3A_22 = arith.constant 10 : i32
    %scan3A_23 = arith.addi %scan3A_21, %scan3A_22 : i32
    %scan3A_24 = arith.constant 1 : i32
    scf.for %scan3A_140 = %scan3A_21 to %scan3A_23 step %scan3A_24  : i32 {
      %mul3A_141 = arith.constant 640 : i32
      %mul3A_142 = arith.muli %arg1, %mul3A_141 : i32
      %mul3A_143 = arith.constant 64 : i32
      %mul3A_144 = arith.muli %scan3A_140, %mul3A_143 : i32
      %add3A_145 = arith.addi %mul3A_142, %mul3A_144 : i32
      %dma_start3A_146 = arith.constant 0 : i32
      %dma_start3A_147 = tpu.memref_slice %arg17[%add3A_145, %dma_start3A_146] : memref<10240x128xf32, #tpu.memory_space<vmem_shared>> -> memref<64x128xf32, #tpu.memory_space<vmem_shared>>
      %dma_start3A_148 = arith.constant 0 : i32
      %dma_start3A_149 = tpu.memref_slice %arg17[%add3A_145, %dma_start3A_148] : memref<10240x128xf32, #tpu.memory_space<vmem_shared>> -> memref<64x128xf32, #tpu.memory_space<vmem_shared>>
      tpu.enqueue_dma source(%arg10 : memref<64x128xf32, #tpu.memory_space<vmem>>) target(%dma_start3A_149 : memref<64x128xf32, #tpu.memory_space<vmem_shared>>) target_semaphore(%arg16 : memref<!tpu.dma_semaphore, #tpu.memory_space<semaphore_mem>>)
    }
    %scan3A_25 = arith.constant 10 : i32
    %scan3A_26 = arith.constant 0 : i32
    %scan3A_27 = arith.constant 0 : i32
    %scan3A_28 = arith.constant 10 : i32
    %scan3A_29 = arith.addi %scan3A_27, %scan3A_28 : i32
    %scan3A_30 = arith.constant 1 : i32
    scf.for %scan3A_140 = %scan3A_27 to %scan3A_29 step %scan3A_30  : i32 {
      %mul3A_141 = arith.constant 640 : i32
      %mul3A_142 = arith.muli %arg1, %mul3A_141 : i32
      %mul3A_143 = arith.constant 64 : i32
      %mul3A_144 = arith.muli %scan3A_140, %mul3A_143 : i32
      %add3A_145 = arith.addi %mul3A_142, %mul3A_144 : i32
      %dma_wait3A_146 = arith.constant 0 : i32
      %dma_wait3A_147 = tpu.memref_slice %arg17[%add3A_145, %dma_wait3A_146] : memref<10240x128xf32, #tpu.memory_space<vmem_shared>> -> memref<64x128xf32, #tpu.memory_space<vmem_shared>>
      %dma_wait3A_148 = arith.constant 0 : i32
      %dma_wait3A_149 = tpu.memref_slice %arg17[%add3A_145, %dma_wait3A_148] : memref<10240x128xf32, #tpu.memory_space<vmem_shared>> -> memref<64x128xf32, #tpu.memory_space<vmem_shared>>
      tpu.wait_dma2 semaphore(%arg16 : memref<!tpu.dma_semaphore, #tpu.memory_space<semaphore_mem>>) src(%arg10 : memref<64x128xf32, #tpu.memory_space<vmem>>) dst(%dma_wait3A_149 : memref<64x128xf32, #tpu.memory_space<vmem_shared>>)
    }
    %scan3A_31 = arith.constant 10 : i32
    %barrier3A = arith.constant 0 : index
    tpu.barrier barrier_id(%barrier3A)
    %dma_start3A_32 = arith.constant 2 : i32
    %dma_start3A_33 = arith.constant 0 : i32
    %dma_start3A_34 = tpu.memref_slice %arg6[%dma_start3A_32, %dma_start3A_33] : memref<81x64xi32, #tpu.memory_space<vmem>> -> memref<1x64xi32, #tpu.memory_space<vmem>>
    %dma_start3A_35 = tpu.memref_squeeze %dma_start3A_34 : memref<1x64xi32, #tpu.memory_space<vmem>> -> memref<64xi32, #tpu.memory_space<vmem>>
    %dma_start3A_36 = arith.constant 0 : i32
    %dma_start3A_37 = arith.constant 0 : i32
    %dma_start3A_38 = tpu.memref_slice %arg2[%dma_start3A_36, %dma_start3A_37] : memref<10000x128xf32, #tpu.memory_space<hbm>> -> memref<10000x128xf32, #tpu.memory_space<hbm>>
    tpu.enqueue_indirect_dma source(%dma_start3A_38 : memref<10000x128xf32, #tpu.memory_space<hbm>>) target(%arg10 : memref<64x128xf32, #tpu.memory_space<vmem>>) offsets(%dma_start3A_35 : memref<64xi32, #tpu.memory_space<vmem>>) semaphore(%arg13 : memref<!tpu.dma_semaphore, #tpu.memory_space<semaphore_mem>>)
    %dma_wait3A = arith.constant 0 : i32
    %dma_wait3A_39 = arith.constant 0 : i32
    %dma_wait3A_40 = tpu.memref_slice %arg6[%dma_wait3A, %dma_wait3A_39] : memref<81x64xi32, #tpu.memory_space<vmem>> -> memref<1x64xi32, #tpu.memory_space<vmem>>
    %dma_wait3A_41 = tpu.memref_squeeze %dma_wait3A_40 : memref<1x64xi32, #tpu.memory_space<vmem>> -> memref<64xi32, #tpu.memory_space<vmem>>
    %dma_wait3A_42 = arith.constant 0 : i32
    %dma_wait3A_43 = arith.constant 0 : i32
    %dma_wait3A_44 = tpu.memref_slice %arg2[%dma_wait3A_42, %dma_wait3A_43] : memref<10000x128xf32, #tpu.memory_space<hbm>> -> memref<10000x128xf32, #tpu.memory_space<hbm>>
    tpu.wait_indirect_dma semaphore(%arg11 : memref<!tpu.dma_semaphore, #tpu.memory_space<semaphore_mem>>) src(%dma_wait3A_44 : memref<10000x128xf32, #tpu.memory_space<hbm>>) dst(%arg8 : memref<64x128xf32, #tpu.memory_space<vmem>>)
    %dma_start3A_45 = arith.constant 0 : i32
    %dma_start3A_46 = arith.constant 0 : i32
    %dma_start3A_47 = tpu.memref_slice %arg7[%dma_start3A_45, %dma_start3A_46] : memref<81x64xi32, #tpu.memory_space<vmem>> -> memref<1x64xi32, #tpu.memory_space<vmem>>
    %dma_start3A_48 = tpu.memref_squeeze %dma_start3A_47 : memref<1x64xi32, #tpu.memory_space<vmem>> -> memref<64xi32, #tpu.memory_space<vmem>>
    %dma_start3A_49 = arith.constant 0 : i32
    %dma_start3A_50 = arith.constant 0 : i32
    %dma_start3A_51 = tpu.memref_slice %arg17[%dma_start3A_49, %dma_start3A_50] : memref<10240x128xf32, #tpu.memory_space<vmem_shared>> -> memref<10240x128xf32, #tpu.memory_space<vmem_shared>>
    tpu.enqueue_indirect_dma source(%arg8 : memref<64x128xf32, #tpu.memory_space<vmem>>) target(%dma_start3A_51 : memref<10240x128xf32, #tpu.memory_space<vmem_shared>>) offsets(%dma_start3A_48 : memref<64xi32, #tpu.memory_space<vmem>>) semaphore(%arg14 : memref<!tpu.dma_semaphore, #tpu.memory_space<semaphore_mem>>) {add = true}
    %dma_wait3A_52 = arith.constant 0 : i32
    %dma_wait3A_53 = arith.constant 0 : i32
    %dma_wait3A_54 = tpu.memref_slice %arg7[%dma_wait3A_52, %dma_wait3A_53] : memref<81x64xi32, #tpu.memory_space<vmem>> -> memref<1x64xi32, #tpu.memory_space<vmem>>
    %dma_wait3A_55 = tpu.memref_squeeze %dma_wait3A_54 : memref<1x64xi32, #tpu.memory_space<vmem>> -> memref<64xi32, #tpu.memory_space<vmem>>
    %dma_wait3A_56 = arith.constant 0 : i32
    %dma_wait3A_57 = arith.constant 0 : i32
    %dma_wait3A_58 = tpu.memref_slice %arg17[%dma_wait3A_56, %dma_wait3A_57] : memref<10240x128xf32, #tpu.memory_space<vmem_shared>> -> memref<10240x128xf32, #tpu.memory_space<vmem_shared>>
    tpu.wait_indirect_dma semaphore(%arg14 : memref<!tpu.dma_semaphore, #tpu.memory_space<semaphore_mem>>) src(%arg8 : memref<64x128xf32, #tpu.memory_space<vmem>>) dst(%dma_wait3A_58 : memref<10240x128xf32, #tpu.memory_space<vmem_shared>>)
    %dma_start3A_59 = arith.constant 3 : i32
    %dma_start3A_60 = arith.constant 0 : i32
    %dma_start3A_61 = tpu.memref_slice %arg6[%dma_start3A_59, %dma_start3A_60] : memref<81x64xi32, #tpu.memory_space<vmem>> -> memref<1x64xi32, #tpu.memory_space<vmem>>
    %dma_start3A_62 = tpu.memref_squeeze %dma_start3A_61 : memref<1x64xi32, #tpu.memory_space<vmem>> -> memref<64xi32, #tpu.memory_space<vmem>>
    %dma_start3A_63 = arith.constant 0 : i32
    %dma_start3A_64 = arith.constant 0 : i32
    %dma_start3A_65 = tpu.memref_slice %arg2[%dma_start3A_63, %dma_start3A_64] : memref<10000x128xf32, #tpu.memory_space<hbm>> -> memref<10000x128xf32, #tpu.memory_space<hbm>>
    tpu.enqueue_indirect_dma source(%dma_start3A_65 : memref<10000x128xf32, #tpu.memory_space<hbm>>) target(%arg8 : memref<64x128xf32, #tpu.memory_space<vmem>>) offsets(%dma_start3A_62 : memref<64xi32, #tpu.memory_space<vmem>>) semaphore(%arg11 : memref<!tpu.dma_semaphore, #tpu.memory_space<semaphore_mem>>)
    %dma_wait3A_66 = arith.constant 1 : i32
    %dma_wait3A_67 = arith.constant 0 : i32
    %dma_wait3A_68 = tpu.memref_slice %arg6[%dma_wait3A_66, %dma_wait3A_67] : memref<81x64xi32, #tpu.memory_space<vmem>> -> memref<1x64xi32, #tpu.memory_space<vmem>>
    %dma_wait3A_69 = tpu.memref_squeeze %dma_wait3A_68 : memref<1x64xi32, #tpu.memory_space<vmem>> -> memref<64xi32, #tpu.memory_space<vmem>>
    %dma_wait3A_70 = arith.constant 0 : i32
    %dma_wait3A_71 = arith.constant 0 : i32
    %dma_wait3A_72 = tpu.memref_slice %arg2[%dma_wait3A_70, %dma_wait3A_71] : memref<10000x128xf32, #tpu.memory_space<hbm>> -> memref<10000x128xf32, #tpu.memory_space<hbm>>
    tpu.wait_indirect_dma semaphore(%arg12 : memref<!tpu.dma_semaphore, #tpu.memory_space<semaphore_mem>>) src(%dma_wait3A_72 : memref<10000x128xf32, #tpu.memory_space<hbm>>) dst(%arg9 : memref<64x128xf32, #tpu.memory_space<vmem>>)
    %dma_start3A_73 = arith.constant 1 : i32
    %dma_start3A_74 = arith.constant 0 : i32
    %dma_start3A_75 = tpu.memref_slice %arg7[%dma_start3A_73, %dma_start3A_74] : memref<81x64xi32, #tpu.memory_space<vmem>> -> memref<1x64xi32, #tpu.memory_space<vmem>>
    %dma_start3A_76 = tpu.memref_squeeze %dma_start3A_75 : memref<1x64xi32, #tpu.memory_space<vmem>> -> memref<64xi32, #tpu.memory_space<vmem>>
    %dma_start3A_77 = arith.constant 0 : i32
    %dma_start3A_78 = arith.constant 0 : i32
    %dma_start3A_79 = tpu.memref_slice %arg17[%dma_start3A_77, %dma_start3A_78] : memref<10240x128xf32, #tpu.memory_space<vmem_shared>> -> memref<10240x128xf32, #tpu.memory_space<vmem_shared>>
    tpu.enqueue_indirect_dma source(%arg9 : memref<64x128xf32, #tpu.memory_space<vmem>>) target(%dma_start3A_79 : memref<10240x128xf32, #tpu.memory_space<vmem_shared>>) offsets(%dma_start3A_76 : memref<64xi32, #tpu.memory_space<vmem>>) semaphore(%arg15 : memref<!tpu.dma_semaphore, #tpu.memory_space<semaphore_mem>>) {add = true}
    %dma_wait3A_80 = arith.constant 1 : i32
    %dma_wait3A_81 = arith.constant 0 : i32
    %dma_wait3A_82 = tpu.memref_slice %arg7[%dma_wait3A_80, %dma_wait3A_81] : memref<81x64xi32, #tpu.memory_space<vmem>> -> memref<1x64xi32, #tpu.memory_space<vmem>>
    %dma_wait3A_83 = tpu.memref_squeeze %dma_wait3A_82 : memref<1x64xi32, #tpu.memory_space<vmem>> -> memref<64xi32, #tpu.memory_space<vmem>>
    %dma_wait3A_84 = arith.constant 0 : i32
    %dma_wait3A_85 = arith.constant 0 : i32
    %dma_wait3A_86 = tpu.memref_slice %arg17[%dma_wait3A_84, %dma_wait3A_85] : memref<10240x128xf32, #tpu.memory_space<vmem_shared>> -> memref<10240x128xf32, #tpu.memory_space<vmem_shared>>
    tpu.wait_indirect_dma semaphore(%arg15 : memref<!tpu.dma_semaphore, #tpu.memory_space<semaphore_mem>>) src(%arg9 : memref<64x128xf32, #tpu.memory_space<vmem>>) dst(%dma_wait3A_86 : memref<10240x128xf32, #tpu.memory_space<vmem_shared>>)
    %dma_start3A_87 = arith.constant 4 : i32
    %dma_start3A_88 = arith.constant 0 : i32
    %dma_start3A_89 = tpu.memref_slice %arg6[%dma_start3A_87, %dma_start3A_88] : memref<81x64xi32, #tpu.memory_space<vmem>> -> memref<1x64xi32, #tpu.memory_space<vmem>>
    %dma_start3A_90 = tpu.memref_squeeze %dma_start3A_89 : memref<1x64xi32, #tpu.memory_space<vmem>> -> memref<64xi32, #tpu.memory_space<vmem>>
    %dma_start3A_91 = arith.constant 0 : i32
    %dma_start3A_92 = arith.constant 0 : i32
    %dma_start3A_93 = tpu.memref_slice %arg2[%dma_start3A_91, %dma_start3A_92] : memref<10000x128xf32, #tpu.memory_space<hbm>> -> memref<10000x128xf32, #tpu.memory_space<hbm>>
    tpu.enqueue_indirect_dma source(%dma_start3A_93 : memref<10000x128xf32, #tpu.memory_space<hbm>>) target(%arg9 : memref<64x128xf32, #tpu.memory_space<vmem>>) offsets(%dma_start3A_90 : memref<64xi32, #tpu.memory_space<vmem>>) semaphore(%arg12 : memref<!tpu.dma_semaphore, #tpu.memory_space<semaphore_mem>>)
    %dma_wait3A_94 = arith.constant 2 : i32
    %dma_wait3A_95 = arith.constant 0 : i32
    %dma_wait3A_96 = tpu.memref_slice %arg6[%dma_wait3A_94, %dma_wait3A_95] : memref<81x64xi32, #tpu.memory_space<vmem>> -> memref<1x64xi32, #tpu.memory_space<vmem>>
    %dma_wait3A_97 = tpu.memref_squeeze %dma_wait3A_96 : memref<1x64xi32, #tpu.memory_space<vmem>> -> memref<64xi32, #tpu.memory_space<vmem>>
    %dma_wait3A_98 = arith.constant 0 : i32
    %dma_wait3A_99 = arith.constant 0 : i32
    %dma_wait3A_100 = tpu.memref_slice %arg2[%dma_wait3A_98, %dma_wait3A_99] : memref<10000x128xf32, #tpu.memory_space<hbm>> -> memref<10000x128xf32, #tpu.memory_space<hbm>>
    tpu.wait_indirect_dma semaphore(%arg13 : memref<!tpu.dma_semaphore, #tpu.memory_space<semaphore_mem>>) src(%dma_wait3A_100 : memref<10000x128xf32, #tpu.memory_space<hbm>>) dst(%arg10 : memref<64x128xf32, #tpu.memory_space<vmem>>)
    %dma_start3A_101 = arith.constant 2 : i32
    %dma_start3A_102 = arith.constant 0 : i32
    %dma_start3A_103 = tpu.memref_slice %arg7[%dma_start3A_101, %dma_start3A_102] : memref<81x64xi32, #tpu.memory_space<vmem>> -> memref<1x64xi32, #tpu.memory_space<vmem>>
    %dma_start3A_104 = tpu.memref_squeeze %dma_start3A_103 : memref<1x64xi32, #tpu.memory_space<vmem>> -> memref<64xi32, #tpu.memory_space<vmem>>
    %dma_start3A_105 = arith.constant 0 : i32
    %dma_start3A_106 = arith.constant 0 : i32
    %dma_start3A_107 = tpu.memref_slice %arg17[%dma_start3A_105, %dma_start3A_106] : memref<10240x128xf32, #tpu.memory_space<vmem_shared>> -> memref<10240x128xf32, #tpu.memory_space<vmem_shared>>
    tpu.enqueue_indirect_dma source(%arg10 : memref<64x128xf32, #tpu.memory_space<vmem>>) target(%dma_start3A_107 : memref<10240x128xf32, #tpu.memory_space<vmem_shared>>) offsets(%dma_start3A_104 : memref<64xi32, #tpu.memory_space<vmem>>) semaphore(%arg16 : memref<!tpu.dma_semaphore, #tpu.memory_space<semaphore_mem>>) {add = true}
    %scan3A_108 = arith.constant 0 : i32
    %scan3A_109 = arith.constant 1 : i32
    %scan3A_110 = arith.constant 26 : i32
    %scan3A_111 = arith.addi %scan3A_109, %scan3A_110 : i32
    %scan3A_112 = arith.constant 1 : i32
    scf.for %scan3A_140 = %scan3A_109 to %scan3A_111 step %scan3A_112  : i32 {
      %mul3A_141 = arith.constant 3 : i32
      %mul3A_142 = arith.muli %mul3A_141, %scan3A_140 : i32
      %add3A_143 = arith.constant 0 : i32
      %add3A_144 = arith.addi %mul3A_142, %add3A_143 : i32
      %add3A_145 = arith.constant 2 : i32
      %add3A_146 = arith.addi %add3A_144, %add3A_145 : i32
      %min3A = arith.constant 80 : i32
      %min3A_147 = arith.minsi %add3A_146, %min3A : i32
      %sub3A = arith.constant 1 : i32
      %sub3A_148 = arith.subi %add3A_144, %sub3A : i32
      %dma_wait3A_149 = arith.constant 0 : i32
      %dma_wait3A_150 = tpu.memref_slice %arg7[%sub3A_148, %dma_wait3A_149] : memref<81x64xi32, #tpu.memory_space<vmem>> -> memref<1x64xi32, #tpu.memory_space<vmem>>
      %dma_wait3A_151 = tpu.memref_squeeze %dma_wait3A_150 : memref<1x64xi32, #tpu.memory_space<vmem>> -> memref<64xi32, #tpu.memory_space<vmem>>
      %dma_wait3A_152 = arith.constant 0 : i32
      %dma_wait3A_153 = arith.constant 0 : i32
      %dma_wait3A_154 = tpu.memref_slice %arg17[%dma_wait3A_152, %dma_wait3A_153] : memref<10240x128xf32, #tpu.memory_space<vmem_shared>> -> memref<10240x128xf32, #tpu.memory_space<vmem_shared>>
      tpu.wait_indirect_dma semaphore(%arg16 : memref<!tpu.dma_semaphore, #tpu.memory_space<semaphore_mem>>) src(%arg10 : memref<64x128xf32, #tpu.memory_space<vmem>>) dst(%dma_wait3A_154 : memref<10240x128xf32, #tpu.memory_space<vmem_shared>>)
      %dma_start3A_155 = arith.constant 0 : i32
      %dma_start3A_156 = tpu.memref_slice %arg6[%min3A_147, %dma_start3A_155] : memref<81x64xi32, #tpu.memory_space<vmem>> -> memref<1x64xi32, #tpu.memory_space<vmem>>
      %dma_start3A_157 = tpu.memref_squeeze %dma_start3A_156 : memref<1x64xi32, #tpu.memory_space<vmem>> -> memref<64xi32, #tpu.memory_space<vmem>>
      %dma_start3A_158 = arith.constant 0 : i32
      %dma_start3A_159 = arith.constant 0 : i32
      %dma_start3A_160 = tpu.memref_slice %arg2[%dma_start3A_158, %dma_start3A_159] : memref<10000x128xf32, #tpu.memory_space<hbm>> -> memref<10000x128xf32, #tpu.memory_space<hbm>>
      tpu.enqueue_indirect_dma source(%dma_start3A_160 : memref<10000x128xf32, #tpu.memory_space<hbm>>) target(%arg10 : memref<64x128xf32, #tpu.memory_space<vmem>>) offsets(%dma_start3A_157 : memref<64xi32, #tpu.memory_space<vmem>>) semaphore(%arg13 : memref<!tpu.dma_semaphore, #tpu.memory_space<semaphore_mem>>)
      %dma_wait3A_161 = arith.constant 0 : i32
      %dma_wait3A_162 = tpu.memref_slice %arg6[%add3A_144, %dma_wait3A_161] : memref<81x64xi32, #tpu.memory_space<vmem>> -> memref<1x64xi32, #tpu.memory_space<vmem>>
      %dma_wait3A_163 = tpu.memref_squeeze %dma_wait3A_162 : memref<1x64xi32, #tpu.memory_space<vmem>> -> memref<64xi32, #tpu.memory_space<vmem>>
      %dma_wait3A_164 = arith.constant 0 : i32
      %dma_wait3A_165 = arith.constant 0 : i32
      %dma_wait3A_166 = tpu.memref_slice %arg2[%dma_wait3A_164, %dma_wait3A_165] : memref<10000x128xf32, #tpu.memory_space<hbm>> -> memref<10000x128xf32, #tpu.memory_space<hbm>>
      tpu.wait_indirect_dma semaphore(%arg11 : memref<!tpu.dma_semaphore, #tpu.memory_space<semaphore_mem>>) src(%dma_wait3A_166 : memref<10000x128xf32, #tpu.memory_space<hbm>>) dst(%arg8 : memref<64x128xf32, #tpu.memory_space<vmem>>)
      %dma_start3A_167 = arith.constant 0 : i32
      %dma_start3A_168 = tpu.memref_slice %arg7[%add3A_144, %dma_start3A_167] : memref<81x64xi32, #tpu.memory_space<vmem>> -> memref<1x64xi32, #tpu.memory_space<vmem>>
      %dma_start3A_169 = tpu.memref_squeeze %dma_start3A_168 : memref<1x64xi32, #tpu.memory_space<vmem>> -> memref<64xi32, #tpu.memory_space<vmem>>
      %dma_start3A_170 = arith.constant 0 : i32
      %dma_start3A_171 = arith.constant 0 : i32
      %dma_start3A_172 = tpu.memref_slice %arg17[%dma_start3A_170, %dma_start3A_171] : memref<10240x128xf32, #tpu.memory_space<vmem_shared>> -> memref<10240x128xf32, #tpu.memory_space<vmem_shared>>
      tpu.enqueue_indirect_dma source(%arg8 : memref<64x128xf32, #tpu.memory_space<vmem>>) target(%dma_start3A_172 : memref<10240x128xf32, #tpu.memory_space<vmem_shared>>) offsets(%dma_start3A_169 : memref<64xi32, #tpu.memory_space<vmem>>) semaphore(%arg14 : memref<!tpu.dma_semaphore, #tpu.memory_space<semaphore_mem>>) {add = true}
      %mul3A_173 = arith.constant 3 : i32
      %mul3A_174 = arith.muli %mul3A_173, %scan3A_140 : i32
      %add3A_175 = arith.constant 1 : i32
      %add3A_176 = arith.addi %mul3A_174, %add3A_175 : i32
      %add3A_177 = arith.constant 2 : i32
      %add3A_178 = arith.addi %add3A_176, %add3A_177 : i32
      %min3A_179 = arith.constant 80 : i32
      %min3A_180 = arith.minsi %add3A_178, %min3A_179 : i32
      %sub3A_181 = arith.constant 1 : i32
      %sub3A_182 = arith.subi %add3A_176, %sub3A_181 : i32
      %dma_wait3A_183 = arith.constant 0 : i32
      %dma_wait3A_184 = tpu.memref_slice %arg7[%sub3A_182, %dma_wait3A_183] : memref<81x64xi32, #tpu.memory_space<vmem>> -> memref<1x64xi32, #tpu.memory_space<vmem>>
      %dma_wait3A_185 = tpu.memref_squeeze %dma_wait3A_184 : memref<1x64xi32, #tpu.memory_space<vmem>> -> memref<64xi32, #tpu.memory_space<vmem>>
      %dma_wait3A_186 = arith.constant 0 : i32
      %dma_wait3A_187 = arith.constant 0 : i32
      %dma_wait3A_188 = tpu.memref_slice %arg17[%dma_wait3A_186, %dma_wait3A_187] : memref<10240x128xf32, #tpu.memory_space<vmem_shared>> -> memref<10240x128xf32, #tpu.memory_space<vmem_shared>>
      tpu.wait_indirect_dma semaphore(%arg14 : memref<!tpu.dma_semaphore, #tpu.memory_space<semaphore_mem>>) src(%arg8 : memref<64x128xf32, #tpu.memory_space<vmem>>) dst(%dma_wait3A_188 : memref<10240x128xf32, #tpu.memory_space<vmem_shared>>)
      %dma_start3A_189 = arith.constant 0 : i32
      %dma_start3A_190 = tpu.memref_slice %arg6[%min3A_180, %dma_start3A_189] : memref<81x64xi32, #tpu.memory_space<vmem>> -> memref<1x64xi32, #tpu.memory_space<vmem>>
      %dma_start3A_191 = tpu.memref_squeeze %dma_start3A_190 : memref<1x64xi32, #tpu.memory_space<vmem>> -> memref<64xi32, #tpu.memory_space<vmem>>
      %dma_start3A_192 = arith.constant 0 : i32
      %dma_start3A_193 = arith.constant 0 : i32
      %dma_start3A_194 = tpu.memref_slice %arg2[%dma_start3A_192, %dma_start3A_193] : memref<10000x128xf32, #tpu.memory_space<hbm>> -> memref<10000x128xf32, #tpu.memory_space<hbm>>
      tpu.enqueue_indirect_dma source(%dma_start3A_194 : memref<10000x128xf32, #tpu.memory_space<hbm>>) target(%arg8 : memref<64x128xf32, #tpu.memory_space<vmem>>) offsets(%dma_start3A_191 : memref<64xi32, #tpu.memory_space<vmem>>) semaphore(%arg11 : memref<!tpu.dma_semaphore, #tpu.memory_space<semaphore_mem>>)
      %dma_wait3A_195 = arith.constant 0 : i32
      %dma_wait3A_196 = tpu.memref_slice %arg6[%add3A_176, %dma_wait3A_195] : memref<81x64xi32, #tpu.memory_space<vmem>> -> memref<1x64xi32, #tpu.memory_space<vmem>>
      %dma_wait3A_197 = tpu.memref_squeeze %dma_wait3A_196 : memref<1x64xi32, #tpu.memory_space<vmem>> -> memref<64xi32, #tpu.memory_space<vmem>>
      %dma_wait3A_198 = arith.constant 0 : i32
      %dma_wait3A_199 = arith.constant 0 : i32
      %dma_wait3A_200 = tpu.memref_slice %arg2[%dma_wait3A_198, %dma_wait3A_199] : memref<10000x128xf32, #tpu.memory_space<hbm>> -> memref<10000x128xf32, #tpu.memory_space<hbm>>
      tpu.wait_indirect_dma semaphore(%arg12 : memref<!tpu.dma_semaphore, #tpu.memory_space<semaphore_mem>>) src(%dma_wait3A_200 : memref<10000x128xf32, #tpu.memory_space<hbm>>) dst(%arg9 : memref<64x128xf32, #tpu.memory_space<vmem>>)
      %dma_start3A_201 = arith.constant 0 : i32
      %dma_start3A_202 = tpu.memref_slice %arg7[%add3A_176, %dma_start3A_201] : memref<81x64xi32, #tpu.memory_space<vmem>> -> memref<1x64xi32, #tpu.memory_space<vmem>>
      %dma_start3A_203 = tpu.memref_squeeze %dma_start3A_202 : memref<1x64xi32, #tpu.memory_space<vmem>> -> memref<64xi32, #tpu.memory_space<vmem>>
      %dma_start3A_204 = arith.constant 0 : i32
      %dma_start3A_205 = arith.constant 0 : i32
      %dma_start3A_206 = tpu.memref_slice %arg17[%dma_start3A_204, %dma_start3A_205] : memref<10240x128xf32, #tpu.memory_space<vmem_shared>> -> memref<10240x128xf32, #tpu.memory_space<vmem_shared>>
      tpu.enqueue_indirect_dma source(%arg9 : memref<64x128xf32, #tpu.memory_space<vmem>>) target(%dma_start3A_206 : memref<10240x128xf32, #tpu.memory_space<vmem_shared>>) offsets(%dma_start3A_203 : memref<64xi32, #tpu.memory_space<vmem>>) semaphore(%arg15 : memref<!tpu.dma_semaphore, #tpu.memory_space<semaphore_mem>>) {add = true}
      %mul3A_207 = arith.constant 3 : i32
      %mul3A_208 = arith.muli %mul3A_207, %scan3A_140 : i32
      %add3A_209 = arith.constant 2 : i32
      %add3A_210 = arith.addi %mul3A_208, %add3A_209 : i32
      %add3A_211 = arith.constant 2 : i32
      %add3A_212 = arith.addi %add3A_210, %add3A_211 : i32
      %min3A_213 = arith.constant 80 : i32
      %min3A_214 = arith.minsi %add3A_212, %min3A_213 : i32
      %sub3A_215 = arith.constant 1 : i32
      %sub3A_216 = arith.subi %add3A_210, %sub3A_215 : i32
      %dma_wait3A_217 = arith.constant 0 : i32
      %dma_wait3A_218 = tpu.memref_slice %arg7[%sub3A_216, %dma_wait3A_217] : memref<81x64xi32, #tpu.memory_space<vmem>> -> memref<1x64xi32, #tpu.memory_space<vmem>>
      %dma_wait3A_219 = tpu.memref_squeeze %dma_wait3A_218 : memref<1x64xi32, #tpu.memory_space<vmem>> -> memref<64xi32, #tpu.memory_space<vmem>>
      %dma_wait3A_220 = arith.constant 0 : i32
      %dma_wait3A_221 = arith.constant 0 : i32
      %dma_wait3A_222 = tpu.memref_slice %arg17[%dma_wait3A_220, %dma_wait3A_221] : memref<10240x128xf32, #tpu.memory_space<vmem_shared>> -> memref<10240x128xf32, #tpu.memory_space<vmem_shared>>
      tpu.wait_indirect_dma semaphore(%arg15 : memref<!tpu.dma_semaphore, #tpu.memory_space<semaphore_mem>>) src(%arg9 : memref<64x128xf32, #tpu.memory_space<vmem>>) dst(%dma_wait3A_222 : memref<10240x128xf32, #tpu.memory_space<vmem_shared>>)
      %dma_start3A_223 = arith.constant 0 : i32
      %dma_start3A_224 = tpu.memref_slice %arg6[%min3A_214, %dma_start3A_223] : memref<81x64xi32, #tpu.memory_space<vmem>> -> memref<1x64xi32, #tpu.memory_space<vmem>>
      %dma_start3A_225 = tpu.memref_squeeze %dma_start3A_224 : memref<1x64xi32, #tpu.memory_space<vmem>> -> memref<64xi32, #tpu.memory_space<vmem>>
      %dma_start3A_226 = arith.constant 0 : i32
      %dma_start3A_227 = arith.constant 0 : i32
      %dma_start3A_228 = tpu.memref_slice %arg2[%dma_start3A_226, %dma_start3A_227] : memref<10000x128xf32, #tpu.memory_space<hbm>> -> memref<10000x128xf32, #tpu.memory_space<hbm>>
      tpu.enqueue_indirect_dma source(%dma_start3A_228 : memref<10000x128xf32, #tpu.memory_space<hbm>>) target(%arg9 : memref<64x128xf32, #tpu.memory_space<vmem>>) offsets(%dma_start3A_225 : memref<64xi32, #tpu.memory_space<vmem>>) semaphore(%arg12 : memref<!tpu.dma_semaphore, #tpu.memory_space<semaphore_mem>>)
      %dma_wait3A_229 = arith.constant 0 : i32
      %dma_wait3A_230 = tpu.memref_slice %arg6[%add3A_210, %dma_wait3A_229] : memref<81x64xi32, #tpu.memory_space<vmem>> -> memref<1x64xi32, #tpu.memory_space<vmem>>
      %dma_wait3A_231 = tpu.memref_squeeze %dma_wait3A_230 : memref<1x64xi32, #tpu.memory_space<vmem>> -> memref<64xi32, #tpu.memory_space<vmem>>
      %dma_wait3A_232 = arith.constant 0 : i32
      %dma_wait3A_233 = arith.constant 0 : i32
      %dma_wait3A_234 = tpu.memref_slice %arg2[%dma_wait3A_232, %dma_wait3A_233] : memref<10000x128xf32, #tpu.memory_space<hbm>> -> memref<10000x128xf32, #tpu.memory_space<hbm>>
      tpu.wait_indirect_dma semaphore(%arg13 : memref<!tpu.dma_semaphore, #tpu.memory_space<semaphore_mem>>) src(%dma_wait3A_234 : memref<10000x128xf32, #tpu.memory_space<hbm>>) dst(%arg10 : memref<64x128xf32, #tpu.memory_space<vmem>>)
      %dma_start3A_235 = arith.constant 0 : i32
      %dma_start3A_236 = tpu.memref_slice %arg7[%add3A_210, %dma_start3A_235] : memref<81x64xi32, #tpu.memory_space<vmem>> -> memref<1x64xi32, #tpu.memory_space<vmem>>
      %dma_start3A_237 = tpu.memref_squeeze %dma_start3A_236 : memref<1x64xi32, #tpu.memory_space<vmem>> -> memref<64xi32, #tpu.memory_space<vmem>>
      %dma_start3A_238 = arith.constant 0 : i32
      %dma_start3A_239 = arith.constant 0 : i32
      %dma_start3A_240 = tpu.memref_slice %arg17[%dma_start3A_238, %dma_start3A_239] : memref<10240x128xf32, #tpu.memory_space<vmem_shared>> -> memref<10240x128xf32, #tpu.memory_space<vmem_shared>>
      tpu.enqueue_indirect_dma source(%arg10 : memref<64x128xf32, #tpu.memory_space<vmem>>) target(%dma_start3A_240 : memref<10240x128xf32, #tpu.memory_space<vmem_shared>>) offsets(%dma_start3A_237 : memref<64xi32, #tpu.memory_space<vmem>>) semaphore(%arg16 : memref<!tpu.dma_semaphore, #tpu.memory_space<semaphore_mem>>) {add = true}
    }
    %scan3A_113 = arith.constant 26 : i32
    %dma_wait3A_114 = arith.constant 80 : i32
    %dma_wait3A_115 = arith.constant 0 : i32
    %dma_wait3A_116 = tpu.memref_slice %arg7[%dma_wait3A_114, %dma_wait3A_115] : memref<81x64xi32, #tpu.memory_space<vmem>> -> memref<1x64xi32, #tpu.memory_space<vmem>>
    %dma_wait3A_117 = tpu.memref_squeeze %dma_wait3A_116 : memref<1x64xi32, #tpu.memory_space<vmem>> -> memref<64xi32, #tpu.memory_space<vmem>>
    %dma_wait3A_118 = arith.constant 0 : i32
    %dma_wait3A_119 = arith.constant 0 : i32
    %dma_wait3A_120 = tpu.memref_slice %arg17[%dma_wait3A_118, %dma_wait3A_119] : memref<10240x128xf32, #tpu.memory_space<vmem_shared>> -> memref<10240x128xf32, #tpu.memory_space<vmem_shared>>
    tpu.wait_indirect_dma semaphore(%arg16 : memref<!tpu.dma_semaphore, #tpu.memory_space<semaphore_mem>>) src(%arg10 : memref<64x128xf32, #tpu.memory_space<vmem>>) dst(%dma_wait3A_120 : memref<10240x128xf32, #tpu.memory_space<vmem_shared>>)
    %dma_wait3A_121 = arith.constant 80 : i32
    %dma_wait3A_122 = arith.constant 0 : i32
    %dma_wait3A_123 = tpu.memref_slice %arg6[%dma_wait3A_121, %dma_wait3A_122] : memref<81x64xi32, #tpu.memory_space<vmem>> -> memref<1x64xi32, #tpu.memory_space<vmem>>
    %dma_wait3A_124 = tpu.memref_squeeze %dma_wait3A_123 : memref<1x64xi32, #tpu.memory_space<vmem>> -> memref<64xi32, #tpu.memory_space<vmem>>
    %dma_wait3A_125 = arith.constant 0 : i32
    %dma_wait3A_126 = arith.constant 0 : i32
    %dma_wait3A_127 = tpu.memref_slice %arg2[%dma_wait3A_125, %dma_wait3A_126] : memref<10000x128xf32, #tpu.memory_space<hbm>> -> memref<10000x128xf32, #tpu.memory_space<hbm>>
    tpu.wait_indirect_dma semaphore(%arg11 : memref<!tpu.dma_semaphore, #tpu.memory_space<semaphore_mem>>) src(%dma_wait3A_127 : memref<10000x128xf32, #tpu.memory_space<hbm>>) dst(%arg8 : memref<64x128xf32, #tpu.memory_space<vmem>>)
    %dma_wait3A_128 = arith.constant 80 : i32
    %dma_wait3A_129 = arith.constant 0 : i32
    %dma_wait3A_130 = tpu.memref_slice %arg6[%dma_wait3A_128, %dma_wait3A_129] : memref<81x64xi32, #tpu.memory_space<vmem>> -> memref<1x64xi32, #tpu.memory_space<vmem>>
    %dma_wait3A_131 = tpu.memref_squeeze %dma_wait3A_130 : memref<1x64xi32, #tpu.memory_space<vmem>> -> memref<64xi32, #tpu.memory_space<vmem>>
    %dma_wait3A_132 = arith.constant 0 : i32
    %dma_wait3A_133 = arith.constant 0 : i32
    %dma_wait3A_134 = tpu.memref_slice %arg2[%dma_wait3A_132, %dma_wait3A_133] : memref<10000x128xf32, #tpu.memory_space<hbm>> -> memref<10000x128xf32, #tpu.memory_space<hbm>>
    tpu.wait_indirect_dma semaphore(%arg12 : memref<!tpu.dma_semaphore, #tpu.memory_space<semaphore_mem>>) src(%dma_wait3A_134 : memref<10000x128xf32, #tpu.memory_space<hbm>>) dst(%arg9 : memref<64x128xf32, #tpu.memory_space<vmem>>)
    %barrier3A_135 = arith.constant 0 : index
    tpu.barrier barrier_id(%barrier3A_135)
    %mul3A_136 = arith.constant 640 : i32
    %mul3A_137 = arith.muli %arg1, %mul3A_136 : i32
    %mul3A_138 = arith.constant 640 : i32
    %mul3A_139 = arith.muli %arg1, %mul3A_138 : i32
    %run_scoped3A = arith.constant 0 : i32
    "tpu.region"() ({
      %run_scoped3A_140 = tpu.sem_alloc : memref<!tpu.dma_semaphore, #tpu.memory_space<semaphore_mem>>
      %dma_start3A_141 = arith.constant 0 : i32
      %dma_start3A_142 = tpu.memref_slice %arg5[%run_scoped3A, %arg0, %mul3A_139, %dma_start3A_141] : memref<1x2x10240x128xf32, #tpu.memory_space<hbm>> -> memref<1x1x640x128xf32, #tpu.memory_space<hbm>>
      %dma_start3A_143 = tpu.memref_squeeze %dma_start3A_142 : memref<1x1x640x128xf32, #tpu.memory_space<hbm>> -> memref<640x128xf32, #tpu.memory_space<hbm>>
      %dma_start3A_144 = arith.constant 0 : i32
      %dma_start3A_145 = tpu.memref_slice %arg17[%mul3A_137, %dma_start3A_144] : memref<10240x128xf32, #tpu.memory_space<vmem_shared>> -> memref<640x128xf32, #tpu.memory_space<vmem_shared>>
      tpu.enqueue_dma source(%dma_start3A_145 : memref<640x128xf32, #tpu.memory_space<vmem_shared>>) target(%dma_start3A_143 : memref<640x128xf32, #tpu.memory_space<hbm>>) target_semaphore(%run_scoped3A_140 : memref<!tpu.dma_semaphore, #tpu.memory_space<semaphore_mem>>)
      %dma_wait3A_146 = arith.constant 0 : i32
      %dma_wait3A_147 = tpu.memref_slice %arg5[%run_scoped3A, %arg0, %mul3A_139, %dma_wait3A_146] : memref<1x2x10240x128xf32, #tpu.memory_space<hbm>> -> memref<1x1x640x128xf32, #tpu.memory_space<hbm>>
      %dma_wait3A_148 = tpu.memref_squeeze %dma_wait3A_147 : memref<1x1x640x128xf32, #tpu.memory_space<hbm>> -> memref<640x128xf32, #tpu.memory_space<hbm>>
      %dma_wait3A_149 = arith.constant 0 : i32
      %dma_wait3A_150 = tpu.memref_slice %arg17[%mul3A_137, %dma_wait3A_149] : memref<10240x128xf32, #tpu.memory_space<vmem_shared>> -> memref<640x128xf32, #tpu.memory_space<vmem_shared>>
      tpu.wait_dma2 semaphore(%run_scoped3A_140 : memref<!tpu.dma_semaphore, #tpu.memory_space<semaphore_mem>>) src(%dma_wait3A_150 : memref<640x128xf32, #tpu.memory_space<vmem_shared>>) dst(%dma_wait3A_148 : memref<640x128xf32, #tpu.memory_space<hbm>>)
      tpu.yield
    }) : () -> ()
    return
  }
}

#map = affine_map<(d0, d1) -> (0, 0)>
#map1 = affine_map<(d0, d1) -> (0, 0, 0)>
#map2 = affine_map<(d0, d1) -> (0, 0, 0, 0)>
module attributes {stable_mosaic.version = 14 : i64} {
  func.func @_agg_sc_body(%arg0: i32, %arg1: i32, %arg2: memref<10000x128xf32, #tpu.memory_space<hbm>>, %arg3: memref<32x81x64xi32, #tpu.memory_space<hbm>>, %arg4: memref<32x81x64xi32, #tpu.memory_space<hbm>>, %arg5: memref<1x2x10240x128xf32, #tpu.memory_space<hbm>>, %arg6: memref<81x64xi32, #tpu.memory_space<vmem>>, %arg7: memref<81x64xi32, #tpu.memory_space<vmem>>, %arg8: memref<64x128xf32, #tpu.memory_space<vmem>>, %arg9: memref<64x128xf32, #tpu.memory_space<vmem>>, %arg10: memref<64x128xf32, #tpu.memory_space<vmem>>, %arg11: memref<!tpu.dma_semaphore, #tpu.memory_space<semaphore_mem>>, %arg12: memref<!tpu.dma_semaphore, #tpu.memory_space<semaphore_mem>>, %arg13: memref<!tpu.dma_semaphore, #tpu.memory_space<semaphore_mem>>, %arg14: memref<!tpu.dma_semaphore, #tpu.memory_space<semaphore_mem>>, %arg15: memref<!tpu.dma_semaphore, #tpu.memory_space<semaphore_mem>>, %arg16: memref<!tpu.dma_semaphore, #tpu.memory_space<semaphore_mem>>, %arg17: memref<10240x128xf32, #tpu.memory_space<vmem_shared>>) attributes {dimension_semantics = [#tpu.dimension_semantics<core_parallel>, #tpu.dimension_semantics<subcore_parallel>], iteration_bounds = array<i64: 2, 16>, scalar_prefetch = 0 : i64, scratch_operands = 12 : i64, tpu.core_type = #tpu.core_type<sc_vector_subcore>, window_params = [{transform_indices = #map}, {transform_indices = #map1}, {transform_indices = #map1}, {transform_indices = #map2}]} {
    %mul3A = arith.constant 16 : i32
    %mul3A_0 = arith.muli %arg0, %mul3A : i32
    %add3A = arith.addi %mul3A_0, %arg1 : i32
    "tpu.region"() ({
      %run_scoped3A_140 = tpu.sem_alloc : memref<!tpu.dma_semaphore, #tpu.memory_space<semaphore_mem>>
      %dma_start3A_141 = arith.constant 0 : i32
      %dma_start3A_142 = arith.constant 0 : i32
      %dma_start3A_143 = tpu.memref_slice %arg3[%add3A, %dma_start3A_141, %dma_start3A_142] : memref<32x81x64xi32, #tpu.memory_space<hbm>> -> memref<1x81x64xi32, #tpu.memory_space<hbm>>
      %dma_start3A_144 = tpu.memref_squeeze %dma_start3A_143 : memref<1x81x64xi32, #tpu.memory_space<hbm>> -> memref<81x64xi32, #tpu.memory_space<hbm>>
      %dma_start3A_145 = arith.constant 0 : i32
      %dma_start3A_146 = arith.constant 0 : i32
      %dma_start3A_147 = tpu.memref_slice %arg3[%add3A, %dma_start3A_145, %dma_start3A_146] : memref<32x81x64xi32, #tpu.memory_space<hbm>> -> memref<1x81x64xi32, #tpu.memory_space<hbm>>
      %dma_start3A_148 = tpu.memref_squeeze %dma_start3A_147 : memref<1x81x64xi32, #tpu.memory_space<hbm>> -> memref<81x64xi32, #tpu.memory_space<hbm>>
      tpu.enqueue_dma source(%dma_start3A_148 : memref<81x64xi32, #tpu.memory_space<hbm>>) target(%arg6 : memref<81x64xi32, #tpu.memory_space<vmem>>) target_semaphore(%run_scoped3A_140 : memref<!tpu.dma_semaphore, #tpu.memory_space<semaphore_mem>>)
      %dma_wait3A_149 = arith.constant 0 : i32
      %dma_wait3A_150 = arith.constant 0 : i32
      %dma_wait3A_151 = tpu.memref_slice %arg3[%add3A, %dma_wait3A_149, %dma_wait3A_150] : memref<32x81x64xi32, #tpu.memory_space<hbm>> -> memref<1x81x64xi32, #tpu.memory_space<hbm>>
      %dma_wait3A_152 = tpu.memref_squeeze %dma_wait3A_151 : memref<1x81x64xi32, #tpu.memory_space<hbm>> -> memref<81x64xi32, #tpu.memory_space<hbm>>
      %dma_wait3A_153 = arith.constant 0 : i32
      %dma_wait3A_154 = arith.constant 0 : i32
      %dma_wait3A_155 = tpu.memref_slice %arg3[%add3A, %dma_wait3A_153, %dma_wait3A_154] : memref<32x81x64xi32, #tpu.memory_space<hbm>> -> memref<1x81x64xi32, #tpu.memory_space<hbm>>
      %dma_wait3A_156 = tpu.memref_squeeze %dma_wait3A_155 : memref<1x81x64xi32, #tpu.memory_space<hbm>> -> memref<81x64xi32, #tpu.memory_space<hbm>>
      tpu.wait_dma2 semaphore(%run_scoped3A_140 : memref<!tpu.dma_semaphore, #tpu.memory_space<semaphore_mem>>) src(%dma_wait3A_156 : memref<81x64xi32, #tpu.memory_space<hbm>>) dst(%arg6 : memref<81x64xi32, #tpu.memory_space<vmem>>)
      tpu.yield
    }) : () -> ()
    "tpu.region"() ({
      %run_scoped3A_140 = tpu.sem_alloc : memref<!tpu.dma_semaphore, #tpu.memory_space<semaphore_mem>>
      %dma_start3A_141 = arith.constant 0 : i32
      %dma_start3A_142 = arith.constant 0 : i32
      %dma_start3A_143 = tpu.memref_slice %arg4[%add3A, %dma_start3A_141, %dma_start3A_142] : memref<32x81x64xi32, #tpu.memory_space<hbm>> -> memref<1x81x64xi32, #tpu.memory_space<hbm>>
      %dma_start3A_144 = tpu.memref_squeeze %dma_start3A_143 : memref<1x81x64xi32, #tpu.memory_space<hbm>> -> memref<81x64xi32, #tpu.memory_space<hbm>>
      %dma_start3A_145 = arith.constant 0 : i32
      %dma_start3A_146 = arith.constant 0 : i32
      %dma_start3A_147 = tpu.memref_slice %arg4[%add3A, %dma_start3A_145, %dma_start3A_146] : memref<32x81x64xi32, #tpu.memory_space<hbm>> -> memref<1x81x64xi32, #tpu.memory_space<hbm>>
      %dma_start3A_148 = tpu.memref_squeeze %dma_start3A_147 : memref<1x81x64xi32, #tpu.memory_space<hbm>> -> memref<81x64xi32, #tpu.memory_space<hbm>>
      tpu.enqueue_dma source(%dma_start3A_148 : memref<81x64xi32, #tpu.memory_space<hbm>>) target(%arg7 : memref<81x64xi32, #tpu.memory_space<vmem>>) target_semaphore(%run_scoped3A_140 : memref<!tpu.dma_semaphore, #tpu.memory_space<semaphore_mem>>)
      %dma_wait3A_149 = arith.constant 0 : i32
      %dma_wait3A_150 = arith.constant 0 : i32
      %dma_wait3A_151 = tpu.memref_slice %arg4[%add3A, %dma_wait3A_149, %dma_wait3A_150] : memref<32x81x64xi32, #tpu.memory_space<hbm>> -> memref<1x81x64xi32, #tpu.memory_space<hbm>>
      %dma_wait3A_152 = tpu.memref_squeeze %dma_wait3A_151 : memref<1x81x64xi32, #tpu.memory_space<hbm>> -> memref<81x64xi32, #tpu.memory_space<hbm>>
      %dma_wait3A_153 = arith.constant 0 : i32
      %dma_wait3A_154 = arith.constant 0 : i32
      %dma_wait3A_155 = tpu.memref_slice %arg4[%add3A, %dma_wait3A_153, %dma_wait3A_154] : memref<32x81x64xi32, #tpu.memory_space<hbm>> -> memref<1x81x64xi32, #tpu.memory_space<hbm>>
      %dma_wait3A_156 = tpu.memref_squeeze %dma_wait3A_155 : memref<1x81x64xi32, #tpu.memory_space<hbm>> -> memref<81x64xi32, #tpu.memory_space<hbm>>
      tpu.wait_dma2 semaphore(%run_scoped3A_140 : memref<!tpu.dma_semaphore, #tpu.memory_space<semaphore_mem>>) src(%dma_wait3A_156 : memref<81x64xi32, #tpu.memory_space<hbm>>) dst(%arg7 : memref<81x64xi32, #tpu.memory_space<vmem>>)
      tpu.yield
    }) : () -> ()
    %dma_start3A = arith.constant 0 : i32
    %dma_start3A_1 = arith.constant 0 : i32
    %dma_start3A_2 = tpu.memref_slice %arg6[%dma_start3A, %dma_start3A_1] : memref<81x64xi32, #tpu.memory_space<vmem>> -> memref<1x64xi32, #tpu.memory_space<vmem>>
    %dma_start3A_3 = tpu.memref_squeeze %dma_start3A_2 : memref<1x64xi32, #tpu.memory_space<vmem>> -> memref<64xi32, #tpu.memory_space<vmem>>
    %dma_start3A_4 = arith.constant 0 : i32
    %dma_start3A_5 = arith.constant 0 : i32
    %dma_start3A_6 = tpu.memref_slice %arg2[%dma_start3A_4, %dma_start3A_5] : memref<10000x128xf32, #tpu.memory_space<hbm>> -> memref<10000x128xf32, #tpu.memory_space<hbm>>
    tpu.enqueue_indirect_dma source(%dma_start3A_6 : memref<10000x128xf32, #tpu.memory_space<hbm>>) target(%arg8 : memref<64x128xf32, #tpu.memory_space<vmem>>) offsets(%dma_start3A_3 : memref<64xi32, #tpu.memory_space<vmem>>) semaphore(%arg11 : memref<!tpu.dma_semaphore, #tpu.memory_space<semaphore_mem>>)
    %dma_start3A_7 = arith.constant 1 : i32
    %dma_start3A_8 = arith.constant 0 : i32
    %dma_start3A_9 = tpu.memref_slice %arg6[%dma_start3A_7, %dma_start3A_8] : memref<81x64xi32, #tpu.memory_space<vmem>> -> memref<1x64xi32, #tpu.memory_space<vmem>>
    %dma_start3A_10 = tpu.memref_squeeze %dma_start3A_9 : memref<1x64xi32, #tpu.memory_space<vmem>> -> memref<64xi32, #tpu.memory_space<vmem>>
    %dma_start3A_11 = arith.constant 0 : i32
    %dma_start3A_12 = arith.constant 0 : i32
    %dma_start3A_13 = tpu.memref_slice %arg2[%dma_start3A_11, %dma_start3A_12] : memref<10000x128xf32, #tpu.memory_space<hbm>> -> memref<10000x128xf32, #tpu.memory_space<hbm>>
    tpu.enqueue_indirect_dma source(%dma_start3A_13 : memref<10000x128xf32, #tpu.memory_space<hbm>>) target(%arg9 : memref<64x128xf32, #tpu.memory_space<vmem>>) offsets(%dma_start3A_10 : memref<64xi32, #tpu.memory_space<vmem>>) semaphore(%arg12 : memref<!tpu.dma_semaphore, #tpu.memory_space<semaphore_mem>>)
    %broadcast_in_dim3A = arith.constant 0.000000e+00 : f32
    %broadcast_in_dim3A_14 = vector.broadcast %broadcast_in_dim3A : f32 to vector<16xf32>
    %scan3A = arith.constant 0 : i32
    %scan3A_15 = arith.constant 0 : i32
    %scan3A_16 = arith.constant 64 : i32
    %scan3A_17 = arith.addi %scan3A_15, %scan3A_16 : i32
    %scan3A_18 = arith.constant 1 : i32
    scf.for %scan3A_140 = %scan3A_15 to %scan3A_17 step %scan3A_18  : i32 {
      %swap3A = arith.index_cast %scan3A_140 : i32 to index
      %swap3A_141 = arith.constant 0 : index
      %swap3A_142 = tpu.vector_load %arg10[%swap3A, %swap3A_141] {strides = array<i32>} : memref<64x128xf32, #tpu.memory_space<vmem>>, vector<1x16xf32>,
      %swap3A_143 = vector.shape_cast %swap3A_142 : vector<1x16xf32> to vector<16xf32>
      %swap3A_144 = vector.shape_cast %broadcast_in_dim3A_14 : vector<16xf32> to vector<1x16xf32>
      tpu.vector_store %arg10[%swap3A, %swap3A_141], %swap3A_144 {strides = array<i32>} : memref<64x128xf32, #tpu.memory_space<vmem>>, vector<1x16xf32>,
      %swap3A_145 = arith.index_cast %scan3A_140 : i32 to index
      %swap3A_146 = arith.constant 16 : index
      %swap3A_147 = tpu.vector_load %arg10[%swap3A_145, %swap3A_146] {strides = array<i32>} : memref<64x128xf32, #tpu.memory_space<vmem>>, vector<1x16xf32>,
      %swap3A_148 = vector.shape_cast %swap3A_147 : vector<1x16xf32> to vector<16xf32>
      %swap3A_149 = vector.shape_cast %broadcast_in_dim3A_14 : vector<16xf32> to vector<1x16xf32>
      tpu.vector_store %arg10[%swap3A_145, %swap3A_146], %swap3A_149 {strides = array<i32>} : memref<64x128xf32, #tpu.memory_space<vmem>>, vector<1x16xf32>,
      %swap3A_150 = arith.index_cast %scan3A_140 : i32 to index
      %swap3A_151 = arith.constant 32 : index
      %swap3A_152 = tpu.vector_load %arg10[%swap3A_150, %swap3A_151] {strides = array<i32>} : memref<64x128xf32, #tpu.memory_space<vmem>>, vector<1x16xf32>,
      %swap3A_153 = vector.shape_cast %swap3A_152 : vector<1x16xf32> to vector<16xf32>
      %swap3A_154 = vector.shape_cast %broadcast_in_dim3A_14 : vector<16xf32> to vector<1x16xf32>
      tpu.vector_store %arg10[%swap3A_150, %swap3A_151], %swap3A_154 {strides = array<i32>} : memref<64x128xf32, #tpu.memory_space<vmem>>, vector<1x16xf32>,
      %swap3A_155 = arith.index_cast %scan3A_140 : i32 to index
      %swap3A_156 = arith.constant 48 : index
      %swap3A_157 = tpu.vector_load %arg10[%swap3A_155, %swap3A_156] {strides = array<i32>} : memref<64x128xf32, #tpu.memory_space<vmem>>, vector<1x16xf32>,
      %swap3A_158 = vector.shape_cast %swap3A_157 : vector<1x16xf32> to vector<16xf32>
      %swap3A_159 = vector.shape_cast %broadcast_in_dim3A_14 : vector<16xf32> to vector<1x16xf32>
      tpu.vector_store %arg10[%swap3A_155, %swap3A_156], %swap3A_159 {strides = array<i32>} : memref<64x128xf32, #tpu.memory_space<vmem>>, vector<1x16xf32>,
      %swap3A_160 = arith.index_cast %scan3A_140 : i32 to index
      %swap3A_161 = arith.constant 64 : index
      %swap3A_162 = tpu.vector_load %arg10[%swap3A_160, %swap3A_161] {strides = array<i32>} : memref<64x128xf32, #tpu.memory_space<vmem>>, vector<1x16xf32>,
      %swap3A_163 = vector.shape_cast %swap3A_162 : vector<1x16xf32> to vector<16xf32>
      %swap3A_164 = vector.shape_cast %broadcast_in_dim3A_14 : vector<16xf32> to vector<1x16xf32>
      tpu.vector_store %arg10[%swap3A_160, %swap3A_161], %swap3A_164 {strides = array<i32>} : memref<64x128xf32, #tpu.memory_space<vmem>>, vector<1x16xf32>,
      %swap3A_165 = arith.index_cast %scan3A_140 : i32 to index
      %swap3A_166 = arith.constant 80 : index
      %swap3A_167 = tpu.vector_load %arg10[%swap3A_165, %swap3A_166] {strides = array<i32>} : memref<64x128xf32, #tpu.memory_space<vmem>>, vector<1x16xf32>,
      %swap3A_168 = vector.shape_cast %swap3A_167 : vector<1x16xf32> to vector<16xf32>
      %swap3A_169 = vector.shape_cast %broadcast_in_dim3A_14 : vector<16xf32> to vector<1x16xf32>
      tpu.vector_store %arg10[%swap3A_165, %swap3A_166], %swap3A_169 {strides = array<i32>} : memref<64x128xf32, #tpu.memory_space<vmem>>, vector<1x16xf32>,
      %swap3A_170 = arith.index_cast %scan3A_140 : i32 to index
      %swap3A_171 = arith.constant 96 : index
      %swap3A_172 = tpu.vector_load %arg10[%swap3A_170, %swap3A_171] {strides = array<i32>} : memref<64x128xf32, #tpu.memory_space<vmem>>, vector<1x16xf32>,
      %swap3A_173 = vector.shape_cast %swap3A_172 : vector<1x16xf32> to vector<16xf32>
      %swap3A_174 = vector.shape_cast %broadcast_in_dim3A_14 : vector<16xf32> to vector<1x16xf32>
      tpu.vector_store %arg10[%swap3A_170, %swap3A_171], %swap3A_174 {strides = array<i32>} : memref<64x128xf32, #tpu.memory_space<vmem>>, vector<1x16xf32>,
      %swap3A_175 = arith.index_cast %scan3A_140 : i32 to index
      %swap3A_176 = arith.constant 112 : index
      %swap3A_177 = tpu.vector_load %arg10[%swap3A_175, %swap3A_176] {strides = array<i32>} : memref<64x128xf32, #tpu.memory_space<vmem>>, vector<1x16xf32>,
      %swap3A_178 = vector.shape_cast %swap3A_177 : vector<1x16xf32> to vector<16xf32>
      %swap3A_179 = vector.shape_cast %broadcast_in_dim3A_14 : vector<16xf32> to vector<1x16xf32>
      tpu.vector_store %arg10[%swap3A_175, %swap3A_176], %swap3A_179 {strides = array<i32>} : memref<64x128xf32, #tpu.memory_space<vmem>>, vector<1x16xf32>,
    }
    %scan3A_19 = arith.constant 64 : i32
    %scan3A_20 = arith.constant 0 : i32
    %scan3A_21 = arith.constant 0 : i32
    %scan3A_22 = arith.constant 10 : i32
    %scan3A_23 = arith.addi %scan3A_21, %scan3A_22 : i32
    %scan3A_24 = arith.constant 1 : i32
    scf.for %scan3A_140 = %scan3A_21 to %scan3A_23 step %scan3A_24  : i32 {
      %mul3A_141 = arith.constant 640 : i32
      %mul3A_142 = arith.muli %arg1, %mul3A_141 : i32
      %mul3A_143 = arith.constant 64 : i32
      %mul3A_144 = arith.muli %scan3A_140, %mul3A_143 : i32
      %add3A_145 = arith.addi %mul3A_142, %mul3A_144 : i32
      %dma_start3A_146 = arith.constant 0 : i32
      %dma_start3A_147 = tpu.memref_slice %arg17[%add3A_145, %dma_start3A_146] : memref<10240x128xf32, #tpu.memory_space<vmem_shared>> -> memref<64x128xf32, #tpu.memory_space<vmem_shared>>
      %dma_start3A_148 = arith.constant 0 : i32
      %dma_start3A_149 = tpu.memref_slice %arg17[%add3A_145, %dma_start3A_148] : memref<10240x128xf32, #tpu.memory_space<vmem_shared>> -> memref<64x128xf32, #tpu.memory_space<vmem_shared>>
      tpu.enqueue_dma source(%arg10 : memref<64x128xf32, #tpu.memory_space<vmem>>) target(%dma_start3A_149 : memref<64x128xf32, #tpu.memory_space<vmem_shared>>) target_semaphore(%arg16 : memref<!tpu.dma_semaphore, #tpu.memory_space<semaphore_mem>>)
    }
    %scan3A_25 = arith.constant 10 : i32
    %scan3A_26 = arith.constant 0 : i32
    %scan3A_27 = arith.constant 0 : i32
    %scan3A_28 = arith.constant 10 : i32
    %scan3A_29 = arith.addi %scan3A_27, %scan3A_28 : i32
    %scan3A_30 = arith.constant 1 : i32
    scf.for %scan3A_140 = %scan3A_27 to %scan3A_29 step %scan3A_30  : i32 {
      %mul3A_141 = arith.constant 640 : i32
      %mul3A_142 = arith.muli %arg1, %mul3A_141 : i32
      %mul3A_143 = arith.constant 64 : i32
      %mul3A_144 = arith.muli %scan3A_140, %mul3A_143 : i32
      %add3A_145 = arith.addi %mul3A_142, %mul3A_144 : i32
      %dma_wait3A_146 = arith.constant 0 : i32
      %dma_wait3A_147 = tpu.memref_slice %arg17[%add3A_145, %dma_wait3A_146] : memref<10240x128xf32, #tpu.memory_space<vmem_shared>> -> memref<64x128xf32, #tpu.memory_space<vmem_shared>>
      %dma_wait3A_148 = arith.constant 0 : i32
      %dma_wait3A_149 = tpu.memref_slice %arg17[%add3A_145, %dma_wait3A_148] : memref<10240x128xf32, #tpu.memory_space<vmem_shared>> -> memref<64x128xf32, #tpu.memory_space<vmem_shared>>
      tpu.wait_dma2 semaphore(%arg16 : memref<!tpu.dma_semaphore, #tpu.memory_space<semaphore_mem>>) src(%arg10 : memref<64x128xf32, #tpu.memory_space<vmem>>) dst(%dma_wait3A_149 : memref<64x128xf32, #tpu.memory_space<vmem_shared>>)
    }
    %scan3A_31 = arith.constant 10 : i32
    %barrier3A = arith.constant 0 : index
    tpu.barrier barrier_id(%barrier3A)
    %dma_start3A_32 = arith.constant 2 : i32
    %dma_start3A_33 = arith.constant 0 : i32
    %dma_start3A_34 = tpu.memref_slice %arg6[%dma_start3A_32, %dma_start3A_33] : memref<81x64xi32, #tpu.memory_space<vmem>> -> memref<1x64xi32, #tpu.memory_space<vmem>>
    %dma_start3A_35 = tpu.memref_squeeze %dma_start3A_34 : memref<1x64xi32, #tpu.memory_space<vmem>> -> memref<64xi32, #tpu.memory_space<vmem>>
    %dma_start3A_36 = arith.constant 0 : i32
    %dma_start3A_37 = arith.constant 0 : i32
    %dma_start3A_38 = tpu.memref_slice %arg2[%dma_start3A_36, %dma_start3A_37] : memref<10000x128xf32, #tpu.memory_space<hbm>> -> memref<10000x128xf32, #tpu.memory_space<hbm>>
    tpu.enqueue_indirect_dma source(%dma_start3A_38 : memref<10000x128xf32, #tpu.memory_space<hbm>>) target(%arg10 : memref<64x128xf32, #tpu.memory_space<vmem>>) offsets(%dma_start3A_35 : memref<64xi32, #tpu.memory_space<vmem>>) semaphore(%arg13 : memref<!tpu.dma_semaphore, #tpu.memory_space<semaphore_mem>>)
    %dma_wait3A = arith.constant 0 : i32
    %dma_wait3A_39 = arith.constant 0 : i32
    %dma_wait3A_40 = tpu.memref_slice %arg6[%dma_wait3A, %dma_wait3A_39] : memref<81x64xi32, #tpu.memory_space<vmem>> -> memref<1x64xi32, #tpu.memory_space<vmem>>
    %dma_wait3A_41 = tpu.memref_squeeze %dma_wait3A_40 : memref<1x64xi32, #tpu.memory_space<vmem>> -> memref<64xi32, #tpu.memory_space<vmem>>
    %dma_wait3A_42 = arith.constant 0 : i32
    %dma_wait3A_43 = arith.constant 0 : i32
    %dma_wait3A_44 = tpu.memref_slice %arg2[%dma_wait3A_42, %dma_wait3A_43] : memref<10000x128xf32, #tpu.memory_space<hbm>> -> memref<10000x128xf32, #tpu.memory_space<hbm>>
    tpu.wait_indirect_dma semaphore(%arg11 : memref<!tpu.dma_semaphore, #tpu.memory_space<semaphore_mem>>) src(%dma_wait3A_44 : memref<10000x128xf32, #tpu.memory_space<hbm>>) dst(%arg8 : memref<64x128xf32, #tpu.memory_space<vmem>>)
    %dma_start3A_45 = arith.constant 0 : i32
    %dma_start3A_46 = arith.constant 0 : i32
    %dma_start3A_47 = tpu.memref_slice %arg7[%dma_start3A_45, %dma_start3A_46] : memref<81x64xi32, #tpu.memory_space<vmem>> -> memref<1x64xi32, #tpu.memory_space<vmem>>
    %dma_start3A_48 = tpu.memref_squeeze %dma_start3A_47 : memref<1x64xi32, #tpu.memory_space<vmem>> -> memref<64xi32, #tpu.memory_space<vmem>>
    %dma_start3A_49 = arith.constant 0 : i32
    %dma_start3A_50 = arith.constant 0 : i32
    %dma_start3A_51 = tpu.memref_slice %arg17[%dma_start3A_49, %dma_start3A_50] : memref<10240x128xf32, #tpu.memory_space<vmem_shared>> -> memref<10240x128xf32, #tpu.memory_space<vmem_shared>>
    tpu.enqueue_indirect_dma source(%arg8 : memref<64x128xf32, #tpu.memory_space<vmem>>) target(%dma_start3A_51 : memref<10240x128xf32, #tpu.memory_space<vmem_shared>>) offsets(%dma_start3A_48 : memref<64xi32, #tpu.memory_space<vmem>>) semaphore(%arg14 : memref<!tpu.dma_semaphore, #tpu.memory_space<semaphore_mem>>) {add = true}
    %dma_wait3A_52 = arith.constant 0 : i32
    %dma_wait3A_53 = arith.constant 0 : i32
    %dma_wait3A_54 = tpu.memref_slice %arg7[%dma_wait3A_52, %dma_wait3A_53] : memref<81x64xi32, #tpu.memory_space<vmem>> -> memref<1x64xi32, #tpu.memory_space<vmem>>
    %dma_wait3A_55 = tpu.memref_squeeze %dma_wait3A_54 : memref<1x64xi32, #tpu.memory_space<vmem>> -> memref<64xi32, #tpu.memory_space<vmem>>
    %dma_wait3A_56 = arith.constant 0 : i32
    %dma_wait3A_57 = arith.constant 0 : i32
    %dma_wait3A_58 = tpu.memref_slice %arg17[%dma_wait3A_56, %dma_wait3A_57] : memref<10240x128xf32, #tpu.memory_space<vmem_shared>> -> memref<10240x128xf32, #tpu.memory_space<vmem_shared>>
    tpu.wait_indirect_dma semaphore(%arg14 : memref<!tpu.dma_semaphore, #tpu.memory_space<semaphore_mem>>) src(%arg8 : memref<64x128xf32, #tpu.memory_space<vmem>>) dst(%dma_wait3A_58 : memref<10240x128xf32, #tpu.memory_space<vmem_shared>>)
    %dma_start3A_59 = arith.constant 3 : i32
    %dma_start3A_60 = arith.constant 0 : i32
    %dma_start3A_61 = tpu.memref_slice %arg6[%dma_start3A_59, %dma_start3A_60] : memref<81x64xi32, #tpu.memory_space<vmem>> -> memref<1x64xi32, #tpu.memory_space<vmem>>
    %dma_start3A_62 = tpu.memref_squeeze %dma_start3A_61 : memref<1x64xi32, #tpu.memory_space<vmem>> -> memref<64xi32, #tpu.memory_space<vmem>>
    %dma_start3A_63 = arith.constant 0 : i32
    %dma_start3A_64 = arith.constant 0 : i32
    %dma_start3A_65 = tpu.memref_slice %arg2[%dma_start3A_63, %dma_start3A_64] : memref<10000x128xf32, #tpu.memory_space<hbm>> -> memref<10000x128xf32, #tpu.memory_space<hbm>>
    tpu.enqueue_indirect_dma source(%dma_start3A_65 : memref<10000x128xf32, #tpu.memory_space<hbm>>) target(%arg8 : memref<64x128xf32, #tpu.memory_space<vmem>>) offsets(%dma_start3A_62 : memref<64xi32, #tpu.memory_space<vmem>>) semaphore(%arg11 : memref<!tpu.dma_semaphore, #tpu.memory_space<semaphore_mem>>)
    %dma_wait3A_66 = arith.constant 1 : i32
    %dma_wait3A_67 = arith.constant 0 : i32
    %dma_wait3A_68 = tpu.memref_slice %arg6[%dma_wait3A_66, %dma_wait3A_67] : memref<81x64xi32, #tpu.memory_space<vmem>> -> memref<1x64xi32, #tpu.memory_space<vmem>>
    %dma_wait3A_69 = tpu.memref_squeeze %dma_wait3A_68 : memref<1x64xi32, #tpu.memory_space<vmem>> -> memref<64xi32, #tpu.memory_space<vmem>>
    %dma_wait3A_70 = arith.constant 0 : i32
    %dma_wait3A_71 = arith.constant 0 : i32
    %dma_wait3A_72 = tpu.memref_slice %arg2[%dma_wait3A_70, %dma_wait3A_71] : memref<10000x128xf32, #tpu.memory_space<hbm>> -> memref<10000x128xf32, #tpu.memory_space<hbm>>
    tpu.wait_indirect_dma semaphore(%arg12 : memref<!tpu.dma_semaphore, #tpu.memory_space<semaphore_mem>>) src(%dma_wait3A_72 : memref<10000x128xf32, #tpu.memory_space<hbm>>) dst(%arg9 : memref<64x128xf32, #tpu.memory_space<vmem>>)
    %dma_start3A_73 = arith.constant 1 : i32
    %dma_start3A_74 = arith.constant 0 : i32
    %dma_start3A_75 = tpu.memref_slice %arg7[%dma_start3A_73, %dma_start3A_74] : memref<81x64xi32, #tpu.memory_space<vmem>> -> memref<1x64xi32, #tpu.memory_space<vmem>>
    %dma_start3A_76 = tpu.memref_squeeze %dma_start3A_75 : memref<1x64xi32, #tpu.memory_space<vmem>> -> memref<64xi32, #tpu.memory_space<vmem>>
    %dma_start3A_77 = arith.constant 0 : i32
    %dma_start3A_78 = arith.constant 0 : i32
    %dma_start3A_79 = tpu.memref_slice %arg17[%dma_start3A_77, %dma_start3A_78] : memref<10240x128xf32, #tpu.memory_space<vmem_shared>> -> memref<10240x128xf32, #tpu.memory_space<vmem_shared>>
    tpu.enqueue_indirect_dma source(%arg9 : memref<64x128xf32, #tpu.memory_space<vmem>>) target(%dma_start3A_79 : memref<10240x128xf32, #tpu.memory_space<vmem_shared>>) offsets(%dma_start3A_76 : memref<64xi32, #tpu.memory_space<vmem>>) semaphore(%arg15 : memref<!tpu.dma_semaphore, #tpu.memory_space<semaphore_mem>>) {add = true}
    %dma_wait3A_80 = arith.constant 1 : i32
    %dma_wait3A_81 = arith.constant 0 : i32
    %dma_wait3A_82 = tpu.memref_slice %arg7[%dma_wait3A_80, %dma_wait3A_81] : memref<81x64xi32, #tpu.memory_space<vmem>> -> memref<1x64xi32, #tpu.memory_space<vmem>>
    %dma_wait3A_83 = tpu.memref_squeeze %dma_wait3A_82 : memref<1x64xi32, #tpu.memory_space<vmem>> -> memref<64xi32, #tpu.memory_space<vmem>>
    %dma_wait3A_84 = arith.constant 0 : i32
    %dma_wait3A_85 = arith.constant 0 : i32
    %dma_wait3A_86 = tpu.memref_slice %arg17[%dma_wait3A_84, %dma_wait3A_85] : memref<10240x128xf32, #tpu.memory_space<vmem_shared>> -> memref<10240x128xf32, #tpu.memory_space<vmem_shared>>
    tpu.wait_indirect_dma semaphore(%arg15 : memref<!tpu.dma_semaphore, #tpu.memory_space<semaphore_mem>>) src(%arg9 : memref<64x128xf32, #tpu.memory_space<vmem>>) dst(%dma_wait3A_86 : memref<10240x128xf32, #tpu.memory_space<vmem_shared>>)
    %dma_start3A_87 = arith.constant 4 : i32
    %dma_start3A_88 = arith.constant 0 : i32
    %dma_start3A_89 = tpu.memref_slice %arg6[%dma_start3A_87, %dma_start3A_88] : memref<81x64xi32, #tpu.memory_space<vmem>> -> memref<1x64xi32, #tpu.memory_space<vmem>>
    %dma_start3A_90 = tpu.memref_squeeze %dma_start3A_89 : memref<1x64xi32, #tpu.memory_space<vmem>> -> memref<64xi32, #tpu.memory_space<vmem>>
    %dma_start3A_91 = arith.constant 0 : i32
    %dma_start3A_92 = arith.constant 0 : i32
    %dma_start3A_93 = tpu.memref_slice %arg2[%dma_start3A_91, %dma_start3A_92] : memref<10000x128xf32, #tpu.memory_space<hbm>> -> memref<10000x128xf32, #tpu.memory_space<hbm>>
    tpu.enqueue_indirect_dma source(%dma_start3A_93 : memref<10000x128xf32, #tpu.memory_space<hbm>>) target(%arg9 : memref<64x128xf32, #tpu.memory_space<vmem>>) offsets(%dma_start3A_90 : memref<64xi32, #tpu.memory_space<vmem>>) semaphore(%arg12 : memref<!tpu.dma_semaphore, #tpu.memory_space<semaphore_mem>>)
    %dma_wait3A_94 = arith.constant 2 : i32
    %dma_wait3A_95 = arith.constant 0 : i32
    %dma_wait3A_96 = tpu.memref_slice %arg6[%dma_wait3A_94, %dma_wait3A_95] : memref<81x64xi32, #tpu.memory_space<vmem>> -> memref<1x64xi32, #tpu.memory_space<vmem>>
    %dma_wait3A_97 = tpu.memref_squeeze %dma_wait3A_96 : memref<1x64xi32, #tpu.memory_space<vmem>> -> memref<64xi32, #tpu.memory_space<vmem>>
    %dma_wait3A_98 = arith.constant 0 : i32
    %dma_wait3A_99 = arith.constant 0 : i32
    %dma_wait3A_100 = tpu.memref_slice %arg2[%dma_wait3A_98, %dma_wait3A_99] : memref<10000x128xf32, #tpu.memory_space<hbm>> -> memref<10000x128xf32, #tpu.memory_space<hbm>>
    tpu.wait_indirect_dma semaphore(%arg13 : memref<!tpu.dma_semaphore, #tpu.memory_space<semaphore_mem>>) src(%dma_wait3A_100 : memref<10000x128xf32, #tpu.memory_space<hbm>>) dst(%arg10 : memref<64x128xf32, #tpu.memory_space<vmem>>)
    %dma_start3A_101 = arith.constant 2 : i32
    %dma_start3A_102 = arith.constant 0 : i32
    %dma_start3A_103 = tpu.memref_slice %arg7[%dma_start3A_101, %dma_start3A_102] : memref<81x64xi32, #tpu.memory_space<vmem>> -> memref<1x64xi32, #tpu.memory_space<vmem>>
    %dma_start3A_104 = tpu.memref_squeeze %dma_start3A_103 : memref<1x64xi32, #tpu.memory_space<vmem>> -> memref<64xi32, #tpu.memory_space<vmem>>
    %dma_start3A_105 = arith.constant 0 : i32
    %dma_start3A_106 = arith.constant 0 : i32
    %dma_start3A_107 = tpu.memref_slice %arg17[%dma_start3A_105, %dma_start3A_106] : memref<10240x128xf32, #tpu.memory_space<vmem_shared>> -> memref<10240x128xf32, #tpu.memory_space<vmem_shared>>
    tpu.enqueue_indirect_dma source(%arg10 : memref<64x128xf32, #tpu.memory_space<vmem>>) target(%dma_start3A_107 : memref<10240x128xf32, #tpu.memory_space<vmem_shared>>) offsets(%dma_start3A_104 : memref<64xi32, #tpu.memory_space<vmem>>) semaphore(%arg16 : memref<!tpu.dma_semaphore, #tpu.memory_space<semaphore_mem>>) {add = true}
    %scan3A_108 = arith.constant 0 : i32
    %scan3A_109 = arith.constant 1 : i32
    %scan3A_110 = arith.constant 26 : i32
    %scan3A_111 = arith.addi %scan3A_109, %scan3A_110 : i32
    %scan3A_112 = arith.constant 1 : i32
    scf.for %scan3A_140 = %scan3A_109 to %scan3A_111 step %scan3A_112  : i32 {
      %mul3A_141 = arith.constant 3 : i32
      %mul3A_142 = arith.muli %mul3A_141, %scan3A_140 : i32
      %add3A_143 = arith.constant 0 : i32
      %add3A_144 = arith.addi %mul3A_142, %add3A_143 : i32
      %add3A_145 = arith.constant 2 : i32
      %add3A_146 = arith.addi %add3A_144, %add3A_145 : i32
      %min3A = arith.constant 80 : i32
      %min3A_147 = arith.minsi %add3A_146, %min3A : i32
      %sub3A = arith.constant 1 : i32
      %sub3A_148 = arith.subi %add3A_144, %sub3A : i32
      %dma_wait3A_149 = arith.constant 0 : i32
      %dma_wait3A_150 = tpu.memref_slice %arg7[%sub3A_148, %dma_wait3A_149] : memref<81x64xi32, #tpu.memory_space<vmem>> -> memref<1x64xi32, #tpu.memory_space<vmem>>
      %dma_wait3A_151 = tpu.memref_squeeze %dma_wait3A_150 : memref<1x64xi32, #tpu.memory_space<vmem>> -> memref<64xi32, #tpu.memory_space<vmem>>
      %dma_wait3A_152 = arith.constant 0 : i32
      %dma_wait3A_153 = arith.constant 0 : i32
      %dma_wait3A_154 = tpu.memref_slice %arg17[%dma_wait3A_152, %dma_wait3A_153] : memref<10240x128xf32, #tpu.memory_space<vmem_shared>> -> memref<10240x128xf32, #tpu.memory_space<vmem_shared>>
      tpu.wait_indirect_dma semaphore(%arg16 : memref<!tpu.dma_semaphore, #tpu.memory_space<semaphore_mem>>) src(%arg10 : memref<64x128xf32, #tpu.memory_space<vmem>>) dst(%dma_wait3A_154 : memref<10240x128xf32, #tpu.memory_space<vmem_shared>>)
      %dma_start3A_155 = arith.constant 0 : i32
      %dma_start3A_156 = tpu.memref_slice %arg6[%min3A_147, %dma_start3A_155] : memref<81x64xi32, #tpu.memory_space<vmem>> -> memref<1x64xi32, #tpu.memory_space<vmem>>
      %dma_start3A_157 = tpu.memref_squeeze %dma_start3A_156 : memref<1x64xi32, #tpu.memory_space<vmem>> -> memref<64xi32, #tpu.memory_space<vmem>>
      %dma_start3A_158 = arith.constant 0 : i32
      %dma_start3A_159 = arith.constant 0 : i32
      %dma_start3A_160 = tpu.memref_slice %arg2[%dma_start3A_158, %dma_start3A_159] : memref<10000x128xf32, #tpu.memory_space<hbm>> -> memref<10000x128xf32, #tpu.memory_space<hbm>>
      tpu.enqueue_indirect_dma source(%dma_start3A_160 : memref<10000x128xf32, #tpu.memory_space<hbm>>) target(%arg10 : memref<64x128xf32, #tpu.memory_space<vmem>>) offsets(%dma_start3A_157 : memref<64xi32, #tpu.memory_space<vmem>>) semaphore(%arg13 : memref<!tpu.dma_semaphore, #tpu.memory_space<semaphore_mem>>)
      %dma_wait3A_161 = arith.constant 0 : i32
      %dma_wait3A_162 = tpu.memref_slice %arg6[%add3A_144, %dma_wait3A_161] : memref<81x64xi32, #tpu.memory_space<vmem>> -> memref<1x64xi32, #tpu.memory_space<vmem>>
      %dma_wait3A_163 = tpu.memref_squeeze %dma_wait3A_162 : memref<1x64xi32, #tpu.memory_space<vmem>> -> memref<64xi32, #tpu.memory_space<vmem>>
      %dma_wait3A_164 = arith.constant 0 : i32
      %dma_wait3A_165 = arith.constant 0 : i32
      %dma_wait3A_166 = tpu.memref_slice %arg2[%dma_wait3A_164, %dma_wait3A_165] : memref<10000x128xf32, #tpu.memory_space<hbm>> -> memref<10000x128xf32, #tpu.memory_space<hbm>>
      tpu.wait_indirect_dma semaphore(%arg11 : memref<!tpu.dma_semaphore, #tpu.memory_space<semaphore_mem>>) src(%dma_wait3A_166 : memref<10000x128xf32, #tpu.memory_space<hbm>>) dst(%arg8 : memref<64x128xf32, #tpu.memory_space<vmem>>)
      %dma_start3A_167 = arith.constant 0 : i32
      %dma_start3A_168 = tpu.memref_slice %arg7[%add3A_144, %dma_start3A_167] : memref<81x64xi32, #tpu.memory_space<vmem>> -> memref<1x64xi32, #tpu.memory_space<vmem>>
      %dma_start3A_169 = tpu.memref_squeeze %dma_start3A_168 : memref<1x64xi32, #tpu.memory_space<vmem>> -> memref<64xi32, #tpu.memory_space<vmem>>
      %dma_start3A_170 = arith.constant 0 : i32
      %dma_start3A_171 = arith.constant 0 : i32
      %dma_start3A_172 = tpu.memref_slice %arg17[%dma_start3A_170, %dma_start3A_171] : memref<10240x128xf32, #tpu.memory_space<vmem_shared>> -> memref<10240x128xf32, #tpu.memory_space<vmem_shared>>
      tpu.enqueue_indirect_dma source(%arg8 : memref<64x128xf32, #tpu.memory_space<vmem>>) target(%dma_start3A_172 : memref<10240x128xf32, #tpu.memory_space<vmem_shared>>) offsets(%dma_start3A_169 : memref<64xi32, #tpu.memory_space<vmem>>) semaphore(%arg14 : memref<!tpu.dma_semaphore, #tpu.memory_space<semaphore_mem>>) {add = true}
      %mul3A_173 = arith.constant 3 : i32
      %mul3A_174 = arith.muli %mul3A_173, %scan3A_140 : i32
      %add3A_175 = arith.constant 1 : i32
      %add3A_176 = arith.addi %mul3A_174, %add3A_175 : i32
      %add3A_177 = arith.constant 2 : i32
      %add3A_178 = arith.addi %add3A_176, %add3A_177 : i32
      %min3A_179 = arith.constant 80 : i32
      %min3A_180 = arith.minsi %add3A_178, %min3A_179 : i32
      %sub3A_181 = arith.constant 1 : i32
      %sub3A_182 = arith.subi %add3A_176, %sub3A_181 : i32
      %dma_wait3A_183 = arith.constant 0 : i32
      %dma_wait3A_184 = tpu.memref_slice %arg7[%sub3A_182, %dma_wait3A_183] : memref<81x64xi32, #tpu.memory_space<vmem>> -> memref<1x64xi32, #tpu.memory_space<vmem>>
      %dma_wait3A_185 = tpu.memref_squeeze %dma_wait3A_184 : memref<1x64xi32, #tpu.memory_space<vmem>> -> memref<64xi32, #tpu.memory_space<vmem>>
      %dma_wait3A_186 = arith.constant 0 : i32
      %dma_wait3A_187 = arith.constant 0 : i32
      %dma_wait3A_188 = tpu.memref_slice %arg17[%dma_wait3A_186, %dma_wait3A_187] : memref<10240x128xf32, #tpu.memory_space<vmem_shared>> -> memref<10240x128xf32, #tpu.memory_space<vmem_shared>>
      tpu.wait_indirect_dma semaphore(%arg14 : memref<!tpu.dma_semaphore, #tpu.memory_space<semaphore_mem>>) src(%arg8 : memref<64x128xf32, #tpu.memory_space<vmem>>) dst(%dma_wait3A_188 : memref<10240x128xf32, #tpu.memory_space<vmem_shared>>)
      %dma_start3A_189 = arith.constant 0 : i32
      %dma_start3A_190 = tpu.memref_slice %arg6[%min3A_180, %dma_start3A_189] : memref<81x64xi32, #tpu.memory_space<vmem>> -> memref<1x64xi32, #tpu.memory_space<vmem>>
      %dma_start3A_191 = tpu.memref_squeeze %dma_start3A_190 : memref<1x64xi32, #tpu.memory_space<vmem>> -> memref<64xi32, #tpu.memory_space<vmem>>
      %dma_start3A_192 = arith.constant 0 : i32
      %dma_start3A_193 = arith.constant 0 : i32
      %dma_start3A_194 = tpu.memref_slice %arg2[%dma_start3A_192, %dma_start3A_193] : memref<10000x128xf32, #tpu.memory_space<hbm>> -> memref<10000x128xf32, #tpu.memory_space<hbm>>
      tpu.enqueue_indirect_dma source(%dma_start3A_194 : memref<10000x128xf32, #tpu.memory_space<hbm>>) target(%arg8 : memref<64x128xf32, #tpu.memory_space<vmem>>) offsets(%dma_start3A_191 : memref<64xi32, #tpu.memory_space<vmem>>) semaphore(%arg11 : memref<!tpu.dma_semaphore, #tpu.memory_space<semaphore_mem>>)
      %dma_wait3A_195 = arith.constant 0 : i32
      %dma_wait3A_196 = tpu.memref_slice %arg6[%add3A_176, %dma_wait3A_195] : memref<81x64xi32, #tpu.memory_space<vmem>> -> memref<1x64xi32, #tpu.memory_space<vmem>>
      %dma_wait3A_197 = tpu.memref_squeeze %dma_wait3A_196 : memref<1x64xi32, #tpu.memory_space<vmem>> -> memref<64xi32, #tpu.memory_space<vmem>>
      %dma_wait3A_198 = arith.constant 0 : i32
      %dma_wait3A_199 = arith.constant 0 : i32
      %dma_wait3A_200 = tpu.memref_slice %arg2[%dma_wait3A_198, %dma_wait3A_199] : memref<10000x128xf32, #tpu.memory_space<hbm>> -> memref<10000x128xf32, #tpu.memory_space<hbm>>
      tpu.wait_indirect_dma semaphore(%arg12 : memref<!tpu.dma_semaphore, #tpu.memory_space<semaphore_mem>>) src(%dma_wait3A_200 : memref<10000x128xf32, #tpu.memory_space<hbm>>) dst(%arg9 : memref<64x128xf32, #tpu.memory_space<vmem>>)
      %dma_start3A_201 = arith.constant 0 : i32
      %dma_start3A_202 = tpu.memref_slice %arg7[%add3A_176, %dma_start3A_201] : memref<81x64xi32, #tpu.memory_space<vmem>> -> memref<1x64xi32, #tpu.memory_space<vmem>>
      %dma_start3A_203 = tpu.memref_squeeze %dma_start3A_202 : memref<1x64xi32, #tpu.memory_space<vmem>> -> memref<64xi32, #tpu.memory_space<vmem>>
      %dma_start3A_204 = arith.constant 0 : i32
      %dma_start3A_205 = arith.constant 0 : i32
      %dma_start3A_206 = tpu.memref_slice %arg17[%dma_start3A_204, %dma_start3A_205] : memref<10240x128xf32, #tpu.memory_space<vmem_shared>> -> memref<10240x128xf32, #tpu.memory_space<vmem_shared>>
      tpu.enqueue_indirect_dma source(%arg9 : memref<64x128xf32, #tpu.memory_space<vmem>>) target(%dma_start3A_206 : memref<10240x128xf32, #tpu.memory_space<vmem_shared>>) offsets(%dma_start3A_203 : memref<64xi32, #tpu.memory_space<vmem>>) semaphore(%arg15 : memref<!tpu.dma_semaphore, #tpu.memory_space<semaphore_mem>>) {add = true}
      %mul3A_207 = arith.constant 3 : i32
      %mul3A_208 = arith.muli %mul3A_207, %scan3A_140 : i32
      %add3A_209 = arith.constant 2 : i32
      %add3A_210 = arith.addi %mul3A_208, %add3A_209 : i32
      %add3A_211 = arith.constant 2 : i32
      %add3A_212 = arith.addi %add3A_210, %add3A_211 : i32
      %min3A_213 = arith.constant 80 : i32
      %min3A_214 = arith.minsi %add3A_212, %min3A_213 : i32
      %sub3A_215 = arith.constant 1 : i32
      %sub3A_216 = arith.subi %add3A_210, %sub3A_215 : i32
      %dma_wait3A_217 = arith.constant 0 : i32
      %dma_wait3A_218 = tpu.memref_slice %arg7[%sub3A_216, %dma_wait3A_217] : memref<81x64xi32, #tpu.memory_space<vmem>> -> memref<1x64xi32, #tpu.memory_space<vmem>>
      %dma_wait3A_219 = tpu.memref_squeeze %dma_wait3A_218 : memref<1x64xi32, #tpu.memory_space<vmem>> -> memref<64xi32, #tpu.memory_space<vmem>>
      %dma_wait3A_220 = arith.constant 0 : i32
      %dma_wait3A_221 = arith.constant 0 : i32
      %dma_wait3A_222 = tpu.memref_slice %arg17[%dma_wait3A_220, %dma_wait3A_221] : memref<10240x128xf32, #tpu.memory_space<vmem_shared>> -> memref<10240x128xf32, #tpu.memory_space<vmem_shared>>
      tpu.wait_indirect_dma semaphore(%arg15 : memref<!tpu.dma_semaphore, #tpu.memory_space<semaphore_mem>>) src(%arg9 : memref<64x128xf32, #tpu.memory_space<vmem>>) dst(%dma_wait3A_222 : memref<10240x128xf32, #tpu.memory_space<vmem_shared>>)
      %dma_start3A_223 = arith.constant 0 : i32
      %dma_start3A_224 = tpu.memref_slice %arg6[%min3A_214, %dma_start3A_223] : memref<81x64xi32, #tpu.memory_space<vmem>> -> memref<1x64xi32, #tpu.memory_space<vmem>>
      %dma_start3A_225 = tpu.memref_squeeze %dma_start3A_224 : memref<1x64xi32, #tpu.memory_space<vmem>> -> memref<64xi32, #tpu.memory_space<vmem>>
      %dma_start3A_226 = arith.constant 0 : i32
      %dma_start3A_227 = arith.constant 0 : i32
      %dma_start3A_228 = tpu.memref_slice %arg2[%dma_start3A_226, %dma_start3A_227] : memref<10000x128xf32, #tpu.memory_space<hbm>> -> memref<10000x128xf32, #tpu.memory_space<hbm>>
      tpu.enqueue_indirect_dma source(%dma_start3A_228 : memref<10000x128xf32, #tpu.memory_space<hbm>>) target(%arg9 : memref<64x128xf32, #tpu.memory_space<vmem>>) offsets(%dma_start3A_225 : memref<64xi32, #tpu.memory_space<vmem>>) semaphore(%arg12 : memref<!tpu.dma_semaphore, #tpu.memory_space<semaphore_mem>>)
      %dma_wait3A_229 = arith.constant 0 : i32
      %dma_wait3A_230 = tpu.memref_slice %arg6[%add3A_210, %dma_wait3A_229] : memref<81x64xi32, #tpu.memory_space<vmem>> -> memref<1x64xi32, #tpu.memory_space<vmem>>
      %dma_wait3A_231 = tpu.memref_squeeze %dma_wait3A_230 : memref<1x64xi32, #tpu.memory_space<vmem>> -> memref<64xi32, #tpu.memory_space<vmem>>
      %dma_wait3A_232 = arith.constant 0 : i32
      %dma_wait3A_233 = arith.constant 0 : i32
      %dma_wait3A_234 = tpu.memref_slice %arg2[%dma_wait3A_232, %dma_wait3A_233] : memref<10000x128xf32, #tpu.memory_space<hbm>> -> memref<10000x128xf32, #tpu.memory_space<hbm>>
      tpu.wait_indirect_dma semaphore(%arg13 : memref<!tpu.dma_semaphore, #tpu.memory_space<semaphore_mem>>) src(%dma_wait3A_234 : memref<10000x128xf32, #tpu.memory_space<hbm>>) dst(%arg10 : memref<64x128xf32, #tpu.memory_space<vmem>>)
      %dma_start3A_235 = arith.constant 0 : i32
      %dma_start3A_236 = tpu.memref_slice %arg7[%add3A_210, %dma_start3A_235] : memref<81x64xi32, #tpu.memory_space<vmem>> -> memref<1x64xi32, #tpu.memory_space<vmem>>
      %dma_start3A_237 = tpu.memref_squeeze %dma_start3A_236 : memref<1x64xi32, #tpu.memory_space<vmem>> -> memref<64xi32, #tpu.memory_space<vmem>>
      %dma_start3A_238 = arith.constant 0 : i32
      %dma_start3A_239 = arith.constant 0 : i32
      %dma_start3A_240 = tpu.memref_slice %arg17[%dma_start3A_238, %dma_start3A_239] : memref<10240x128xf32, #tpu.memory_space<vmem_shared>> -> memref<10240x128xf32, #tpu.memory_space<vmem_shared>>
      tpu.enqueue_indirect_dma source(%arg10 : memref<64x128xf32, #tpu.memory_space<vmem>>) target(%dma_start3A_240 : memref<10240x128xf32, #tpu.memory_space<vmem_shared>>) offsets(%dma_start3A_237 : memref<64xi32, #tpu.memory_space<vmem>>) semaphore(%arg16 : memref<!tpu.dma_semaphore, #tpu.memory_space<semaphore_mem>>) {add = true}
    }
    %scan3A_113 = arith.constant 26 : i32
    %dma_wait3A_114 = arith.constant 80 : i32
    %dma_wait3A_115 = arith.constant 0 : i32
    %dma_wait3A_116 = tpu.memref_slice %arg7[%dma_wait3A_114, %dma_wait3A_115] : memref<81x64xi32, #tpu.memory_space<vmem>> -> memref<1x64xi32, #tpu.memory_space<vmem>>
    %dma_wait3A_117 = tpu.memref_squeeze %dma_wait3A_116 : memref<1x64xi32, #tpu.memory_space<vmem>> -> memref<64xi32, #tpu.memory_space<vmem>>
    %dma_wait3A_118 = arith.constant 0 : i32
    %dma_wait3A_119 = arith.constant 0 : i32
    %dma_wait3A_120 = tpu.memref_slice %arg17[%dma_wait3A_118, %dma_wait3A_119] : memref<10240x128xf32, #tpu.memory_space<vmem_shared>> -> memref<10240x128xf32, #tpu.memory_space<vmem_shared>>
    tpu.wait_indirect_dma semaphore(%arg16 : memref<!tpu.dma_semaphore, #tpu.memory_space<semaphore_mem>>) src(%arg10 : memref<64x128xf32, #tpu.memory_space<vmem>>) dst(%dma_wait3A_120 : memref<10240x128xf32, #tpu.memory_space<vmem_shared>>)
    %dma_wait3A_121 = arith.constant 80 : i32
    %dma_wait3A_122 = arith.constant 0 : i32
    %dma_wait3A_123 = tpu.memref_slice %arg6[%dma_wait3A_121, %dma_wait3A_122] : memref<81x64xi32, #tpu.memory_space<vmem>> -> memref<1x64xi32, #tpu.memory_space<vmem>>
    %dma_wait3A_124 = tpu.memref_squeeze %dma_wait3A_123 : memref<1x64xi32, #tpu.memory_space<vmem>> -> memref<64xi32, #tpu.memory_space<vmem>>
    %dma_wait3A_125 = arith.constant 0 : i32
    %dma_wait3A_126 = arith.constant 0 : i32
    %dma_wait3A_127 = tpu.memref_slice %arg2[%dma_wait3A_125, %dma_wait3A_126] : memref<10000x128xf32, #tpu.memory_space<hbm>> -> memref<10000x128xf32, #tpu.memory_space<hbm>>
    tpu.wait_indirect_dma semaphore(%arg11 : memref<!tpu.dma_semaphore, #tpu.memory_space<semaphore_mem>>) src(%dma_wait3A_127 : memref<10000x128xf32, #tpu.memory_space<hbm>>) dst(%arg8 : memref<64x128xf32, #tpu.memory_space<vmem>>)
    %dma_wait3A_128 = arith.constant 80 : i32
    %dma_wait3A_129 = arith.constant 0 : i32
    %dma_wait3A_130 = tpu.memref_slice %arg6[%dma_wait3A_128, %dma_wait3A_129] : memref<81x64xi32, #tpu.memory_space<vmem>> -> memref<1x64xi32, #tpu.memory_space<vmem>>
    %dma_wait3A_131 = tpu.memref_squeeze %dma_wait3A_130 : memref<1x64xi32, #tpu.memory_space<vmem>> -> memref<64xi32, #tpu.memory_space<vmem>>
    %dma_wait3A_132 = arith.constant 0 : i32
    %dma_wait3A_133 = arith.constant 0 : i32
    %dma_wait3A_134 = tpu.memref_slice %arg2[%dma_wait3A_132, %dma_wait3A_133] : memref<10000x128xf32, #tpu.memory_space<hbm>> -> memref<10000x128xf32, #tpu.memory_space<hbm>>
    tpu.wait_indirect_dma semaphore(%arg12 : memref<!tpu.dma_semaphore, #tpu.memory_space<semaphore_mem>>) src(%dma_wait3A_134 : memref<10000x128xf32, #tpu.memory_space<hbm>>) dst(%arg9 : memref<64x128xf32, #tpu.memory_space<vmem>>)
    %barrier3A_135 = arith.constant 0 : index
    tpu.barrier barrier_id(%barrier3A_135)
    %mul3A_136 = arith.constant 640 : i32
    %mul3A_137 = arith.muli %arg1, %mul3A_136 : i32
    %mul3A_138 = arith.constant 640 : i32
    %mul3A_139 = arith.muli %arg1, %mul3A_138 : i32
    %run_scoped3A = arith.constant 0 : i32
    "tpu.region"() ({
      %run_scoped3A_140 = tpu.sem_alloc : memref<!tpu.dma_semaphore, #tpu.memory_space<semaphore_mem>>
      %dma_start3A_141 = arith.constant 0 : i32
      %dma_start3A_142 = tpu.memref_slice %arg5[%run_scoped3A, %arg0, %mul3A_139, %dma_start3A_141] : memref<1x2x10240x128xf32, #tpu.memory_space<hbm>> -> memref<1x1x640x128xf32, #tpu.memory_space<hbm>>
      %dma_start3A_143 = tpu.memref_squeeze %dma_start3A_142 : memref<1x1x640x128xf32, #tpu.memory_space<hbm>> -> memref<640x128xf32, #tpu.memory_space<hbm>>
      %dma_start3A_144 = arith.constant 0 : i32
      %dma_start3A_145 = tpu.memref_slice %arg17[%mul3A_137, %dma_start3A_144] : memref<10240x128xf32, #tpu.memory_space<vmem_shared>> -> memref<640x128xf32, #tpu.memory_space<vmem_shared>>
      tpu.enqueue_dma source(%dma_start3A_145 : memref<640x128xf32, #tpu.memory_space<vmem_shared>>) target(%dma_start3A_143 : memref<640x128xf32, #tpu.memory_space<hbm>>) target_semaphore(%run_scoped3A_140 : memref<!tpu.dma_semaphore, #tpu.memory_space<semaphore_mem>>)
      %dma_wait3A_146 = arith.constant 0 : i32
      %dma_wait3A_147 = tpu.memref_slice %arg5[%run_scoped3A, %arg0, %mul3A_139, %dma_wait3A_146] : memref<1x2x10240x128xf32, #tpu.memory_space<hbm>> -> memref<1x1x640x128xf32, #tpu.memory_space<hbm>>
      %dma_wait3A_148 = tpu.memref_squeeze %dma_wait3A_147 : memref<1x1x640x128xf32, #tpu.memory_space<hbm>> -> memref<640x128xf32, #tpu.memory_space<hbm>>
      %dma_wait3A_149 = arith.constant 0 : i32
      %dma_wait3A_150 = tpu.memref_slice %arg17[%mul3A_137, %dma_wait3A_149] : memref<10240x128xf32, #tpu.memory_space<vmem_shared>> -> memref<640x128xf32, #tpu.memory_space<vmem_shared>>
      tpu.wait_dma2 semaphore(%run_scoped3A_140 : memref<!tpu.dma_semaphore, #tpu.memory_space<semaphore_mem>>) src(%dma_wait3A_150 : memref<640x128xf32, #tpu.memory_space<vmem_shared>>) dst(%dma_wait3A_148 : memref<640x128xf32, #tpu.memory_space<hbm>>)
      tpu.yield
    }) : () -> ()
    return
  }
}

module attributes {stable_mosaic.version = 14 : i64} {
  func.func @_mm1_body(%arg0: i32, %arg1: memref<1024x256xf32, #tpu.memory_space<vmem>>, %arg2: memref<256x512xf32, #tpu.memory_space<vmem>>, %arg3: memref<2x1024x128xf32, #tpu.memory_space<vmem>>, %arg4: memref<1024x128xf32, #tpu.memory_space<vmem>>, %arg5: memref<1024x128xf32, #tpu.memory_space<vmem>>, %arg6: memref<1024x128xf32, #tpu.memory_space<vmem>>, %arg7: memref<1024x128xf32, #tpu.memory_space<vmem>>) attributes {dimension_semantics = [#tpu.dimension_semantics<arbitrary>], iteration_bounds = array<i64: 10>, scalar_prefetch = 0 : i64, scratch_operands = 0 : i64, tpu.core_type = #tpu.core_type<tc>, window_params = [{transform_indices = @transform_0, window_bounds = array<i64: 1024, 256>}, {pipeline_mode = #tpu.pipeline_mode<synchronous>, transform_indices = @transform_1, window_bounds = array<i64: 256, 512>}, {transform_indices = @transform_2, window_bounds = array<i64: 2, 1024, 128>}, {transform_indices = @transform_3, window_bounds = array<i64: 1024, 128>}, {transform_indices = @transform_4, window_bounds = array<i64: 1024, 128>}, {transform_indices = @transform_5, window_bounds = array<i64: 1024, 128>}, {transform_indices = @transform_6, window_bounds = array<i64: 1024, 128>}]} {
    %get3A = arith.constant 0 : index
    %get3A_0 = arith.constant 0 : index
    %get3A_1 = arith.constant 0 : index
    %get3A_2 = vector.load %arg3[%get3A, %get3A_0, %get3A_1] : memref<2x1024x128xf32, #tpu.memory_space<vmem>>, vector<2x1024x128xf32>
    %slice3A = vector.extract_strided_slice %get3A_2 {offsets = [0, 0, 0], sizes = [1, 1024, 1], strides = [1, 1, 1]} : vector<2x1024x128xf32> to vector<1x1024x1xf32>
    %squeeze3A = vector.shape_cast %slice3A : vector<1x1024x1xf32> to vector<1024x1xf32>
    %slice3A_3 = vector.extract_strided_slice %get3A_2 {offsets = [1, 0, 0], sizes = [1, 1024, 1], strides = [1, 1, 1]} : vector<2x1024x128xf32> to vector<1x1024x1xf32>
    %squeeze3A_4 = vector.shape_cast %slice3A_3 : vector<1x1024x1xf32> to vector<1024x1xf32>
    %add3A = arith.addf %squeeze3A, %squeeze3A_4 : vector<1024x1xf32>
    %add3A_5 = arith.constant 1.000000e+00 : f32
    %add3A_6 = vector.broadcast %add3A_5 : f32 to vector<1024x1xf32>
    %add3A_7 = arith.addf %add3A, %add3A_6 : vector<1024x1xf32>
    %rsqrt3A = math.rsqrt %add3A_7 : vector<1024x1xf32>
    %get3A_8 = arith.constant 0 : index
    %get3A_9 = arith.constant 0 : index
    %get3A_10 = vector.load %arg1[%get3A_8, %get3A_9] : memref<1024x256xf32, #tpu.memory_space<vmem>>, vector<1024x256xf32>
    %get3A_11 = arith.constant 0 : index
    %get3A_12 = arith.constant 0 : index
    %get3A_13 = vector.load %arg2[%get3A_11, %get3A_12] : memref<256x512xf32, #tpu.memory_space<vmem>>, vector<256x512xf32>
    %dot_general3A = arith.constant dense<0.000000e+00> : vector<1024x512xf32>
    %dot_general3A_14 = tpu.matmul %get3A_10, %get3A_13, %dot_general3A {dimension_numbers = #tpu.dot_dimension_numbers<[1], [0], [0], [1], [0, 0, 1, 1], [], []>, transpose_lhs_hint = false} : vector<1024x256xf32>, vector<256x512xf32>, vector<1024x512xf32> -> vector<1024x512xf32>
    %mul3A = vector.broadcast %rsqrt3A : vector<1024x1xf32> to vector<1024x512xf32>
    %mul3A_15 = arith.mulf %dot_general3A_14, %mul3A : vector<1024x512xf32>
    %slice3A_16 = vector.extract_strided_slice %mul3A_15 {offsets = [0, 0], sizes = [1024, 128], strides = [1, 1]} : vector<1024x512xf32> to vector<1024x128xf32>
    %swap3A = arith.constant 0 : index
    %swap3A_17 = arith.constant 0 : index
    %swap3A_18 = vector.load %arg4[%swap3A, %swap3A_17] : memref<1024x128xf32, #tpu.memory_space<vmem>>, vector<1024x128xf32>
    tpu.vector_store %arg4[%swap3A, %swap3A_17], %slice3A_16 {strides = array<i32>} : memref<1024x128xf32, #tpu.memory_space<vmem>>, vector<1024x128xf32>,
    %slice3A_19 = vector.extract_strided_slice %mul3A_15 {offsets = [0, 128], sizes = [1024, 128], strides = [1, 1]} : vector<1024x512xf32> to vector<1024x128xf32>
    %swap3A_20 = arith.constant 0 : index
    %swap3A_21 = arith.constant 0 : index
    %swap3A_22 = vector.load %arg5[%swap3A_20, %swap3A_21] : memref<1024x128xf32, #tpu.memory_space<vmem>>, vector<1024x128xf32>
    tpu.vector_store %arg5[%swap3A_20, %swap3A_21], %slice3A_19 {strides = array<i32>} : memref<1024x128xf32, #tpu.memory_space<vmem>>, vector<1024x128xf32>,
    %slice3A_23 = vector.extract_strided_slice %mul3A_15 {offsets = [0, 256], sizes = [1024, 128], strides = [1, 1]} : vector<1024x512xf32> to vector<1024x128xf32>
    %swap3A_24 = arith.constant 0 : index
    %swap3A_25 = arith.constant 0 : index
    %swap3A_26 = vector.load %arg6[%swap3A_24, %swap3A_25] : memref<1024x128xf32, #tpu.memory_space<vmem>>, vector<1024x128xf32>
    tpu.vector_store %arg6[%swap3A_24, %swap3A_25], %slice3A_23 {strides = array<i32>} : memref<1024x128xf32, #tpu.memory_space<vmem>>, vector<1024x128xf32>,
    %slice3A_27 = vector.extract_strided_slice %mul3A_15 {offsets = [0, 384], sizes = [1024, 128], strides = [1, 1]} : vector<1024x512xf32> to vector<1024x128xf32>
    %swap3A_28 = arith.constant 0 : index
    %swap3A_29 = arith.constant 0 : index
    %swap3A_30 = vector.load %arg7[%swap3A_28, %swap3A_29] : memref<1024x128xf32, #tpu.memory_space<vmem>>, vector<1024x128xf32>
    tpu.vector_store %arg7[%swap3A_28, %swap3A_29], %slice3A_27 {strides = array<i32>} : memref<1024x128xf32, #tpu.memory_space<vmem>>, vector<1024x128xf32>,
    return
  }
  func.func @transform_0(%arg0: i32) -> (i32, i32) {
    %c0_i32 = arith.constant 0 : i32
    %c0_i32_0 = arith.constant 0 : i32
    return %arg0, %c0_i32 : i32, i32
  }
  func.func @transform_1(%arg0: i32) -> (i32, i32) {
    %c0_i32 = arith.constant 0 : i32
    %c0_i32_0 = arith.constant 0 : i32
    %c0_i32_1 = arith.constant 0 : i32
    return %c0_i32, %c0_i32_0 : i32, i32
  }
  func.func @transform_2(%arg0: i32) -> (i32, i32, i32) {
    %c0_i32 = arith.constant 0 : i32
    %c0_i32_0 = arith.constant 0 : i32
    %c0_i32_1 = arith.constant 0 : i32
    return %c0_i32, %arg0, %c0_i32_0 : i32, i32, i32
  }
  func.func @transform_3(%arg0: i32) -> (i32, i32) {
    %c0_i32 = arith.constant 0 : i32
    %c0_i32_0 = arith.constant 0 : i32
    return %arg0, %c0_i32 : i32, i32
  }
  func.func @transform_4(%arg0: i32) -> (i32, i32) {
    %c0_i32 = arith.constant 0 : i32
    %c0_i32_0 = arith.constant 0 : i32
    return %arg0, %c0_i32 : i32, i32
  }
  func.func @transform_5(%arg0: i32) -> (i32, i32) {
    %c0_i32 = arith.constant 0 : i32
    %c0_i32_0 = arith.constant 0 : i32
    return %arg0, %c0_i32 : i32, i32
  }
  func.func @transform_6(%arg0: i32) -> (i32, i32) {
    %c0_i32 = arith.constant 0 : i32
    %c0_i32_0 = arith.constant 0 : i32
    return %arg0, %c0_i32 : i32, i32
  }
}

module attributes {stable_mosaic.version = 14 : i64} {
  func.func @_mm2_body(%arg0: i32, %arg1: memref<2x1024x128xf32, #tpu.memory_space<vmem>>, %arg2: memref<2x1024x128xf32, #tpu.memory_space<vmem>>, %arg3: memref<2x1024x128xf32, #tpu.memory_space<vmem>>, %arg4: memref<2x1024x128xf32, #tpu.memory_space<vmem>>, %arg5: memref<1024x128xf32, #tpu.memory_space<vmem>>, %arg6: memref<1024x128xf32, #tpu.memory_space<vmem>>, %arg7: memref<1024x128xf32, #tpu.memory_space<vmem>>, %arg8: memref<1024x128xf32, #tpu.memory_space<vmem>>, %arg9: memref<2x1024x128xf32, #tpu.memory_space<vmem>>, %arg10: memref<8x512xf32, #tpu.memory_space<vmem>>, %arg11: memref<512x256xf32, #tpu.memory_space<vmem>>, %arg12: memref<1024x128xf32, #tpu.memory_space<vmem>>, %arg13: memref<1024x128xf32, #tpu.memory_space<vmem>>) attributes {dimension_semantics = [#tpu.dimension_semantics<arbitrary>], iteration_bounds = array<i64: 10>, scalar_prefetch = 0 : i64, scratch_operands = 0 : i64, tpu.core_type = #tpu.core_type<tc>, window_params = [{transform_indices = @transform_0, window_bounds = array<i64: 2, 1024, 128>}, {transform_indices = @transform_1, window_bounds = array<i64: 2, 1024, 128>}, {transform_indices = @transform_2, window_bounds = array<i64: 2, 1024, 128>}, {transform_indices = @transform_3, window_bounds = array<i64: 2, 1024, 128>}, {transform_indices = @transform_4, window_bounds = array<i64: 1024, 128>}, {transform_indices = @transform_5, window_bounds = array<i64: 1024, 128>}, {transform_indices = @transform_6, window_bounds = array<i64: 1024, 128>}, {transform_indices = @transform_7, window_bounds = array<i64: 1024, 128>}, {transform_indices = @transform_8, window_bounds = array<i64: 2, 1024, 128>}, {pipeline_mode = #tpu.pipeline_mode<synchronous>, transform_indices = @transform_9, window_bounds = array<i64: 8, 512>}, {pipeline_mode = #tpu.pipeline_mode<synchronous>, transform_indices = @transform_10, window_bounds = array<i64: 512, 256>}, {transform_indices = @transform_11, window_bounds = array<i64: 1024, 128>}, {transform_indices = @transform_12, window_bounds = array<i64: 1024, 128>}]} {
    %get3A = arith.constant 0 : index
    %get3A_0 = arith.constant 0 : index
    %get3A_1 = arith.constant 0 : index
    %get3A_2 = vector.load %arg9[%get3A, %get3A_0, %get3A_1] : memref<2x1024x128xf32, #tpu.memory_space<vmem>>, vector<2x1024x128xf32>
    %slice3A = vector.extract_strided_slice %get3A_2 {offsets = [0, 0, 0], sizes = [1, 1024, 1], strides = [1, 1, 1]} : vector<2x1024x128xf32> to vector<1x1024x1xf32>
    %squeeze3A = vector.shape_cast %slice3A : vector<1x1024x1xf32> to vector<1024x1xf32>
    %slice3A_3 = vector.extract_strided_slice %get3A_2 {offsets = [1, 0, 0], sizes = [1, 1024, 1], strides = [1, 1, 1]} : vector<2x1024x128xf32> to vector<1x1024x1xf32>
    %squeeze3A_4 = vector.shape_cast %slice3A_3 : vector<1x1024x1xf32> to vector<1024x1xf32>
    %add3A = arith.addf %squeeze3A, %squeeze3A_4 : vector<1024x1xf32>
    %add3A_5 = arith.constant 1.000000e+00 : f32
    %add3A_6 = vector.broadcast %add3A_5 : f32 to vector<1024x1xf32>
    %add3A_7 = arith.addf %add3A, %add3A_6 : vector<1024x1xf32>
    %rsqrt3A = math.rsqrt %add3A_7 : vector<1024x1xf32>
    %broadcast_in_dim3A = arith.constant 0.000000e+00 : f32
    %broadcast_in_dim3A_8 = vector.broadcast %broadcast_in_dim3A : f32 to vector<1024x256xf32>
    %get3A_9 = arith.constant 0 : index
    %get3A_10 = arith.constant 0 : index
    %get3A_11 = arith.constant 0 : index
    %get3A_12 = vector.load %arg1[%get3A_9, %get3A_10, %get3A_11] : memref<2x1024x128xf32, #tpu.memory_space<vmem>>, vector<2x1024x128xf32>
    %slice3A_13 = vector.extract_strided_slice %get3A_12 {offsets = [0, 0, 0], sizes = [1, 1024, 128], strides = [1, 1, 1]} : vector<2x1024x128xf32> to vector<1x1024x128xf32>
    %squeeze3A_14 = vector.shape_cast %slice3A_13 : vector<1x1024x128xf32> to vector<1024x128xf32>
    %slice3A_15 = vector.extract_strided_slice %get3A_12 {offsets = [1, 0, 0], sizes = [1, 1024, 128], strides = [1, 1, 1]} : vector<2x1024x128xf32> to vector<1x1024x128xf32>
    %squeeze3A_16 = vector.shape_cast %slice3A_15 : vector<1x1024x128xf32> to vector<1024x128xf32>
    %add3A_17 = arith.addf %squeeze3A_14, %squeeze3A_16 : vector<1024x128xf32>
    %get3A_18 = arith.constant 0 : index
    %get3A_19 = arith.constant 0 : index
    %get3A_20 = vector.load %arg5[%get3A_18, %get3A_19] : memref<1024x128xf32, #tpu.memory_space<vmem>>, vector<1024x128xf32>
    %add3A_21 = arith.addf %add3A_17, %get3A_20 : vector<1024x128xf32>
    %mul3A = vector.broadcast %rsqrt3A : vector<1024x1xf32> to vector<1024x128xf32>
    %mul3A_22 = arith.mulf %add3A_21, %mul3A : vector<1024x128xf32>
    %get3A_23 = arith.constant 0 : index
    %get3A_24 = arith.constant 0 : index
    %get3A_25 = vector.load %arg10[%get3A_23, %get3A_24] : memref<8x512xf32, #tpu.memory_space<vmem>>, vector<1x128xf32>
    %add3A_26 = vector.broadcast %get3A_25 : vector<1x128xf32> to vector<1024x128xf32>
    %add3A_27 = arith.addf %mul3A_22, %add3A_26 : vector<1024x128xf32>
    %max3A = arith.constant 0.000000e+00 : f32
    %max3A_28 = vector.broadcast %max3A : f32 to vector<1024x128xf32>
    %max3A_29 = arith.maximumf %add3A_27, %max3A_28 : vector<1024x128xf32>
    %get3A_30 = arith.constant 0 : index
    %get3A_31 = arith.constant 0 : index
    %get3A_32 = vector.load %arg11[%get3A_30, %get3A_31] : memref<512x256xf32, #tpu.memory_space<vmem>>, vector<128x256xf32>
    %dot_general3A = arith.constant dense<0.000000e+00> : vector<1024x256xf32>
    %dot_general3A_33 = tpu.matmul %max3A_29, %get3A_32, %dot_general3A {dimension_numbers = #tpu.dot_dimension_numbers<[1], [0], [0], [1], [0, 0, 1, 1], [], []>, transpose_lhs_hint = false} : vector<1024x128xf32>, vector<128x256xf32>, vector<1024x256xf32> -> vector<1024x256xf32>
    %add3A_34 = arith.addf %broadcast_in_dim3A_8, %dot_general3A_33 : vector<1024x256xf32>
    %get3A_35 = arith.constant 0 : index
    %get3A_36 = arith.constant 0 : index
    %get3A_37 = arith.constant 0 : index
    %get3A_38 = vector.load %arg2[%get3A_35, %get3A_36, %get3A_37] : memref<2x1024x128xf32, #tpu.memory_space<vmem>>, vector<2x1024x128xf32>
    %slice3A_39 = vector.extract_strided_slice %get3A_38 {offsets = [0, 0, 0], sizes = [1, 1024, 128], strides = [1, 1, 1]} : vector<2x1024x128xf32> to vector<1x1024x128xf32>
    %squeeze3A_40 = vector.shape_cast %slice3A_39 : vector<1x1024x128xf32> to vector<1024x128xf32>
    %slice3A_41 = vector.extract_strided_slice %get3A_38 {offsets = [1, 0, 0], sizes = [1, 1024, 128], strides = [1, 1, 1]} : vector<2x1024x128xf32> to vector<1x1024x128xf32>
    %squeeze3A_42 = vector.shape_cast %slice3A_41 : vector<1x1024x128xf32> to vector<1024x128xf32>
    %add3A_43 = arith.addf %squeeze3A_40, %squeeze3A_42 : vector<1024x128xf32>
    %get3A_44 = arith.constant 0 : index
    %get3A_45 = arith.constant 0 : index
    %get3A_46 = vector.load %arg6[%get3A_44, %get3A_45] : memref<1024x128xf32, #tpu.memory_space<vmem>>, vector<1024x128xf32>
    %add3A_47 = arith.addf %add3A_43, %get3A_46 : vector<1024x128xf32>
    %mul3A_48 = vector.broadcast %rsqrt3A : vector<1024x1xf32> to vector<1024x128xf32>
    %mul3A_49 = arith.mulf %add3A_47, %mul3A_48 : vector<1024x128xf32>
    %get3A_50 = arith.constant 0 : index
    %get3A_51 = arith.constant 128 : index
    %get3A_52 = vector.load %arg10[%get3A_50, %get3A_51] : memref<8x512xf32, #tpu.memory_space<vmem>>, vector<1x128xf32>
    %add3A_53 = vector.broadcast %get3A_52 : vector<1x128xf32> to vector<1024x128xf32>
    %add3A_54 = arith.addf %mul3A_49, %add3A_53 : vector<1024x128xf32>
    %max3A_55 = arith.constant 0.000000e+00 : f32
    %max3A_56 = vector.broadcast %max3A_55 : f32 to vector<1024x128xf32>
    %max3A_57 = arith.maximumf %add3A_54, %max3A_56 : vector<1024x128xf32>
    %get3A_58 = arith.constant 128 : index
    %get3A_59 = arith.constant 0 : index
    %get3A_60 = vector.load %arg11[%get3A_58, %get3A_59] : memref<512x256xf32, #tpu.memory_space<vmem>>, vector<128x256xf32>
    %dot_general3A_61 = arith.constant dense<0.000000e+00> : vector<1024x256xf32>
    %dot_general3A_62 = tpu.matmul %max3A_57, %get3A_60, %dot_general3A_61 {dimension_numbers = #tpu.dot_dimension_numbers<[1], [0], [0], [1], [0, 0, 1, 1], [], []>, transpose_lhs_hint = false} : vector<1024x128xf32>, vector<128x256xf32>, vector<1024x256xf32> -> vector<1024x256xf32>
    %add3A_63 = arith.addf %add3A_34, %dot_general3A_62 : vector<1024x256xf32>
    %get3A_64 = arith.constant 0 : index
    %get3A_65 = arith.constant 0 : index
    %get3A_66 = arith.constant 0 : index
    %get3A_67 = vector.load %arg3[%get3A_64, %get3A_65, %get3A_66] : memref<2x1024x128xf32, #tpu.memory_space<vmem>>, vector<2x1024x128xf32>
    %slice3A_68 = vector.extract_strided_slice %get3A_67 {offsets = [0, 0, 0], sizes = [1, 1024, 128], strides = [1, 1, 1]} : vector<2x1024x128xf32> to vector<1x1024x128xf32>
    %squeeze3A_69 = vector.shape_cast %slice3A_68 : vector<1x1024x128xf32> to vector<1024x128xf32>
    %slice3A_70 = vector.extract_strided_slice %get3A_67 {offsets = [1, 0, 0], sizes = [1, 1024, 128], strides = [1, 1, 1]} : vector<2x1024x128xf32> to vector<1x1024x128xf32>
    %squeeze3A_71 = vector.shape_cast %slice3A_70 : vector<1x1024x128xf32> to vector<1024x128xf32>
    %add3A_72 = arith.addf %squeeze3A_69, %squeeze3A_71 : vector<1024x128xf32>
    %get3A_73 = arith.constant 0 : index
    %get3A_74 = arith.constant 0 : index
    %get3A_75 = vector.load %arg7[%get3A_73, %get3A_74] : memref<1024x128xf32, #tpu.memory_space<vmem>>, vector<1024x128xf32>
    %add3A_76 = arith.addf %add3A_72, %get3A_75 : vector<1024x128xf32>
    %mul3A_77 = vector.broadcast %rsqrt3A : vector<1024x1xf32> to vector<1024x128xf32>
    %mul3A_78 = arith.mulf %add3A_76, %mul3A_77 : vector<1024x128xf32>
    %get3A_79 = arith.constant 0 : index
    %get3A_80 = arith.constant 256 : index
    %get3A_81 = vector.load %arg10[%get3A_79, %get3A_80] : memref<8x512xf32, #tpu.memory_space<vmem>>, vector<1x128xf32>
    %add3A_82 = vector.broadcast %get3A_81 : vector<1x128xf32> to vector<1024x128xf32>
    %add3A_83 = arith.addf %mul3A_78, %add3A_82 : vector<1024x128xf32>
    %max3A_84 = arith.constant 0.000000e+00 : f32
    %max3A_85 = vector.broadcast %max3A_84 : f32 to vector<1024x128xf32>
    %max3A_86 = arith.maximumf %add3A_83, %max3A_85 : vector<1024x128xf32>
    %get3A_87 = arith.constant 256 : index
    %get3A_88 = arith.constant 0 : index
    %get3A_89 = vector.load %arg11[%get3A_87, %get3A_88] : memref<512x256xf32, #tpu.memory_space<vmem>>, vector<128x256xf32>
    %dot_general3A_90 = arith.constant dense<0.000000e+00> : vector<1024x256xf32>
    %dot_general3A_91 = tpu.matmul %max3A_86, %get3A_89, %dot_general3A_90 {dimension_numbers = #tpu.dot_dimension_numbers<[1], [0], [0], [1], [0, 0, 1, 1], [], []>, transpose_lhs_hint = false} : vector<1024x128xf32>, vector<128x256xf32>, vector<1024x256xf32> -> vector<1024x256xf32>
    %add3A_92 = arith.addf %add3A_63, %dot_general3A_91 : vector<1024x256xf32>
    %get3A_93 = arith.constant 0 : index
    %get3A_94 = arith.constant 0 : index
    %get3A_95 = arith.constant 0 : index
    %get3A_96 = vector.load %arg4[%get3A_93, %get3A_94, %get3A_95] : memref<2x1024x128xf32, #tpu.memory_space<vmem>>, vector<2x1024x128xf32>
    %slice3A_97 = vector.extract_strided_slice %get3A_96 {offsets = [0, 0, 0], sizes = [1, 1024, 128], strides = [1, 1, 1]} : vector<2x1024x128xf32> to vector<1x1024x128xf32>
    %squeeze3A_98 = vector.shape_cast %slice3A_97 : vector<1x1024x128xf32> to vector<1024x128xf32>
    %slice3A_99 = vector.extract_strided_slice %get3A_96 {offsets = [1, 0, 0], sizes = [1, 1024, 128], strides = [1, 1, 1]} : vector<2x1024x128xf32> to vector<1x1024x128xf32>
    %squeeze3A_100 = vector.shape_cast %slice3A_99 : vector<1x1024x128xf32> to vector<1024x128xf32>
    %add3A_101 = arith.addf %squeeze3A_98, %squeeze3A_100 : vector<1024x128xf32>
    %get3A_102 = arith.constant 0 : index
    %get3A_103 = arith.constant 0 : index
    %get3A_104 = vector.load %arg8[%get3A_102, %get3A_103] : memref<1024x128xf32, #tpu.memory_space<vmem>>, vector<1024x128xf32>
    %add3A_105 = arith.addf %add3A_101, %get3A_104 : vector<1024x128xf32>
    %mul3A_106 = vector.broadcast %rsqrt3A : vector<1024x1xf32> to vector<1024x128xf32>
    %mul3A_107 = arith.mulf %add3A_105, %mul3A_106 : vector<1024x128xf32>
    %get3A_108 = arith.constant 0 : index
    %get3A_109 = arith.constant 384 : index
    %get3A_110 = vector.load %arg10[%get3A_108, %get3A_109] : memref<8x512xf32, #tpu.memory_space<vmem>>, vector<1x128xf32>
    %add3A_111 = vector.broadcast %get3A_110 : vector<1x128xf32> to vector<1024x128xf32>
    %add3A_112 = arith.addf %mul3A_107, %add3A_111 : vector<1024x128xf32>
    %max3A_113 = arith.constant 0.000000e+00 : f32
    %max3A_114 = vector.broadcast %max3A_113 : f32 to vector<1024x128xf32>
    %max3A_115 = arith.maximumf %add3A_112, %max3A_114 : vector<1024x128xf32>
    %get3A_116 = arith.constant 384 : index
    %get3A_117 = arith.constant 0 : index
    %get3A_118 = vector.load %arg11[%get3A_116, %get3A_117] : memref<512x256xf32, #tpu.memory_space<vmem>>, vector<128x256xf32>
    %dot_general3A_119 = arith.constant dense<0.000000e+00> : vector<1024x256xf32>
    %dot_general3A_120 = tpu.matmul %max3A_115, %get3A_118, %dot_general3A_119 {dimension_numbers = #tpu.dot_dimension_numbers<[1], [0], [0], [1], [0, 0, 1, 1], [], []>, transpose_lhs_hint = false} : vector<1024x128xf32>, vector<128x256xf32>, vector<1024x256xf32> -> vector<1024x256xf32>
    %add3A_121 = arith.addf %add3A_92, %dot_general3A_120 : vector<1024x256xf32>
    %mul3A_122 = vector.broadcast %rsqrt3A : vector<1024x1xf32> to vector<1024x256xf32>
    %mul3A_123 = arith.mulf %add3A_121, %mul3A_122 : vector<1024x256xf32>
    %slice3A_124 = vector.extract_strided_slice %mul3A_123 {offsets = [0, 0], sizes = [1024, 128], strides = [1, 1]} : vector<1024x256xf32> to vector<1024x128xf32>
    %swap3A = arith.constant 0 : index
    %swap3A_125 = arith.constant 0 : index
    %swap3A_126 = vector.load %arg12[%swap3A, %swap3A_125] : memref<1024x128xf32, #tpu.memory_space<vmem>>, vector<1024x128xf32>
    tpu.vector_store %arg12[%swap3A, %swap3A_125], %slice3A_124 {strides = array<i32>} : memref<1024x128xf32, #tpu.memory_space<vmem>>, vector<1024x128xf32>,
    %slice3A_127 = vector.extract_strided_slice %mul3A_123 {offsets = [0, 128], sizes = [1024, 128], strides = [1, 1]} : vector<1024x256xf32> to vector<1024x128xf32>
    %swap3A_128 = arith.constant 0 : index
    %swap3A_129 = arith.constant 0 : index
    %swap3A_130 = vector.load %arg13[%swap3A_128, %swap3A_129] : memref<1024x128xf32, #tpu.memory_space<vmem>>, vector<1024x128xf32>
    tpu.vector_store %arg13[%swap3A_128, %swap3A_129], %slice3A_127 {strides = array<i32>} : memref<1024x128xf32, #tpu.memory_space<vmem>>, vector<1024x128xf32>,
    return
  }
  func.func @transform_0(%arg0: i32) -> (i32, i32, i32) {
    %c0_i32 = arith.constant 0 : i32
    %c0_i32_0 = arith.constant 0 : i32
    %c0_i32_1 = arith.constant 0 : i32
    return %c0_i32, %arg0, %c0_i32_0 : i32, i32, i32
  }
  func.func @transform_1(%arg0: i32) -> (i32, i32, i32) {
    %c0_i32 = arith.constant 0 : i32
    %c0_i32_0 = arith.constant 0 : i32
    %c0_i32_1 = arith.constant 0 : i32
    return %c0_i32, %arg0, %c0_i32_0 : i32, i32, i32
  }
  func.func @transform_2(%arg0: i32) -> (i32, i32, i32) {
    %c0_i32 = arith.constant 0 : i32
    %c0_i32_0 = arith.constant 0 : i32
    %c0_i32_1 = arith.constant 0 : i32
    return %c0_i32, %arg0, %c0_i32_0 : i32, i32, i32
  }
  func.func @transform_3(%arg0: i32) -> (i32, i32, i32) {
    %c0_i32 = arith.constant 0 : i32
    %c0_i32_0 = arith.constant 0 : i32
    %c0_i32_1 = arith.constant 0 : i32
    return %c0_i32, %arg0, %c0_i32_0 : i32, i32, i32
  }
  func.func @transform_4(%arg0: i32) -> (i32, i32) {
    %c0_i32 = arith.constant 0 : i32
    %c0_i32_0 = arith.constant 0 : i32
    return %arg0, %c0_i32 : i32, i32
  }
  func.func @transform_5(%arg0: i32) -> (i32, i32) {
    %c0_i32 = arith.constant 0 : i32
    %c0_i32_0 = arith.constant 0 : i32
    return %arg0, %c0_i32 : i32, i32
  }
  func.func @transform_6(%arg0: i32) -> (i32, i32) {
    %c0_i32 = arith.constant 0 : i32
    %c0_i32_0 = arith.constant 0 : i32
    return %arg0, %c0_i32 : i32, i32
  }
  func.func @transform_7(%arg0: i32) -> (i32, i32) {
    %c0_i32 = arith.constant 0 : i32
    %c0_i32_0 = arith.constant 0 : i32
    return %arg0, %c0_i32 : i32, i32
  }
  func.func @transform_8(%arg0: i32) -> (i32, i32, i32) {
    %c0_i32 = arith.constant 0 : i32
    %c0_i32_0 = arith.constant 0 : i32
    %c0_i32_1 = arith.constant 0 : i32
    return %c0_i32, %arg0, %c0_i32_0 : i32, i32, i32
  }
  func.func @transform_9(%arg0: i32) -> (i32, i32) {
    %c0_i32 = arith.constant 0 : i32
    %c0_i32_0 = arith.constant 0 : i32
    %c0_i32_1 = arith.constant 0 : i32
    return %c0_i32, %c0_i32_0 : i32, i32
  }
  func.func @transform_10(%arg0: i32) -> (i32, i32) {
    %c0_i32 = arith.constant 0 : i32
    %c0_i32_0 = arith.constant 0 : i32
    %c0_i32_1 = arith.constant 0 : i32
    return %c0_i32, %c0_i32_0 : i32, i32
  }
  func.func @transform_11(%arg0: i32) -> (i32, i32) {
    %c0_i32 = arith.constant 0 : i32
    %c0_i32_0 = arith.constant 0 : i32
    return %arg0, %c0_i32 : i32, i32
  }
  func.func @transform_12(%arg0: i32) -> (i32, i32) {
    %c0_i32 = arith.constant 0 : i32
    %c0_i32_0 = arith.constant 0 : i32
    return %arg0, %c0_i32 : i32, i32
  }
}

module attributes {stable_mosaic.version = 14 : i64} {
  func.func @_fin_body(%arg0: i32, %arg1: memref<2x1024x128xf32, #tpu.memory_space<vmem>>, %arg2: memref<2x1024x128xf32, #tpu.memory_space<vmem>>, %arg3: memref<1024x128xf32, #tpu.memory_space<vmem>>, %arg4: memref<1024x128xf32, #tpu.memory_space<vmem>>, %arg5: memref<2x1024x128xf32, #tpu.memory_space<vmem>>, %arg6: memref<8x256xf32, #tpu.memory_space<vmem>>, %arg7: memref<1024x256xf32, #tpu.memory_space<vmem>>) attributes {dimension_semantics = [#tpu.dimension_semantics<arbitrary>], iteration_bounds = array<i64: 10>, scalar_prefetch = 0 : i64, scratch_operands = 0 : i64, tpu.core_type = #tpu.core_type<tc>, window_params = [{transform_indices = @transform_0, window_bounds = array<i64: 2, 1024, 128>}, {transform_indices = @transform_1, window_bounds = array<i64: 2, 1024, 128>}, {transform_indices = @transform_2, window_bounds = array<i64: 1024, 128>}, {transform_indices = @transform_3, window_bounds = array<i64: 1024, 128>}, {transform_indices = @transform_4, window_bounds = array<i64: 2, 1024, 128>}, {pipeline_mode = #tpu.pipeline_mode<synchronous>, transform_indices = @transform_5, window_bounds = array<i64: 8, 256>}, {transform_indices = @transform_6, window_bounds = array<i64: 1024, 256>}]} {
    %get3A = arith.constant 0 : index
    %get3A_0 = arith.constant 0 : index
    %get3A_1 = arith.constant 0 : index
    %get3A_2 = vector.load %arg5[%get3A, %get3A_0, %get3A_1] : memref<2x1024x128xf32, #tpu.memory_space<vmem>>, vector<2x1024x128xf32>
    %slice3A = vector.extract_strided_slice %get3A_2 {offsets = [0, 0, 0], sizes = [1, 1024, 1], strides = [1, 1, 1]} : vector<2x1024x128xf32> to vector<1x1024x1xf32>
    %squeeze3A = vector.shape_cast %slice3A : vector<1x1024x1xf32> to vector<1024x1xf32>
    %slice3A_3 = vector.extract_strided_slice %get3A_2 {offsets = [1, 0, 0], sizes = [1, 1024, 1], strides = [1, 1, 1]} : vector<2x1024x128xf32> to vector<1x1024x1xf32>
    %squeeze3A_4 = vector.shape_cast %slice3A_3 : vector<1x1024x1xf32> to vector<1024x1xf32>
    %add3A = arith.addf %squeeze3A, %squeeze3A_4 : vector<1024x1xf32>
    %add3A_5 = arith.constant 1.000000e+00 : f32
    %add3A_6 = vector.broadcast %add3A_5 : f32 to vector<1024x1xf32>
    %add3A_7 = arith.addf %add3A, %add3A_6 : vector<1024x1xf32>
    %rsqrt3A = math.rsqrt %add3A_7 : vector<1024x1xf32>
    %get3A_8 = arith.constant 0 : index
    %get3A_9 = arith.constant 0 : index
    %get3A_10 = arith.constant 0 : index
    %get3A_11 = vector.load %arg1[%get3A_8, %get3A_9, %get3A_10] : memref<2x1024x128xf32, #tpu.memory_space<vmem>>, vector<2x1024x128xf32>
    %slice3A_12 = vector.extract_strided_slice %get3A_11 {offsets = [0, 0, 0], sizes = [1, 1024, 128], strides = [1, 1, 1]} : vector<2x1024x128xf32> to vector<1x1024x128xf32>
    %squeeze3A_13 = vector.shape_cast %slice3A_12 : vector<1x1024x128xf32> to vector<1024x128xf32>
    %slice3A_14 = vector.extract_strided_slice %get3A_11 {offsets = [1, 0, 0], sizes = [1, 1024, 128], strides = [1, 1, 1]} : vector<2x1024x128xf32> to vector<1x1024x128xf32>
    %squeeze3A_15 = vector.shape_cast %slice3A_14 : vector<1x1024x128xf32> to vector<1024x128xf32>
    %add3A_16 = arith.addf %squeeze3A_13, %squeeze3A_15 : vector<1024x128xf32>
    %get3A_17 = arith.constant 0 : index
    %get3A_18 = arith.constant 0 : index
    %get3A_19 = vector.load %arg3[%get3A_17, %get3A_18] : memref<1024x128xf32, #tpu.memory_space<vmem>>, vector<1024x128xf32>
    %add3A_20 = arith.addf %add3A_16, %get3A_19 : vector<1024x128xf32>
    %mul3A = vector.broadcast %rsqrt3A : vector<1024x1xf32> to vector<1024x128xf32>
    %mul3A_21 = arith.mulf %add3A_20, %mul3A : vector<1024x128xf32>
    %get3A_22 = arith.constant 0 : index
    %get3A_23 = arith.constant 0 : index
    %get3A_24 = vector.load %arg6[%get3A_22, %get3A_23] : memref<8x256xf32, #tpu.memory_space<vmem>>, vector<1x128xf32>
    %add3A_25 = vector.broadcast %get3A_24 : vector<1x128xf32> to vector<1024x128xf32>
    %add3A_26 = arith.addf %mul3A_21, %add3A_25 : vector<1024x128xf32>
    %get3A_27 = arith.constant 0 : index
    %get3A_28 = arith.constant 0 : index
    %get3A_29 = arith.constant 0 : index
    %get3A_30 = vector.load %arg2[%get3A_27, %get3A_28, %get3A_29] : memref<2x1024x128xf32, #tpu.memory_space<vmem>>, vector<2x1024x128xf32>
    %slice3A_31 = vector.extract_strided_slice %get3A_30 {offsets = [0, 0, 0], sizes = [1, 1024, 128], strides = [1, 1, 1]} : vector<2x1024x128xf32> to vector<1x1024x128xf32>
    %squeeze3A_32 = vector.shape_cast %slice3A_31 : vector<1x1024x128xf32> to vector<1024x128xf32>
    %slice3A_33 = vector.extract_strided_slice %get3A_30 {offsets = [1, 0, 0], sizes = [1, 1024, 128], strides = [1, 1, 1]} : vector<2x1024x128xf32> to vector<1x1024x128xf32>
    %squeeze3A_34 = vector.shape_cast %slice3A_33 : vector<1x1024x128xf32> to vector<1024x128xf32>
    %add3A_35 = arith.addf %squeeze3A_32, %squeeze3A_34 : vector<1024x128xf32>
    %get3A_36 = arith.constant 0 : index
    %get3A_37 = arith.constant 0 : index
    %get3A_38 = vector.load %arg4[%get3A_36, %get3A_37] : memref<1024x128xf32, #tpu.memory_space<vmem>>, vector<1024x128xf32>
    %add3A_39 = arith.addf %add3A_35, %get3A_38 : vector<1024x128xf32>
    %mul3A_40 = vector.broadcast %rsqrt3A : vector<1024x1xf32> to vector<1024x128xf32>
    %mul3A_41 = arith.mulf %add3A_39, %mul3A_40 : vector<1024x128xf32>
    %get3A_42 = arith.constant 0 : index
    %get3A_43 = arith.constant 128 : index
    %get3A_44 = vector.load %arg6[%get3A_42, %get3A_43] : memref<8x256xf32, #tpu.memory_space<vmem>>, vector<1x128xf32>
    %add3A_45 = vector.broadcast %get3A_44 : vector<1x128xf32> to vector<1024x128xf32>
    %add3A_46 = arith.addf %mul3A_41, %add3A_45 : vector<1024x128xf32>
    %concatenate3A = tpu.concatenate %add3A_26, %add3A_46 in 1 : vector<1024x128xf32>, vector<1024x128xf32> -> vector<1024x256xf32>
    %swap3A = arith.constant 0 : index
    %swap3A_47 = arith.constant 0 : index
    %swap3A_48 = vector.load %arg7[%swap3A, %swap3A_47] : memref<1024x256xf32, #tpu.memory_space<vmem>>, vector<1024x256xf32>
    tpu.vector_store %arg7[%swap3A, %swap3A_47], %concatenate3A {strides = array<i32>} : memref<1024x256xf32, #tpu.memory_space<vmem>>, vector<1024x256xf32>,
    return
  }
  func.func @transform_0(%arg0: i32) -> (i32, i32, i32) {
    %c0_i32 = arith.constant 0 : i32
    %c0_i32_0 = arith.constant 0 : i32
    %c0_i32_1 = arith.constant 0 : i32
    return %c0_i32, %arg0, %c0_i32_0 : i32, i32, i32
  }
  func.func @transform_1(%arg0: i32) -> (i32, i32, i32) {
    %c0_i32 = arith.constant 0 : i32
    %c0_i32_0 = arith.constant 0 : i32
    %c0_i32_1 = arith.constant 0 : i32
    return %c0_i32, %arg0, %c0_i32_0 : i32, i32, i32
  }
  func.func @transform_2(%arg0: i32) -> (i32, i32) {
    %c0_i32 = arith.constant 0 : i32
    %c0_i32_0 = arith.constant 0 : i32
    return %arg0, %c0_i32 : i32, i32
  }
  func.func @transform_3(%arg0: i32) -> (i32, i32) {
    %c0_i32 = arith.constant 0 : i32
    %c0_i32_0 = arith.constant 0 : i32
    return %arg0, %c0_i32 : i32, i32
  }
  func.func @transform_4(%arg0: i32) -> (i32, i32, i32) {
    %c0_i32 = arith.constant 0 : i32
    %c0_i32_0 = arith.constant 0 : i32
    %c0_i32_1 = arith.constant 0 : i32
    return %c0_i32, %arg0, %c0_i32_0 : i32, i32, i32
  }
  func.func @transform_5(%arg0: i32) -> (i32, i32) {
    %c0_i32 = arith.constant 0 : i32
    %c0_i32_0 = arith.constant 0 : i32
    %c0_i32_1 = arith.constant 0 : i32
    return %c0_i32, %c0_i32_0 : i32, i32
  }
  func.func @transform_6(%arg0: i32) -> (i32, i32) {
    %c0_i32 = arith.constant 0 : i32
    %c0_i32_0 = arith.constant 0 : i32
    return %arg0, %c0_i32 : i32, i32
  }
}

</mosaic_0001>

<sc_bundles>
// kernel: kernel.12.cloned.1.call-start
scs
__scs_entry_jumppad:
0x0: {  	(pc) =	sbr.rel $0x88, $3  }
0x1: {  	(tag) =	ssettag $0x0;
	lr =	simm.s32 $0x1  }
0x2: {  	[smem:$0x3F9B] =	sst lr;
	_ =	strace $0xD0000000  }
0x3: {  	_ = 	snop  }
0x4: {  	_ = 	snop  }
0x5: {  	_ = 	snop  }
0x6: {  	_ = 	snop  }
0x7: {  	_ = 	snop  }
__scs_overlays_trampoline_lowered:
0x8: {  	[smem:$0x3FAA] =	sst s0  }
0x9: {  	[smem:$0x3FAB] =	sst s1  }
0xa: {  	[smem:$0x3FAC] =	sst s2  }
0xb: {  	[smem:$0x3FAD] =	sst s3  }
0xc: {  	[smem:$0x3FAE] =	sst s4  }
0xd: {  	[smem:$0x3FAF] =	sst s5  }
0xe: {  	[smem:$0x3FB0] =	sst s6  }
0xf: {  	[smem:$0x3FB1] =	sst s7  }
0x10: {  	[smem:$0x3FB2] =	sst s8  }
0x11: {  	[smem:$0x3FB3] =	sst s9;
	s0 =	simm.s32 @!p0 $0x0  }
0x12: {  	s1 =	sld [smem:$0x3F99];
	s0 =	simm.s32 @p0 $0x1  }
0x13: {  	[smem:$0x3FB4] =	sst s0;
	s0 =	simm.s32 @!p1 $0x0  }
0x14: {  	s2 =	sld [smem:$0x3F98];
	s0 =	simm.s32 @p1 $0x1  }
0x15: {  	[smem:$0x3FB5] =	sst s0;
	s0 =	simm.s32 @!p2 $0x0  }
0x16: {  	s3 =	sld [smem:$0x3FDB];
	s0 =	simm.s32 @p2 $0x1  }
0x17: {  	s4 =	simm.s32 $0x1BF5;
	[smem:$0x3FB7] =	sst s0  }
0x18: {  	s0 =	sld [smem:$0x3F9A];
	_ =	swait.ge [sflag:s4], $0x0  }
0x19: {  	s7 =	sld [smem:$0x3F9B]  }
0x1a: {  	s8 =	sadd.s32 $0xFFFFE003, lr  }
0x1b: {  	s9 =	sadd.s32 $0xFFFFFEF7, lr;
	s5 =	simm.s32 $0xFFFFFFFF;
	p2 =	slt.u32 s8, $0xFFFFF086  }
0x1c: {  	p1 =	slt.u32 s9, $0xF7A;
	s5 =	simm.s32 @!p2 $0x0  }
0x1d: {  	s5 =	simm.s32 @p1 $0x1;
	p0 =	seq.s32 s7, s2  }
0x1e: {  	s7 =	smul.u32 @!p0 $0xF7A, s2;
	p2 =	seq.s32 @!p0 s5, $0x0  }
0x1f: {  	s9 =	smul.u32 $0xF7A, s1;
	s8 =	simm.s32 @!p0 $0x1BF5;
	p2 =	por !p2, p0  }
0x20: {  	[sflag:s8] =	ssyncset.s32 @!p0 $0xFFFFF086;
	s6 =	sadd.s32 @!p0 s3, s7;
	s7 =	simm.s32 @!p0 $0x108  }
0x21: {  	s3 =	sadd.s32 s3, s9;
	s6 =	sadd.s32 @!p0 $0x88, s6;
	s7 =	simm.s32 @p2 $0x1082  }
0x22: {  	[simem:s7], [sflag:s8] =	dma.local @!p0 [hbm:s6], $0xF7A  }
0x23: {  	s9 =	sor.u32 $0xD0000000, s2;
	s6 =	simm.s32 $0x108;
	_ =	swait.ge @!p0 [sflag:s8], $0x0  }
0x24: {  	s3 =	sadd.s32 $0x88, s3;
	s6 =	simm.s32 @!p1 $0x1082;
	[sflag:s4] =	ssyncset.s32 $0xFFFFF086  }
0x25: {  	[simem:s6], [sflag:s4] =	dma.local [hbm:s3], $0xF7A  }
0x26: {  	[smem:$0x3F9B] =	sst s1;
	(tag) =	ssettag s2;
	_ =	strace s9  }
0x27: {  	s1 =	sld [smem:$0x3FAB]  }
0x28: {  	s2 =	sld [smem:$0x3FAC]  }
0x29: {  	s4 =	sld [smem:$0x3FAE]  }
0x2a: {  	p0 =	seq.s32 s5, $0x0;
	s5 =	sld [smem:$0x3FAF]  }
0x2b: {  	s6 =	sld [smem:$0x3FB0]  }
0x2c: {  	s7 =	sld [smem:$0x3FB1]  }
0x2d: {  	s3 =	simm.s32 $0x108;
	s8 =	sld [smem:$0x3FB2]  }
0x2e: {  	s3 =	simm.s32 @!p0 $0x1082;
	s9 =	sld [smem:$0x3FB3]  }
0x2f: {  	lr =	sadd.s32 s0, s3;
	s0 =	sld [smem:$0x3FAA]  }
0x30: {  	s3 =	sld [smem:$0x3FAD]  }
0x31: {  	[smem:$0x3FB6] =	sst s10  }
0x32: {  	s10 =	sld [smem:$0x3FB4];
	_ =	sdelay $0x3  }
0x33: {  	p0 =	seq.s32 s10, $0x1;
	s10 =	sld [smem:$0x3FB6];
	_ =	sdelay $0x3  }
0x34: {  	[smem:$0x3FB6] =	sst s10  }
0x35: {  	s10 =	sld [smem:$0x3FB5];
	_ =	sdelay $0x3  }
0x36: {  	p1 =	seq.s32 s10, $0x1;
	s10 =	sld [smem:$0x3FB6];
	_ =	sdelay $0x3  }
0x37: {  	[smem:$0x3FB6] =	sst s10  }
0x38: {  	s10 =	sld [smem:$0x3FB7]  }
0x39: {  	_ = 	snop;
	(pc) =	sbr.ind lr, $3  }
0x3a: {  	_ = 	snop  }
0x3b: {  	_ = 	snop  }
0x3c: {  	p2 =	seq.s32 s10, $0x1;
	s10 =	sld [smem:$0x3FB6]  }
0x3d: {  	_ =	shalt  }
0x3e: {  	_ =	shalt  }
0x3f: {  	_ =	shalt  }
0x40: {  	_ =	shalt  }
0x41: {  	_ =	shalt  }
0x42: {  	_ =	shalt  }
0x43: {  	_ =	shalt  }
0x44: {  	_ =	shalt  }
0x45: {  	_ =	shalt  }
0x46: {  	_ =	shalt  }
0x47: {  	_ =	shalt  }
0x48: {  	_ =	shalt  }
0x49: {  	_ =	shalt  }
0x4a: {  	_ =	shalt  }
0x4b: {  	_ =	shalt  }
0x4c: {  	_ =	shalt  }
0x4d: {  	_ =	shalt  }
0x4e: {  	_ =	shalt  }
0x4f: {  	_ =	shalt  }
0x50: {  	_ =	shalt  }
0x51: {  	_ =	shalt  }
0x52: {  	_ =	shalt  }
0x53: {  	_ =	shalt  }
0x54: {  	_ =	shalt  }
0x55: {  	_ =	shalt  }
0x56: {  	_ =	shalt  }
0x57: {  	_ =	shalt  }
0x58: {  	_ =	shalt  }
0x59: {  	_ =	shalt  }
0x5a: {  	_ =	shalt  }
0x5b: {  	_ =	shalt  }
0x5c: {  	_ =	shalt  }
0x5d: {  	_ =	shalt  }
0x5e: {  	_ =	shalt  }
0x5f: {  	_ =	shalt  }
0x60: {  	_ =	shalt  }
0x61: {  	_ =	shalt  }
0x62: {  	_ =	shalt  }
0x63: {  	_ =	shalt  }
0x64: {  	_ =	shalt  }
0x65: {  	_ =	shalt  }
0x66: {  	_ =	shalt  }
0x67: {  	_ =	shalt  }
0x68: {  	_ =	shalt  }
0x69: {  	_ =	shalt  }
0x6a: {  	_ =	shalt  }
0x6b: {  	_ =	shalt  }
0x6c: {  	_ =	shalt  }
0x6d: {  	_ =	shalt  }
0x6e: {  	_ =	shalt  }
0x6f: {  	_ =	shalt  }
0x70: {  	_ =	shalt  }
0x71: {  	_ =	shalt  }
0x72: {  	_ =	shalt  }
0x73: {  	_ =	shalt  }
0x74: {  	_ =	shalt  }
0x75: {  	_ =	shalt  }
0x76: {  	_ =	shalt  }
0x77: {  	_ =	shalt  }
0x78: {  	_ =	shalt  }
0x79: {  	_ =	shalt  }
0x7a: {  	_ =	shalt  }
0x7b: {  	_ =	shalt  }
0x7c: {  	_ =	shalt  }
0x7d: {  	_ =	shalt  }
0x7e: {  	_ =	shalt  }
0x7f: {  	_ =	shalt  }
0x80: {  	_ =	shalt  }
0x81: {  	_ =	shalt  }
0x82: {  	_ =	shalt  }
0x83: {  	_ =	shalt  }
0x84: {  	_ =	shalt  }
0x85: {  	_ =	shalt  }
0x86: {  	_ =	shalt  }
0x87: {  	_ =	shalt  }
.Lfunc_end0:
.L_simem_size_0:
called_computation_lowered:
.L_overlay_start_0:
0x88: {  	s2 =	sld [smem:$0x3FD9]  }
0x89: {  	s3 =	sld [smem:$0x3FFE];
	_ =	sdelay $0x1  }
0x8a: {  	s1 =	srdreg.scid  }
0x8b: {  	s0 =	sand.u32 $0x1, s1  }
0x8c: {  	s17 =	sshll.u32 s0, $0xA;
	s2 =	sadd.s32 s3, s2  }
0x8d: {  	s2 =	sadd.s32 s2, s17  }
0x8e: {  	[smem:$0x3FC2] =	sst s2  }
0x8f: {  	_ = 	snop  }
0x90: {  	s2 =	sld [smem:$0x3FD0];
	(tm) =	ssettm $0x1  }
0x91: {  	s18 =	sld [smem:$0x3FFB];
	_ =	sdelay $0x3  }
0x92: {  	_ =	strace s18  }
0x93: {  	s3 =	sld [smem:$0x3FFC];
	_ =	sdelay $0x3  }
0x94: {  	_ =	strace s3  }
0x95: {  	s3 =	sld [smem:$0x3FFD];
	_ =	sdelay $0x3  }
0x96: {  	_ =	strace s3  }
0x97: {  	_ =	strace $0x8FFFFFFF  }
0x98: {  	s19 =	sld [smem:$0x3FDB];
	_ =	sdelay $0x1  }
0x99: {  	s4 =	simm.s32 $_scs_section_size  }
0x9a: {  	s5 =	simm.s32 $_size__tile_overlayer_lowered;
	s6 =	simm.s32 $_tile_overlayer_lowered  }
0x9b: {  	s22 =	simm.s32 $0x1BFF;
	s21 =	sshll.u32 s6, $0x1;
	s3 =	sadd.s32 s4, s19  }
0x9c: {  	s7 =	simm.s32 $0x0;
	s20 =	sshll.u32 s5, $0x1;
	s5 =	sadd.s32 s21, s3  }
0x9d: {  	[timem:s7], [sflag:s22] =	dma.local [hbm:s5], s20  }
0x9e: {  	_ =	swait.ge [sflag:s22], s20  }
0x9f: {  	s4 =	ssub.s32 $0x0, s20;
	[sflag:s22] =	ssyncset.done $0x0  }
0xa0: {  	[sflag:s22] =	ssyncadd.s32 s4;
	_ =	sdelay $0x1  }
0xa1: {  	s23 =	simm.s32 $0x1B8B  }
0xa2: {  	_ =	swait.ge [sflag:s23], $0x1  }
0xa3: {  	[sflag:s23] =	ssyncset.done $0x0  }
0xa4: {  	s25 =	simm.s32 $0x1B8E;
	s24 =	sld [smem:$0x3FFE];
	[sflag:s23] =	ssyncadd.s32 $0xFFFFFFFF  }
0xa5: {  	s26 =	simm.s32 $execute0_lowered;
	[smem:$0x3FD2] =	sst s25  }
0xa6: {  	s5 =	sshll.u32 s26, $0x1;
	_ =	strace $0x80000046;
	[dreg:$0x1] =	wrdreg $0xFFFFFFFF  }
0xa7: {  	s28 =	simm.s32 $_size_execute0_lowered;
	s3 =	sadd.s32 s3, s5;
	[dreg:$0x0] =	wrdreg $0x0  }
0xa8: {  	s5 =	sshll.u32 s28, $0x1;
	[dreg:$0x2] =	wrdreg s3  }
0xa9: {  	[dreg:$0x3] =	wrdreg s5  }
0xaa: {  	[dreg:$0x4] =	wrdreg $0xC0  }
0xab: {  	_ =	task [dreg:s7], $0x5FFFF  }
0xac: {  	[dreg:$0x1] =	wrdreg $0xFFFFFFFF  }
0xad: {  	[dreg:$0x0] =	wrdreg $0x60  }
0xae: {  	[dreg:$0x2] =	wrdreg s24  }
0xaf: {  	[dreg:$0x3] =	wrdreg s2  }
0xb0: {  	[dreg:$0x4] =	wrdreg $0x4C000  }
0xb1: {  	[dreg:$0x5] =	wrdreg $0x9  }
0xb2: {  	_ =	task.clear_ibuf [dreg:s7], $0x6FFFF;
	_ =	strace $0x90000046  }
0xb3: {  	s29 =	simm.s32 $0x9;
	_ =	strace $0x80000048  }
0xb4: {  	_ =	swait.ge [sflag:s29], $0x1  }
0xb5: {  	[sflag:s29] =	ssyncadd.s32 $0xFFFFFFFF  }
0xb6: {  	_ =	strace $0x90000048  }
0xb7: {  	_ =	sfence  }
0xb8: {  	s30 =	sld [smem:$0x0];
	_ =	sdelay $0x2  }
0xb9: {  	s31 =	sshll.u32 s1, $0xD;
	s1 =	sshrl.u32 s1, $0x2  }
0xba: {  	s3 =	sand.u32 $0x4000, s31;
	s1 =	sadd.s32 s1, s30  }
0xbb: {  	s0 =	sor.u32 s3, s0;
	s1 =	sshll.u32 s1, $0x11  }
0xbc: {  	s0 =	sor.u32 s1, s0  }
0xbd: {  	s0 =	sadd.s32 $0x8F2B, s0  }
0xbe: {  	[sflag:s0] =	ssyncadd.remote.s32 $0x1  }
0xbf: {  	_ =	sfence.sel $0xFFFF  }
0xc0: {  	[dreg:$0x0] =	wrdreg $0xFFFFFFFF;
	(pc) =	sbr.abs _section_cstart, $3  }
0xc1: {  	[dreg:$0x1] =	wrdreg $0xFFFFFFFF  }
0xc2: {  	_ =	task.clear_ibuf [dreg:s7], $0x2FFFF;
	_ =	strace $0x9FFFFFFF  }
0xc3: {  	(tm) =	ssettm $0x7FFFFFFF  }
tec
execute0_lowered:
.L_overlay_start_1:
0x0: {  	(tag) =	ssettag $0x1  }
0x1: {  	s0 =	rddreg [dreg:$0x0]  }
0x2: {  	s1 =	rddreg [dreg:$0x1]  }
0x3: {  	s3 =	rddreg [dreg:$0x2]  }
0x4: {  	s2 =	srdreg.scid;
	s4 =	simm.s32 $0x0;
	s18 =	simm.s32 $0x2  }
0x5: {  	s19 =	simm.s32 $0x2C00;
	s20 =	simm.s32 $0x1;
	s21 =	simm.s32 $0x40  }
0x6: {  	s22 =	simm.s32 $0x80;
	s23 =	simm.s32 $0x100;
	s24 =	simm.s32 $0x180  }
0x7: {  	s28 =	simm.s32 $0x300;
	s29 =	simm.s32 $0x380;
	s5 =	sand.u32 $0x1, s2  }
0x8: {  	s30 =	simm.s32 $0x0;
	s2 =	stileid.u32;
	s6 =	smul.u32 $0x140000, s5  }
0x9: {  	[smem:$0x7FF] =	sst s4;
	s7 =	sshll.u32 s5, $0x4;
	s8 =	smul.u32 $0x14000, s2  }
0xa: {  	s5 =	ssub.s32 $0x2, s5;
	s25 =	smul.u32 $0x50000, s2;
	s7 =	sor.u32 s2, s7  }
0xb: {  	_ =	strace $0x80000047;
	s26 =	sshrl.u32 s5, $0x1;
	s7 =	smul.u32 $0x580, s7  }
0xc: {  	s6 =	sadd.s32 s8, s6;
	s9 =	ssub.s32 s5, s26;
	s31 =	sshrl.u32 s25, $0x2  }
0xd: {  	s25 =	simm.s32 $0x200;
	s26 =	simm.s32 $0x280;
	s6 =	sshrl.u32 s6, $0x3  }
0xe: {  	s8 =	smax.u32 s9, $0x1;
	s7 =	sadd.s32 s7, s0;
	s0 =	sadd.s32 s6, s0  }
0xf: {  	s6 =	sadd.s32 s31, s3;
	s5 =	sadd.s32 $0x4800, s7;
	s7 =	sadd.s32 $0xF800, s0  }
0x10: {  	s9 =	sadd.s32 $0x2000, s6;
	s10 =	sadd.s32 $0x4000, s6;
	s11 =	sadd.s32 $0x6000, s6  }
0x11: {  	s12 =	sadd.s32 $0x8000, s6;
	s13 =	sadd.s32 $0xA000, s6;
	s14 =	sadd.s32 $0xC000, s6  }
0x12: {  	v0 =	vimm.f32 $0.0e+00;
	s15 =	sadd.s32 $0xE000, s6;
	s16 =	sadd.s32 $0x10000, s6;
	s17 =	sadd.s32 $0x12000, s6  }
.LBB2_1:
0x13: {  	[tilespmem:s4], [sflag:$0x2] =	stream.linear.gather [hbm4b:s5+s4], $0x2880, $0x38;
	[tilespmem:$0x18C00] =	vst v63  }
0x14: {  	_ =	swait.ge [sflag:s18], $0x2880  }
0x15: {  	[sflag:s18] =	ssyncset.done $0x0  }
0x16: {  	s31 =	simm.s32 $0x0;
	s0 =	simm.s32 $0x200;
	[sflag:s18] =	ssyncadd.s32 $0xFFFFD780  }
.LBB2_2:
0x17: {  	p0 =	sne.s32 s0, $0x7E00;
	[tilespmem:s31+$0x2C70] =	vst v0  }
0x18: {  	[tilespmem:s31+$0x2C00] =	vst v0  }
0x19: {  	[tilespmem:s31+$0x2C10] =	vst v0  }
.Ltmp0:
0x1a: {  	[tilespmem:s31+$0x2C20] =	vst v0;
	(pc) =	sbr.rel @p0 .LBB2_2-.Ltmp0, $4  }
0x1b: {  	[tilespmem:s31+$0x2C30] =	vst v0  }
0x1c: {  	[tilespmem:s31+$0x2C40] =	vst v0  }
0x1d: {  	[tilespmem:s31+$0x2C50] =	vst v0  }
0x1e: {  	[tilespmem:s31+$0x2C60] =	vst v0;
	s31 =	sshra.s32 s0, $0x2;
	s0 =	sadd.s32 $0x200, s0  }
0x1f: {  	[tilespmem:s31+$0x2C70] =	vst v0  }
0x20: {  	[tilespmem:s31+$0x2C00] =	vst v0  }
0x21: {  	[tilespmem:s31+$0x2C10] =	vst v0  }
0x22: {  	[tilespmem:s31+$0x2C20] =	vst v0  }
0x23: {  	[tilespmem:s31+$0x2C30] =	vst v0  }
0x24: {  	[tilespmem:s31+$0x2C40] =	vst v0  }
0x25: {  	[tilespmem:s31+$0x2C50] =	vst v0  }
0x26: {  	[tilespmem:s31+$0x2C60] =	vst v0  }
0x27: {  	[spmem:s6] =	stream.linear.scatter [tilespmem:s19], [sflag:$0x1], $0x2000, $0x38;
	[tilespmem:$0x18C00] =	vst v63  }
0x28: {  	_ = 	snop  }
0x29: {  	[spmem:s9] =	stream.linear.scatter [tilespmem:s19], [sflag:$0x1], $0x2000, $0x38;
	[tilespmem:$0x18C00] =	vst v63  }
0x2a: {  	_ = 	snop  }
0x2b: {  	[spmem:s10] =	stream.linear.scatter [tilespmem:s19], [sflag:$0x1], $0x2000, $0x38;
	[tilespmem:$0x18C00] =	vst v63  }
0x2c: {  	_ = 	snop  }
0x2d: {  	[spmem:s11] =	stream.linear.scatter [tilespmem:s19], [sflag:$0x1], $0x2000, $0x38;
	[tilespmem:$0x18C00] =	vst v63  }
0x2e: {  	_ = 	snop  }
0x2f: {  	[spmem:s12] =	stream.linear.scatter [tilespmem:s19], [sflag:$0x1], $0x2000, $0x38;
	[tilespmem:$0x18C00] =	vst v63  }
0x30: {  	_ = 	snop  }
0x31: {  	[spmem:s13] =	stream.linear.scatter [tilespmem:s19], [sflag:$0x1], $0x2000, $0x38;
	[tilespmem:$0x18C00] =	vst v63  }
0x32: {  	_ = 	snop  }
0x33: {  	[spmem:s14] =	stream.linear.scatter [tilespmem:s19], [sflag:$0x1], $0x2000, $0x38;
	[tilespmem:$0x18C00] =	vst v63  }
0x34: {  	_ = 	snop  }
0x35: {  	[spmem:s15] =	stream.linear.scatter [tilespmem:s19], [sflag:$0x1], $0x2000, $0x38;
	[tilespmem:$0x18C00] =	vst v63  }
0x36: {  	_ = 	snop  }
0x37: {  	[spmem:s16] =	stream.linear.scatter [tilespmem:s19], [sflag:$0x1], $0x2000, $0x38;
	[tilespmem:$0x18C00] =	vst v63  }
0x38: {  	_ = 	snop  }
0x39: {  	[spmem:s17] =	stream.linear.scatter [tilespmem:s19], [sflag:$0x1], $0x2000, $0x38;
	[tilespmem:$0x18C00] =	vst v63  }
0x3a: {  	_ =	swait.ge [sflag:s20], $0x2000  }
0x3b: {  	[sflag:s20] =	ssyncset.done $0x0  }
0x3c: {  	[sflag:s20] =	ssyncadd.s32 $0xFFFFE000  }
0x3d: {  	_ =	swait.ge [sflag:s20], $0x2000  }
0x3e: {  	[sflag:s20] =	ssyncset.done $0x0  }
0x3f: {  	[sflag:s20] =	ssyncadd.s32 $0xFFFFE000  }
0x40: {  	_ =	swait.ge [sflag:s20], $0x2000  }
0x41: {  	[sflag:s20] =	ssyncset.done $0x0  }
0x42: {  	[sflag:s20] =	ssyncadd.s32 $0xFFFFE000  }
0x43: {  	_ =	swait.ge [sflag:s20], $0x2000  }
0x44: {  	[sflag:s20] =	ssyncset.done $0x0  }
0x45: {  	[sflag:s20] =	ssyncadd.s32 $0xFFFFE000  }
0x46: {  	_ =	swait.ge [sflag:s20], $0x2000  }
0x47: {  	[sflag:s20] =	ssyncset.done $0x0  }
0x48: {  	[sflag:s20] =	ssyncadd.s32 $0xFFFFE000  }
0x49: {  	_ =	swait.ge [sflag:s20], $0x2000  }
0x4a: {  	[sflag:s20] =	ssyncset.done $0x0  }
0x4b: {  	[sflag:s20] =	ssyncadd.s32 $0xFFFFE000  }
0x4c: {  	_ =	swait.ge [sflag:s20], $0x2000  }
0x4d: {  	[sflag:s20] =	ssyncset.done $0x0  }
0x4e: {  	[sflag:s20] =	ssyncadd.s32 $0xFFFFE000  }
0x4f: {  	_ =	swait.ge [sflag:s20], $0x2000  }
0x50: {  	[sflag:s20] =	ssyncset.done $0x0  }
0x51: {  	[sflag:s20] =	ssyncadd.s32 $0xFFFFE000  }
0x52: {  	_ =	swait.ge [sflag:s20], $0x2000  }
0x53: {  	[sflag:s20] =	ssyncset.done $0x0  }
0x54: {  	[sflag:s20] =	ssyncadd.s32 $0xFFFFE000  }
0x55: {  	_ =	swait.ge [sflag:s20], $0x2000  }
0x56: {  	[sflag:s20] =	ssyncset.done $0x0  }
0x57: {  	[sflag:s20] =	ssyncadd.s32 $0xFFFFE000  }
0x58: {  	[tilespmem:s19], [sflag:$0x2] =	stream.linear.gather [hbm4b:s1+s4], $0x2000, $0x38;
	[tilespmem:$0x18C00] =	vst v63  }
0x59: {  	_ =	swait.ge [sflag:s18], $0x2000  }
0x5a: {  	[sflag:s18] =	ssyncset.done $0x0  }
0x5b: {  	[sflag:s18] =	ssyncadd.s32 $0xFFFFE000  }
0x5c: {  	[bflag:$0x0] =	sbarrier.arrive $0xFFFF  }
0x5d: {  	[spmem:s3] =	stream.indirect.scatter.add.f32 [tilespmem:s19], [sflag:$0x1], $0x80, s4, s21, $0xb8;
	[tilespmem:$0x18C00] =	vst v63  }
0x5e: {  	_ = 	snop  }
0x5f: {  	[spmem:s3] =	stream.indirect.scatter.add.f32 [tilespmem:s19], [sflag:$0x1], $0x80, s22, s21, $0xb8;
	[tilespmem:$0x18C00] =	vst v63  }
0x60: {  	_ = 	snop  }
0x61: {  	[spmem:s3] =	stream.indirect.scatter.add.f32 [tilespmem:s19], [sflag:$0x1], $0x80, s23, s21, $0xb8;
	[tilespmem:$0x18C00] =	vst v63  }
0x62: {  	_ = 	snop  }
0x63: {  	[spmem:s3] =	stream.indirect.scatter.add.f32 [tilespmem:s19], [sflag:$0x1], $0x80, s24, s21, $0xb8;
	[tilespmem:$0x18C00] =	vst v63  }
0x64: {  	_ = 	snop  }
0x65: {  	[spmem:s3] =	stream.indirect.scatter.add.f32 [tilespmem:s19], [sflag:$0x1], $0x80, s25, s21, $0xb8;
	[tilespmem:$0x18C00] =	vst v63  }
0x66: {  	_ = 	snop  }
0x67: {  	[spmem:s3] =	stream.indirect.scatter.add.f32 [tilespmem:s19], [sflag:$0x1], $0x80, s26, s21, $0xb8;
	[tilespmem:$0x18C00] =	vst v63  }
0x68: {  	_ = 	snop  }
0x69: {  	[spmem:s3] =	stream.indirect.scatter.add.f32 [tilespmem:s19], [sflag:$0x1], $0x80, s28, s21, $0xb8;
	[tilespmem:$0x18C00] =	vst v63  }
0x6a: {  	_ = 	snop  }
0x6b: {  	[spmem:s3] =	stream.indirect.scatter.add.f32 [tilespmem:s19], [sflag:$0x1], $0x80, s29, s21, $0xb8;
	[tilespmem:$0x18C00] =	vst v63  }
0x6c: {  	_ =	swait.ge [sflag:s20], $0x2000  }
0x6d: {  	[sflag:s20] =	ssyncset.done $0x0  }
0x6e: {  	s0 =	simm.s32 $0x1200;
	s31 =	simm.s32 $0x400;
	[sflag:s20] =	ssyncadd.s32 $0xFFFFE000  }
.LBB2_4:
0x6f: {  	[spmem:s3] =	stream.indirect.scatter.add.f32 [tilespmem:s19], [sflag:$0x1], $0x80, s31, s21, $0xb8;
	[tilespmem:$0x18C00] =	vst v63  }
0x70: {  	s31 =	smov.u32 s0;
	p0 =	sne.s32 s0, $0xA000  }
.Ltmp1:
0x71: {  	s0 =	sadd.s32 $0x200, s0;
	(pc) =	sbr.rel @p0 .LBB2_4-.Ltmp1, $4  }
0x72: {  	_ = 	snop  }
0x73: {  	_ =	swait.ge [sflag:s20], $0x2000  }
0x74: {  	[sflag:s20] =	ssyncset.done $0x0  }
0x75: {  	s31 =	sshra.s32 s31, $0x2;
	[sflag:s20] =	ssyncadd.s32 $0xFFFFE000  }
0x76: {  	[spmem:s3] =	stream.indirect.scatter.add.f32 [tilespmem:s19], [sflag:$0x1], $0x80, s31, s21, $0xb8;
	[tilespmem:$0x18C00] =	vst v63  }
0x77: {  	_ =	swait.ge [sflag:s20], $0x2000  }
0x78: {  	[sflag:s20] =	ssyncset.done $0x0  }
0x79: {  	[sflag:s20] =	ssyncadd.s32 $0xFFFFE000  }
0x7a: {  	_ =	swait.ge [sflag:s20], $0x2000  }
0x7b: {  	[sflag:s20] =	ssyncset.done $0x0  }
0x7c: {  	[sflag:s20] =	ssyncadd.s32 $0xFFFFE000  }
0x7d: {  	_ =	swait.ge [sflag:s20], $0x2000  }
0x7e: {  	[sflag:s20] =	ssyncset.done $0x0  }
0x7f: {  	[sflag:s20] =	ssyncadd.s32 $0xFFFFE000  }
0x80: {  	_ =	swait.ge [sflag:s20], $0x2000  }
0x81: {  	[sflag:s20] =	ssyncset.done $0x0  }
0x82: {  	[sflag:s20] =	ssyncadd.s32 $0xFFFFE000  }
0x83: {  	_ =	swait.ge [sflag:s20], $0x2000  }
0x84: {  	[sflag:s20] =	ssyncset.done $0x0  }
0x85: {  	[sflag:s20] =	ssyncadd.s32 $0xFFFFE000  }
0x86: {  	_ =	swait.ge [sflag:s20], $0x2000  }
0x87: {  	[sflag:s20] =	ssyncset.done $0x0  }
0x88: {  	[sflag:s20] =	ssyncadd.s32 $0xFFFFE000  }
0x89: {  	_ =	swait.ge [sflag:s20], $0x2000  }
0x8a: {  	[sflag:s20] =	ssyncset.done $0x0  }
0x8b: {  	[sflag:s20] =	ssyncadd.s32 $0xFFFFE000  }
0x8c: {  	_ =	swait.ge [sflag:s20], $0x2000  }
0x8d: {  	s0 =	sshll.u32 s2, $0x6;
	s30 =	sadd.s32 $0x1, s30;
	[sflag:s20] =	ssyncset.done $0x0  }
0x8e: {  	s31 =	sshrl.u32 s6, $0x3;
	p0 =	sne.s32 s30, s8;
	[sflag:s20] =	ssyncadd.s32 $0xFFFFE000  }
.Ltmp2:
0x8f: {  	s0 =	sor.u32 $0x1C02, s0;
	[bflag:$0x0] =	sbarrier.arrive $0xFFFF;
	(pc) =	sbr.rel @p0 .LBB2_1-.Ltmp2, $4  }
0x90: {  	[hbm:s7], [sflag:s0] =	dma.local [spmem:s31], $0x2800  }
0x91: {  	_ =	swait.ge [sflag:s18], $0x2800  }
0x92: {  	[sflag:s18] =	ssyncset.done $0x0  }
0x93: {  	[sflag:s18] =	ssyncadd.s32 $0xFFFFD800  }
0x94: {  	_ =	sfence.sel $0x180000  }
0x95: {  	[bflag:$0x0] =	sbarrier.arrive $0xFFFF  }
0x96: {  	_ =	strace $0x90000047  }
0x97: {  	[bflag:$0x2] =	sbarrier.arrive $0xFFFF  }
0x98: {  	p0 =	sne.s32 s2, $0x0;
	s0 =	rddreg [dreg:$0x3]  }
0x99: {  	s0 =	sadd.s32 @!p0 $0x100000, s0  }
0x9a: {  	[sflag:s0] =	ssyncadd.tile.s32 @!p0 $0x1;
	_ =	shalt  }
.Lfunc_end2:
_tile_overlayer_lowered:
.L_overlay_start_2:
0x9b: {  	(tag) =	ssettag $0x2  }
0x9c: {  	s0 =	rddreg [dreg:$0x0];
	s2 =	stileid.u32  }
0x9d: {  	s1 =	rddreg [dreg:$0x1];
	p0 =	sne.s32 s2, $0x0  }
0x9e: {  	s3 =	rddreg [dreg:$0x2];
	[bflag:$0x3] =	sbarrier.arrive $0xFFFF;
	s2 =	simm.s32 @!p0 $0x1C02  }
0x9f: {  	[timem:s3], [sflag:s2] =	dma.local @!p0 [hbm:s0], s1  }
0xa0: {  	s0 =	simm.s32 @!p0 $0x2  }
0xa1: {  	_ =	swait.ge @!p0 [sflag:s0], s1  }
0xa2: {  	s1 =	ssub.s32 @!p0 $0x0, s1;
	[sflag:s0] =	ssyncset.done @!p0 $0x0  }
0xa3: {  	[sflag:s0] =	ssyncadd.s32 @!p0 s1  }
0xa4: {  	[bflag:$0x3] =	sbarrier.arrive $0xFFFF  }
0xa5: {  	_ =	shalt  }

// kernel: kernel.15.cloned.1.call-start
scs
__scs_entry_jumppad:
0x0: {  	(pc) =	sbr.rel $0x88, $3  }
0x1: {  	(tag) =	ssettag $0x0;
	lr =	simm.s32 $0x1  }
0x2: {  	[smem:$0x3F9B] =	sst lr;
	_ =	strace $0xD0000000  }
0x3: {  	_ = 	snop  }
0x4: {  	_ = 	snop  }
0x5: {  	_ = 	snop  }
0x6: {  	_ = 	snop  }
0x7: {  	_ = 	snop  }
__scs_overlays_trampoline_lowered:
0x8: {  	[smem:$0x3FAA] =	sst s0  }
0x9: {  	[smem:$0x3FAB] =	sst s1  }
0xa: {  	[smem:$0x3FAC] =	sst s2  }
0xb: {  	[smem:$0x3FAD] =	sst s3  }
0xc: {  	[smem:$0x3FAE] =	sst s4  }
0xd: {  	[smem:$0x3FAF] =	sst s5  }
0xe: {  	[smem:$0x3FB0] =	sst s6  }
0xf: {  	[smem:$0x3FB1] =	sst s7  }
0x10: {  	[smem:$0x3FB2] =	sst s8  }
0x11: {  	[smem:$0x3FB3] =	sst s9;
	s0 =	simm.s32 @!p0 $0x0  }
0x12: {  	s1 =	sld [smem:$0x3F99];
	s0 =	simm.s32 @p0 $0x1  }
0x13: {  	[smem:$0x3FB4] =	sst s0;
	s0 =	simm.s32 @!p1 $0x0  }
0x14: {  	s2 =	sld [smem:$0x3F98];
	s0 =	simm.s32 @p1 $0x1  }
0x15: {  	[smem:$0x3FB5] =	sst s0;
	s0 =	simm.s32 @!p2 $0x0  }
0x16: {  	s3 =	sld [smem:$0x3FDB];
	s0 =	simm.s32 @p2 $0x1  }
0x17: {  	s4 =	simm.s32 $0x1BF5;
	[smem:$0x3FB7] =	sst s0  }
0x18: {  	s0 =	sld [smem:$0x3F9A];
	_ =	swait.ge [sflag:s4], $0x0  }
0x19: {  	s7 =	sld [smem:$0x3F9B]  }
0x1a: {  	s8 =	sadd.s32 $0xFFFFE003, lr  }
0x1b: {  	s9 =	sadd.s32 $0xFFFFFEF7, lr;
	s5 =	simm.s32 $0xFFFFFFFF;
	p2 =	slt.u32 s8, $0xFFFFF086  }
0x1c: {  	p1 =	slt.u32 s9, $0xF7A;
	s5 =	simm.s32 @!p2 $0x0  }
0x1d: {  	s5 =	simm.s32 @p1 $0x1;
	p0 =	seq.s32 s7, s2  }
0x1e: {  	s7 =	smul.u32 @!p0 $0xF7A, s2;
	p2 =	seq.s32 @!p0 s5, $0x0  }
0x1f: {  	s9 =	smul.u32 $0xF7A, s1;
	s8 =	simm.s32 @!p0 $0x1BF5;
	p2 =	por !p2, p0  }
0x20: {  	[sflag:s8] =	ssyncset.s32 @!p0 $0xFFFFF086;
	s6 =	sadd.s32 @!p0 s3, s7;
	s7 =	simm.s32 @!p0 $0x108  }
0x21: {  	s3 =	sadd.s32 s3, s9;
	s6 =	sadd.s32 @!p0 $0x88, s6;
	s7 =	simm.s32 @p2 $0x1082  }
0x22: {  	[simem:s7], [sflag:s8] =	dma.local @!p0 [hbm:s6], $0xF7A  }
0x23: {  	s9 =	sor.u32 $0xD0000000, s2;
	s6 =	simm.s32 $0x108;
	_ =	swait.ge @!p0 [sflag:s8], $0x0  }
0x24: {  	s3 =	sadd.s32 $0x88, s3;
	s6 =	simm.s32 @!p1 $0x1082;
	[sflag:s4] =	ssyncset.s32 $0xFFFFF086  }
0x25: {  	[simem:s6], [sflag:s4] =	dma.local [hbm:s3], $0xF7A  }
0x26: {  	[smem:$0x3F9B] =	sst s1;
	(tag) =	ssettag s2;
	_ =	strace s9  }
0x27: {  	s1 =	sld [smem:$0x3FAB]  }
0x28: {  	s2 =	sld [smem:$0x3FAC]  }
0x29: {  	s4 =	sld [smem:$0x3FAE]  }
0x2a: {  	p0 =	seq.s32 s5, $0x0;
	s5 =	sld [smem:$0x3FAF]  }
0x2b: {  	s6 =	sld [smem:$0x3FB0]  }
0x2c: {  	s7 =	sld [smem:$0x3FB1]  }
0x2d: {  	s3 =	simm.s32 $0x108;
	s8 =	sld [smem:$0x3FB2]  }
0x2e: {  	s3 =	simm.s32 @!p0 $0x1082;
	s9 =	sld [smem:$0x3FB3]  }
0x2f: {  	lr =	sadd.s32 s0, s3;
	s0 =	sld [smem:$0x3FAA]  }
0x30: {  	s3 =	sld [smem:$0x3FAD]  }
0x31: {  	[smem:$0x3FB6] =	sst s10  }
0x32: {  	s10 =	sld [smem:$0x3FB4];
	_ =	sdelay $0x3  }
0x33: {  	p0 =	seq.s32 s10, $0x1;
	s10 =	sld [smem:$0x3FB6];
	_ =	sdelay $0x3  }
0x34: {  	[smem:$0x3FB6] =	sst s10  }
0x35: {  	s10 =	sld [smem:$0x3FB5];
	_ =	sdelay $0x3  }
0x36: {  	p1 =	seq.s32 s10, $0x1;
	s10 =	sld [smem:$0x3FB6];
	_ =	sdelay $0x3  }
0x37: {  	[smem:$0x3FB6] =	sst s10  }
0x38: {  	s10 =	sld [smem:$0x3FB7]  }
0x39: {  	_ = 	snop;
	(pc) =	sbr.ind lr, $3  }
0x3a: {  	_ = 	snop  }
0x3b: {  	_ = 	snop  }
0x3c: {  	p2 =	seq.s32 s10, $0x1;
	s10 =	sld [smem:$0x3FB6]  }
0x3d: {  	_ =	shalt  }
0x3e: {  	_ =	shalt  }
0x3f: {  	_ =	shalt  }
0x40: {  	_ =	shalt  }
0x41: {  	_ =	shalt  }
0x42: {  	_ =	shalt  }
0x43: {  	_ =	shalt  }
0x44: {  	_ =	shalt  }
0x45: {  	_ =	shalt  }
0x46: {  	_ =	shalt  }
0x47: {  	_ =	shalt  }
0x48: {  	_ =	shalt  }
0x49: {  	_ =	shalt  }
0x4a: {  	_ =	shalt  }
0x4b: {  	_ =	shalt  }
0x4c: {  	_ =	shalt  }
0x4d: {  	_ =	shalt  }
0x4e: {  	_ =	shalt  }
0x4f: {  	_ =	shalt  }
0x50: {  	_ =	shalt  }
0x51: {  	_ =	shalt  }
0x52: {  	_ =	shalt  }
0x53: {  	_ =	shalt  }
0x54: {  	_ =	shalt  }
0x55: {  	_ =	shalt  }
0x56: {  	_ =	shalt  }
0x57: {  	_ =	shalt  }
0x58: {  	_ =	shalt  }
0x59: {  	_ =	shalt  }
0x5a: {  	_ =	shalt  }
0x5b: {  	_ =	shalt  }
0x5c: {  	_ =	shalt  }
0x5d: {  	_ =	shalt  }
0x5e: {  	_ =	shalt  }
0x5f: {  	_ =	shalt  }
0x60: {  	_ =	shalt  }
0x61: {  	_ =	shalt  }
0x62: {  	_ =	shalt  }
0x63: {  	_ =	shalt  }
0x64: {  	_ =	shalt  }
0x65: {  	_ =	shalt  }
0x66: {  	_ =	shalt  }
0x67: {  	_ =	shalt  }
0x68: {  	_ =	shalt  }
0x69: {  	_ =	shalt  }
0x6a: {  	_ =	shalt  }
0x6b: {  	_ =	shalt  }
0x6c: {  	_ =	shalt  }
0x6d: {  	_ =	shalt  }
0x6e: {  	_ =	shalt  }
0x6f: {  	_ =	shalt  }
0x70: {  	_ =	shalt  }
0x71: {  	_ =	shalt  }
0x72: {  	_ =	shalt  }
0x73: {  	_ =	shalt  }
0x74: {  	_ =	shalt  }
0x75: {  	_ =	shalt  }
0x76: {  	_ =	shalt  }
0x77: {  	_ =	shalt  }
0x78: {  	_ =	shalt  }
0x79: {  	_ =	shalt  }
0x7a: {  	_ =	shalt  }
0x7b: {  	_ =	shalt  }
0x7c: {  	_ =	shalt  }
0x7d: {  	_ =	shalt  }
0x7e: {  	_ =	shalt  }
0x7f: {  	_ =	shalt  }
0x80: {  	_ =	shalt  }
0x81: {  	_ =	shalt  }
0x82: {  	_ =	shalt  }
0x83: {  	_ =	shalt  }
0x84: {  	_ =	shalt  }
0x85: {  	_ =	shalt  }
0x86: {  	_ =	shalt  }
0x87: {  	_ =	shalt  }
.Lfunc_end0:
.L_simem_size_0:
called_computation.1_lowered:
.L_overlay_start_0:
0x88: {  	s2 =	sld [smem:$0x3FD9]  }
0x89: {  	s3 =	sld [smem:$0x3FFE];
	_ =	sdelay $0x1  }
0x8a: {  	s1 =	srdreg.scid  }
0x8b: {  	s0 =	sand.u32 $0x1, s1  }
0x8c: {  	s17 =	sshll.u32 s0, $0xA;
	s2 =	sadd.s32 s3, s2  }
0x8d: {  	s2 =	sadd.s32 s2, s17  }
0x8e: {  	[smem:$0x3FC2] =	sst s2  }
0x8f: {  	_ = 	snop  }
0x90: {  	s18 =	sld [smem:$0x3FD0];
	(tm) =	ssettm $0x1  }
0x91: {  	s19 =	sld [smem:$0x3FFB];
	_ =	sdelay $0x3  }
0x92: {  	_ =	strace s19  }
0x93: {  	s2 =	sld [smem:$0x3FFC];
	_ =	sdelay $0x3  }
0x94: {  	_ =	strace s2  }
0x95: {  	s2 =	sld [smem:$0x3FFD];
	_ =	sdelay $0x3  }
0x96: {  	_ =	strace s2  }
0x97: {  	_ =	strace $0x8FFFFFFF  }
0x98: {  	s20 =	sld [smem:$0x3FDB];
	_ =	sdelay $0x1  }
0x99: {  	s4 =	simm.s32 $_scs_section_size  }
0x9a: {  	s5 =	simm.s32 $_size__tile_overlayer_lowered;
	s6 =	simm.s32 $_tile_overlayer_lowered  }
0x9b: {  	s7 =	simm.s32 $0x1BFF;
	s21 =	sshll.u32 s6, $0x1;
	s4 =	sadd.s32 s4, s20  }
0x9c: {  	s22 =	simm.s32 $0x0;
	s5 =	sshll.u32 s5, $0x1;
	s6 =	sadd.s32 s21, s4  }
0x9d: {  	[timem:s22], [sflag:s7] =	dma.local [hbm:s6], s5  }
0x9e: {  	_ =	swait.ge [sflag:s7], s5  }
0x9f: {  	s5 =	ssub.s32 $0x0, s5;
	[sflag:s7] =	ssyncset.done $0x0  }
0xa0: {  	[sflag:s7] =	ssyncadd.s32 s5;
	_ =	sdelay $0x1  }
0xa1: {  	s23 =	simm.s32 $0x1B8B  }
0xa2: {  	_ =	swait.ge [sflag:s23], $0x1  }
0xa3: {  	[sflag:s23] =	ssyncset.done $0x0  }
0xa4: {  	[sflag:s23] =	ssyncadd.s32 $0xFFFFFFFF  }
0xa5: {  	s5 =	sld [smem:$0x0]  }
0xa6: {  	s6 =	sand.u32 $0xFFFFFFFE, s1  }
0xa7: {  	p0 =	sne.s32 s1, s6  }
0xa8: {  	s6 =	sshll.u32 @p0 s6, $0xE  }
0xa9: {  	s6 =	sadd.s32 @p0 $0x11B8D, s6;
	s7 =	sshll.u32 @p0 s5, $0x11  }
0xaa: {  	s6 =	sor.u32 @p0 s7, s6  }
0xab: {  	[sflag:s6] =	ssyncadd.remote.s32 @p0 $0x1;
	_ =	sdelay $0x1  }
0xac: {  	s6 =	simm.s32 @p0 $0x1B8D  }
0xad: {  	_ =	swait.eq @p0 [sflag:s6], $0x1  }
0xae: {  	[sflag:s6] =	ssyncadd.s32 @p0 $0xFFFFFFFF  }
0xaf: {  	s7 =	sshll.u32 @!p0 s1, $0xE  }
0xb0: {  	s7 =	sor.u32 @!p0 $0x4000, s7;
	s6 =	simm.s32 @!p0 $0x1B8D  }
0xb1: {  	s5 =	sshll.u32 @!p0 s5, $0x11;
	s7 =	sadd.s32 @!p0 $0x11B8D, s7;
	_ =	swait.eq @!p0 [sflag:s6], $0x1  }
0xb2: {  	s5 =	sor.u32 @!p0 s5, s7;
	[sflag:s6] =	ssyncadd.s32 @!p0 $0xFFFFFFFF  }
0xb3: {  	s25 =	simm.s32 $0x1B8E;
	s24 =	sld [smem:$0x3FFE];
	[sflag:s5] =	ssyncadd.remote.s32 @!p0 $0x1  }
0xb4: {  	s26 =	simm.s32 $execute0_lowered;
	[smem:$0x3FD2] =	sst s25  }
0xb5: {  	s6 =	sshll.u32 s26, $0x1;
	_ =	strace $0x80000052;
	[dreg:$0x1] =	wrdreg $0xFFFFFFFF  }
0xb6: {  	s28 =	simm.s32 $_size_execute0_lowered;
	s4 =	sadd.s32 s4, s6;
	[dreg:$0x0] =	wrdreg $0x0  }
0xb7: {  	s6 =	sshll.u32 s28, $0x1;
	[dreg:$0x2] =	wrdreg s4  }
0xb8: {  	[dreg:$0x3] =	wrdreg s6  }
0xb9: {  	[dreg:$0x4] =	wrdreg $0xC0  }
0xba: {  	_ =	task [dreg:s22], $0x5FFFF  }
0xbb: {  	[dreg:$0x1] =	wrdreg $0xFFFFFFFF  }
0xbc: {  	[dreg:$0x0] =	wrdreg $0x60  }
0xbd: {  	[dreg:$0x2] =	wrdreg s18  }
0xbe: {  	[dreg:$0x3] =	wrdreg s24  }
0xbf: {  	[dreg:$0x4] =	wrdreg $0xB8000  }
0xc0: {  	[dreg:$0x5] =	wrdreg $0x9  }
0xc1: {  	_ =	task.clear_ibuf [dreg:s22], $0x6FFFF;
	_ =	strace $0x90000052  }
0xc2: {  	s29 =	simm.s32 $0x9;
	_ =	strace $0x80000054  }
0xc3: {  	_ =	swait.ge [sflag:s29], $0x1  }
0xc4: {  	[sflag:s29] =	ssyncadd.s32 $0xFFFFFFFF  }
0xc5: {  	_ =	strace $0x90000054  }
0xc6: {  	_ =	sfence  }
0xc7: {  	s30 =	sld [smem:$0x0];
	_ =	sdelay $0x2  }
0xc8: {  	s31 =	sshll.u32 s1, $0xD;
	s1 =	sshrl.u32 s1, $0x2  }
0xc9: {  	s4 =	sand.u32 $0x4000, s31;
	s1 =	sadd.s32 s1, s30  }
0xca: {  	s0 =	sor.u32 s4, s0;
	s1 =	sshll.u32 s1, $0x11  }
0xcb: {  	s0 =	sor.u32 s1, s0  }
0xcc: {  	s0 =	sadd.s32 $0x8F2B, s0  }
0xcd: {  	[sflag:s0] =	ssyncadd.remote.s32 $0x1  }
0xce: {  	_ =	sfence.sel $0xFFFF  }
0xcf: {  	[dreg:$0x0] =	wrdreg $0xFFFFFFFF;
	(pc) =	sbr.abs _section_cstart, $3  }
0xd0: {  	[dreg:$0x1] =	wrdreg $0xFFFFFFFF  }
0xd1: {  	_ =	task.clear_ibuf [dreg:s22], $0x2FFFF;
	_ =	strace $0x9FFFFFFF  }
0xd2: {  	(tm) =	ssettm $0x7FFFFFFF  }
0xd3: {  	_ =	shalt  }
tec
execute0_lowered:
.L_overlay_start_1:
0x0: {  	(tag) =	ssettag $0x1  }
0x1: {  	s1 =	rddreg [dreg:$0x0]  }
0x2: {  	s0 =	rddreg [dreg:$0x1]  }
0x3: {  	s3 =	rddreg [dreg:$0x2]  }
0x4: {  	s2 =	srdreg.scid;
	s8 =	stileid.u32;
	s4 =	simm.s32 $0x0  }
0x5: {  	s19 =	simm.s32 $0x7;
	s20 =	simm.s32 $0x2C00;
	s21 =	simm.s32 $0x40  }
0x6: {  	s22 =	simm.s32 $0x5800;
	s29 =	simm.s32 $0x1;
	s30 =	simm.s32 $0x4  }
0x7: {  	s31 =	simm.s32 $0x3;
	s28 =	simm.s32 $0x2800;
	s7 =	smul.u32 $0x14000, s8  }
0x8: {  	s2 =	sand.u32 $0x1, s2;
	[smem:$0x7FF] =	sst s4;
	s23 =	smul.u32 $0x50000, s8  }
0x9: {  	s5 =	smul.u32 $0x140000, s2;
	s6 =	sshll.u32 s2, $0x4;
	s2 =	ssub.s32 $0x2, s2  }
0xa: {  	_ =	strace $0x80000053;
	s6 =	sor.u32 s8, s6;
	s24 =	sshrl.u32 s2, $0x1  }
0xb: {  	s26 =	sshrl.u32 s23, $0x2;
	s23 =	simm.s32 $0x5;
	s6 =	smul.u32 $0x580, s6  }
0xc: {  	s5 =	sadd.s32 s7, s5;
	s2 =	ssub.s32 s2, s24;
	s7 =	sadd.s32 s26, s3  }
0xd: {  	s24 =	simm.s32 $0x7800;
	s26 =	simm.s32 $0x6;
	s5 =	sshrl.u32 s5, $0x3  }
0xe: {  	s9 =	smax.u32 s2, $0x1;
	s10 =	sadd.s32 $0x2000, s7;
	s11 =	sadd.s32 $0x4000, s7  }
0xf: {  	s12 =	sadd.s32 $0x6000, s7;
	s13 =	sadd.s32 $0x8000, s7;
	s14 =	sadd.s32 $0xA000, s7  }
0x10: {  	s15 =	sadd.s32 $0xC000, s7;
	s16 =	sadd.s32 $0xE000, s7;
	s6 =	sadd.s32 s6, s0  }
0x11: {  	s17 =	sadd.s32 $0x10000, s7;
	s18 =	sadd.s32 $0x12000, s7;
	s25 =	sadd.s32 $0x5F800, s6  }
0x12: {  	s0 =	sadd.s32 s5, s0;
	s6 =	sadd.s32 $0x4800, s6;
	[dreg:$0x4] =	wrdreg s25  }
0x13: {  	s2 =	simm.s32 $0x0;
	s0 =	sadd.s32 $0x1CFE00, s0;
	[dreg:$0x5] =	wrdreg s6  }
0x14: {  	v0 =	vimm.f32 $0.0e+00;
	[dreg:$0x6] =	wrdreg s0;
	s25 =	simm.s32 $0x9800;
	s0 =	simm.s32 $0x2  }
.LBB2_1:
0x15: {  	s5 =	rddreg [dreg:$0x4]  }
0x16: {  	[tilespmem:s4], [sflag:$0x7] =	stream.linear.gather [hbm4b:s5+s4], $0x2880, $0x38;
	[tilespmem:$0x1F800] =	vst v63  }
0x17: {  	_ =	swait.ge [sflag:s19], $0x2880  }
0x18: {  	[sflag:s19] =	ssyncset.done $0x0  }
0x19: {  	s6 =	rddreg [dreg:$0x5];
	[sflag:s19] =	ssyncadd.s32 $0xFFFFD780  }
0x1a: {  	[tilespmem:s20], [sflag:$0x7] =	stream.linear.gather [hbm4b:s6+s4], $0x2880, $0x38;
	[tilespmem:$0x1F800] =	vst v63  }
0x1b: {  	_ =	swait.ge [sflag:s19], $0x2880  }
0x1c: {  	[sflag:s19] =	ssyncset.done $0x0  }
0x1d: {  	[sflag:s19] =	ssyncadd.s32 $0xFFFFD780  }
0x1e: {  	[tilespmem:s22], [sflag:$0x1] =	stream.indirect.gather [hbm4b:s1+s21], $0x80, s4, s21, $0xb8;
	[tilespmem:$0x1F800] =	vst v63  }
0x1f: {  	s8 =	simm.s32 $0x80;
	s5 =	simm.s32 $0x0;
	s6 =	simm.s32 $0x200  }
0x20: {  	[tilespmem:s24], [sflag:$0x2] =	stream.indirect.gather [hbm4b:s1+s21], $0x80, s8, s21, $0xb8;
	[tilespmem:$0x1F800] =	vst v63  }
.LBB2_2:
0x21: {  	p0 =	sne.s32 s6, $0x7E00;
	[tilespmem:s5+$0x9870] =	vst v0  }
0x22: {  	[tilespmem:s5+$0x9800] =	vst v0  }
0x23: {  	[tilespmem:s5+$0x9810] =	vst v0  }
.Ltmp0:
0x24: {  	[tilespmem:s5+$0x9820] =	vst v0;
	(pc) =	sbr.rel @p0 .LBB2_2-.Ltmp0, $4  }
0x25: {  	[tilespmem:s5+$0x9830] =	vst v0  }
0x26: {  	[tilespmem:s5+$0x9840] =	vst v0  }
0x27: {  	[tilespmem:s5+$0x9850] =	vst v0  }
0x28: {  	[tilespmem:s5+$0x9860] =	vst v0;
	s5 =	sshra.s32 s6, $0x2;
	s6 =	sadd.s32 $0x200, s6  }
0x29: {  	[tilespmem:s5+$0x9870] =	vst v0  }
0x2a: {  	[tilespmem:s5+$0x9800] =	vst v0  }
0x2b: {  	[tilespmem:s5+$0x9810] =	vst v0  }
0x2c: {  	[tilespmem:s5+$0x9820] =	vst v0  }
0x2d: {  	[tilespmem:s5+$0x9830] =	vst v0  }
0x2e: {  	[tilespmem:s5+$0x9840] =	vst v0  }
0x2f: {  	[tilespmem:s5+$0x9850] =	vst v0  }
0x30: {  	[tilespmem:s5+$0x9860] =	vst v0  }
0x31: {  	[spmem:s7] =	stream.linear.scatter [tilespmem:s25], [sflag:$0x6], $0x2000, $0x38;
	[tilespmem:$0x1F800] =	vst v63  }
0x32: {  	_ = 	snop  }
0x33: {  	[spmem:s10] =	stream.linear.scatter [tilespmem:s25], [sflag:$0x6], $0x2000, $0x38;
	[tilespmem:$0x1F800] =	vst v63  }
0x34: {  	_ = 	snop  }
0x35: {  	[spmem:s11] =	stream.linear.scatter [tilespmem:s25], [sflag:$0x6], $0x2000, $0x38;
	[tilespmem:$0x1F800] =	vst v63  }
0x36: {  	_ = 	snop  }
0x37: {  	[spmem:s12] =	stream.linear.scatter [tilespmem:s25], [sflag:$0x6], $0x2000, $0x38;
	[tilespmem:$0x1F800] =	vst v63  }
0x38: {  	_ = 	snop  }
0x39: {  	[spmem:s13] =	stream.linear.scatter [tilespmem:s25], [sflag:$0x6], $0x2000, $0x38;
	[tilespmem:$0x1F800] =	vst v63  }
0x3a: {  	_ = 	snop  }
0x3b: {  	[spmem:s14] =	stream.linear.scatter [tilespmem:s25], [sflag:$0x6], $0x2000, $0x38;
	[tilespmem:$0x1F800] =	vst v63  }
0x3c: {  	_ = 	snop  }
0x3d: {  	[spmem:s15] =	stream.linear.scatter [tilespmem:s25], [sflag:$0x6], $0x2000, $0x38;
	[tilespmem:$0x1F800] =	vst v63  }
0x3e: {  	_ = 	snop  }
0x3f: {  	[spmem:s16] =	stream.linear.scatter [tilespmem:s25], [sflag:$0x6], $0x2000, $0x38;
	[tilespmem:$0x1F800] =	vst v63  }
0x40: {  	_ = 	snop  }
0x41: {  	[spmem:s17] =	stream.linear.scatter [tilespmem:s25], [sflag:$0x6], $0x2000, $0x38;
	[tilespmem:$0x1F800] =	vst v63  }
0x42: {  	_ = 	snop  }
0x43: {  	[spmem:s18] =	stream.linear.scatter [tilespmem:s25], [sflag:$0x6], $0x2000, $0x38;
	[tilespmem:$0x1F800] =	vst v63  }
0x44: {  	_ =	swait.ge [sflag:s26], $0x2000  }
0x45: {  	[sflag:s26] =	ssyncset.done $0x0  }
0x46: {  	[sflag:s26] =	ssyncadd.s32 $0xFFFFE000  }
0x47: {  	_ =	swait.ge [sflag:s26], $0x2000  }
0x48: {  	[sflag:s26] =	ssyncset.done $0x0  }
0x49: {  	[sflag:s26] =	ssyncadd.s32 $0xFFFFE000  }
0x4a: {  	_ =	swait.ge [sflag:s26], $0x2000  }
0x4b: {  	[sflag:s26] =	ssyncset.done $0x0  }
0x4c: {  	[sflag:s26] =	ssyncadd.s32 $0xFFFFE000  }
0x4d: {  	_ =	swait.ge [sflag:s26], $0x2000  }
0x4e: {  	[sflag:s26] =	ssyncset.done $0x0  }
0x4f: {  	[sflag:s26] =	ssyncadd.s32 $0xFFFFE000  }
0x50: {  	_ =	swait.ge [sflag:s26], $0x2000  }
0x51: {  	[sflag:s26] =	ssyncset.done $0x0  }
0x52: {  	[sflag:s26] =	ssyncadd.s32 $0xFFFFE000  }
0x53: {  	_ =	swait.ge [sflag:s26], $0x2000  }
0x54: {  	[sflag:s26] =	ssyncset.done $0x0  }
0x55: {  	[sflag:s26] =	ssyncadd.s32 $0xFFFFE000  }
0x56: {  	_ =	swait.ge [sflag:s26], $0x2000  }
0x57: {  	[sflag:s26] =	ssyncset.done $0x0  }
0x58: {  	[sflag:s26] =	ssyncadd.s32 $0xFFFFE000  }
0x59: {  	_ =	swait.ge [sflag:s26], $0x2000  }
0x5a: {  	[sflag:s26] =	ssyncset.done $0x0  }
0x5b: {  	[sflag:s26] =	ssyncadd.s32 $0xFFFFE000  }
0x5c: {  	_ =	swait.ge [sflag:s26], $0x2000  }
0x5d: {  	[sflag:s26] =	ssyncset.done $0x0  }
0x5e: {  	[sflag:s26] =	ssyncadd.s32 $0xFFFFE000  }
0x5f: {  	_ =	swait.ge [sflag:s26], $0x2000  }
0x60: {  	[sflag:s26] =	ssyncset.done $0x0  }
0x61: {  	[sflag:s26] =	ssyncadd.s32 $0xFFFFE000  }
0x62: {  	s6 =	simm.s32 $0x100;
	[bflag:$0x0] =	sbarrier.arrive $0xFFFF  }
0x63: {  	[tilespmem:s25], [sflag:$0x3] =	stream.indirect.gather [hbm4b:s1+s21], $0x80, s6, s21, $0xb8;
	[tilespmem:$0x1F800] =	vst v63  }
0x64: {  	_ =	swait.ge [sflag:s29], $0x2000  }
0x65: {  	[sflag:s29] =	ssyncset.done $0x0  }
0x66: {  	[sflag:s29] =	ssyncadd.s32 $0xFFFFE000  }
0x67: {  	[spmem:s3] =	stream.indirect.scatter.add.f32 [tilespmem:s22], [sflag:$0x4], $0x80, s20, s21, $0xb8;
	[tilespmem:$0x1F800] =	vst v63  }
0x68: {  	_ =	swait.ge [sflag:s30], $0x2000  }
0x69: {  	[sflag:s30] =	ssyncset.done $0x0  }
0x6a: {  	s8 =	simm.s32 $0x180;
	[sflag:s30] =	ssyncadd.s32 $0xFFFFE000  }
0x6b: {  	[tilespmem:s22], [sflag:$0x1] =	stream.indirect.gather [hbm4b:s1+s21], $0x80, s8, s21, $0xb8;
	[tilespmem:$0x1F800] =	vst v63  }
0x6c: {  	_ =	swait.ge [sflag:s0], $0x2000  }
0x6d: {  	[sflag:s0] =	ssyncset.done $0x0  }
0x6e: {  	s6 =	simm.s32 $0x2C80;
	[sflag:s0] =	ssyncadd.s32 $0xFFFFE000  }
0x6f: {  	[spmem:s3] =	stream.indirect.scatter.add.f32 [tilespmem:s24], [sflag:$0x5], $0x80, s6, s21, $0xb8;
	[tilespmem:$0x1F800] =	vst v63  }
0x70: {  	_ =	swait.ge [sflag:s23], $0x2000  }
0x71: {  	[sflag:s23] =	ssyncset.done $0x0  }
0x72: {  	s8 =	simm.s32 $0x200;
	[sflag:s23] =	ssyncadd.s32 $0xFFFFE000  }
0x73: {  	[tilespmem:s24], [sflag:$0x2] =	stream.indirect.gather [hbm4b:s1+s21], $0x80, s8, s21, $0xb8;
	[tilespmem:$0x1F800] =	vst v63  }
0x74: {  	_ =	swait.ge [sflag:s31], $0x2000  }
0x75: {  	[sflag:s31] =	ssyncset.done $0x0  }
0x76: {  	s6 =	simm.s32 $0x2D00;
	[sflag:s31] =	ssyncadd.s32 $0xFFFFE000  }
0x77: {  	[spmem:s3] =	stream.indirect.scatter.add.f32 [tilespmem:s25], [sflag:$0x6], $0x80, s6, s21, $0xb8;
	[tilespmem:$0x1F800] =	vst v63  }
0x78: {  	_ =	swait.ge [sflag:s26], $0x2000  }
0x79: {  	[sflag:s26] =	ssyncset.done $0x0  }
0x7a: {  	s8 =	simm.s32 $0x280;
	[sflag:s26] =	ssyncadd.s32 $0xFFFFE000  }
0x7b: {  	[tilespmem:s25], [sflag:$0x3] =	stream.indirect.gather [hbm4b:s1+s21], $0x80, s8, s21, $0xb8;
	[tilespmem:$0x1F800] =	vst v63  }
0x7c: {  	_ =	swait.ge [sflag:s29], $0x2000  }
0x7d: {  	[sflag:s29] =	ssyncset.done $0x0  }
0x7e: {  	s6 =	simm.s32 $0x2D80;
	[sflag:s29] =	ssyncadd.s32 $0xFFFFE000  }
0x7f: {  	[spmem:s3] =	stream.indirect.scatter.add.f32 [tilespmem:s22], [sflag:$0x4], $0x80, s6, s21, $0xb8;
	[tilespmem:$0x1F800] =	vst v63  }
0x80: {  	_ =	swait.ge [sflag:s30], $0x2000  }
0x81: {  	[sflag:s30] =	ssyncset.done $0x0  }
0x82: {  	s8 =	simm.s32 $0x300;
	[sflag:s30] =	ssyncadd.s32 $0xFFFFE000  }
0x83: {  	[tilespmem:s22], [sflag:$0x1] =	stream.indirect.gather [hbm4b:s1+s21], $0x80, s8, s21, $0xb8;
	[tilespmem:$0x1F800] =	vst v63  }
0x84: {  	_ =	swait.ge [sflag:s0], $0x2000  }
0x85: {  	[sflag:s0] =	ssyncset.done $0x0  }
0x86: {  	s6 =	simm.s32 $0x2E00;
	[sflag:s0] =	ssyncadd.s32 $0xFFFFE000  }
0x87: {  	[spmem:s3] =	stream.indirect.scatter.add.f32 [tilespmem:s24], [sflag:$0x5], $0x80, s6, s21, $0xb8;
	[tilespmem:$0x1F800] =	vst v63  }
0x88: {  	_ =	swait.ge [sflag:s23], $0x2000  }
0x89: {  	[sflag:s23] =	ssyncset.done $0x0  }
0x8a: {  	s8 =	simm.s32 $0x380;
	[sflag:s23] =	ssyncadd.s32 $0xFFFFE000  }
0x8b: {  	[tilespmem:s24], [sflag:$0x2] =	stream.indirect.gather [hbm4b:s1+s21], $0x80, s8, s21, $0xb8;
	[tilespmem:$0x1F800] =	vst v63  }
0x8c: {  	_ =	swait.ge [sflag:s31], $0x2000  }
0x8d: {  	[sflag:s31] =	ssyncset.done $0x0  }
0x8e: {  	s5 =	simm.s32 $0x600;
	s6 =	simm.s32 $0x2E80;
	[sflag:s31] =	ssyncadd.s32 $0xFFFFE000  }
.LBB2_4:
0x8f: {  	[spmem:s3] =	stream.indirect.scatter.add.f32 [tilespmem:s25], [sflag:$0x6], $0x80, s6, s21, $0xb8;
	[tilespmem:$0x1F800] =	vst v63  }
0x90: {  	s6 =	smov.u32 s5  }
0x91: {  	p0 =	sne.s32 s5, $0x9000;
	s5 =	sadd.s32 $0x600, s5;
	_ =	swait.ge [sflag:s26], $0x2000  }
0x92: {  	s6 =	sshra.s32 s6, $0x2;
	[sflag:s26] =	ssyncset.done $0x0  }
0x93: {  	s8 =	sadd.s32 $0x280, s6;
	[sflag:s26] =	ssyncadd.s32 $0xFFFFE000  }
0x94: {  	[tilespmem:s25], [sflag:$0x3] =	stream.indirect.gather [hbm4b:s1+s21], $0x80, s8, s21, $0xb8;
	[tilespmem:$0x1F800] =	vst v63  }
0x95: {  	_ =	swait.ge [sflag:s29], $0x2000  }
0x96: {  	[sflag:s29] =	ssyncset.done $0x0  }
0x97: {  	s8 =	sadd.s32 $0x2D80, s6;
	[sflag:s29] =	ssyncadd.s32 $0xFFFFE000  }
0x98: {  	[spmem:s3] =	stream.indirect.scatter.add.f32 [tilespmem:s22], [sflag:$0x4], $0x80, s8, s21, $0xb8;
	[tilespmem:$0x1F800] =	vst v63  }
0x99: {  	_ =	swait.ge [sflag:s30], $0x2000  }
0x9a: {  	[sflag:s30] =	ssyncset.done $0x0  }
0x9b: {  	s8 =	sadd.s32 $0x300, s6;
	[sflag:s30] =	ssyncadd.s32 $0xFFFFE000  }
0x9c: {  	[tilespmem:s22], [sflag:$0x1] =	stream.indirect.gather [hbm4b:s1+s21], $0x80, s8, s21, $0xb8;
	[tilespmem:$0x1F800] =	vst v63  }
0x9d: {  	_ =	swait.ge [sflag:s0], $0x2000  }
0x9e: {  	[sflag:s0] =	ssyncset.done $0x0  }
0x9f: {  	s8 =	sadd.s32 $0x2E00, s6;
	[sflag:s0] =	ssyncadd.s32 $0xFFFFE000  }
0xa0: {  	[spmem:s3] =	stream.indirect.scatter.add.f32 [tilespmem:s24], [sflag:$0x5], $0x80, s8, s21, $0xb8;
	[tilespmem:$0x1F800] =	vst v63  }
0xa1: {  	_ =	swait.ge [sflag:s23], $0x2000  }
0xa2: {  	[sflag:s23] =	ssyncset.done $0x0  }
.Ltmp1:
0xa3: {  	s8 =	sadd.s32 $0x380, s6;
	[sflag:s23] =	ssyncadd.s32 $0xFFFFE000;
	(pc) =	sbr.rel @p0 .LBB2_4-.Ltmp1, $4  }
0xa4: {  	[tilespmem:s24], [sflag:$0x2] =	stream.indirect.gather [hbm4b:s1+s21], $0x80, s8, s21, $0xb8;
	[tilespmem:$0x1F800] =	vst v63  }
0xa5: {  	_ =	swait.ge [sflag:s31], $0x2000  }
0xa6: {  	[sflag:s31] =	ssyncset.done $0x0  }
0xa7: {  	s6 =	sadd.s32 $0x2E80, s6;
	[sflag:s31] =	ssyncadd.s32 $0xFFFFE000  }
0xa8: {  	[spmem:s3] =	stream.indirect.scatter.add.f32 [tilespmem:s25], [sflag:$0x6], $0x80, s6, s21, $0xb8;
	[tilespmem:$0x1F800] =	vst v63  }
0xa9: {  	_ =	swait.ge [sflag:s26], $0x2000  }
0xaa: {  	[sflag:s26] =	ssyncset.done $0x0  }
0xab: {  	[sflag:s26] =	ssyncadd.s32 $0xFFFFE000  }
0xac: {  	[tilespmem:s25], [sflag:$0x3] =	stream.indirect.gather [hbm4b:s1+s21], $0x80, s28, s21, $0xb8;
	[tilespmem:$0x1F800] =	vst v63  }
0xad: {  	_ =	swait.ge [sflag:s29], $0x2000  }
0xae: {  	[sflag:s29] =	ssyncset.done $0x0  }
0xaf: {  	s5 =	simm.s32 $0x5300;
	[sflag:s29] =	ssyncadd.s32 $0xFFFFE000  }
0xb0: {  	[spmem:s3] =	stream.indirect.scatter.add.f32 [tilespmem:s22], [sflag:$0x4], $0x80, s5, s21, $0xb8;
	[tilespmem:$0x1F800] =	vst v63  }
0xb1: {  	_ =	swait.ge [sflag:s30], $0x2000  }
0xb2: {  	[sflag:s30] =	ssyncset.done $0x0  }
0xb3: {  	[sflag:s30] =	ssyncadd.s32 $0xFFFFE000  }
0xb4: {  	[tilespmem:s22], [sflag:$0x1] =	stream.indirect.gather [hbm4b:s1+s21], $0x80, s28, s21, $0xb8;
	[tilespmem:$0x1F800] =	vst v63  }
0xb5: {  	_ =	swait.ge [sflag:s0], $0x2000  }
0xb6: {  	[sflag:s0] =	ssyncset.done $0x0  }
0xb7: {  	s8 =	simm.s32 $0x5380;
	[sflag:s0] =	ssyncadd.s32 $0xFFFFE000  }
0xb8: {  	[spmem:s3] =	stream.indirect.scatter.add.f32 [tilespmem:s24], [sflag:$0x5], $0x80, s8, s21, $0xb8;
	[tilespmem:$0x1F800] =	vst v63  }
0xb9: {  	_ =	swait.ge [sflag:s23], $0x2000  }
0xba: {  	[sflag:s23] =	ssyncset.done $0x0  }
0xbb: {  	[sflag:s23] =	ssyncadd.s32 $0xFFFFE000  }
0xbc: {  	[tilespmem:s24], [sflag:$0x2] =	stream.indirect.gather [hbm4b:s1+s21], $0x80, s28, s21, $0xb8;
	[tilespmem:$0x1F800] =	vst v63  }
0xbd: {  	_ =	swait.ge [sflag:s31], $0x2000  }
0xbe: {  	[sflag:s31] =	ssyncset.done $0x0  }
0xbf: {  	s6 =	simm.s32 $0x5400;
	[sflag:s31] =	ssyncadd.s32 $0xFFFFE000  }
0xc0: {  	[spmem:s3] =	stream.indirect.scatter.add.f32 [tilespmem:s25], [sflag:$0x6], $0x80, s6, s21, $0xb8;
	[tilespmem:$0x1F800] =	vst v63  }
0xc1: {  	_ =	swait.ge [sflag:s26], $0x2000  }
0xc2: {  	[sflag:s26] =	ssyncset.done $0x0  }
0xc3: {  	[sflag:s26] =	ssyncadd.s32 $0xFFFFE000  }
0xc4: {  	_ =	swait.ge [sflag:s29], $0x2000  }
0xc5: {  	[sflag:s29] =	ssyncset.done $0x0  }
0xc6: {  	[sflag:s29] =	ssyncadd.s32 $0xFFFFE000  }
0xc7: {  	_ =	swait.ge [sflag:s0], $0x2000  }
0xc8: {  	s8 =	stileid.u32;
	[sflag:s0] =	ssyncset.done $0x0  }
0xc9: {  	s2 =	sadd.s32 $0x1, s2;
	s5 =	sshll.u32 s8, $0x6;
	[sflag:s0] =	ssyncadd.s32 $0xFFFFE000  }
0xca: {  	p0 =	sne.s32 s2, s9;
	s5 =	sor.u32 $0x1C07, s5;
	[bflag:$0x0] =	sbarrier.arrive $0xFFFF  }
.Ltmp2:
0xcb: {  	s6 =	sshrl.u32 s7, $0x3;
	s8 =	rddreg [dreg:$0x6];
	(pc) =	sbr.rel @p0 .LBB2_1-.Ltmp2, $4  }
0xcc: {  	[hbm:s8], [sflag:s5] =	dma.local [spmem:s6], $0x2800  }
0xcd: {  	_ =	swait.ge [sflag:s19], $0x2800  }
0xce: {  	[sflag:s19] =	ssyncset.done $0x0  }
0xcf: {  	[sflag:s19] =	ssyncadd.s32 $0xFFFFD800  }
0xd0: {  	_ =	sfence.sel $0x180000  }
0xd1: {  	[bflag:$0x0] =	sbarrier.arrive $0xFFFF  }
0xd2: {  	_ =	strace $0x90000053  }
0xd3: {  	s0 =	stileid.u32;
	[bflag:$0x2] =	sbarrier.arrive $0xFFFF  }
0xd4: {  	p0 =	sne.s32 s0, $0x0;
	s0 =	rddreg [dreg:$0x3]  }
0xd5: {  	s0 =	sadd.s32 @!p0 $0x100000, s0  }
0xd6: {  	[sflag:s0] =	ssyncadd.tile.s32 @!p0 $0x1;
	_ =	shalt  }
.Lfunc_end2:
_tile_overlayer_lowered:
.L_overlay_start_2:
0xd7: {  	(tag) =	ssettag $0x2  }
0xd8: {  	s0 =	rddreg [dreg:$0x0];
	s2 =	stileid.u32  }
0xd9: {  	s1 =	rddreg [dreg:$0x1];
	p0 =	sne.s32 s2, $0x0  }
0xda: {  	s3 =	rddreg [dreg:$0x2];
	[bflag:$0x3] =	sbarrier.arrive $0xFFFF;
	s2 =	simm.s32 @!p0 $0x1C07  }
0xdb: {  	[timem:s3], [sflag:s2] =	dma.local @!p0 [hbm:s0], s1  }
0xdc: {  	s0 =	simm.s32 @!p0 $0x7  }
0xdd: {  	_ =	swait.ge @!p0 [sflag:s0], s1  }
0xde: {  	s1 =	ssub.s32 @!p0 $0x0, s1;
	[sflag:s0] =	ssyncset.done @!p0 $0x0  }
0xdf: {  	[sflag:s0] =	ssyncadd.s32 @!p0 s1  }
0xe0: {  	[bflag:$0x3] =	sbarrier.arrive $0xFFFF  }
0xe1: {  	_ =	shalt  }

// kernel: kernel.18.cloned.1.call-start
scs
__scs_entry_jumppad:
0x0: {  	(pc) =	sbr.rel $0x88, $3  }
0x1: {  	(tag) =	ssettag $0x0;
	lr =	simm.s32 $0x1  }
0x2: {  	[smem:$0x3F9B] =	sst lr;
	_ =	strace $0xD0000000  }
0x3: {  	_ = 	snop  }
0x4: {  	_ = 	snop  }
0x5: {  	_ = 	snop  }
0x6: {  	_ = 	snop  }
0x7: {  	_ = 	snop  }
__scs_overlays_trampoline_lowered:
0x8: {  	[smem:$0x3FAA] =	sst s0  }
0x9: {  	[smem:$0x3FAB] =	sst s1  }
0xa: {  	[smem:$0x3FAC] =	sst s2  }
0xb: {  	[smem:$0x3FAD] =	sst s3  }
0xc: {  	[smem:$0x3FAE] =	sst s4  }
0xd: {  	[smem:$0x3FAF] =	sst s5  }
0xe: {  	[smem:$0x3FB0] =	sst s6  }
0xf: {  	[smem:$0x3FB1] =	sst s7  }
0x10: {  	[smem:$0x3FB2] =	sst s8  }
0x11: {  	[smem:$0x3FB3] =	sst s9;
	s0 =	simm.s32 @!p0 $0x0  }
0x12: {  	s1 =	sld [smem:$0x3F99];
	s0 =	simm.s32 @p0 $0x1  }
0x13: {  	[smem:$0x3FB4] =	sst s0;
	s0 =	simm.s32 @!p1 $0x0  }
0x14: {  	s2 =	sld [smem:$0x3F98];
	s0 =	simm.s32 @p1 $0x1  }
0x15: {  	[smem:$0x3FB5] =	sst s0;
	s0 =	simm.s32 @!p2 $0x0  }
0x16: {  	s3 =	sld [smem:$0x3FDB];
	s0 =	simm.s32 @p2 $0x1  }
0x17: {  	s4 =	simm.s32 $0x1BF5;
	[smem:$0x3FB7] =	sst s0  }
0x18: {  	s0 =	sld [smem:$0x3F9A];
	_ =	swait.ge [sflag:s4], $0x0  }
0x19: {  	s7 =	sld [smem:$0x3F9B]  }
0x1a: {  	s8 =	sadd.s32 $0xFFFFE003, lr  }
0x1b: {  	s9 =	sadd.s32 $0xFFFFFEF7, lr;
	s5 =	simm.s32 $0xFFFFFFFF;
	p2 =	slt.u32 s8, $0xFFFFF086  }
0x1c: {  	p1 =	slt.u32 s9, $0xF7A;
	s5 =	simm.s32 @!p2 $0x0  }
0x1d: {  	s5 =	simm.s32 @p1 $0x1;
	p0 =	seq.s32 s7, s2  }
0x1e: {  	s7 =	smul.u32 @!p0 $0xF7A, s2;
	p2 =	seq.s32 @!p0 s5, $0x0  }
0x1f: {  	s9 =	smul.u32 $0xF7A, s1;
	s8 =	simm.s32 @!p0 $0x1BF5;
	p2 =	por !p2, p0  }
0x20: {  	[sflag:s8] =	ssyncset.s32 @!p0 $0xFFFFF086;
	s6 =	sadd.s32 @!p0 s3, s7;
	s7 =	simm.s32 @!p0 $0x108  }
0x21: {  	s3 =	sadd.s32 s3, s9;
	s6 =	sadd.s32 @!p0 $0x88, s6;
	s7 =	simm.s32 @p2 $0x1082  }
0x22: {  	[simem:s7], [sflag:s8] =	dma.local @!p0 [hbm:s6], $0xF7A  }
0x23: {  	s9 =	sor.u32 $0xD0000000, s2;
	s6 =	simm.s32 $0x108;
	_ =	swait.ge @!p0 [sflag:s8], $0x0  }
0x24: {  	s3 =	sadd.s32 $0x88, s3;
	s6 =	simm.s32 @!p1 $0x1082;
	[sflag:s4] =	ssyncset.s32 $0xFFFFF086  }
0x25: {  	[simem:s6], [sflag:s4] =	dma.local [hbm:s3], $0xF7A  }
0x26: {  	[smem:$0x3F9B] =	sst s1;
	(tag) =	ssettag s2;
	_ =	strace s9  }
0x27: {  	s1 =	sld [smem:$0x3FAB]  }
0x28: {  	s2 =	sld [smem:$0x3FAC]  }
0x29: {  	s4 =	sld [smem:$0x3FAE]  }
0x2a: {  	p0 =	seq.s32 s5, $0x0;
	s5 =	sld [smem:$0x3FAF]  }
0x2b: {  	s6 =	sld [smem:$0x3FB0]  }
0x2c: {  	s7 =	sld [smem:$0x3FB1]  }
0x2d: {  	s3 =	simm.s32 $0x108;
	s8 =	sld [smem:$0x3FB2]  }
0x2e: {  	s3 =	simm.s32 @!p0 $0x1082;
	s9 =	sld [smem:$0x3FB3]  }
0x2f: {  	lr =	sadd.s32 s0, s3;
	s0 =	sld [smem:$0x3FAA]  }
0x30: {  	s3 =	sld [smem:$0x3FAD]  }
0x31: {  	[smem:$0x3FB6] =	sst s10  }
0x32: {  	s10 =	sld [smem:$0x3FB4];
	_ =	sdelay $0x3  }
0x33: {  	p0 =	seq.s32 s10, $0x1;
	s10 =	sld [smem:$0x3FB6];
	_ =	sdelay $0x3  }
0x34: {  	[smem:$0x3FB6] =	sst s10  }
0x35: {  	s10 =	sld [smem:$0x3FB5];
	_ =	sdelay $0x3  }
0x36: {  	p1 =	seq.s32 s10, $0x1;
	s10 =	sld [smem:$0x3FB6];
	_ =	sdelay $0x3  }
0x37: {  	[smem:$0x3FB6] =	sst s10  }
0x38: {  	s10 =	sld [smem:$0x3FB7]  }
0x39: {  	_ = 	snop;
	(pc) =	sbr.ind lr, $3  }
0x3a: {  	_ = 	snop  }
0x3b: {  	_ = 	snop  }
0x3c: {  	p2 =	seq.s32 s10, $0x1;
	s10 =	sld [smem:$0x3FB6]  }
0x3d: {  	_ =	shalt  }
0x3e: {  	_ =	shalt  }
0x3f: {  	_ =	shalt  }
0x40: {  	_ =	shalt  }
0x41: {  	_ =	shalt  }
0x42: {  	_ =	shalt  }
0x43: {  	_ =	shalt  }
0x44: {  	_ =	shalt  }
0x45: {  	_ =	shalt  }
0x46: {  	_ =	shalt  }
0x47: {  	_ =	shalt  }
0x48: {  	_ =	shalt  }
0x49: {  	_ =	shalt  }
0x4a: {  	_ =	shalt  }
0x4b: {  	_ =	shalt  }
0x4c: {  	_ =	shalt  }
0x4d: {  	_ =	shalt  }
0x4e: {  	_ =	shalt  }
0x4f: {  	_ =	shalt  }
0x50: {  	_ =	shalt  }
0x51: {  	_ =	shalt  }
0x52: {  	_ =	shalt  }
0x53: {  	_ =	shalt  }
0x54: {  	_ =	shalt  }
0x55: {  	_ =	shalt  }
0x56: {  	_ =	shalt  }
0x57: {  	_ =	shalt  }
0x58: {  	_ =	shalt  }
0x59: {  	_ =	shalt  }
0x5a: {  	_ =	shalt  }
0x5b: {  	_ =	shalt  }
0x5c: {  	_ =	shalt  }
0x5d: {  	_ =	shalt  }
0x5e: {  	_ =	shalt  }
0x5f: {  	_ =	shalt  }
0x60: {  	_ =	shalt  }
0x61: {  	_ =	shalt  }
0x62: {  	_ =	shalt  }
0x63: {  	_ =	shalt  }
0x64: {  	_ =	shalt  }
0x65: {  	_ =	shalt  }
0x66: {  	_ =	shalt  }
0x67: {  	_ =	shalt  }
0x68: {  	_ =	shalt  }
0x69: {  	_ =	shalt  }
0x6a: {  	_ =	shalt  }
0x6b: {  	_ =	shalt  }
0x6c: {  	_ =	shalt  }
0x6d: {  	_ =	shalt  }
0x6e: {  	_ =	shalt  }
0x6f: {  	_ =	shalt  }
0x70: {  	_ =	shalt  }
0x71: {  	_ =	shalt  }
0x72: {  	_ =	shalt  }
0x73: {  	_ =	shalt  }
0x74: {  	_ =	shalt  }
0x75: {  	_ =	shalt  }
0x76: {  	_ =	shalt  }
0x77: {  	_ =	shalt  }
0x78: {  	_ =	shalt  }
0x79: {  	_ =	shalt  }
0x7a: {  	_ =	shalt  }
0x7b: {  	_ =	shalt  }
0x7c: {  	_ =	shalt  }
0x7d: {  	_ =	shalt  }
0x7e: {  	_ =	shalt  }
0x7f: {  	_ =	shalt  }
0x80: {  	_ =	shalt  }
0x81: {  	_ =	shalt  }
0x82: {  	_ =	shalt  }
0x83: {  	_ =	shalt  }
0x84: {  	_ =	shalt  }
0x85: {  	_ =	shalt  }
0x86: {  	_ =	shalt  }
0x87: {  	_ =	shalt  }
.Lfunc_end0:
.L_simem_size_0:
called_computation.2_lowered:
.L_overlay_start_0:
0x88: {  	s2 =	sld [smem:$0x3FD9]  }
0x89: {  	s3 =	sld [smem:$0x3FFE];
	_ =	sdelay $0x1  }
0x8a: {  	s1 =	srdreg.scid  }
0x8b: {  	s0 =	sand.u32 $0x1, s1  }
0x8c: {  	s17 =	sshll.u32 s0, $0xA;
	s2 =	sadd.s32 s3, s2  }
0x8d: {  	s2 =	sadd.s32 s2, s17  }
0x8e: {  	[smem:$0x3FC2] =	sst s2  }
0x8f: {  	_ = 	snop  }
0x90: {  	(tm) =	ssettm $0x1  }
0x91: {  	s18 =	sld [smem:$0x3FFB];
	_ =	sdelay $0x3  }
0x92: {  	_ =	strace s18  }
0x93: {  	s2 =	sld [smem:$0x3FFC];
	_ =	sdelay $0x3  }
0x94: {  	_ =	strace s2  }
0x95: {  	s2 =	sld [smem:$0x3FFD];
	_ =	sdelay $0x3  }
0x96: {  	_ =	strace s2  }
0x97: {  	_ =	strace $0x8FFFFFFF  }
0x98: {  	s19 =	sld [smem:$0x3FDB];
	_ =	sdelay $0x1  }
0x99: {  	s20 =	simm.s32 $_scs_section_size  }
0x9a: {  	s4 =	simm.s32 $_size__tile_overlayer_lowered;
	s5 =	simm.s32 $_tile_overlayer_lowered  }
0x9b: {  	s6 =	simm.s32 $0x1BFF;
	s21 =	sshll.u32 s5, $0x1;
	s3 =	sadd.s32 s20, s19  }
0x9c: {  	s22 =	simm.s32 $0x0;
	s4 =	sshll.u32 s4, $0x1;
	s5 =	sadd.s32 s21, s3  }
0x9d: {  	[timem:s22], [sflag:s6] =	dma.local [hbm:s5], s4  }
0x9e: {  	_ =	swait.ge [sflag:s6], s4  }
0x9f: {  	s4 =	ssub.s32 $0x0, s4;
	[sflag:s6] =	ssyncset.done $0x0  }
0xa0: {  	[sflag:s6] =	ssyncadd.s32 s4;
	_ =	sdelay $0x1  }
0xa1: {  	s23 =	simm.s32 $0x1B8B  }
0xa2: {  	_ =	swait.ge [sflag:s23], $0x1  }
0xa3: {  	[sflag:s23] =	ssyncset.done $0x0  }
0xa4: {  	[sflag:s23] =	ssyncadd.s32 $0xFFFFFFFF  }
0xa5: {  	s4 =	sld [smem:$0x0]  }
0xa6: {  	s5 =	sand.u32 $0xFFFFFFFE, s1  }
0xa7: {  	p0 =	sne.s32 s1, s5  }
0xa8: {  	s5 =	sshll.u32 @p0 s5, $0xE  }
0xa9: {  	s5 =	sadd.s32 @p0 $0x11B8D, s5;
	s6 =	sshll.u32 @p0 s4, $0x11  }
0xaa: {  	s5 =	sor.u32 @p0 s6, s5  }
0xab: {  	[sflag:s5] =	ssyncadd.remote.s32 @p0 $0x1;
	_ =	sdelay $0x1  }
0xac: {  	s5 =	simm.s32 @p0 $0x1B8D  }
0xad: {  	_ =	swait.eq @p0 [sflag:s5], $0x1  }
0xae: {  	[sflag:s5] =	ssyncadd.s32 @p0 $0xFFFFFFFF  }
0xaf: {  	s6 =	sshll.u32 @!p0 s1, $0xE  }
0xb0: {  	s6 =	sor.u32 @!p0 $0x4000, s6;
	s5 =	simm.s32 @!p0 $0x1B8D  }
0xb1: {  	s4 =	sshll.u32 @!p0 s4, $0x11;
	s6 =	sadd.s32 @!p0 $0x11B8D, s6;
	_ =	swait.eq @!p0 [sflag:s5], $0x1  }
0xb2: {  	s4 =	sor.u32 @!p0 s4, s6;
	[sflag:s5] =	ssyncadd.s32 @!p0 $0xFFFFFFFF  }
0xb3: {  	s25 =	simm.s32 $0x1B8E;
	s24 =	sld [smem:$0x3FFE];
	[sflag:s4] =	ssyncadd.remote.s32 @!p0 $0x1  }
0xb4: {  	s26 =	simm.s32 $execute0_lowered;
	[smem:$0x3FD2] =	sst s25  }
0xb5: {  	s5 =	sshll.u32 s26, $0x1;
	_ =	strace $0x8000004F;
	[dreg:$0x1] =	wrdreg $0xFFFFFFFF  }
0xb6: {  	s28 =	simm.s32 $_size_execute0_lowered;
	s3 =	sadd.s32 s3, s5;
	[dreg:$0x0] =	wrdreg $0x0  }
0xb7: {  	s5 =	sshll.u32 s28, $0x1;
	[dreg:$0x2] =	wrdreg s3  }
0xb8: {  	[dreg:$0x3] =	wrdreg s5  }
0xb9: {  	[dreg:$0x4] =	wrdreg $0xC0  }
0xba: {  	_ =	task [dreg:s22], $0x5FFFF  }
0xbb: {  	[dreg:$0x1] =	wrdreg $0xFFFFFFFF  }
0xbc: {  	[dreg:$0x0] =	wrdreg $0x60  }
0xbd: {  	[dreg:$0x2] =	wrdreg s24  }
0xbe: {  	[dreg:$0x3] =	wrdreg $0xB8000  }
0xbf: {  	[dreg:$0x4] =	wrdreg $0xA  }
0xc0: {  	_ =	task.clear_ibuf [dreg:s22], $0x5FFFF;
	_ =	strace $0x9000004F  }
0xc1: {  	s29 =	simm.s32 $0xA;
	_ =	strace $0x80000051  }
0xc2: {  	_ =	swait.ge [sflag:s29], $0x1  }
0xc3: {  	[sflag:s29] =	ssyncadd.s32 $0xFFFFFFFF  }
0xc4: {  	_ =	strace $0x90000051  }
0xc5: {  	_ =	sfence  }
0xc6: {  	s30 =	sld [smem:$0x0];
	_ =	sdelay $0x2  }
0xc7: {  	s31 =	sshll.u32 s1, $0xD;
	s1 =	sshrl.u32 s1, $0x2  }
0xc8: {  	s4 =	sand.u32 $0x4000, s31;
	s1 =	sadd.s32 s1, s30  }
0xc9: {  	s0 =	sor.u32 s4, s0;
	s1 =	sshll.u32 s1, $0x11  }
0xca: {  	s0 =	sor.u32 s1, s0  }
0xcb: {  	s0 =	sadd.s32 $0x8F2B, s0  }
0xcc: {  	[sflag:s0] =	ssyncadd.remote.s32 $0x1  }
0xcd: {  	_ =	sfence.sel $0xFFFF  }
0xce: {  	[dreg:$0x0] =	wrdreg $0xFFFFFFFF;
	(pc) =	sbr.abs _section_cstart, $3  }
0xcf: {  	[dreg:$0x1] =	wrdreg $0xFFFFFFFF  }
0xd0: {  	_ =	task.clear_ibuf [dreg:s22], $0x2FFFF;
	_ =	strace $0x9FFFFFFF  }
0xd1: {  	(tm) =	ssettm $0x7FFFFFFF  }
tec
execute0_lowered:
.L_overlay_start_1:
0x0: {  	(tag) =	ssettag $0x1  }
0x1: {  	s0 =	rddreg [dreg:$0x0]  }
0x2: {  	s1 =	rddreg [dreg:$0x1];
	s2 =	srdreg.scid  }
0x3: {  	s3 =	simm.s32 $0x0;
	s8 =	stileid.u32;
	s19 =	simm.s32 $0x7  }
0x4: {  	s20 =	simm.s32 $0x2C00;
	s21 =	simm.s32 $0x40;
	s29 =	simm.s32 $0x1  }
0x5: {  	s30 =	simm.s32 $0x4;
	s31 =	simm.s32 $0x3;
	s6 =	smul.u32 $0x14000, s8  }
0x6: {  	s28 =	simm.s32 $0x2800;
	s2 =	sand.u32 $0x1, s2;
	s22 =	smul.u32 $0x50000, s8  }
0x7: {  	[smem:$0x7FF] =	sst s3;
	s5 =	smul.u32 $0x140000, s2;
	s4 =	sshll.u32 s2, $0x4  }
0x8: {  	_ =	strace $0x80000050;
	s2 =	ssub.s32 $0x2, s2;
	s7 =	sor.u32 s8, s4  }
0x9: {  	s4 =	sadd.s32 $0x91A00, s0;
	s23 =	sshrl.u32 s2, $0x1;
	s7 =	smul.u32 $0x580, s7  }
0xa: {  	s25 =	sshrl.u32 s22, $0x2;
	s22 =	simm.s32 $0x5800;
	s5 =	sadd.s32 s6, s5  }
0xb: {  	s2 =	ssub.s32 s2, s23;
	s23 =	simm.s32 $0x5;
	s7 =	sadd.s32 s7, s0  }
0xc: {  	s5 =	sshrl.u32 s5, $0x3;
	s9 =	smax.u32 s2, $0x1;
	s24 =	sadd.s32 $0x5F800, s7  }
0xd: {  	s0 =	sadd.s32 s5, s0;
	s26 =	sadd.s32 $0x4800, s7;
	[dreg:$0x3] =	wrdreg s24  }
0xe: {  	s2 =	simm.s32 $0x0;
	s0 =	sadd.s32 $0x17FE00, s0;
	[dreg:$0x4] =	wrdreg s26  }
0xf: {  	s7 =	sadd.s32 s25, s1;
	s25 =	simm.s32 $0x9800;
	[dreg:$0x5] =	wrdreg s0  }
0x10: {  	s10 =	sadd.s32 $0x2000, s7;
	s11 =	sadd.s32 $0x4000, s7;
	s12 =	sadd.s32 $0x6000, s7  }
0x11: {  	s13 =	sadd.s32 $0x8000, s7;
	s14 =	sadd.s32 $0xA000, s7;
	s15 =	sadd.s32 $0xC000, s7  }
0x12: {  	s16 =	sadd.s32 $0xE000, s7;
	s17 =	sadd.s32 $0x10000, s7;
	s18 =	sadd.s32 $0x12000, s7  }
0x13: {  	v0 =	vimm.f32 $0.0e+00;
	s24 =	simm.s32 $0x7800;
	s26 =	simm.s32 $0x6;
	s0 =	simm.s32 $0x2  }
.LBB2_1:
0x14: {  	s5 =	rddreg [dreg:$0x3]  }
0x15: {  	[tilespmem:s3], [sflag:$0x7] =	stream.linear.gather [hbm4b:s5+s3], $0x2880, $0x38;
	[tilespmem:$0x1F800] =	vst v63  }
0x16: {  	_ =	swait.ge [sflag:s19], $0x2880  }
0x17: {  	[sflag:s19] =	ssyncset.done $0x0  }
0x18: {  	s6 =	rddreg [dreg:$0x4];
	[sflag:s19] =	ssyncadd.s32 $0xFFFFD780  }
0x19: {  	[tilespmem:s20], [sflag:$0x7] =	stream.linear.gather [hbm4b:s6+s3], $0x2880, $0x38;
	[tilespmem:$0x1F800] =	vst v63  }
0x1a: {  	_ =	swait.ge [sflag:s19], $0x2880  }
0x1b: {  	[sflag:s19] =	ssyncset.done $0x0  }
0x1c: {  	[sflag:s19] =	ssyncadd.s32 $0xFFFFD780  }
0x1d: {  	[tilespmem:s22], [sflag:$0x1] =	stream.indirect.gather [hbm4b:s4+s21], $0x80, s3, s21, $0xb8;
	[tilespmem:$0x1F800] =	vst v63  }
0x1e: {  	s8 =	simm.s32 $0x80;
	s5 =	simm.s32 $0x0;
	s6 =	simm.s32 $0x200  }
0x1f: {  	[tilespmem:s24], [sflag:$0x2] =	stream.indirect.gather [hbm4b:s4+s21], $0x80, s8, s21, $0xb8;
	[tilespmem:$0x1F800] =	vst v63  }
.LBB2_2:
0x20: {  	p0 =	sne.s32 s6, $0x7E00;
	[tilespmem:s5+$0x9870] =	vst v0  }
0x21: {  	[tilespmem:s5+$0x9800] =	vst v0  }
0x22: {  	[tilespmem:s5+$0x9810] =	vst v0  }
.Ltmp0:
0x23: {  	[tilespmem:s5+$0x9820] =	vst v0;
	(pc) =	sbr.rel @p0 .LBB2_2-.Ltmp0, $4  }
0x24: {  	[tilespmem:s5+$0x9830] =	vst v0  }
0x25: {  	[tilespmem:s5+$0x9840] =	vst v0  }
0x26: {  	[tilespmem:s5+$0x9850] =	vst v0  }
0x27: {  	[tilespmem:s5+$0x9860] =	vst v0;
	s5 =	sshra.s32 s6, $0x2;
	s6 =	sadd.s32 $0x200, s6  }
0x28: {  	[tilespmem:s5+$0x9870] =	vst v0  }
0x29: {  	[tilespmem:s5+$0x9800] =	vst v0  }
0x2a: {  	[tilespmem:s5+$0x9810] =	vst v0  }
0x2b: {  	[tilespmem:s5+$0x9820] =	vst v0  }
0x2c: {  	[tilespmem:s5+$0x9830] =	vst v0  }
0x2d: {  	[tilespmem:s5+$0x9840] =	vst v0  }
0x2e: {  	[tilespmem:s5+$0x9850] =	vst v0  }
0x2f: {  	[tilespmem:s5+$0x9860] =	vst v0  }
0x30: {  	[spmem:s7] =	stream.linear.scatter [tilespmem:s25], [sflag:$0x6], $0x2000, $0x38;
	[tilespmem:$0x1F800] =	vst v63  }
0x31: {  	_ = 	snop  }
0x32: {  	[spmem:s10] =	stream.linear.scatter [tilespmem:s25], [sflag:$0x6], $0x2000, $0x38;
	[tilespmem:$0x1F800] =	vst v63  }
0x33: {  	_ = 	snop  }
0x34: {  	[spmem:s11] =	stream.linear.scatter [tilespmem:s25], [sflag:$0x6], $0x2000, $0x38;
	[tilespmem:$0x1F800] =	vst v63  }
0x35: {  	_ = 	snop  }
0x36: {  	[spmem:s12] =	stream.linear.scatter [tilespmem:s25], [sflag:$0x6], $0x2000, $0x38;
	[tilespmem:$0x1F800] =	vst v63  }
0x37: {  	_ = 	snop  }
0x38: {  	[spmem:s13] =	stream.linear.scatter [tilespmem:s25], [sflag:$0x6], $0x2000, $0x38;
	[tilespmem:$0x1F800] =	vst v63  }
0x39: {  	_ = 	snop  }
0x3a: {  	[spmem:s14] =	stream.linear.scatter [tilespmem:s25], [sflag:$0x6], $0x2000, $0x38;
	[tilespmem:$0x1F800] =	vst v63  }
0x3b: {  	_ = 	snop  }
0x3c: {  	[spmem:s15] =	stream.linear.scatter [tilespmem:s25], [sflag:$0x6], $0x2000, $0x38;
	[tilespmem:$0x1F800] =	vst v63  }
0x3d: {  	_ = 	snop  }
0x3e: {  	[spmem:s16] =	stream.linear.scatter [tilespmem:s25], [sflag:$0x6], $0x2000, $0x38;
	[tilespmem:$0x1F800] =	vst v63  }
0x3f: {  	_ = 	snop  }
0x40: {  	[spmem:s17] =	stream.linear.scatter [tilespmem:s25], [sflag:$0x6], $0x2000, $0x38;
	[tilespmem:$0x1F800] =	vst v63  }
0x41: {  	_ = 	snop  }
0x42: {  	[spmem:s18] =	stream.linear.scatter [tilespmem:s25], [sflag:$0x6], $0x2000, $0x38;
	[tilespmem:$0x1F800] =	vst v63  }
0x43: {  	_ =	swait.ge [sflag:s26], $0x2000  }
0x44: {  	[sflag:s26] =	ssyncset.done $0x0  }
0x45: {  	[sflag:s26] =	ssyncadd.s32 $0xFFFFE000  }
0x46: {  	_ =	swait.ge [sflag:s26], $0x2000  }
0x47: {  	[sflag:s26] =	ssyncset.done $0x0  }
0x48: {  	[sflag:s26] =	ssyncadd.s32 $0xFFFFE000  }
0x49: {  	_ =	swait.ge [sflag:s26], $0x2000  }
0x4a: {  	[sflag:s26] =	ssyncset.done $0x0  }
0x4b: {  	[sflag:s26] =	ssyncadd.s32 $0xFFFFE000  }
0x4c: {  	_ =	swait.ge [sflag:s26], $0x2000  }
0x4d: {  	[sflag:s26] =	ssyncset.done $0x0  }
0x4e: {  	[sflag:s26] =	ssyncadd.s32 $0xFFFFE000  }
0x4f: {  	_ =	swait.ge [sflag:s26], $0x2000  }
0x50: {  	[sflag:s26] =	ssyncset.done $0x0  }
0x51: {  	[sflag:s26] =	ssyncadd.s32 $0xFFFFE000  }
0x52: {  	_ =	swait.ge [sflag:s26], $0x2000  }
0x53: {  	[sflag:s26] =	ssyncset.done $0x0  }
0x54: {  	[sflag:s26] =	ssyncadd.s32 $0xFFFFE000  }
0x55: {  	_ =	swait.ge [sflag:s26], $0x2000  }
0x56: {  	[sflag:s26] =	ssyncset.done $0x0  }
0x57: {  	[sflag:s26] =	ssyncadd.s32 $0xFFFFE000  }
0x58: {  	_ =	swait.ge [sflag:s26], $0x2000  }
0x59: {  	[sflag:s26] =	ssyncset.done $0x0  }
0x5a: {  	[sflag:s26] =	ssyncadd.s32 $0xFFFFE000  }
0x5b: {  	_ =	swait.ge [sflag:s26], $0x2000  }
0x5c: {  	[sflag:s26] =	ssyncset.done $0x0  }
0x5d: {  	[sflag:s26] =	ssyncadd.s32 $0xFFFFE000  }
0x5e: {  	_ =	swait.ge [sflag:s26], $0x2000  }
0x5f: {  	[sflag:s26] =	ssyncset.done $0x0  }
0x60: {  	[sflag:s26] =	ssyncadd.s32 $0xFFFFE000  }
0x61: {  	s6 =	simm.s32 $0x100;
	[bflag:$0x0] =	sbarrier.arrive $0xFFFF  }
0x62: {  	[tilespmem:s25], [sflag:$0x3] =	stream.indirect.gather [hbm4b:s4+s21], $0x80, s6, s21, $0xb8;
	[tilespmem:$0x1F800] =	vst v63  }
0x63: {  	_ =	swait.ge [sflag:s29], $0x2000  }
0x64: {  	[sflag:s29] =	ssyncset.done $0x0  }
0x65: {  	[sflag:s29] =	ssyncadd.s32 $0xFFFFE000  }
0x66: {  	[spmem:s1] =	stream.indirect.scatter.add.f32 [tilespmem:s22], [sflag:$0x4], $0x80, s20, s21, $0xb8;
	[tilespmem:$0x1F800] =	vst v63  }
0x67: {  	_ =	swait.ge [sflag:s30], $0x2000  }
0x68: {  	[sflag:s30] =	ssyncset.done $0x0  }
0x69: {  	s8 =	simm.s32 $0x180;
	[sflag:s30] =	ssyncadd.s32 $0xFFFFE000  }
0x6a: {  	[tilespmem:s22], [sflag:$0x1] =	stream.indirect.gather [hbm4b:s4+s21], $0x80, s8, s21, $0xb8;
	[tilespmem:$0x1F800] =	vst v63  }
0x6b: {  	_ =	swait.ge [sflag:s0], $0x2000  }
0x6c: {  	[sflag:s0] =	ssyncset.done $0x0  }
0x6d: {  	s6 =	simm.s32 $0x2C80;
	[sflag:s0] =	ssyncadd.s32 $0xFFFFE000  }
0x6e: {  	[spmem:s1] =	stream.indirect.scatter.add.f32 [tilespmem:s24], [sflag:$0x5], $0x80, s6, s21, $0xb8;
	[tilespmem:$0x1F800] =	vst v63  }
0x6f: {  	_ =	swait.ge [sflag:s23], $0x2000  }
0x70: {  	[sflag:s23] =	ssyncset.done $0x0  }
0x71: {  	s8 =	simm.s32 $0x200;
	[sflag:s23] =	ssyncadd.s32 $0xFFFFE000  }
0x72: {  	[tilespmem:s24], [sflag:$0x2] =	stream.indirect.gather [hbm4b:s4+s21], $0x80, s8, s21, $0xb8;
	[tilespmem:$0x1F800] =	vst v63  }
0x73: {  	_ =	swait.ge [sflag:s31], $0x2000  }
0x74: {  	[sflag:s31] =	ssyncset.done $0x0  }
0x75: {  	s6 =	simm.s32 $0x2D00;
	[sflag:s31] =	ssyncadd.s32 $0xFFFFE000  }
0x76: {  	[spmem:s1] =	stream.indirect.scatter.add.f32 [tilespmem:s25], [sflag:$0x6], $0x80, s6, s21, $0xb8;
	[tilespmem:$0x1F800] =	vst v63  }
0x77: {  	_ =	swait.ge [sflag:s26], $0x2000  }
0x78: {  	[sflag:s26] =	ssyncset.done $0x0  }
0x79: {  	s8 =	simm.s32 $0x280;
	[sflag:s26] =	ssyncadd.s32 $0xFFFFE000  }
0x7a: {  	[tilespmem:s25], [sflag:$0x3] =	stream.indirect.gather [hbm4b:s4+s21], $0x80, s8, s21, $0xb8;
	[tilespmem:$0x1F800] =	vst v63  }
0x7b: {  	_ =	swait.ge [sflag:s29], $0x2000  }
0x7c: {  	[sflag:s29] =	ssyncset.done $0x0  }
0x7d: {  	s6 =	simm.s32 $0x2D80;
	[sflag:s29] =	ssyncadd.s32 $0xFFFFE000  }
0x7e: {  	[spmem:s1] =	stream.indirect.scatter.add.f32 [tilespmem:s22], [sflag:$0x4], $0x80, s6, s21, $0xb8;
	[tilespmem:$0x1F800] =	vst v63  }
0x7f: {  	_ =	swait.ge [sflag:s30], $0x2000  }
0x80: {  	[sflag:s30] =	ssyncset.done $0x0  }
0x81: {  	s8 =	simm.s32 $0x300;
	[sflag:s30] =	ssyncadd.s32 $0xFFFFE000  }
0x82: {  	[tilespmem:s22], [sflag:$0x1] =	stream.indirect.gather [hbm4b:s4+s21], $0x80, s8, s21, $0xb8;
	[tilespmem:$0x1F800] =	vst v63  }
0x83: {  	_ =	swait.ge [sflag:s0], $0x2000  }
0x84: {  	[sflag:s0] =	ssyncset.done $0x0  }
0x85: {  	s6 =	simm.s32 $0x2E00;
	[sflag:s0] =	ssyncadd.s32 $0xFFFFE000  }
0x86: {  	[spmem:s1] =	stream.indirect.scatter.add.f32 [tilespmem:s24], [sflag:$0x5], $0x80, s6, s21, $0xb8;
	[tilespmem:$0x1F800] =	vst v63  }
0x87: {  	_ =	swait.ge [sflag:s23], $0x2000  }
0x88: {  	[sflag:s23] =	ssyncset.done $0x0  }
0x89: {  	s8 =	simm.s32 $0x380;
	[sflag:s23] =	ssyncadd.s32 $0xFFFFE000  }
0x8a: {  	[tilespmem:s24], [sflag:$0x2] =	stream.indirect.gather [hbm4b:s4+s21], $0x80, s8, s21, $0xb8;
	[tilespmem:$0x1F800] =	vst v63  }
0x8b: {  	_ =	swait.ge [sflag:s31], $0x2000  }
0x8c: {  	[sflag:s31] =	ssyncset.done $0x0  }
0x8d: {  	s5 =	simm.s32 $0x600;
	s6 =	simm.s32 $0x2E80;
	[sflag:s31] =	ssyncadd.s32 $0xFFFFE000  }
.LBB2_4:
0x8e: {  	[spmem:s1] =	stream.indirect.scatter.add.f32 [tilespmem:s25], [sflag:$0x6], $0x80, s6, s21, $0xb8;
	[tilespmem:$0x1F800] =	vst v63  }
0x8f: {  	s6 =	smov.u32 s5  }
0x90: {  	p0 =	sne.s32 s5, $0x9000;
	s5 =	sadd.s32 $0x600, s5;
	_ =	swait.ge [sflag:s26], $0x2000  }
0x91: {  	s6 =	sshra.s32 s6, $0x2;
	[sflag:s26] =	ssyncset.done $0x0  }
0x92: {  	s8 =	sadd.s32 $0x280, s6;
	[sflag:s26] =	ssyncadd.s32 $0xFFFFE000  }
0x93: {  	[tilespmem:s25], [sflag:$0x3] =	stream.indirect.gather [hbm4b:s4+s21], $0x80, s8, s21, $0xb8;
	[tilespmem:$0x1F800] =	vst v63  }
0x94: {  	_ =	swait.ge [sflag:s29], $0x2000  }
0x95: {  	[sflag:s29] =	ssyncset.done $0x0  }
0x96: {  	s8 =	sadd.s32 $0x2D80, s6;
	[sflag:s29] =	ssyncadd.s32 $0xFFFFE000  }
0x97: {  	[spmem:s1] =	stream.indirect.scatter.add.f32 [tilespmem:s22], [sflag:$0x4], $0x80, s8, s21, $0xb8;
	[tilespmem:$0x1F800] =	vst v63  }
0x98: {  	_ =	swait.ge [sflag:s30], $0x2000  }
0x99: {  	[sflag:s30] =	ssyncset.done $0x0  }
0x9a: {  	s8 =	sadd.s32 $0x300, s6;
	[sflag:s30] =	ssyncadd.s32 $0xFFFFE000  }
0x9b: {  	[tilespmem:s22], [sflag:$0x1] =	stream.indirect.gather [hbm4b:s4+s21], $0x80, s8, s21, $0xb8;
	[tilespmem:$0x1F800] =	vst v63  }
0x9c: {  	_ =	swait.ge [sflag:s0], $0x2000  }
0x9d: {  	[sflag:s0] =	ssyncset.done $0x0  }
0x9e: {  	s8 =	sadd.s32 $0x2E00, s6;
	[sflag:s0] =	ssyncadd.s32 $0xFFFFE000  }
0x9f: {  	[spmem:s1] =	stream.indirect.scatter.add.f32 [tilespmem:s24], [sflag:$0x5], $0x80, s8, s21, $0xb8;
	[tilespmem:$0x1F800] =	vst v63  }
0xa0: {  	_ =	swait.ge [sflag:s23], $0x2000  }
0xa1: {  	[sflag:s23] =	ssyncset.done $0x0  }
.Ltmp1:
0xa2: {  	s8 =	sadd.s32 $0x380, s6;
	[sflag:s23] =	ssyncadd.s32 $0xFFFFE000;
	(pc) =	sbr.rel @p0 .LBB2_4-.Ltmp1, $4  }
0xa3: {  	[tilespmem:s24], [sflag:$0x2] =	stream.indirect.gather [hbm4b:s4+s21], $0x80, s8, s21, $0xb8;
	[tilespmem:$0x1F800] =	vst v63  }
0xa4: {  	_ =	swait.ge [sflag:s31], $0x2000  }
0xa5: {  	[sflag:s31] =	ssyncset.done $0x0  }
0xa6: {  	s6 =	sadd.s32 $0x2E80, s6;
	[sflag:s31] =	ssyncadd.s32 $0xFFFFE000  }
0xa7: {  	[spmem:s1] =	stream.indirect.scatter.add.f32 [tilespmem:s25], [sflag:$0x6], $0x80, s6, s21, $0xb8;
	[tilespmem:$0x1F800] =	vst v63  }
0xa8: {  	_ =	swait.ge [sflag:s26], $0x2000  }
0xa9: {  	[sflag:s26] =	ssyncset.done $0x0  }
0xaa: {  	[sflag:s26] =	ssyncadd.s32 $0xFFFFE000  }
0xab: {  	[tilespmem:s25], [sflag:$0x3] =	stream.indirect.gather [hbm4b:s4+s21], $0x80, s28, s21, $0xb8;
	[tilespmem:$0x1F800] =	vst v63  }
0xac: {  	_ =	swait.ge [sflag:s29], $0x2000  }
0xad: {  	[sflag:s29] =	ssyncset.done $0x0  }
0xae: {  	s5 =	simm.s32 $0x5300;
	[sflag:s29] =	ssyncadd.s32 $0xFFFFE000  }
0xaf: {  	[spmem:s1] =	stream.indirect.scatter.add.f32 [tilespmem:s22], [sflag:$0x4], $0x80, s5, s21, $0xb8;
	[tilespmem:$0x1F800] =	vst v63  }
0xb0: {  	_ =	swait.ge [sflag:s30], $0x2000  }
0xb1: {  	[sflag:s30] =	ssyncset.done $0x0  }
0xb2: {  	[sflag:s30] =	ssyncadd.s32 $0xFFFFE000  }
0xb3: {  	[tilespmem:s22], [sflag:$0x1] =	stream.indirect.gather [hbm4b:s4+s21], $0x80, s28, s21, $0xb8;
	[tilespmem:$0x1F800] =	vst v63  }
0xb4: {  	_ =	swait.ge [sflag:s0], $0x2000  }
0xb5: {  	[sflag:s0] =	ssyncset.done $0x0  }
0xb6: {  	s8 =	simm.s32 $0x5380;
	[sflag:s0] =	ssyncadd.s32 $0xFFFFE000  }
0xb7: {  	[spmem:s1] =	stream.indirect.scatter.add.f32 [tilespmem:s24], [sflag:$0x5], $0x80, s8, s21, $0xb8;
	[tilespmem:$0x1F800] =	vst v63  }
0xb8: {  	_ =	swait.ge [sflag:s23], $0x2000  }
0xb9: {  	[sflag:s23] =	ssyncset.done $0x0  }
0xba: {  	[sflag:s23] =	ssyncadd.s32 $0xFFFFE000  }
0xbb: {  	[tilespmem:s24], [sflag:$0x2] =	stream.indirect.gather [hbm4b:s4+s21], $0x80, s28, s21, $0xb8;
	[tilespmem:$0x1F800] =	vst v63  }
0xbc: {  	_ =	swait.ge [sflag:s31], $0x2000  }
0xbd: {  	[sflag:s31] =	ssyncset.done $0x0  }
0xbe: {  	s6 =	simm.s32 $0x5400;
	[sflag:s31] =	ssyncadd.s32 $0xFFFFE000  }
0xbf: {  	[spmem:s1] =	stream.indirect.scatter.add.f32 [tilespmem:s25], [sflag:$0x6], $0x80, s6, s21, $0xb8;
	[tilespmem:$0x1F800] =	vst v63  }
0xc0: {  	_ =	swait.ge [sflag:s26], $0x2000  }
0xc1: {  	[sflag:s26] =	ssyncset.done $0x0  }
0xc2: {  	[sflag:s26] =	ssyncadd.s32 $0xFFFFE000  }
0xc3: {  	_ =	swait.ge [sflag:s29], $0x2000  }
0xc4: {  	[sflag:s29] =	ssyncset.done $0x0  }
0xc5: {  	[sflag:s29] =	ssyncadd.s32 $0xFFFFE000  }
0xc6: {  	_ =	swait.ge [sflag:s0], $0x2000  }
0xc7: {  	s8 =	stileid.u32;
	[sflag:s0] =	ssyncset.done $0x0  }
0xc8: {  	s2 =	sadd.s32 $0x1, s2;
	s5 =	sshll.u32 s8, $0x6;
	[sflag:s0] =	ssyncadd.s32 $0xFFFFE000  }
0xc9: {  	p0 =	sne.s32 s2, s9;
	s5 =	sor.u32 $0x1C07, s5;
	[bflag:$0x0] =	sbarrier.arrive $0xFFFF  }
.Ltmp2:
0xca: {  	s6 =	sshrl.u32 s7, $0x3;
	s8 =	rddreg [dreg:$0x5];
	(pc) =	sbr.rel @p0 .LBB2_1-.Ltmp2, $4  }
0xcb: {  	[hbm:s8], [sflag:s5] =	dma.local [spmem:s6], $0x2800  }
0xcc: {  	_ =	swait.ge [sflag:s19], $0x2800  }
0xcd: {  	[sflag:s19] =	ssyncset.done $0x0  }
0xce: {  	[sflag:s19] =	ssyncadd.s32 $0xFFFFD800  }
0xcf: {  	_ =	sfence.sel $0x180000  }
0xd0: {  	[bflag:$0x0] =	sbarrier.arrive $0xFFFF  }
0xd1: {  	_ =	strace $0x90000050  }
0xd2: {  	s0 =	stileid.u32;
	[bflag:$0x2] =	sbarrier.arrive $0xFFFF  }
0xd3: {  	p0 =	sne.s32 s0, $0x0;
	s0 =	rddreg [dreg:$0x2]  }
0xd4: {  	s0 =	sadd.s32 @!p0 $0x100000, s0  }
0xd5: {  	[sflag:s0] =	ssyncadd.tile.s32 @!p0 $0x1;
	_ =	shalt  }
.Lfunc_end2:
_tile_overlayer_lowered:
.L_overlay_start_2:
0xd6: {  	(tag) =	ssettag $0x2  }
0xd7: {  	s0 =	rddreg [dreg:$0x0];
	s2 =	stileid.u32  }
0xd8: {  	s1 =	rddreg [dreg:$0x1];
	p0 =	sne.s32 s2, $0x0  }
0xd9: {  	s3 =	rddreg [dreg:$0x2];
	[bflag:$0x3] =	sbarrier.arrive $0xFFFF;
	s2 =	simm.s32 @!p0 $0x1C07  }
0xda: {  	[timem:s3], [sflag:s2] =	dma.local @!p0 [hbm:s0], s1  }
0xdb: {  	s0 =	simm.s32 @!p0 $0x7  }
0xdc: {  	_ =	swait.ge @!p0 [sflag:s0], s1  }
0xdd: {  	s1 =	ssub.s32 @!p0 $0x0, s1;
	[sflag:s0] =	ssyncset.done @!p0 $0x0  }
0xde: {  	[sflag:s0] =	ssyncadd.s32 @!p0 s1  }
0xdf: {  	[bflag:$0x3] =	sbarrier.arrive $0xFFFF  }
0xe0: {  	_ =	shalt  }

// kernel: kernel.21.cloned.1.call-start
scs
__scs_entry_jumppad:
0x0: {  	(pc) =	sbr.rel $0x88, $3  }
0x1: {  	(tag) =	ssettag $0x0;
	lr =	simm.s32 $0x1  }
0x2: {  	[smem:$0x3F9B] =	sst lr;
	_ =	strace $0xD0000000  }
0x3: {  	_ = 	snop  }
0x4: {  	_ = 	snop  }
0x5: {  	_ = 	snop  }
0x6: {  	_ = 	snop  }
0x7: {  	_ = 	snop  }
__scs_overlays_trampoline_lowered:
0x8: {  	[smem:$0x3FAA] =	sst s0  }
0x9: {  	[smem:$0x3FAB] =	sst s1  }
0xa: {  	[smem:$0x3FAC] =	sst s2  }
0xb: {  	[smem:$0x3FAD] =	sst s3  }
0xc: {  	[smem:$0x3FAE] =	sst s4  }
0xd: {  	[smem:$0x3FAF] =	sst s5  }
0xe: {  	[smem:$0x3FB0] =	sst s6  }
0xf: {  	[smem:$0x3FB1] =	sst s7  }
0x10: {  	[smem:$0x3FB2] =	sst s8  }
0x11: {  	[smem:$0x3FB3] =	sst s9;
	s0 =	simm.s32 @!p0 $0x0  }
0x12: {  	s1 =	sld [smem:$0x3F99];
	s0 =	simm.s32 @p0 $0x1  }
0x13: {  	[smem:$0x3FB4] =	sst s0;
	s0 =	simm.s32 @!p1 $0x0  }
0x14: {  	s2 =	sld [smem:$0x3F98];
	s0 =	simm.s32 @p1 $0x1  }
0x15: {  	[smem:$0x3FB5] =	sst s0;
	s0 =	simm.s32 @!p2 $0x0  }
0x16: {  	s3 =	sld [smem:$0x3FDB];
	s0 =	simm.s32 @p2 $0x1  }
0x17: {  	s4 =	simm.s32 $0x1BF5;
	[smem:$0x3FB7] =	sst s0  }
0x18: {  	s0 =	sld [smem:$0x3F9A];
	_ =	swait.ge [sflag:s4], $0x0  }
0x19: {  	s7 =	sld [smem:$0x3F9B]  }
0x1a: {  	s8 =	sadd.s32 $0xFFFFE003, lr  }
0x1b: {  	s9 =	sadd.s32 $0xFFFFFEF7, lr;
	s5 =	simm.s32 $0xFFFFFFFF;
	p2 =	slt.u32 s8, $0xFFFFF086  }
0x1c: {  	p1 =	slt.u32 s9, $0xF7A;
	s5 =	simm.s32 @!p2 $0x0  }
0x1d: {  	s5 =	simm.s32 @p1 $0x1;
	p0 =	seq.s32 s7, s2  }
0x1e: {  	s7 =	smul.u32 @!p0 $0xF7A, s2;
	p2 =	seq.s32 @!p0 s5, $0x0  }
0x1f: {  	s9 =	smul.u32 $0xF7A, s1;
	s8 =	simm.s32 @!p0 $0x1BF5;
	p2 =	por !p2, p0  }
0x20: {  	[sflag:s8] =	ssyncset.s32 @!p0 $0xFFFFF086;
	s6 =	sadd.s32 @!p0 s3, s7;
	s7 =	simm.s32 @!p0 $0x108  }
0x21: {  	s3 =	sadd.s32 s3, s9;
	s6 =	sadd.s32 @!p0 $0x88, s6;
	s7 =	simm.s32 @p2 $0x1082  }
0x22: {  	[simem:s7], [sflag:s8] =	dma.local @!p0 [hbm:s6], $0xF7A  }
0x23: {  	s9 =	sor.u32 $0xD0000000, s2;
	s6 =	simm.s32 $0x108;
	_ =	swait.ge @!p0 [sflag:s8], $0x0  }
0x24: {  	s3 =	sadd.s32 $0x88, s3;
	s6 =	simm.s32 @!p1 $0x1082;
	[sflag:s4] =	ssyncset.s32 $0xFFFFF086  }
0x25: {  	[simem:s6], [sflag:s4] =	dma.local [hbm:s3], $0xF7A  }
0x26: {  	[smem:$0x3F9B] =	sst s1;
	(tag) =	ssettag s2;
	_ =	strace s9  }
0x27: {  	s1 =	sld [smem:$0x3FAB]  }
0x28: {  	s2 =	sld [smem:$0x3FAC]  }
0x29: {  	s4 =	sld [smem:$0x3FAE]  }
0x2a: {  	p0 =	seq.s32 s5, $0x0;
	s5 =	sld [smem:$0x3FAF]  }
0x2b: {  	s6 =	sld [smem:$0x3FB0]  }
0x2c: {  	s7 =	sld [smem:$0x3FB1]  }
0x2d: {  	s3 =	simm.s32 $0x108;
	s8 =	sld [smem:$0x3FB2]  }
0x2e: {  	s3 =	simm.s32 @!p0 $0x1082;
	s9 =	sld [smem:$0x3FB3]  }
0x2f: {  	lr =	sadd.s32 s0, s3;
	s0 =	sld [smem:$0x3FAA]  }
0x30: {  	s3 =	sld [smem:$0x3FAD]  }
0x31: {  	[smem:$0x3FB6] =	sst s10  }
0x32: {  	s10 =	sld [smem:$0x3FB4];
	_ =	sdelay $0x3  }
0x33: {  	p0 =	seq.s32 s10, $0x1;
	s10 =	sld [smem:$0x3FB6];
	_ =	sdelay $0x3  }
0x34: {  	[smem:$0x3FB6] =	sst s10  }
0x35: {  	s10 =	sld [smem:$0x3FB5];
	_ =	sdelay $0x3  }
0x36: {  	p1 =	seq.s32 s10, $0x1;
	s10 =	sld [smem:$0x3FB6];
	_ =	sdelay $0x3  }
0x37: {  	[smem:$0x3FB6] =	sst s10  }
0x38: {  	s10 =	sld [smem:$0x3FB7]  }
0x39: {  	_ = 	snop;
	(pc) =	sbr.ind lr, $3  }
0x3a: {  	_ = 	snop  }
0x3b: {  	_ = 	snop  }
0x3c: {  	p2 =	seq.s32 s10, $0x1;
	s10 =	sld [smem:$0x3FB6]  }
0x3d: {  	_ =	shalt  }
0x3e: {  	_ =	shalt  }
0x3f: {  	_ =	shalt  }
0x40: {  	_ =	shalt  }
0x41: {  	_ =	shalt  }
0x42: {  	_ =	shalt  }
0x43: {  	_ =	shalt  }
0x44: {  	_ =	shalt  }
0x45: {  	_ =	shalt  }
0x46: {  	_ =	shalt  }
0x47: {  	_ =	shalt  }
0x48: {  	_ =	shalt  }
0x49: {  	_ =	shalt  }
0x4a: {  	_ =	shalt  }
0x4b: {  	_ =	shalt  }
0x4c: {  	_ =	shalt  }
0x4d: {  	_ =	shalt  }
0x4e: {  	_ =	shalt  }
0x4f: {  	_ =	shalt  }
0x50: {  	_ =	shalt  }
0x51: {  	_ =	shalt  }
0x52: {  	_ =	shalt  }
0x53: {  	_ =	shalt  }
0x54: {  	_ =	shalt  }
0x55: {  	_ =	shalt  }
0x56: {  	_ =	shalt  }
0x57: {  	_ =	shalt  }
0x58: {  	_ =	shalt  }
0x59: {  	_ =	shalt  }
0x5a: {  	_ =	shalt  }
0x5b: {  	_ =	shalt  }
0x5c: {  	_ =	shalt  }
0x5d: {  	_ =	shalt  }
0x5e: {  	_ =	shalt  }
0x5f: {  	_ =	shalt  }
0x60: {  	_ =	shalt  }
0x61: {  	_ =	shalt  }
0x62: {  	_ =	shalt  }
0x63: {  	_ =	shalt  }
0x64: {  	_ =	shalt  }
0x65: {  	_ =	shalt  }
0x66: {  	_ =	shalt  }
0x67: {  	_ =	shalt  }
0x68: {  	_ =	shalt  }
0x69: {  	_ =	shalt  }
0x6a: {  	_ =	shalt  }
0x6b: {  	_ =	shalt  }
0x6c: {  	_ =	shalt  }
0x6d: {  	_ =	shalt  }
0x6e: {  	_ =	shalt  }
0x6f: {  	_ =	shalt  }
0x70: {  	_ =	shalt  }
0x71: {  	_ =	shalt  }
0x72: {  	_ =	shalt  }
0x73: {  	_ =	shalt  }
0x74: {  	_ =	shalt  }
0x75: {  	_ =	shalt  }
0x76: {  	_ =	shalt  }
0x77: {  	_ =	shalt  }
0x78: {  	_ =	shalt  }
0x79: {  	_ =	shalt  }
0x7a: {  	_ =	shalt  }
0x7b: {  	_ =	shalt  }
0x7c: {  	_ =	shalt  }
0x7d: {  	_ =	shalt  }
0x7e: {  	_ =	shalt  }
0x7f: {  	_ =	shalt  }
0x80: {  	_ =	shalt  }
0x81: {  	_ =	shalt  }
0x82: {  	_ =	shalt  }
0x83: {  	_ =	shalt  }
0x84: {  	_ =	shalt  }
0x85: {  	_ =	shalt  }
0x86: {  	_ =	shalt  }
0x87: {  	_ =	shalt  }
.Lfunc_end0:
.L_simem_size_0:
called_computation.3_lowered:
.L_overlay_start_0:
0x88: {  	s2 =	sld [smem:$0x3FD9]  }
0x89: {  	s3 =	sld [smem:$0x3FFE];
	_ =	sdelay $0x1  }
0x8a: {  	s1 =	srdreg.scid  }
0x8b: {  	s0 =	sand.u32 $0x1, s1  }
0x8c: {  	s17 =	sshll.u32 s0, $0xA;
	s2 =	sadd.s32 s3, s2  }
0x8d: {  	s2 =	sadd.s32 s2, s17  }
0x8e: {  	[smem:$0x3FC2] =	sst s2  }
0x8f: {  	_ = 	snop  }
0x90: {  	(tm) =	ssettm $0x1  }
0x91: {  	s18 =	sld [smem:$0x3FFB];
	_ =	sdelay $0x3  }
0x92: {  	_ =	strace s18  }
0x93: {  	s2 =	sld [smem:$0x3FFC];
	_ =	sdelay $0x3  }
0x94: {  	_ =	strace s2  }
0x95: {  	s2 =	sld [smem:$0x3FFD];
	_ =	sdelay $0x3  }
0x96: {  	_ =	strace s2  }
0x97: {  	_ =	strace $0x8FFFFFFF  }
0x98: {  	s19 =	sld [smem:$0x3FDB];
	_ =	sdelay $0x1  }
0x99: {  	s20 =	simm.s32 $_scs_section_size  }
0x9a: {  	s4 =	simm.s32 $_size__tile_overlayer_lowered;
	s5 =	simm.s32 $_tile_overlayer_lowered  }
0x9b: {  	s6 =	simm.s32 $0x1BFF;
	s21 =	sshll.u32 s5, $0x1;
	s3 =	sadd.s32 s20, s19  }
0x9c: {  	s22 =	simm.s32 $0x0;
	s4 =	sshll.u32 s4, $0x1;
	s5 =	sadd.s32 s21, s3  }
0x9d: {  	[timem:s22], [sflag:s6] =	dma.local [hbm:s5], s4  }
0x9e: {  	_ =	swait.ge [sflag:s6], s4  }
0x9f: {  	s4 =	ssub.s32 $0x0, s4;
	[sflag:s6] =	ssyncset.done $0x0  }
0xa0: {  	[sflag:s6] =	ssyncadd.s32 s4;
	_ =	sdelay $0x1  }
0xa1: {  	s23 =	simm.s32 $0x1B8B  }
0xa2: {  	_ =	swait.ge [sflag:s23], $0x1  }
0xa3: {  	[sflag:s23] =	ssyncset.done $0x0  }
0xa4: {  	[sflag:s23] =	ssyncadd.s32 $0xFFFFFFFF  }
0xa5: {  	s4 =	sld [smem:$0x0]  }
0xa6: {  	s5 =	sand.u32 $0xFFFFFFFE, s1  }
0xa7: {  	p0 =	sne.s32 s1, s5  }
0xa8: {  	s5 =	sshll.u32 @p0 s5, $0xE  }
0xa9: {  	s5 =	sadd.s32 @p0 $0x11B8D, s5;
	s6 =	sshll.u32 @p0 s4, $0x11  }
0xaa: {  	s5 =	sor.u32 @p0 s6, s5  }
0xab: {  	[sflag:s5] =	ssyncadd.remote.s32 @p0 $0x1;
	_ =	sdelay $0x1  }
0xac: {  	s5 =	simm.s32 @p0 $0x1B8D  }
0xad: {  	_ =	swait.eq @p0 [sflag:s5], $0x1  }
0xae: {  	[sflag:s5] =	ssyncadd.s32 @p0 $0xFFFFFFFF  }
0xaf: {  	s6 =	sshll.u32 @!p0 s1, $0xE  }
0xb0: {  	s6 =	sor.u32 @!p0 $0x4000, s6;
	s5 =	simm.s32 @!p0 $0x1B8D  }
0xb1: {  	s4 =	sshll.u32 @!p0 s4, $0x11;
	s6 =	sadd.s32 @!p0 $0x11B8D, s6;
	_ =	swait.eq @!p0 [sflag:s5], $0x1  }
0xb2: {  	s4 =	sor.u32 @!p0 s4, s6;
	[sflag:s5] =	ssyncadd.s32 @!p0 $0xFFFFFFFF  }
0xb3: {  	s25 =	simm.s32 $0x1B8E;
	s24 =	sld [smem:$0x3FFE];
	[sflag:s4] =	ssyncadd.remote.s32 @!p0 $0x1  }
0xb4: {  	s26 =	simm.s32 $execute0_lowered;
	[smem:$0x3FD2] =	sst s25  }
0xb5: {  	s5 =	sshll.u32 s26, $0x1;
	_ =	strace $0x8000004C;
	[dreg:$0x1] =	wrdreg $0xFFFFFFFF  }
0xb6: {  	s28 =	simm.s32 $_size_execute0_lowered;
	s3 =	sadd.s32 s3, s5;
	[dreg:$0x0] =	wrdreg $0x0  }
0xb7: {  	s5 =	sshll.u32 s28, $0x1;
	[dreg:$0x2] =	wrdreg s3  }
0xb8: {  	[dreg:$0x3] =	wrdreg s5  }
0xb9: {  	[dreg:$0x4] =	wrdreg $0xC0  }
0xba: {  	_ =	task [dreg:s22], $0x5FFFF  }
0xbb: {  	[dreg:$0x1] =	wrdreg $0xFFFFFFFF  }
0xbc: {  	[dreg:$0x0] =	wrdreg $0x60  }
0xbd: {  	[dreg:$0x2] =	wrdreg s24  }
0xbe: {  	[dreg:$0x3] =	wrdreg $0xB8000  }
0xbf: {  	[dreg:$0x4] =	wrdreg $0xB  }
0xc0: {  	_ =	task.clear_ibuf [dreg:s22], $0x5FFFF;
	_ =	strace $0x9000004C  }
0xc1: {  	s29 =	simm.s32 $0xB;
	_ =	strace $0x8000004E  }
0xc2: {  	_ =	swait.ge [sflag:s29], $0x1  }
0xc3: {  	[sflag:s29] =	ssyncadd.s32 $0xFFFFFFFF  }
0xc4: {  	_ =	strace $0x9000004E  }
0xc5: {  	_ =	sfence  }
0xc6: {  	s30 =	sld [smem:$0x0];
	_ =	sdelay $0x2  }
0xc7: {  	s31 =	sshll.u32 s1, $0xD;
	s1 =	sshrl.u32 s1, $0x2  }
0xc8: {  	s4 =	sand.u32 $0x4000, s31;
	s1 =	sadd.s32 s1, s30  }
0xc9: {  	s0 =	sor.u32 s4, s0;
	s1 =	sshll.u32 s1, $0x11  }
0xca: {  	s0 =	sor.u32 s1, s0  }
0xcb: {  	s0 =	sadd.s32 $0x8F2B, s0  }
0xcc: {  	[sflag:s0] =	ssyncadd.remote.s32 $0x1  }
0xcd: {  	_ =	sfence.sel $0xFFFF  }
0xce: {  	[dreg:$0x0] =	wrdreg $0xFFFFFFFF;
	(pc) =	sbr.abs _section_cstart, $3  }
0xcf: {  	[dreg:$0x1] =	wrdreg $0xFFFFFFFF  }
0xd0: {  	_ =	task.clear_ibuf [dreg:s22], $0x2FFFF;
	_ =	strace $0x9FFFFFFF  }
0xd1: {  	(tm) =	ssettm $0x7FFFFFFF  }
tec
execute0_lowered:
.L_overlay_start_1:
0x0: {  	(tag) =	ssettag $0x1  }
0x1: {  	s0 =	rddreg [dreg:$0x0]  }
0x2: {  	s1 =	rddreg [dreg:$0x1];
	s2 =	srdreg.scid  }
0x3: {  	s3 =	simm.s32 $0x0;
	s8 =	stileid.u32;
	s19 =	simm.s32 $0x7  }
0x4: {  	s20 =	simm.s32 $0x2C00;
	s21 =	simm.s32 $0x40;
	s29 =	simm.s32 $0x1  }
0x5: {  	s30 =	simm.s32 $0x4;
	s31 =	simm.s32 $0x3;
	s6 =	smul.u32 $0x14000, s8  }
0x6: {  	s28 =	simm.s32 $0x2800;
	s2 =	sand.u32 $0x1, s2;
	s22 =	smul.u32 $0x50000, s8  }
0x7: {  	[smem:$0x7FF] =	sst s3;
	s5 =	smul.u32 $0x140000, s2;
	s4 =	sshll.u32 s2, $0x4  }
0x8: {  	_ =	strace $0x8000004D;
	s2 =	ssub.s32 $0x2, s2;
	s7 =	sor.u32 s8, s4  }
0x9: {  	s4 =	sadd.s32 $0xB8C00, s0;
	s23 =	sshrl.u32 s2, $0x1;
	s7 =	smul.u32 $0x580, s7  }
0xa: {  	s25 =	sshrl.u32 s22, $0x2;
	s22 =	simm.s32 $0x5800;
	s5 =	sadd.s32 s6, s5  }
0xb: {  	s2 =	ssub.s32 s2, s23;
	s23 =	simm.s32 $0x5;
	s7 =	sadd.s32 s7, s0  }
0xc: {  	s5 =	sshrl.u32 s5, $0x3;
	s9 =	smax.u32 s2, $0x1;
	s24 =	sadd.s32 $0x5F800, s7  }
0xd: {  	s0 =	sadd.s32 s5, s0;
	s26 =	sadd.s32 $0x4800, s7;
	[dreg:$0x3] =	wrdreg s24  }
0xe: {  	s2 =	simm.s32 $0x0;
	s0 =	sadd.s32 $0x12FE00, s0;
	[dreg:$0x4] =	wrdreg s26  }
0xf: {  	s7 =	sadd.s32 s25, s1;
	s25 =	simm.s32 $0x9800;
	[dreg:$0x5] =	wrdreg s0  }
0x10: {  	s10 =	sadd.s32 $0x2000, s7;
	s11 =	sadd.s32 $0x4000, s7;
	s12 =	sadd.s32 $0x6000, s7  }
0x11: {  	s13 =	sadd.s32 $0x8000, s7;
	s14 =	sadd.s32 $0xA000, s7;
	s15 =	sadd.s32 $0xC000, s7  }
0x12: {  	s16 =	sadd.s32 $0xE000, s7;
	s17 =	sadd.s32 $0x10000, s7;
	s18 =	sadd.s32 $0x12000, s7  }
0x13: {  	v0 =	vimm.f32 $0.0e+00;
	s24 =	simm.s32 $0x7800;
	s26 =	simm.s32 $0x6;
	s0 =	simm.s32 $0x2  }
.LBB2_1:
0x14: {  	s5 =	rddreg [dreg:$0x3]  }
0x15: {  	[tilespmem:s3], [sflag:$0x7] =	stream.linear.gather [hbm4b:s5+s3], $0x2880, $0x38;
	[tilespmem:$0x1F800] =	vst v63  }
0x16: {  	_ =	swait.ge [sflag:s19], $0x2880  }
0x17: {  	[sflag:s19] =	ssyncset.done $0x0  }
0x18: {  	s6 =	rddreg [dreg:$0x4];
	[sflag:s19] =	ssyncadd.s32 $0xFFFFD780  }
0x19: {  	[tilespmem:s20], [sflag:$0x7] =	stream.linear.gather [hbm4b:s6+s3], $0x2880, $0x38;
	[tilespmem:$0x1F800] =	vst v63  }
0x1a: {  	_ =	swait.ge [sflag:s19], $0x2880  }
0x1b: {  	[sflag:s19] =	ssyncset.done $0x0  }
0x1c: {  	[sflag:s19] =	ssyncadd.s32 $0xFFFFD780  }
0x1d: {  	[tilespmem:s22], [sflag:$0x1] =	stream.indirect.gather [hbm4b:s4+s21], $0x80, s3, s21, $0xb8;
	[tilespmem:$0x1F800] =	vst v63  }
0x1e: {  	s8 =	simm.s32 $0x80;
	s5 =	simm.s32 $0x0;
	s6 =	simm.s32 $0x200  }
0x1f: {  	[tilespmem:s24], [sflag:$0x2] =	stream.indirect.gather [hbm4b:s4+s21], $0x80, s8, s21, $0xb8;
	[tilespmem:$0x1F800] =	vst v63  }
.LBB2_2:
0x20: {  	p0 =	sne.s32 s6, $0x7E00;
	[tilespmem:s5+$0x9870] =	vst v0  }
0x21: {  	[tilespmem:s5+$0x9800] =	vst v0  }
0x22: {  	[tilespmem:s5+$0x9810] =	vst v0  }
.Ltmp0:
0x23: {  	[tilespmem:s5+$0x9820] =	vst v0;
	(pc) =	sbr.rel @p0 .LBB2_2-.Ltmp0, $4  }
0x24: {  	[tilespmem:s5+$0x9830] =	vst v0  }
0x25: {  	[tilespmem:s5+$0x9840] =	vst v0  }
0x26: {  	[tilespmem:s5+$0x9850] =	vst v0  }
0x27: {  	[tilespmem:s5+$0x9860] =	vst v0;
	s5 =	sshra.s32 s6, $0x2;
	s6 =	sadd.s32 $0x200, s6  }
0x28: {  	[tilespmem:s5+$0x9870] =	vst v0  }
0x29: {  	[tilespmem:s5+$0x9800] =	vst v0  }
0x2a: {  	[tilespmem:s5+$0x9810] =	vst v0  }
0x2b: {  	[tilespmem:s5+$0x9820] =	vst v0  }
0x2c: {  	[tilespmem:s5+$0x9830] =	vst v0  }
0x2d: {  	[tilespmem:s5+$0x9840] =	vst v0  }
0x2e: {  	[tilespmem:s5+$0x9850] =	vst v0  }
0x2f: {  	[tilespmem:s5+$0x9860] =	vst v0  }
0x30: {  	[spmem:s7] =	stream.linear.scatter [tilespmem:s25], [sflag:$0x6], $0x2000, $0x38;
	[tilespmem:$0x1F800] =	vst v63  }
0x31: {  	_ = 	snop  }
0x32: {  	[spmem:s10] =	stream.linear.scatter [tilespmem:s25], [sflag:$0x6], $0x2000, $0x38;
	[tilespmem:$0x1F800] =	vst v63  }
0x33: {  	_ = 	snop  }
0x34: {  	[spmem:s11] =	stream.linear.scatter [tilespmem:s25], [sflag:$0x6], $0x2000, $0x38;
	[tilespmem:$0x1F800] =	vst v63  }
0x35: {  	_ = 	snop  }
0x36: {  	[spmem:s12] =	stream.linear.scatter [tilespmem:s25], [sflag:$0x6], $0x2000, $0x38;
	[tilespmem:$0x1F800] =	vst v63  }
0x37: {  	_ = 	snop  }
0x38: {  	[spmem:s13] =	stream.linear.scatter [tilespmem:s25], [sflag:$0x6], $0x2000, $0x38;
	[tilespmem:$0x1F800] =	vst v63  }
0x39: {  	_ = 	snop  }
0x3a: {  	[spmem:s14] =	stream.linear.scatter [tilespmem:s25], [sflag:$0x6], $0x2000, $0x38;
	[tilespmem:$0x1F800] =	vst v63  }
0x3b: {  	_ = 	snop  }
0x3c: {  	[spmem:s15] =	stream.linear.scatter [tilespmem:s25], [sflag:$0x6], $0x2000, $0x38;
	[tilespmem:$0x1F800] =	vst v63  }
0x3d: {  	_ = 	snop  }
0x3e: {  	[spmem:s16] =	stream.linear.scatter [tilespmem:s25], [sflag:$0x6], $0x2000, $0x38;
	[tilespmem:$0x1F800] =	vst v63  }
0x3f: {  	_ = 	snop  }
0x40: {  	[spmem:s17] =	stream.linear.scatter [tilespmem:s25], [sflag:$0x6], $0x2000, $0x38;
	[tilespmem:$0x1F800] =	vst v63  }
0x41: {  	_ = 	snop  }
0x42: {  	[spmem:s18] =	stream.linear.scatter [tilespmem:s25], [sflag:$0x6], $0x2000, $0x38;
	[tilespmem:$0x1F800] =	vst v63  }
0x43: {  	_ =	swait.ge [sflag:s26], $0x2000  }
0x44: {  	[sflag:s26] =	ssyncset.done $0x0  }
0x45: {  	[sflag:s26] =	ssyncadd.s32 $0xFFFFE000  }
0x46: {  	_ =	swait.ge [sflag:s26], $0x2000  }
0x47: {  	[sflag:s26] =	ssyncset.done $0x0  }
0x48: {  	[sflag:s26] =	ssyncadd.s32 $0xFFFFE000  }
0x49: {  	_ =	swait.ge [sflag:s26], $0x2000  }
0x4a: {  	[sflag:s26] =	ssyncset.done $0x0  }
0x4b: {  	[sflag:s26] =	ssyncadd.s32 $0xFFFFE000  }
0x4c: {  	_ =	swait.ge [sflag:s26], $0x2000  }
0x4d: {  	[sflag:s26] =	ssyncset.done $0x0  }
0x4e: {  	[sflag:s26] =	ssyncadd.s32 $0xFFFFE000  }
0x4f: {  	_ =	swait.ge [sflag:s26], $0x2000  }
0x50: {  	[sflag:s26] =	ssyncset.done $0x0  }
0x51: {  	[sflag:s26] =	ssyncadd.s32 $0xFFFFE000  }
0x52: {  	_ =	swait.ge [sflag:s26], $0x2000  }
0x53: {  	[sflag:s26] =	ssyncset.done $0x0  }
0x54: {  	[sflag:s26] =	ssyncadd.s32 $0xFFFFE000  }
0x55: {  	_ =	swait.ge [sflag:s26], $0x2000  }
0x56: {  	[sflag:s26] =	ssyncset.done $0x0  }
0x57: {  	[sflag:s26] =	ssyncadd.s32 $0xFFFFE000  }
0x58: {  	_ =	swait.ge [sflag:s26], $0x2000  }
0x59: {  	[sflag:s26] =	ssyncset.done $0x0  }
0x5a: {  	[sflag:s26] =	ssyncadd.s32 $0xFFFFE000  }
0x5b: {  	_ =	swait.ge [sflag:s26], $0x2000  }
0x5c: {  	[sflag:s26] =	ssyncset.done $0x0  }
0x5d: {  	[sflag:s26] =	ssyncadd.s32 $0xFFFFE000  }
0x5e: {  	_ =	swait.ge [sflag:s26], $0x2000  }
0x5f: {  	[sflag:s26] =	ssyncset.done $0x0  }
0x60: {  	[sflag:s26] =	ssyncadd.s32 $0xFFFFE000  }
0x61: {  	s6 =	simm.s32 $0x100;
	[bflag:$0x0] =	sbarrier.arrive $0xFFFF  }
0x62: {  	[tilespmem:s25], [sflag:$0x3] =	stream.indirect.gather [hbm4b:s4+s21], $0x80, s6, s21, $0xb8;
	[tilespmem:$0x1F800] =	vst v63  }
0x63: {  	_ =	swait.ge [sflag:s29], $0x2000  }
0x64: {  	[sflag:s29] =	ssyncset.done $0x0  }
0x65: {  	[sflag:s29] =	ssyncadd.s32 $0xFFFFE000  }
0x66: {  	[spmem:s1] =	stream.indirect.scatter.add.f32 [tilespmem:s22], [sflag:$0x4], $0x80, s20, s21, $0xb8;
	[tilespmem:$0x1F800] =	vst v63  }
0x67: {  	_ =	swait.ge [sflag:s30], $0x2000  }
0x68: {  	[sflag:s30] =	ssyncset.done $0x0  }
0x69: {  	s8 =	simm.s32 $0x180;
	[sflag:s30] =	ssyncadd.s32 $0xFFFFE000  }
0x6a: {  	[tilespmem:s22], [sflag:$0x1] =	stream.indirect.gather [hbm4b:s4+s21], $0x80, s8, s21, $0xb8;
	[tilespmem:$0x1F800] =	vst v63  }
0x6b: {  	_ =	swait.ge [sflag:s0], $0x2000  }
0x6c: {  	[sflag:s0] =	ssyncset.done $0x0  }
0x6d: {  	s6 =	simm.s32 $0x2C80;
	[sflag:s0] =	ssyncadd.s32 $0xFFFFE000  }
0x6e: {  	[spmem:s1] =	stream.indirect.scatter.add.f32 [tilespmem:s24], [sflag:$0x5], $0x80, s6, s21, $0xb8;
	[tilespmem:$0x1F800] =	vst v63  }
0x6f: {  	_ =	swait.ge [sflag:s23], $0x2000  }
0x70: {  	[sflag:s23] =	ssyncset.done $0x0  }
0x71: {  	s8 =	simm.s32 $0x200;
	[sflag:s23] =	ssyncadd.s32 $0xFFFFE000  }
0x72: {  	[tilespmem:s24], [sflag:$0x2] =	stream.indirect.gather [hbm4b:s4+s21], $0x80, s8, s21, $0xb8;
	[tilespmem:$0x1F800] =	vst v63  }
0x73: {  	_ =	swait.ge [sflag:s31], $0x2000  }
0x74: {  	[sflag:s31] =	ssyncset.done $0x0  }
0x75: {  	s6 =	simm.s32 $0x2D00;
	[sflag:s31] =	ssyncadd.s32 $0xFFFFE000  }
0x76: {  	[spmem:s1] =	stream.indirect.scatter.add.f32 [tilespmem:s25], [sflag:$0x6], $0x80, s6, s21, $0xb8;
	[tilespmem:$0x1F800] =	vst v63  }
0x77: {  	_ =	swait.ge [sflag:s26], $0x2000  }
0x78: {  	[sflag:s26] =	ssyncset.done $0x0  }
0x79: {  	s8 =	simm.s32 $0x280;
	[sflag:s26] =	ssyncadd.s32 $0xFFFFE000  }
0x7a: {  	[tilespmem:s25], [sflag:$0x3] =	stream.indirect.gather [hbm4b:s4+s21], $0x80, s8, s21, $0xb8;
	[tilespmem:$0x1F800] =	vst v63  }
0x7b: {  	_ =	swait.ge [sflag:s29], $0x2000  }
0x7c: {  	[sflag:s29] =	ssyncset.done $0x0  }
0x7d: {  	s6 =	simm.s32 $0x2D80;
	[sflag:s29] =	ssyncadd.s32 $0xFFFFE000  }
0x7e: {  	[spmem:s1] =	stream.indirect.scatter.add.f32 [tilespmem:s22], [sflag:$0x4], $0x80, s6, s21, $0xb8;
	[tilespmem:$0x1F800] =	vst v63  }
0x7f: {  	_ =	swait.ge [sflag:s30], $0x2000  }
0x80: {  	[sflag:s30] =	ssyncset.done $0x0  }
0x81: {  	s8 =	simm.s32 $0x300;
	[sflag:s30] =	ssyncadd.s32 $0xFFFFE000  }
0x82: {  	[tilespmem:s22], [sflag:$0x1] =	stream.indirect.gather [hbm4b:s4+s21], $0x80, s8, s21, $0xb8;
	[tilespmem:$0x1F800] =	vst v63  }
0x83: {  	_ =	swait.ge [sflag:s0], $0x2000  }
0x84: {  	[sflag:s0] =	ssyncset.done $0x0  }
0x85: {  	s6 =	simm.s32 $0x2E00;
	[sflag:s0] =	ssyncadd.s32 $0xFFFFE000  }
0x86: {  	[spmem:s1] =	stream.indirect.scatter.add.f32 [tilespmem:s24], [sflag:$0x5], $0x80, s6, s21, $0xb8;
	[tilespmem:$0x1F800] =	vst v63  }
0x87: {  	_ =	swait.ge [sflag:s23], $0x2000  }
0x88: {  	[sflag:s23] =	ssyncset.done $0x0  }
0x89: {  	s8 =	simm.s32 $0x380;
	[sflag:s23] =	ssyncadd.s32 $0xFFFFE000  }
0x8a: {  	[tilespmem:s24], [sflag:$0x2] =	stream.indirect.gather [hbm4b:s4+s21], $0x80, s8, s21, $0xb8;
	[tilespmem:$0x1F800] =	vst v63  }
0x8b: {  	_ =	swait.ge [sflag:s31], $0x2000  }
0x8c: {  	[sflag:s31] =	ssyncset.done $0x0  }
0x8d: {  	s5 =	simm.s32 $0x600;
	s6 =	simm.s32 $0x2E80;
	[sflag:s31] =	ssyncadd.s32 $0xFFFFE000  }
.LBB2_4:
0x8e: {  	[spmem:s1] =	stream.indirect.scatter.add.f32 [tilespmem:s25], [sflag:$0x6], $0x80, s6, s21, $0xb8;
	[tilespmem:$0x1F800] =	vst v63  }
0x8f: {  	s6 =	smov.u32 s5  }
0x90: {  	p0 =	sne.s32 s5, $0x9000;
	s5 =	sadd.s32 $0x600, s5;
	_ =	swait.ge [sflag:s26], $0x2000  }
0x91: {  	s6 =	sshra.s32 s6, $0x2;
	[sflag:s26] =	ssyncset.done $0x0  }
0x92: {  	s8 =	sadd.s32 $0x280, s6;
	[sflag:s26] =	ssyncadd.s32 $0xFFFFE000  }
0x93: {  	[tilespmem:s25], [sflag:$0x3] =	stream.indirect.gather [hbm4b:s4+s21], $0x80, s8, s21, $0xb8;
	[tilespmem:$0x1F800] =	vst v63  }
0x94: {  	_ =	swait.ge [sflag:s29], $0x2000  }
0x95: {  	[sflag:s29] =	ssyncset.done $0x0  }
0x96: {  	s8 =	sadd.s32 $0x2D80, s6;
	[sflag:s29] =	ssyncadd.s32 $0xFFFFE000  }
0x97: {  	[spmem:s1] =	stream.indirect.scatter.add.f32 [tilespmem:s22], [sflag:$0x4], $0x80, s8, s21, $0xb8;
	[tilespmem:$0x1F800] =	vst v63  }
0x98: {  	_ =	swait.ge [sflag:s30], $0x2000  }
0x99: {  	[sflag:s30] =	ssyncset.done $0x0  }
0x9a: {  	s8 =	sadd.s32 $0x300, s6;
	[sflag:s30] =	ssyncadd.s32 $0xFFFFE000  }
0x9b: {  	[tilespmem:s22], [sflag:$0x1] =	stream.indirect.gather [hbm4b:s4+s21], $0x80, s8, s21, $0xb8;
	[tilespmem:$0x1F800] =	vst v63  }
0x9c: {  	_ =	swait.ge [sflag:s0], $0x2000  }
0x9d: {  	[sflag:s0] =	ssyncset.done $0x0  }
0x9e: {  	s8 =	sadd.s32 $0x2E00, s6;
	[sflag:s0] =	ssyncadd.s32 $0xFFFFE000  }
0x9f: {  	[spmem:s1] =	stream.indirect.scatter.add.f32 [tilespmem:s24], [sflag:$0x5], $0x80, s8, s21, $0xb8;
	[tilespmem:$0x1F800] =	vst v63  }
0xa0: {  	_ =	swait.ge [sflag:s23], $0x2000  }
0xa1: {  	[sflag:s23] =	ssyncset.done $0x0  }
.Ltmp1:
0xa2: {  	s8 =	sadd.s32 $0x380, s6;
	[sflag:s23] =	ssyncadd.s32 $0xFFFFE000;
	(pc) =	sbr.rel @p0 .LBB2_4-.Ltmp1, $4  }
0xa3: {  	[tilespmem:s24], [sflag:$0x2] =	stream.indirect.gather [hbm4b:s4+s21], $0x80, s8, s21, $0xb8;
	[tilespmem:$0x1F800] =	vst v63  }
0xa4: {  	_ =	swait.ge [sflag:s31], $0x2000  }
0xa5: {  	[sflag:s31] =	ssyncset.done $0x0  }
0xa6: {  	s6 =	sadd.s32 $0x2E80, s6;
	[sflag:s31] =	ssyncadd.s32 $0xFFFFE000  }
0xa7: {  	[spmem:s1] =	stream.indirect.scatter.add.f32 [tilespmem:s25], [sflag:$0x6], $0x80, s6, s21, $0xb8;
	[tilespmem:$0x1F800] =	vst v63  }
0xa8: {  	_ =	swait.ge [sflag:s26], $0x2000  }
0xa9: {  	[sflag:s26] =	ssyncset.done $0x0  }
0xaa: {  	[sflag:s26] =	ssyncadd.s32 $0xFFFFE000  }
0xab: {  	[tilespmem:s25], [sflag:$0x3] =	stream.indirect.gather [hbm4b:s4+s21], $0x80, s28, s21, $0xb8;
	[tilespmem:$0x1F800] =	vst v63  }
0xac: {  	_ =	swait.ge [sflag:s29], $0x2000  }
0xad: {  	[sflag:s29] =	ssyncset.done $0x0  }
0xae: {  	s5 =	simm.s32 $0x5300;
	[sflag:s29] =	ssyncadd.s32 $0xFFFFE000  }
0xaf: {  	[spmem:s1] =	stream.indirect.scatter.add.f32 [tilespmem:s22], [sflag:$0x4], $0x80, s5, s21, $0xb8;
	[tilespmem:$0x1F800] =	vst v63  }
0xb0: {  	_ =	swait.ge [sflag:s30], $0x2000  }
0xb1: {  	[sflag:s30] =	ssyncset.done $0x0  }
0xb2: {  	[sflag:s30] =	ssyncadd.s32 $0xFFFFE000  }
0xb3: {  	[tilespmem:s22], [sflag:$0x1] =	stream.indirect.gather [hbm4b:s4+s21], $0x80, s28, s21, $0xb8;
	[tilespmem:$0x1F800] =	vst v63  }
0xb4: {  	_ =	swait.ge [sflag:s0], $0x2000  }
0xb5: {  	[sflag:s0] =	ssyncset.done $0x0  }
0xb6: {  	s8 =	simm.s32 $0x5380;
	[sflag:s0] =	ssyncadd.s32 $0xFFFFE000  }
0xb7: {  	[spmem:s1] =	stream.indirect.scatter.add.f32 [tilespmem:s24], [sflag:$0x5], $0x80, s8, s21, $0xb8;
	[tilespmem:$0x1F800] =	vst v63  }
0xb8: {  	_ =	swait.ge [sflag:s23], $0x2000  }
0xb9: {  	[sflag:s23] =	ssyncset.done $0x0  }
0xba: {  	[sflag:s23] =	ssyncadd.s32 $0xFFFFE000  }
0xbb: {  	[tilespmem:s24], [sflag:$0x2] =	stream.indirect.gather [hbm4b:s4+s21], $0x80, s28, s21, $0xb8;
	[tilespmem:$0x1F800] =	vst v63  }
0xbc: {  	_ =	swait.ge [sflag:s31], $0x2000  }
0xbd: {  	[sflag:s31] =	ssyncset.done $0x0  }
0xbe: {  	s6 =	simm.s32 $0x5400;
	[sflag:s31] =	ssyncadd.s32 $0xFFFFE000  }
0xbf: {  	[spmem:s1] =	stream.indirect.scatter.add.f32 [tilespmem:s25], [sflag:$0x6], $0x80, s6, s21, $0xb8;
	[tilespmem:$0x1F800] =	vst v63  }
0xc0: {  	_ =	swait.ge [sflag:s26], $0x2000  }
0xc1: {  	[sflag:s26] =	ssyncset.done $0x0  }
0xc2: {  	[sflag:s26] =	ssyncadd.s32 $0xFFFFE000  }
0xc3: {  	_ =	swait.ge [sflag:s29], $0x2000  }
0xc4: {  	[sflag:s29] =	ssyncset.done $0x0  }
0xc5: {  	[sflag:s29] =	ssyncadd.s32 $0xFFFFE000  }
0xc6: {  	_ =	swait.ge [sflag:s0], $0x2000  }
0xc7: {  	s8 =	stileid.u32;
	[sflag:s0] =	ssyncset.done $0x0  }
0xc8: {  	s2 =	sadd.s32 $0x1, s2;
	s5 =	sshll.u32 s8, $0x6;
	[sflag:s0] =	ssyncadd.s32 $0xFFFFE000  }
0xc9: {  	p0 =	sne.s32 s2, s9;
	s5 =	sor.u32 $0x1C07, s5;
	[bflag:$0x0] =	sbarrier.arrive $0xFFFF  }
.Ltmp2:
0xca: {  	s6 =	sshrl.u32 s7, $0x3;
	s8 =	rddreg [dreg:$0x5];
	(pc) =	sbr.rel @p0 .LBB2_1-.Ltmp2, $4  }
0xcb: {  	[hbm:s8], [sflag:s5] =	dma.local [spmem:s6], $0x2800  }
0xcc: {  	_ =	swait.ge [sflag:s19], $0x2800  }
0xcd: {  	[sflag:s19] =	ssyncset.done $0x0  }
0xce: {  	[sflag:s19] =	ssyncadd.s32 $0xFFFFD800  }
0xcf: {  	_ =	sfence.sel $0x180000  }
0xd0: {  	[bflag:$0x0] =	sbarrier.arrive $0xFFFF  }
0xd1: {  	_ =	strace $0x9000004D  }
0xd2: {  	s0 =	stileid.u32;
	[bflag:$0x2] =	sbarrier.arrive $0xFFFF  }
0xd3: {  	p0 =	sne.s32 s0, $0x0;
	s0 =	rddreg [dreg:$0x2]  }
0xd4: {  	s0 =	sadd.s32 @!p0 $0x100000, s0  }
0xd5: {  	[sflag:s0] =	ssyncadd.tile.s32 @!p0 $0x1;
	_ =	shalt  }
.Lfunc_end2:
_tile_overlayer_lowered:
.L_overlay_start_2:
0xd6: {  	(tag) =	ssettag $0x2  }
0xd7: {  	s0 =	rddreg [dreg:$0x0];
	s2 =	stileid.u32  }
0xd8: {  	s1 =	rddreg [dreg:$0x1];
	p0 =	sne.s32 s2, $0x0  }
0xd9: {  	s3 =	rddreg [dreg:$0x2];
	[bflag:$0x3] =	sbarrier.arrive $0xFFFF;
	s2 =	simm.s32 @!p0 $0x1C07  }
0xda: {  	[timem:s3], [sflag:s2] =	dma.local @!p0 [hbm:s0], s1  }
0xdb: {  	s0 =	simm.s32 @!p0 $0x7  }
0xdc: {  	_ =	swait.ge @!p0 [sflag:s0], s1  }
0xdd: {  	s1 =	ssub.s32 @!p0 $0x0, s1;
	[sflag:s0] =	ssyncset.done @!p0 $0x0  }
0xde: {  	[sflag:s0] =	ssyncadd.s32 @!p0 s1  }
0xdf: {  	[bflag:$0x3] =	sbarrier.arrive $0xFFFF  }
0xe0: {  	_ =	shalt  }

// kernel: kernel.24.cloned.1.call-start
scs
__scs_entry_jumppad:
0x0: {  	(pc) =	sbr.rel $0x88, $3  }
0x1: {  	(tag) =	ssettag $0x0;
	lr =	simm.s32 $0x1  }
0x2: {  	[smem:$0x3F9B] =	sst lr;
	_ =	strace $0xD0000000  }
0x3: {  	_ = 	snop  }
0x4: {  	_ = 	snop  }
0x5: {  	_ = 	snop  }
0x6: {  	_ = 	snop  }
0x7: {  	_ = 	snop  }
__scs_overlays_trampoline_lowered:
0x8: {  	[smem:$0x3FAA] =	sst s0  }
0x9: {  	[smem:$0x3FAB] =	sst s1  }
0xa: {  	[smem:$0x3FAC] =	sst s2  }
0xb: {  	[smem:$0x3FAD] =	sst s3  }
0xc: {  	[smem:$0x3FAE] =	sst s4  }
0xd: {  	[smem:$0x3FAF] =	sst s5  }
0xe: {  	[smem:$0x3FB0] =	sst s6  }
0xf: {  	[smem:$0x3FB1] =	sst s7  }
0x10: {  	[smem:$0x3FB2] =	sst s8  }
0x11: {  	[smem:$0x3FB3] =	sst s9;
	s0 =	simm.s32 @!p0 $0x0  }
0x12: {  	s1 =	sld [smem:$0x3F99];
	s0 =	simm.s32 @p0 $0x1  }
0x13: {  	[smem:$0x3FB4] =	sst s0;
	s0 =	simm.s32 @!p1 $0x0  }
0x14: {  	s2 =	sld [smem:$0x3F98];
	s0 =	simm.s32 @p1 $0x1  }
0x15: {  	[smem:$0x3FB5] =	sst s0;
	s0 =	simm.s32 @!p2 $0x0  }
0x16: {  	s3 =	sld [smem:$0x3FDB];
	s0 =	simm.s32 @p2 $0x1  }
0x17: {  	s4 =	simm.s32 $0x1BF5;
	[smem:$0x3FB7] =	sst s0  }
0x18: {  	s0 =	sld [smem:$0x3F9A];
	_ =	swait.ge [sflag:s4], $0x0  }
0x19: {  	s7 =	sld [smem:$0x3F9B]  }
0x1a: {  	s8 =	sadd.s32 $0xFFFFE003, lr  }
0x1b: {  	s9 =	sadd.s32 $0xFFFFFEF7, lr;
	s5 =	simm.s32 $0xFFFFFFFF;
	p2 =	slt.u32 s8, $0xFFFFF086  }
0x1c: {  	p1 =	slt.u32 s9, $0xF7A;
	s5 =	simm.s32 @!p2 $0x0  }
0x1d: {  	s5 =	simm.s32 @p1 $0x1;
	p0 =	seq.s32 s7, s2  }
0x1e: {  	s7 =	smul.u32 @!p0 $0xF7A, s2;
	p2 =	seq.s32 @!p0 s5, $0x0  }
0x1f: {  	s9 =	smul.u32 $0xF7A, s1;
	s8 =	simm.s32 @!p0 $0x1BF5;
	p2 =	por !p2, p0  }
0x20: {  	[sflag:s8] =	ssyncset.s32 @!p0 $0xFFFFF086;
	s6 =	sadd.s32 @!p0 s3, s7;
	s7 =	simm.s32 @!p0 $0x108  }
0x21: {  	s3 =	sadd.s32 s3, s9;
	s6 =	sadd.s32 @!p0 $0x88, s6;
	s7 =	simm.s32 @p2 $0x1082  }
0x22: {  	[simem:s7], [sflag:s8] =	dma.local @!p0 [hbm:s6], $0xF7A  }
0x23: {  	s9 =	sor.u32 $0xD0000000, s2;
	s6 =	simm.s32 $0x108;
	_ =	swait.ge @!p0 [sflag:s8], $0x0  }
0x24: {  	s3 =	sadd.s32 $0x88, s3;
	s6 =	simm.s32 @!p1 $0x1082;
	[sflag:s4] =	ssyncset.s32 $0xFFFFF086  }
0x25: {  	[simem:s6], [sflag:s4] =	dma.local [hbm:s3], $0xF7A  }
0x26: {  	[smem:$0x3F9B] =	sst s1;
	(tag) =	ssettag s2;
	_ =	strace s9  }
0x27: {  	s1 =	sld [smem:$0x3FAB]  }
0x28: {  	s2 =	sld [smem:$0x3FAC]  }
0x29: {  	s4 =	sld [smem:$0x3FAE]  }
0x2a: {  	p0 =	seq.s32 s5, $0x0;
	s5 =	sld [smem:$0x3FAF]  }
0x2b: {  	s6 =	sld [smem:$0x3FB0]  }
0x2c: {  	s7 =	sld [smem:$0x3FB1]  }
0x2d: {  	s3 =	simm.s32 $0x108;
	s8 =	sld [smem:$0x3FB2]  }
0x2e: {  	s3 =	simm.s32 @!p0 $0x1082;
	s9 =	sld [smem:$0x3FB3]  }
0x2f: {  	lr =	sadd.s32 s0, s3;
	s0 =	sld [smem:$0x3FAA]  }
0x30: {  	s3 =	sld [smem:$0x3FAD]  }
0x31: {  	[smem:$0x3FB6] =	sst s10  }
0x32: {  	s10 =	sld [smem:$0x3FB4];
	_ =	sdelay $0x3  }
0x33: {  	p0 =	seq.s32 s10, $0x1;
	s10 =	sld [smem:$0x3FB6];
	_ =	sdelay $0x3  }
0x34: {  	[smem:$0x3FB6] =	sst s10  }
0x35: {  	s10 =	sld [smem:$0x3FB5];
	_ =	sdelay $0x3  }
0x36: {  	p1 =	seq.s32 s10, $0x1;
	s10 =	sld [smem:$0x3FB6];
	_ =	sdelay $0x3  }
0x37: {  	[smem:$0x3FB6] =	sst s10  }
0x38: {  	s10 =	sld [smem:$0x3FB7]  }
0x39: {  	_ = 	snop;
	(pc) =	sbr.ind lr, $3  }
0x3a: {  	_ = 	snop  }
0x3b: {  	_ = 	snop  }
0x3c: {  	p2 =	seq.s32 s10, $0x1;
	s10 =	sld [smem:$0x3FB6]  }
0x3d: {  	_ =	shalt  }
0x3e: {  	_ =	shalt  }
0x3f: {  	_ =	shalt  }
0x40: {  	_ =	shalt  }
0x41: {  	_ =	shalt  }
0x42: {  	_ =	shalt  }
0x43: {  	_ =	shalt  }
0x44: {  	_ =	shalt  }
0x45: {  	_ =	shalt  }
0x46: {  	_ =	shalt  }
0x47: {  	_ =	shalt  }
0x48: {  	_ =	shalt  }
0x49: {  	_ =	shalt  }
0x4a: {  	_ =	shalt  }
0x4b: {  	_ =	shalt  }
0x4c: {  	_ =	shalt  }
0x4d: {  	_ =	shalt  }
0x4e: {  	_ =	shalt  }
0x4f: {  	_ =	shalt  }
0x50: {  	_ =	shalt  }
0x51: {  	_ =	shalt  }
0x52: {  	_ =	shalt  }
0x53: {  	_ =	shalt  }
0x54: {  	_ =	shalt  }
0x55: {  	_ =	shalt  }
0x56: {  	_ =	shalt  }
0x57: {  	_ =	shalt  }
0x58: {  	_ =	shalt  }
0x59: {  	_ =	shalt  }
0x5a: {  	_ =	shalt  }
0x5b: {  	_ =	shalt  }
0x5c: {  	_ =	shalt  }
0x5d: {  	_ =	shalt  }
0x5e: {  	_ =	shalt  }
0x5f: {  	_ =	shalt  }
0x60: {  	_ =	shalt  }
0x61: {  	_ =	shalt  }
0x62: {  	_ =	shalt  }
0x63: {  	_ =	shalt  }
0x64: {  	_ =	shalt  }
0x65: {  	_ =	shalt  }
0x66: {  	_ =	shalt  }
0x67: {  	_ =	shalt  }
0x68: {  	_ =	shalt  }
0x69: {  	_ =	shalt  }
0x6a: {  	_ =	shalt  }
0x6b: {  	_ =	shalt  }
0x6c: {  	_ =	shalt  }
0x6d: {  	_ =	shalt  }
0x6e: {  	_ =	shalt  }
0x6f: {  	_ =	shalt  }
0x70: {  	_ =	shalt  }
0x71: {  	_ =	shalt  }
0x72: {  	_ =	shalt  }
0x73: {  	_ =	shalt  }
0x74: {  	_ =	shalt  }
0x75: {  	_ =	shalt  }
0x76: {  	_ =	shalt  }
0x77: {  	_ =	shalt  }
0x78: {  	_ =	shalt  }
0x79: {  	_ =	shalt  }
0x7a: {  	_ =	shalt  }
0x7b: {  	_ =	shalt  }
0x7c: {  	_ =	shalt  }
0x7d: {  	_ =	shalt  }
0x7e: {  	_ =	shalt  }
0x7f: {  	_ =	shalt  }
0x80: {  	_ =	shalt  }
0x81: {  	_ =	shalt  }
0x82: {  	_ =	shalt  }
0x83: {  	_ =	shalt  }
0x84: {  	_ =	shalt  }
0x85: {  	_ =	shalt  }
0x86: {  	_ =	shalt  }
0x87: {  	_ =	shalt  }
.Lfunc_end0:
.L_simem_size_0:
called_computation.4_lowered:
.L_overlay_start_0:
0x88: {  	s2 =	sld [smem:$0x3FD9]  }
0x89: {  	s3 =	sld [smem:$0x3FFE];
	_ =	sdelay $0x1  }
0x8a: {  	s1 =	srdreg.scid  }
0x8b: {  	s0 =	sand.u32 $0x1, s1  }
0x8c: {  	s16 =	sshll.u32 s0, $0xA;
	s2 =	sadd.s32 s3, s2  }
0x8d: {  	s2 =	sadd.s32 s2, s16  }
0x8e: {  	[smem:$0x3FC2] =	sst s2  }
0x8f: {  	_ = 	snop  }
0x90: {  	(tm) =	ssettm $0x1  }
0x91: {  	s17 =	sld [smem:$0x3FFB];
	_ =	sdelay $0x3  }
0x92: {  	_ =	strace s17  }
0x93: {  	s2 =	sld [smem:$0x3FFC];
	_ =	sdelay $0x3  }
0x94: {  	_ =	strace s2  }
0x95: {  	s2 =	sld [smem:$0x3FFD];
	_ =	sdelay $0x3  }
0x96: {  	_ =	strace s2  }
0x97: {  	_ =	strace $0x8FFFFFFF  }
0x98: {  	s18 =	sld [smem:$0x3FDB];
	_ =	sdelay $0x1  }
0x99: {  	s19 =	simm.s32 $_scs_section_size  }
0x9a: {  	s4 =	simm.s32 $_size__tile_overlayer_lowered;
	s5 =	simm.s32 $_tile_overlayer_lowered  }
0x9b: {  	s22 =	simm.s32 $0x1BFF;
	s21 =	sshll.u32 s5, $0x1;
	s2 =	sadd.s32 s19, s18  }
0x9c: {  	s6 =	simm.s32 $0x0;
	s20 =	sshll.u32 s4, $0x1;
	s4 =	sadd.s32 s21, s2  }
0x9d: {  	[timem:s6], [sflag:s22] =	dma.local [hbm:s4], s20  }
0x9e: {  	_ =	swait.ge [sflag:s22], s20  }
0x9f: {  	s3 =	ssub.s32 $0x0, s20;
	[sflag:s22] =	ssyncset.done $0x0  }
0xa0: {  	[sflag:s22] =	ssyncadd.s32 s3;
	_ =	sdelay $0x1  }
0xa1: {  	s23 =	simm.s32 $0x1B8B  }
0xa2: {  	_ =	swait.ge [sflag:s23], $0x1  }
0xa3: {  	[sflag:s23] =	ssyncset.done $0x0  }
0xa4: {  	s25 =	simm.s32 $0x1B8E;
	s24 =	sld [smem:$0x3FFE];
	[sflag:s23] =	ssyncadd.s32 $0xFFFFFFFF  }
0xa5: {  	s26 =	simm.s32 $execute0_lowered;
	[smem:$0x3FD2] =	sst s25  }
0xa6: {  	s4 =	sshll.u32 s26, $0x1;
	_ =	strace $0x80000049;
	[dreg:$0x1] =	wrdreg $0xFFFFFFFF  }
0xa7: {  	s28 =	simm.s32 $_size_execute0_lowered;
	s2 =	sadd.s32 s2, s4;
	[dreg:$0x0] =	wrdreg $0x0  }
0xa8: {  	s4 =	sshll.u32 s28, $0x1;
	[dreg:$0x2] =	wrdreg s2  }
0xa9: {  	[dreg:$0x3] =	wrdreg s4  }
0xaa: {  	[dreg:$0x4] =	wrdreg $0xC0  }
0xab: {  	_ =	task [dreg:s6], $0x5FFFF  }
0xac: {  	[dreg:$0x1] =	wrdreg $0xFFFFFFFF  }
0xad: {  	[dreg:$0x0] =	wrdreg $0x60  }
0xae: {  	[dreg:$0x2] =	wrdreg s24  }
0xaf: {  	[dreg:$0x3] =	wrdreg $0xB8000  }
0xb0: {  	[dreg:$0x4] =	wrdreg $0xC  }
0xb1: {  	_ =	task.clear_ibuf [dreg:s6], $0x5FFFF;
	_ =	strace $0x90000049  }
0xb2: {  	s29 =	simm.s32 $0xC;
	_ =	strace $0x8000004B  }
0xb3: {  	_ =	swait.ge [sflag:s29], $0x1  }
0xb4: {  	[sflag:s29] =	ssyncadd.s32 $0xFFFFFFFF  }
0xb5: {  	_ =	strace $0x9000004B  }
0xb6: {  	_ =	sfence  }
0xb7: {  	s30 =	sld [smem:$0x0];
	_ =	sdelay $0x2  }
0xb8: {  	s31 =	sshll.u32 s1, $0xD;
	s1 =	sshrl.u32 s1, $0x2  }
0xb9: {  	s3 =	sand.u32 $0x4000, s31;
	s1 =	sadd.s32 s1, s30  }
0xba: {  	s0 =	sor.u32 s3, s0;
	s1 =	sshll.u32 s1, $0x11  }
0xbb: {  	s0 =	sor.u32 s1, s0  }
0xbc: {  	s0 =	sadd.s32 $0x8F2B, s0  }
0xbd: {  	[sflag:s0] =	ssyncadd.remote.s32 $0x1  }
0xbe: {  	_ =	sfence.sel $0xFFFF  }
0xbf: {  	[dreg:$0x0] =	wrdreg $0xFFFFFFFF;
	(pc) =	sbr.abs _section_cstart, $3  }
0xc0: {  	[dreg:$0x1] =	wrdreg $0xFFFFFFFF  }
0xc1: {  	_ =	task.clear_ibuf [dreg:s6], $0x2FFFF;
	_ =	strace $0x9FFFFFFF  }
0xc2: {  	(tm) =	ssettm $0x7FFFFFFF  }
0xc3: {  	_ =	shalt  }
tec
execute0_lowered:
.L_overlay_start_1:
0x0: {  	(tag) =	ssettag $0x1  }
0x1: {  	s0 =	rddreg [dreg:$0x0]  }
0x2: {  	s1 =	rddreg [dreg:$0x1];
	s2 =	srdreg.scid  }
0x3: {  	s3 =	simm.s32 $0x0;
	s8 =	stileid.u32;
	s19 =	simm.s32 $0x7  }
0x4: {  	s20 =	simm.s32 $0x2C00;
	s21 =	simm.s32 $0x40;
	s29 =	simm.s32 $0x1  }
0x5: {  	s30 =	simm.s32 $0x4;
	s31 =	simm.s32 $0x3;
	s6 =	smul.u32 $0x14000, s8  }
0x6: {  	s28 =	simm.s32 $0x2800;
	s2 =	sand.u32 $0x1, s2;
	s22 =	smul.u32 $0x50000, s8  }
0x7: {  	[smem:$0x7FF] =	sst s3;
	s5 =	smul.u32 $0x140000, s2;
	s4 =	sshll.u32 s2, $0x4  }
0x8: {  	_ =	strace $0x8000004A;
	s2 =	ssub.s32 $0x2, s2;
	s7 =	sor.u32 s8, s4  }
0x9: {  	s4 =	sadd.s32 $0x6A800, s0;
	s23 =	sshrl.u32 s2, $0x1;
	s7 =	smul.u32 $0x580, s7  }
0xa: {  	s25 =	sshrl.u32 s22, $0x2;
	s22 =	simm.s32 $0x5800;
	s5 =	sadd.s32 s6, s5  }
0xb: {  	s2 =	ssub.s32 s2, s23;
	s23 =	simm.s32 $0x5;
	s7 =	sadd.s32 s7, s0  }
0xc: {  	s5 =	sshrl.u32 s5, $0x3;
	s9 =	smax.u32 s2, $0x1;
	s24 =	sadd.s32 $0x5F800, s7  }
0xd: {  	s0 =	sadd.s32 s5, s0;
	s26 =	sadd.s32 $0x4800, s7;
	[dreg:$0x3] =	wrdreg s24  }
0xe: {  	s2 =	simm.s32 $0x0;
	s0 =	sadd.s32 $0xDFE00, s0;
	[dreg:$0x4] =	wrdreg s26  }
0xf: {  	s7 =	sadd.s32 s25, s1;
	s25 =	simm.s32 $0x9800;
	[dreg:$0x5] =	wrdreg s0  }
0x10: {  	s10 =	sadd.s32 $0x2000, s7;
	s11 =	sadd.s32 $0x4000, s7;
	s12 =	sadd.s32 $0x6000, s7  }
0x11: {  	s13 =	sadd.s32 $0x8000, s7;
	s14 =	sadd.s32 $0xA000, s7;
	s15 =	sadd.s32 $0xC000, s7  }
0x12: {  	s16 =	sadd.s32 $0xE000, s7;
	s17 =	sadd.s32 $0x10000, s7;
	s18 =	sadd.s32 $0x12000, s7  }
0x13: {  	v0 =	vimm.f32 $0.0e+00;
	s24 =	simm.s32 $0x7800;
	s26 =	simm.s32 $0x6;
	s0 =	simm.s32 $0x2  }
.LBB2_1:
0x14: {  	s5 =	rddreg [dreg:$0x3]  }
0x15: {  	[tilespmem:s3], [sflag:$0x7] =	stream.linear.gather [hbm4b:s5+s3], $0x2880, $0x38;
	[tilespmem:$0x1F800] =	vst v63  }
0x16: {  	_ =	swait.ge [sflag:s19], $0x2880  }
0x17: {  	[sflag:s19] =	ssyncset.done $0x0  }
0x18: {  	s6 =	rddreg [dreg:$0x4];
	[sflag:s19] =	ssyncadd.s32 $0xFFFFD780  }
0x19: {  	[tilespmem:s20], [sflag:$0x7] =	stream.linear.gather [hbm4b:s6+s3], $0x2880, $0x38;
	[tilespmem:$0x1F800] =	vst v63  }
0x1a: {  	_ =	swait.ge [sflag:s19], $0x2880  }
0x1b: {  	[sflag:s19] =	ssyncset.done $0x0  }
0x1c: {  	[sflag:s19] =	ssyncadd.s32 $0xFFFFD780  }
0x1d: {  	[tilespmem:s22], [sflag:$0x1] =	stream.indirect.gather [hbm4b:s4+s21], $0x80, s3, s21, $0xb8;
	[tilespmem:$0x1F800] =	vst v63  }
0x1e: {  	s8 =	simm.s32 $0x80;
	s5 =	simm.s32 $0x0;
	s6 =	simm.s32 $0x200  }
0x1f: {  	[tilespmem:s24], [sflag:$0x2] =	stream.indirect.gather [hbm4b:s4+s21], $0x80, s8, s21, $0xb8;
	[tilespmem:$0x1F800] =	vst v63  }
.LBB2_2:
0x20: {  	p0 =	sne.s32 s6, $0x7E00;
	[tilespmem:s5+$0x9870] =	vst v0  }
0x21: {  	[tilespmem:s5+$0x9800] =	vst v0  }
0x22: {  	[tilespmem:s5+$0x9810] =	vst v0  }
.Ltmp0:
0x23: {  	[tilespmem:s5+$0x9820] =	vst v0;
	(pc) =	sbr.rel @p0 .LBB2_2-.Ltmp0, $4  }
0x24: {  	[tilespmem:s5+$0x9830] =	vst v0  }
0x25: {  	[tilespmem:s5+$0x9840] =	vst v0  }
0x26: {  	[tilespmem:s5+$0x9850] =	vst v0  }
0x27: {  	[tilespmem:s5+$0x9860] =	vst v0;
	s5 =	sshra.s32 s6, $0x2;
	s6 =	sadd.s32 $0x200, s6  }
0x28: {  	[tilespmem:s5+$0x9870] =	vst v0  }
0x29: {  	[tilespmem:s5+$0x9800] =	vst v0  }
0x2a: {  	[tilespmem:s5+$0x9810] =	vst v0  }
0x2b: {  	[tilespmem:s5+$0x9820] =	vst v0  }
0x2c: {  	[tilespmem:s5+$0x9830] =	vst v0  }
0x2d: {  	[tilespmem:s5+$0x9840] =	vst v0  }
0x2e: {  	[tilespmem:s5+$0x9850] =	vst v0  }
0x2f: {  	[tilespmem:s5+$0x9860] =	vst v0  }
0x30: {  	[spmem:s7] =	stream.linear.scatter [tilespmem:s25], [sflag:$0x6], $0x2000, $0x38;
	[tilespmem:$0x1F800] =	vst v63  }
0x31: {  	_ = 	snop  }
0x32: {  	[spmem:s10] =	stream.linear.scatter [tilespmem:s25], [sflag:$0x6], $0x2000, $0x38;
	[tilespmem:$0x1F800] =	vst v63  }
0x33: {  	_ = 	snop  }
0x34: {  	[spmem:s11] =	stream.linear.scatter [tilespmem:s25], [sflag:$0x6], $0x2000, $0x38;
	[tilespmem:$0x1F800] =	vst v63  }
0x35: {  	_ = 	snop  }
0x36: {  	[spmem:s12] =	stream.linear.scatter [tilespmem:s25], [sflag:$0x6], $0x2000, $0x38;
	[tilespmem:$0x1F800] =	vst v63  }
0x37: {  	_ = 	snop  }
0x38: {  	[spmem:s13] =	stream.linear.scatter [tilespmem:s25], [sflag:$0x6], $0x2000, $0x38;
	[tilespmem:$0x1F800] =	vst v63  }
0x39: {  	_ = 	snop  }
0x3a: {  	[spmem:s14] =	stream.linear.scatter [tilespmem:s25], [sflag:$0x6], $0x2000, $0x38;
	[tilespmem:$0x1F800] =	vst v63  }
0x3b: {  	_ = 	snop  }
0x3c: {  	[spmem:s15] =	stream.linear.scatter [tilespmem:s25], [sflag:$0x6], $0x2000, $0x38;
	[tilespmem:$0x1F800] =	vst v63  }
0x3d: {  	_ = 	snop  }
0x3e: {  	[spmem:s16] =	stream.linear.scatter [tilespmem:s25], [sflag:$0x6], $0x2000, $0x38;
	[tilespmem:$0x1F800] =	vst v63  }
0x3f: {  	_ = 	snop  }
0x40: {  	[spmem:s17] =	stream.linear.scatter [tilespmem:s25], [sflag:$0x6], $0x2000, $0x38;
	[tilespmem:$0x1F800] =	vst v63  }
0x41: {  	_ = 	snop  }
0x42: {  	[spmem:s18] =	stream.linear.scatter [tilespmem:s25], [sflag:$0x6], $0x2000, $0x38;
	[tilespmem:$0x1F800] =	vst v63  }
0x43: {  	_ =	swait.ge [sflag:s26], $0x2000  }
0x44: {  	[sflag:s26] =	ssyncset.done $0x0  }
0x45: {  	[sflag:s26] =	ssyncadd.s32 $0xFFFFE000  }
0x46: {  	_ =	swait.ge [sflag:s26], $0x2000  }
0x47: {  	[sflag:s26] =	ssyncset.done $0x0  }
0x48: {  	[sflag:s26] =	ssyncadd.s32 $0xFFFFE000  }
0x49: {  	_ =	swait.ge [sflag:s26], $0x2000  }
0x4a: {  	[sflag:s26] =	ssyncset.done $0x0  }
0x4b: {  	[sflag:s26] =	ssyncadd.s32 $0xFFFFE000  }
0x4c: {  	_ =	swait.ge [sflag:s26], $0x2000  }
0x4d: {  	[sflag:s26] =	ssyncset.done $0x0  }
0x4e: {  	[sflag:s26] =	ssyncadd.s32 $0xFFFFE000  }
0x4f: {  	_ =	swait.ge [sflag:s26], $0x2000  }
0x50: {  	[sflag:s26] =	ssyncset.done $0x0  }
0x51: {  	[sflag:s26] =	ssyncadd.s32 $0xFFFFE000  }
0x52: {  	_ =	swait.ge [sflag:s26], $0x2000  }
0x53: {  	[sflag:s26] =	ssyncset.done $0x0  }
0x54: {  	[sflag:s26] =	ssyncadd.s32 $0xFFFFE000  }
0x55: {  	_ =	swait.ge [sflag:s26], $0x2000  }
0x56: {  	[sflag:s26] =	ssyncset.done $0x0  }
0x57: {  	[sflag:s26] =	ssyncadd.s32 $0xFFFFE000  }
0x58: {  	_ =	swait.ge [sflag:s26], $0x2000  }
0x59: {  	[sflag:s26] =	ssyncset.done $0x0  }
0x5a: {  	[sflag:s26] =	ssyncadd.s32 $0xFFFFE000  }
0x5b: {  	_ =	swait.ge [sflag:s26], $0x2000  }
0x5c: {  	[sflag:s26] =	ssyncset.done $0x0  }
0x5d: {  	[sflag:s26] =	ssyncadd.s32 $0xFFFFE000  }
0x5e: {  	_ =	swait.ge [sflag:s26], $0x2000  }
0x5f: {  	[sflag:s26] =	ssyncset.done $0x0  }
0x60: {  	[sflag:s26] =	ssyncadd.s32 $0xFFFFE000  }
0x61: {  	s6 =	simm.s32 $0x100;
	[bflag:$0x0] =	sbarrier.arrive $0xFFFF  }
0x62: {  	[tilespmem:s25], [sflag:$0x3] =	stream.indirect.gather [hbm4b:s4+s21], $0x80, s6, s21, $0xb8;
	[tilespmem:$0x1F800] =	vst v63  }
0x63: {  	_ =	swait.ge [sflag:s29], $0x2000  }
0x64: {  	[sflag:s29] =	ssyncset.done $0x0  }
0x65: {  	[sflag:s29] =	ssyncadd.s32 $0xFFFFE000  }
0x66: {  	[spmem:s1] =	stream.indirect.scatter.add.f32 [tilespmem:s22], [sflag:$0x4], $0x80, s20, s21, $0xb8;
	[tilespmem:$0x1F800] =	vst v63  }
0x67: {  	_ =	swait.ge [sflag:s30], $0x2000  }
0x68: {  	[sflag:s30] =	ssyncset.done $0x0  }
0x69: {  	s8 =	simm.s32 $0x180;
	[sflag:s30] =	ssyncadd.s32 $0xFFFFE000  }
0x6a: {  	[tilespmem:s22], [sflag:$0x1] =	stream.indirect.gather [hbm4b:s4+s21], $0x80, s8, s21, $0xb8;
	[tilespmem:$0x1F800] =	vst v63  }
0x6b: {  	_ =	swait.ge [sflag:s0], $0x2000  }
0x6c: {  	[sflag:s0] =	ssyncset.done $0x0  }
0x6d: {  	s6 =	simm.s32 $0x2C80;
	[sflag:s0] =	ssyncadd.s32 $0xFFFFE000  }
0x6e: {  	[spmem:s1] =	stream.indirect.scatter.add.f32 [tilespmem:s24], [sflag:$0x5], $0x80, s6, s21, $0xb8;
	[tilespmem:$0x1F800] =	vst v63  }
0x6f: {  	_ =	swait.ge [sflag:s23], $0x2000  }
0x70: {  	[sflag:s23] =	ssyncset.done $0x0  }
0x71: {  	s8 =	simm.s32 $0x200;
	[sflag:s23] =	ssyncadd.s32 $0xFFFFE000  }
0x72: {  	[tilespmem:s24], [sflag:$0x2] =	stream.indirect.gather [hbm4b:s4+s21], $0x80, s8, s21, $0xb8;
	[tilespmem:$0x1F800] =	vst v63  }
0x73: {  	_ =	swait.ge [sflag:s31], $0x2000  }
0x74: {  	[sflag:s31] =	ssyncset.done $0x0  }
0x75: {  	s6 =	simm.s32 $0x2D00;
	[sflag:s31] =	ssyncadd.s32 $0xFFFFE000  }
0x76: {  	[spmem:s1] =	stream.indirect.scatter.add.f32 [tilespmem:s25], [sflag:$0x6], $0x80, s6, s21, $0xb8;
	[tilespmem:$0x1F800] =	vst v63  }
0x77: {  	_ =	swait.ge [sflag:s26], $0x2000  }
0x78: {  	[sflag:s26] =	ssyncset.done $0x0  }
0x79: {  	s8 =	simm.s32 $0x280;
	[sflag:s26] =	ssyncadd.s32 $0xFFFFE000  }
0x7a: {  	[tilespmem:s25], [sflag:$0x3] =	stream.indirect.gather [hbm4b:s4+s21], $0x80, s8, s21, $0xb8;
	[tilespmem:$0x1F800] =	vst v63  }
0x7b: {  	_ =	swait.ge [sflag:s29], $0x2000  }
0x7c: {  	[sflag:s29] =	ssyncset.done $0x0  }
0x7d: {  	s6 =	simm.s32 $0x2D80;
	[sflag:s29] =	ssyncadd.s32 $0xFFFFE000  }
0x7e: {  	[spmem:s1] =	stream.indirect.scatter.add.f32 [tilespmem:s22], [sflag:$0x4], $0x80, s6, s21, $0xb8;
	[tilespmem:$0x1F800] =	vst v63  }
0x7f: {  	_ =	swait.ge [sflag:s30], $0x2000  }
0x80: {  	[sflag:s30] =	ssyncset.done $0x0  }
0x81: {  	s8 =	simm.s32 $0x300;
	[sflag:s30] =	ssyncadd.s32 $0xFFFFE000  }
0x82: {  	[tilespmem:s22], [sflag:$0x1] =	stream.indirect.gather [hbm4b:s4+s21], $0x80, s8, s21, $0xb8;
	[tilespmem:$0x1F800] =	vst v63  }
0x83: {  	_ =	swait.ge [sflag:s0], $0x2000  }
0x84: {  	[sflag:s0] =	ssyncset.done $0x0  }
0x85: {  	s6 =	simm.s32 $0x2E00;
	[sflag:s0] =	ssyncadd.s32 $0xFFFFE000  }
0x86: {  	[spmem:s1] =	stream.indirect.scatter.add.f32 [tilespmem:s24], [sflag:$0x5], $0x80, s6, s21, $0xb8;
	[tilespmem:$0x1F800] =	vst v63  }
0x87: {  	_ =	swait.ge [sflag:s23], $0x2000  }
0x88: {  	[sflag:s23] =	ssyncset.done $0x0  }
0x89: {  	s8 =	simm.s32 $0x380;
	[sflag:s23] =	ssyncadd.s32 $0xFFFFE000  }
0x8a: {  	[tilespmem:s24], [sflag:$0x2] =	stream.indirect.gather [hbm4b:s4+s21], $0x80, s8, s21, $0xb8;
	[tilespmem:$0x1F800] =	vst v63  }
0x8b: {  	_ =	swait.ge [sflag:s31], $0x2000  }
0x8c: {  	[sflag:s31] =	ssyncset.done $0x0  }
0x8d: {  	s5 =	simm.s32 $0x600;
	s6 =	simm.s32 $0x2E80;
	[sflag:s31] =	ssyncadd.s32 $0xFFFFE000  }
.LBB2_4:
0x8e: {  	[spmem:s1] =	stream.indirect.scatter.add.f32 [tilespmem:s25], [sflag:$0x6], $0x80, s6, s21, $0xb8;
	[tilespmem:$0x1F800] =	vst v63  }
0x8f: {  	s6 =	smov.u32 s5  }
0x90: {  	p0 =	sne.s32 s5, $0x9000;
	s5 =	sadd.s32 $0x600, s5;
	_ =	swait.ge [sflag:s26], $0x2000  }
0x91: {  	s6 =	sshra.s32 s6, $0x2;
	[sflag:s26] =	ssyncset.done $0x0  }
0x92: {  	s8 =	sadd.s32 $0x280, s6;
	[sflag:s26] =	ssyncadd.s32 $0xFFFFE000  }
0x93: {  	[tilespmem:s25], [sflag:$0x3] =	stream.indirect.gather [hbm4b:s4+s21], $0x80, s8, s21, $0xb8;
	[tilespmem:$0x1F800] =	vst v63  }
0x94: {  	_ =	swait.ge [sflag:s29], $0x2000  }
0x95: {  	[sflag:s29] =	ssyncset.done $0x0  }
0x96: {  	s8 =	sadd.s32 $0x2D80, s6;
	[sflag:s29] =	ssyncadd.s32 $0xFFFFE000  }
0x97: {  	[spmem:s1] =	stream.indirect.scatter.add.f32 [tilespmem:s22], [sflag:$0x4], $0x80, s8, s21, $0xb8;
	[tilespmem:$0x1F800] =	vst v63  }
0x98: {  	_ =	swait.ge [sflag:s30], $0x2000  }
0x99: {  	[sflag:s30] =	ssyncset.done $0x0  }
0x9a: {  	s8 =	sadd.s32 $0x300, s6;
	[sflag:s30] =	ssyncadd.s32 $0xFFFFE000  }
0x9b: {  	[tilespmem:s22], [sflag:$0x1] =	stream.indirect.gather [hbm4b:s4+s21], $0x80, s8, s21, $0xb8;
	[tilespmem:$0x1F800] =	vst v63  }
0x9c: {  	_ =	swait.ge [sflag:s0], $0x2000  }
0x9d: {  	[sflag:s0] =	ssyncset.done $0x0  }
0x9e: {  	s8 =	sadd.s32 $0x2E00, s6;
	[sflag:s0] =	ssyncadd.s32 $0xFFFFE000  }
0x9f: {  	[spmem:s1] =	stream.indirect.scatter.add.f32 [tilespmem:s24], [sflag:$0x5], $0x80, s8, s21, $0xb8;
	[tilespmem:$0x1F800] =	vst v63  }
0xa0: {  	_ =	swait.ge [sflag:s23], $0x2000  }
0xa1: {  	[sflag:s23] =	ssyncset.done $0x0  }
.Ltmp1:
0xa2: {  	s8 =	sadd.s32 $0x380, s6;
	[sflag:s23] =	ssyncadd.s32 $0xFFFFE000;
	(pc) =	sbr.rel @p0 .LBB2_4-.Ltmp1, $4  }
0xa3: {  	[tilespmem:s24], [sflag:$0x2] =	stream.indirect.gather [hbm4b:s4+s21], $0x80, s8, s21, $0xb8;
	[tilespmem:$0x1F800] =	vst v63  }
0xa4: {  	_ =	swait.ge [sflag:s31], $0x2000  }
0xa5: {  	[sflag:s31] =	ssyncset.done $0x0  }
0xa6: {  	s6 =	sadd.s32 $0x2E80, s6;
	[sflag:s31] =	ssyncadd.s32 $0xFFFFE000  }
0xa7: {  	[spmem:s1] =	stream.indirect.scatter.add.f32 [tilespmem:s25], [sflag:$0x6], $0x80, s6, s21, $0xb8;
	[tilespmem:$0x1F800] =	vst v63  }
0xa8: {  	_ =	swait.ge [sflag:s26], $0x2000  }
0xa9: {  	[sflag:s26] =	ssyncset.done $0x0  }
0xaa: {  	[sflag:s26] =	ssyncadd.s32 $0xFFFFE000  }
0xab: {  	[tilespmem:s25], [sflag:$0x3] =	stream.indirect.gather [hbm4b:s4+s21], $0x80, s28, s21, $0xb8;
	[tilespmem:$0x1F800] =	vst v63  }
0xac: {  	_ =	swait.ge [sflag:s29], $0x2000  }
0xad: {  	[sflag:s29] =	ssyncset.done $0x0  }
0xae: {  	s5 =	simm.s32 $0x5300;
	[sflag:s29] =	ssyncadd.s32 $0xFFFFE000  }
0xaf: {  	[spmem:s1] =	stream.indirect.scatter.add.f32 [tilespmem:s22], [sflag:$0x4], $0x80, s5, s21, $0xb8;
	[tilespmem:$0x1F800] =	vst v63  }
0xb0: {  	_ =	swait.ge [sflag:s30], $0x2000  }
0xb1: {  	[sflag:s30] =	ssyncset.done $0x0  }
0xb2: {  	[sflag:s30] =	ssyncadd.s32 $0xFFFFE000  }
0xb3: {  	[tilespmem:s22], [sflag:$0x1] =	stream.indirect.gather [hbm4b:s4+s21], $0x80, s28, s21, $0xb8;
	[tilespmem:$0x1F800] =	vst v63  }
0xb4: {  	_ =	swait.ge [sflag:s0], $0x2000  }
0xb5: {  	[sflag:s0] =	ssyncset.done $0x0  }
0xb6: {  	s8 =	simm.s32 $0x5380;
	[sflag:s0] =	ssyncadd.s32 $0xFFFFE000  }
0xb7: {  	[spmem:s1] =	stream.indirect.scatter.add.f32 [tilespmem:s24], [sflag:$0x5], $0x80, s8, s21, $0xb8;
	[tilespmem:$0x1F800] =	vst v63  }
0xb8: {  	_ =	swait.ge [sflag:s23], $0x2000  }
0xb9: {  	[sflag:s23] =	ssyncset.done $0x0  }
0xba: {  	[sflag:s23] =	ssyncadd.s32 $0xFFFFE000  }
0xbb: {  	[tilespmem:s24], [sflag:$0x2] =	stream.indirect.gather [hbm4b:s4+s21], $0x80, s28, s21, $0xb8;
	[tilespmem:$0x1F800] =	vst v63  }
0xbc: {  	_ =	swait.ge [sflag:s31], $0x2000  }
0xbd: {  	[sflag:s31] =	ssyncset.done $0x0  }
0xbe: {  	s6 =	simm.s32 $0x5400;
	[sflag:s31] =	ssyncadd.s32 $0xFFFFE000  }
0xbf: {  	[spmem:s1] =	stream.indirect.scatter.add.f32 [tilespmem:s25], [sflag:$0x6], $0x80, s6, s21, $0xb8;
	[tilespmem:$0x1F800] =	vst v63  }
0xc0: {  	_ =	swait.ge [sflag:s26], $0x2000  }
0xc1: {  	[sflag:s26] =	ssyncset.done $0x0  }
0xc2: {  	[sflag:s26] =	ssyncadd.s32 $0xFFFFE000  }
0xc3: {  	_ =	swait.ge [sflag:s29], $0x2000  }
0xc4: {  	[sflag:s29] =	ssyncset.done $0x0  }
0xc5: {  	[sflag:s29] =	ssyncadd.s32 $0xFFFFE000  }
0xc6: {  	_ =	swait.ge [sflag:s0], $0x2000  }
0xc7: {  	s8 =	stileid.u32;
	[sflag:s0] =	ssyncset.done $0x0  }
0xc8: {  	s2 =	sadd.s32 $0x1, s2;
	s5 =	sshll.u32 s8, $0x6;
	[sflag:s0] =	ssyncadd.s32 $0xFFFFE000  }
0xc9: {  	p0 =	sne.s32 s2, s9;
	s5 =	sor.u32 $0x1C07, s5;
	[bflag:$0x0] =	sbarrier.arrive $0xFFFF  }
.Ltmp2:
0xca: {  	s6 =	sshrl.u32 s7, $0x3;
	s8 =	rddreg [dreg:$0x5];
	(pc) =	sbr.rel @p0 .LBB2_1-.Ltmp2, $4  }
0xcb: {  	[hbm:s8], [sflag:s5] =	dma.local [spmem:s6], $0x2800  }
0xcc: {  	_ =	swait.ge [sflag:s19], $0x2800  }
0xcd: {  	[sflag:s19] =	ssyncset.done $0x0  }
0xce: {  	[sflag:s19] =	ssyncadd.s32 $0xFFFFD800  }
0xcf: {  	_ =	sfence.sel $0x180000  }
0xd0: {  	[bflag:$0x0] =	sbarrier.arrive $0xFFFF  }
0xd1: {  	_ =	strace $0x9000004A  }
0xd2: {  	s0 =	stileid.u32;
	[bflag:$0x2] =	sbarrier.arrive $0xFFFF  }
0xd3: {  	p0 =	sne.s32 s0, $0x0;
	s0 =	rddreg [dreg:$0x2]  }
0xd4: {  	s0 =	sadd.s32 @!p0 $0x100000, s0  }
0xd5: {  	[sflag:s0] =	ssyncadd.tile.s32 @!p0 $0x1;
	_ =	shalt  }
.Lfunc_end2:
_tile_overlayer_lowered:
.L_overlay_start_2:
0xd6: {  	(tag) =	ssettag $0x2  }
0xd7: {  	s0 =	rddreg [dreg:$0x0];
	s2 =	stileid.u32  }
0xd8: {  	s1 =	rddreg [dreg:$0x1];
	p0 =	sne.s32 s2, $0x0  }
0xd9: {  	s3 =	rddreg [dreg:$0x2];
	[bflag:$0x3] =	sbarrier.arrive $0xFFFF;
	s2 =	simm.s32 @!p0 $0x1C07  }
0xda: {  	[timem:s3], [sflag:s2] =	dma.local @!p0 [hbm:s0], s1  }
0xdb: {  	s0 =	simm.s32 @!p0 $0x7  }
0xdc: {  	_ =	swait.ge @!p0 [sflag:s0], s1  }
0xdd: {  	s1 =	ssub.s32 @!p0 $0x0, s1;
	[sflag:s0] =	ssyncset.done @!p0 $0x0  }
0xde: {  	[sflag:s0] =	ssyncadd.s32 @!p0 s1  }
0xdf: {  	[bflag:$0x3] =	sbarrier.arrive $0xFFFF  }
0xe0: {  	_ =	shalt  }

// kernel: kernel.27.cloned.1.call-start
scs
__scs_entry_jumppad:
0x0: {  	(pc) =	sbr.rel $0x88, $3  }
0x1: {  	(tag) =	ssettag $0x0;
	lr =	simm.s32 $0x1  }
0x2: {  	[smem:$0x3F9B] =	sst lr;
	_ =	strace $0xD0000000  }
0x3: {  	_ = 	snop  }
0x4: {  	_ = 	snop  }
0x5: {  	_ = 	snop  }
0x6: {  	_ = 	snop  }
0x7: {  	_ = 	snop  }
__scs_overlays_trampoline_lowered:
0x8: {  	[smem:$0x3FAA] =	sst s0  }
0x9: {  	[smem:$0x3FAB] =	sst s1  }
0xa: {  	[smem:$0x3FAC] =	sst s2  }
0xb: {  	[smem:$0x3FAD] =	sst s3  }
0xc: {  	[smem:$0x3FAE] =	sst s4  }
0xd: {  	[smem:$0x3FAF] =	sst s5  }
0xe: {  	[smem:$0x3FB0] =	sst s6  }
0xf: {  	[smem:$0x3FB1] =	sst s7  }
0x10: {  	[smem:$0x3FB2] =	sst s8  }
0x11: {  	[smem:$0x3FB3] =	sst s9;
	s0 =	simm.s32 @!p0 $0x0  }
0x12: {  	s1 =	sld [smem:$0x3F99];
	s0 =	simm.s32 @p0 $0x1  }
0x13: {  	[smem:$0x3FB4] =	sst s0;
	s0 =	simm.s32 @!p1 $0x0  }
0x14: {  	s2 =	sld [smem:$0x3F98];
	s0 =	simm.s32 @p1 $0x1  }
0x15: {  	[smem:$0x3FB5] =	sst s0;
	s0 =	simm.s32 @!p2 $0x0  }
0x16: {  	s3 =	sld [smem:$0x3FDB];
	s0 =	simm.s32 @p2 $0x1  }
0x17: {  	s4 =	simm.s32 $0x1BF5;
	[smem:$0x3FB7] =	sst s0  }
0x18: {  	s0 =	sld [smem:$0x3F9A];
	_ =	swait.ge [sflag:s4], $0x0  }
0x19: {  	s7 =	sld [smem:$0x3F9B]  }
0x1a: {  	s8 =	sadd.s32 $0xFFFFE003, lr  }
0x1b: {  	s9 =	sadd.s32 $0xFFFFFEF7, lr;
	s5 =	simm.s32 $0xFFFFFFFF;
	p2 =	slt.u32 s8, $0xFFFFF086  }
0x1c: {  	p1 =	slt.u32 s9, $0xF7A;
	s5 =	simm.s32 @!p2 $0x0  }
0x1d: {  	s5 =	simm.s32 @p1 $0x1;
	p0 =	seq.s32 s7, s2  }
0x1e: {  	s7 =	smul.u32 @!p0 $0xF7A, s2;
	p2 =	seq.s32 @!p0 s5, $0x0  }
0x1f: {  	s9 =	smul.u32 $0xF7A, s1;
	s8 =	simm.s32 @!p0 $0x1BF5;
	p2 =	por !p2, p0  }
0x20: {  	[sflag:s8] =	ssyncset.s32 @!p0 $0xFFFFF086;
	s6 =	sadd.s32 @!p0 s3, s7;
	s7 =	simm.s32 @!p0 $0x108  }
0x21: {  	s3 =	sadd.s32 s3, s9;
	s6 =	sadd.s32 @!p0 $0x88, s6;
	s7 =	simm.s32 @p2 $0x1082  }
0x22: {  	[simem:s7], [sflag:s8] =	dma.local @!p0 [hbm:s6], $0xF7A  }
0x23: {  	s9 =	sor.u32 $0xD0000000, s2;
	s6 =	simm.s32 $0x108;
	_ =	swait.ge @!p0 [sflag:s8], $0x0  }
0x24: {  	s3 =	sadd.s32 $0x88, s3;
	s6 =	simm.s32 @!p1 $0x1082;
	[sflag:s4] =	ssyncset.s32 $0xFFFFF086  }
0x25: {  	[simem:s6], [sflag:s4] =	dma.local [hbm:s3], $0xF7A  }
0x26: {  	[smem:$0x3F9B] =	sst s1;
	(tag) =	ssettag s2;
	_ =	strace s9  }
0x27: {  	s1 =	sld [smem:$0x3FAB]  }
0x28: {  	s2 =	sld [smem:$0x3FAC]  }
0x29: {  	s4 =	sld [smem:$0x3FAE]  }
0x2a: {  	p0 =	seq.s32 s5, $0x0;
	s5 =	sld [smem:$0x3FAF]  }
0x2b: {  	s6 =	sld [smem:$0x3FB0]  }
0x2c: {  	s7 =	sld [smem:$0x3FB1]  }
0x2d: {  	s3 =	simm.s32 $0x108;
	s8 =	sld [smem:$0x3FB2]  }
0x2e: {  	s3 =	simm.s32 @!p0 $0x1082;
	s9 =	sld [smem:$0x3FB3]  }
0x2f: {  	lr =	sadd.s32 s0, s3;
	s0 =	sld [smem:$0x3FAA]  }
0x30: {  	s3 =	sld [smem:$0x3FAD]  }
0x31: {  	[smem:$0x3FB6] =	sst s10  }
0x32: {  	s10 =	sld [smem:$0x3FB4];
	_ =	sdelay $0x3  }
0x33: {  	p0 =	seq.s32 s10, $0x1;
	s10 =	sld [smem:$0x3FB6];
	_ =	sdelay $0x3  }
0x34: {  	[smem:$0x3FB6] =	sst s10  }
0x35: {  	s10 =	sld [smem:$0x3FB5];
	_ =	sdelay $0x3  }
0x36: {  	p1 =	seq.s32 s10, $0x1;
	s10 =	sld [smem:$0x3FB6];
	_ =	sdelay $0x3  }
0x37: {  	[smem:$0x3FB6] =	sst s10  }
0x38: {  	s10 =	sld [smem:$0x3FB7]  }
0x39: {  	_ = 	snop;
	(pc) =	sbr.ind lr, $3  }
0x3a: {  	_ = 	snop  }
0x3b: {  	_ = 	snop  }
0x3c: {  	p2 =	seq.s32 s10, $0x1;
	s10 =	sld [smem:$0x3FB6]  }
0x3d: {  	_ =	shalt  }
0x3e: {  	_ =	shalt  }
0x3f: {  	_ =	shalt  }
0x40: {  	_ =	shalt  }
0x41: {  	_ =	shalt  }
0x42: {  	_ =	shalt  }
0x43: {  	_ =	shalt  }
0x44: {  	_ =	shalt  }
0x45: {  	_ =	shalt  }
0x46: {  	_ =	shalt  }
0x47: {  	_ =	shalt  }
0x48: {  	_ =	shalt  }
0x49: {  	_ =	shalt  }
0x4a: {  	_ =	shalt  }
0x4b: {  	_ =	shalt  }
0x4c: {  	_ =	shalt  }
0x4d: {  	_ =	shalt  }
0x4e: {  	_ =	shalt  }
0x4f: {  	_ =	shalt  }
0x50: {  	_ =	shalt  }
0x51: {  	_ =	shalt  }
0x52: {  	_ =	shalt  }
0x53: {  	_ =	shalt  }
0x54: {  	_ =	shalt  }
0x55: {  	_ =	shalt  }
0x56: {  	_ =	shalt  }
0x57: {  	_ =	shalt  }
0x58: {  	_ =	shalt  }
0x59: {  	_ =	shalt  }
0x5a: {  	_ =	shalt  }
0x5b: {  	_ =	shalt  }
0x5c: {  	_ =	shalt  }
0x5d: {  	_ =	shalt  }
0x5e: {  	_ =	shalt  }
0x5f: {  	_ =	shalt  }
0x60: {  	_ =	shalt  }
0x61: {  	_ =	shalt  }
0x62: {  	_ =	shalt  }
0x63: {  	_ =	shalt  }
0x64: {  	_ =	shalt  }
0x65: {  	_ =	shalt  }
0x66: {  	_ =	shalt  }
0x67: {  	_ =	shalt  }
0x68: {  	_ =	shalt  }
0x69: {  	_ =	shalt  }
0x6a: {  	_ =	shalt  }
0x6b: {  	_ =	shalt  }
0x6c: {  	_ =	shalt  }
0x6d: {  	_ =	shalt  }
0x6e: {  	_ =	shalt  }
0x6f: {  	_ =	shalt  }
0x70: {  	_ =	shalt  }
0x71: {  	_ =	shalt  }
0x72: {  	_ =	shalt  }
0x73: {  	_ =	shalt  }
0x74: {  	_ =	shalt  }
0x75: {  	_ =	shalt  }
0x76: {  	_ =	shalt  }
0x77: {  	_ =	shalt  }
0x78: {  	_ =	shalt  }
0x79: {  	_ =	shalt  }
0x7a: {  	_ =	shalt  }
0x7b: {  	_ =	shalt  }
0x7c: {  	_ =	shalt  }
0x7d: {  	_ =	shalt  }
0x7e: {  	_ =	shalt  }
0x7f: {  	_ =	shalt  }
0x80: {  	_ =	shalt  }
0x81: {  	_ =	shalt  }
0x82: {  	_ =	shalt  }
0x83: {  	_ =	shalt  }
0x84: {  	_ =	shalt  }
0x85: {  	_ =	shalt  }
0x86: {  	_ =	shalt  }
0x87: {  	_ =	shalt  }
.Lfunc_end0:
.L_simem_size_0:
called_computation.5_lowered:
.L_overlay_start_0:
0x88: {  	s2 =	sld [smem:$0x3FD9]  }
0x89: {  	s3 =	sld [smem:$0x3FFE];
	_ =	sdelay $0x1  }
0x8a: {  	s1 =	srdreg.scid  }
0x8b: {  	s0 =	sand.u32 $0x1, s1  }
0x8c: {  	s17 =	sshll.u32 s0, $0xA;
	s2 =	sadd.s32 s3, s2  }
0x8d: {  	s2 =	sadd.s32 s2, s17  }
0x8e: {  	[smem:$0x3FC2] =	sst s2  }
0x8f: {  	_ = 	snop  }
0x90: {  	s18 =	sld [smem:$0x3FD0];
	(tm) =	ssettm $0x1  }
0x91: {  	s19 =	sld [smem:$0x3FFB];
	_ =	sdelay $0x3  }
0x92: {  	_ =	strace s19  }
0x93: {  	s2 =	sld [smem:$0x3FFC];
	_ =	sdelay $0x3  }
0x94: {  	_ =	strace s2  }
0x95: {  	s2 =	sld [smem:$0x3FFD];
	_ =	sdelay $0x3  }
0x96: {  	_ =	strace s2  }
0x97: {  	_ =	strace $0x8FFFFFFF  }
0x98: {  	s20 =	sld [smem:$0x3FDB];
	_ =	sdelay $0x1  }
0x99: {  	s4 =	simm.s32 $_scs_section_size  }
0x9a: {  	s5 =	simm.s32 $_size__tile_overlayer_lowered;
	s6 =	simm.s32 $_tile_overlayer_lowered  }
0x9b: {  	s7 =	simm.s32 $0x1BFF;
	s21 =	sshll.u32 s6, $0x1;
	s4 =	sadd.s32 s4, s20  }
0x9c: {  	s22 =	simm.s32 $0x0;
	s5 =	sshll.u32 s5, $0x1;
	s6 =	sadd.s32 s21, s4  }
0x9d: {  	[timem:s22], [sflag:s7] =	dma.local [hbm:s6], s5  }
0x9e: {  	_ =	swait.ge [sflag:s7], s5  }
0x9f: {  	s5 =	ssub.s32 $0x0, s5;
	[sflag:s7] =	ssyncset.done $0x0  }
0xa0: {  	[sflag:s7] =	ssyncadd.s32 s5;
	_ =	sdelay $0x1  }
0xa1: {  	s23 =	simm.s32 $0x1B8B  }
0xa2: {  	_ =	swait.ge [sflag:s23], $0x1  }
0xa3: {  	[sflag:s23] =	ssyncset.done $0x0  }
0xa4: {  	[sflag:s23] =	ssyncadd.s32 $0xFFFFFFFF  }
0xa5: {  	s5 =	sld [smem:$0x0]  }
0xa6: {  	s6 =	sand.u32 $0xFFFFFFFE, s1  }
0xa7: {  	p0 =	sne.s32 s1, s6  }
0xa8: {  	s6 =	sshll.u32 @p0 s6, $0xE  }
0xa9: {  	s6 =	sadd.s32 @p0 $0x11B8D, s6;
	s7 =	sshll.u32 @p0 s5, $0x11  }
0xaa: {  	s6 =	sor.u32 @p0 s7, s6  }
0xab: {  	[sflag:s6] =	ssyncadd.remote.s32 @p0 $0x1;
	_ =	sdelay $0x1  }
0xac: {  	s6 =	simm.s32 @p0 $0x1B8D  }
0xad: {  	_ =	swait.eq @p0 [sflag:s6], $0x1  }
0xae: {  	[sflag:s6] =	ssyncadd.s32 @p0 $0xFFFFFFFF  }
0xaf: {  	s7 =	sshll.u32 @!p0 s1, $0xE  }
0xb0: {  	s7 =	sor.u32 @!p0 $0x4000, s7;
	s6 =	simm.s32 @!p0 $0x1B8D  }
0xb1: {  	s5 =	sshll.u32 @!p0 s5, $0x11;
	s7 =	sadd.s32 @!p0 $0x11B8D, s7;
	_ =	swait.eq @!p0 [sflag:s6], $0x1  }
0xb2: {  	s5 =	sor.u32 @!p0 s5, s7;
	[sflag:s6] =	ssyncadd.s32 @!p0 $0xFFFFFFFF  }
0xb3: {  	s25 =	simm.s32 $0x1B8E;
	s24 =	sld [smem:$0x3FFE];
	[sflag:s5] =	ssyncadd.remote.s32 @!p0 $0x1  }
0xb4: {  	s26 =	simm.s32 $execute0_lowered;
	[smem:$0x3FD2] =	sst s25  }
0xb5: {  	s6 =	sshll.u32 s26, $0x1;
	_ =	strace $0x80000058;
	[dreg:$0x1] =	wrdreg $0xFFFFFFFF  }
0xb6: {  	s28 =	simm.s32 $_size_execute0_lowered;
	s4 =	sadd.s32 s4, s6;
	[dreg:$0x0] =	wrdreg $0x0  }
0xb7: {  	s6 =	sshll.u32 s28, $0x1;
	[dreg:$0x2] =	wrdreg s4  }
0xb8: {  	[dreg:$0x3] =	wrdreg s6  }
0xb9: {  	[dreg:$0x4] =	wrdreg $0xC0  }
0xba: {  	_ =	task [dreg:s22], $0x5FFFF  }
0xbb: {  	[dreg:$0x1] =	wrdreg $0xFFFFFFFF  }
0xbc: {  	[dreg:$0x0] =	wrdreg $0x60  }
0xbd: {  	[dreg:$0x2] =	wrdreg s18  }
0xbe: {  	[dreg:$0x3] =	wrdreg s24  }
0xbf: {  	[dreg:$0x4] =	wrdreg $0xB8000  }
0xc0: {  	[dreg:$0x5] =	wrdreg $0x9  }
0xc1: {  	_ =	task.clear_ibuf [dreg:s22], $0x6FFFF;
	_ =	strace $0x90000058  }
0xc2: {  	s29 =	simm.s32 $0x9;
	_ =	strace $0x8000005A  }
0xc3: {  	_ =	swait.ge [sflag:s29], $0x1  }
0xc4: {  	[sflag:s29] =	ssyncadd.s32 $0xFFFFFFFF  }
0xc5: {  	_ =	strace $0x9000005A  }
0xc6: {  	_ =	sfence  }
0xc7: {  	s30 =	sld [smem:$0x0];
	_ =	sdelay $0x2  }
0xc8: {  	s31 =	sshll.u32 s1, $0xD;
	s1 =	sshrl.u32 s1, $0x2  }
0xc9: {  	s4 =	sand.u32 $0x4000, s31;
	s1 =	sadd.s32 s1, s30  }
0xca: {  	s0 =	sor.u32 s4, s0;
	s1 =	sshll.u32 s1, $0x11  }
0xcb: {  	s0 =	sor.u32 s1, s0  }
0xcc: {  	s0 =	sadd.s32 $0x8F2B, s0  }
0xcd: {  	[sflag:s0] =	ssyncadd.remote.s32 $0x1  }
0xce: {  	_ =	sfence.sel $0xFFFF  }
0xcf: {  	[dreg:$0x0] =	wrdreg $0xFFFFFFFF;
	(pc) =	sbr.abs _section_cstart, $3  }
0xd0: {  	[dreg:$0x1] =	wrdreg $0xFFFFFFFF  }
0xd1: {  	_ =	task.clear_ibuf [dreg:s22], $0x2FFFF;
	_ =	strace $0x9FFFFFFF  }
0xd2: {  	(tm) =	ssettm $0x7FFFFFFF  }
0xd3: {  	_ =	shalt  }
tec
execute0_lowered:
.L_overlay_start_1:
0x0: {  	(tag) =	ssettag $0x1  }
0x1: {  	s1 =	rddreg [dreg:$0x0]  }
0x2: {  	s0 =	rddreg [dreg:$0x1]  }
0x3: {  	s3 =	rddreg [dreg:$0x2]  }
0x4: {  	s2 =	srdreg.scid;
	s8 =	stileid.u32;
	s4 =	simm.s32 $0x0  }
0x5: {  	s19 =	simm.s32 $0x7;
	s20 =	simm.s32 $0x2C00;
	s21 =	simm.s32 $0x40  }
0x6: {  	s22 =	simm.s32 $0x5800;
	s29 =	simm.s32 $0x1;
	s30 =	simm.s32 $0x4  }
0x7: {  	s31 =	simm.s32 $0x3;
	s28 =	simm.s32 $0x2800;
	s7 =	smul.u32 $0x14000, s8  }
0x8: {  	s2 =	sand.u32 $0x1, s2;
	[smem:$0x7FF] =	sst s4;
	s23 =	smul.u32 $0x50000, s8  }
0x9: {  	s5 =	smul.u32 $0x140000, s2;
	s6 =	sshll.u32 s2, $0x4;
	s2 =	ssub.s32 $0x2, s2  }
0xa: {  	_ =	strace $0x80000059;
	s6 =	sor.u32 s8, s6;
	s24 =	sshrl.u32 s2, $0x1  }
0xb: {  	s26 =	sshrl.u32 s23, $0x2;
	s23 =	simm.s32 $0x5;
	s6 =	smul.u32 $0x580, s6  }
0xc: {  	s5 =	sadd.s32 s7, s5;
	s2 =	ssub.s32 s2, s24;
	s7 =	sadd.s32 s26, s3  }
0xd: {  	s24 =	simm.s32 $0x7800;
	s26 =	simm.s32 $0x6;
	s5 =	sshrl.u32 s5, $0x3  }
0xe: {  	s9 =	smax.u32 s2, $0x1;
	s10 =	sadd.s32 $0x2000, s7;
	s11 =	sadd.s32 $0x4000, s7  }
0xf: {  	s12 =	sadd.s32 $0x6000, s7;
	s13 =	sadd.s32 $0x8000, s7;
	s14 =	sadd.s32 $0xA000, s7  }
0x10: {  	s15 =	sadd.s32 $0xC000, s7;
	s16 =	sadd.s32 $0xE000, s7;
	s6 =	sadd.s32 s6, s0  }
0x11: {  	s17 =	sadd.s32 $0x10000, s7;
	s18 =	sadd.s32 $0x12000, s7;
	s25 =	sadd.s32 $0x5F800, s6  }
0x12: {  	s0 =	sadd.s32 s5, s0;
	s6 =	sadd.s32 $0x4800, s6;
	[dreg:$0x4] =	wrdreg s25  }
0x13: {  	s2 =	simm.s32 $0x0;
	s0 =	sadd.s32 $0xE1A00, s0;
	[dreg:$0x5] =	wrdreg s6  }
0x14: {  	v0 =	vimm.f32 $0.0e+00;
	[dreg:$0x6] =	wrdreg s0;
	s25 =	simm.s32 $0x9800;
	s0 =	simm.s32 $0x2  }
.LBB2_1:
0x15: {  	s5 =	rddreg [dreg:$0x4]  }
0x16: {  	[tilespmem:s4], [sflag:$0x7] =	stream.linear.gather [hbm4b:s5+s4], $0x2880, $0x38;
	[tilespmem:$0x1F800] =	vst v63  }
0x17: {  	_ =	swait.ge [sflag:s19], $0x2880  }
0x18: {  	[sflag:s19] =	ssyncset.done $0x0  }
0x19: {  	s6 =	rddreg [dreg:$0x5];
	[sflag:s19] =	ssyncadd.s32 $0xFFFFD780  }
0x1a: {  	[tilespmem:s20], [sflag:$0x7] =	stream.linear.gather [hbm4b:s6+s4], $0x2880, $0x38;
	[tilespmem:$0x1F800] =	vst v63  }
0x1b: {  	_ =	swait.ge [sflag:s19], $0x2880  }
0x1c: {  	[sflag:s19] =	ssyncset.done $0x0  }
0x1d: {  	[sflag:s19] =	ssyncadd.s32 $0xFFFFD780  }
0x1e: {  	[tilespmem:s22], [sflag:$0x1] =	stream.indirect.gather [hbm4b:s1+s21], $0x80, s4, s21, $0xb8;
	[tilespmem:$0x1F800] =	vst v63  }
0x1f: {  	s8 =	simm.s32 $0x80;
	s5 =	simm.s32 $0x0;
	s6 =	simm.s32 $0x200  }
0x20: {  	[tilespmem:s24], [sflag:$0x2] =	stream.indirect.gather [hbm4b:s1+s21], $0x80, s8, s21, $0xb8;
	[tilespmem:$0x1F800] =	vst v63  }
.LBB2_2:
0x21: {  	p0 =	sne.s32 s6, $0x7E00;
	[tilespmem:s5+$0x9870] =	vst v0  }
0x22: {  	[tilespmem:s5+$0x9800] =	vst v0  }
0x23: {  	[tilespmem:s5+$0x9810] =	vst v0  }
.Ltmp0:
0x24: {  	[tilespmem:s5+$0x9820] =	vst v0;
	(pc) =	sbr.rel @p0 .LBB2_2-.Ltmp0, $4  }
0x25: {  	[tilespmem:s5+$0x9830] =	vst v0  }
0x26: {  	[tilespmem:s5+$0x9840] =	vst v0  }
0x27: {  	[tilespmem:s5+$0x9850] =	vst v0  }
0x28: {  	[tilespmem:s5+$0x9860] =	vst v0;
	s5 =	sshra.s32 s6, $0x2;
	s6 =	sadd.s32 $0x200, s6  }
0x29: {  	[tilespmem:s5+$0x9870] =	vst v0  }
0x2a: {  	[tilespmem:s5+$0x9800] =	vst v0  }
0x2b: {  	[tilespmem:s5+$0x9810] =	vst v0  }
0x2c: {  	[tilespmem:s5+$0x9820] =	vst v0  }
0x2d: {  	[tilespmem:s5+$0x9830] =	vst v0  }
0x2e: {  	[tilespmem:s5+$0x9840] =	vst v0  }
0x2f: {  	[tilespmem:s5+$0x9850] =	vst v0  }
0x30: {  	[tilespmem:s5+$0x9860] =	vst v0  }
0x31: {  	[spmem:s7] =	stream.linear.scatter [tilespmem:s25], [sflag:$0x6], $0x2000, $0x38;
	[tilespmem:$0x1F800] =	vst v63  }
0x32: {  	_ = 	snop  }
0x33: {  	[spmem:s10] =	stream.linear.scatter [tilespmem:s25], [sflag:$0x6], $0x2000, $0x38;
	[tilespmem:$0x1F800] =	vst v63  }
0x34: {  	_ = 	snop  }
0x35: {  	[spmem:s11] =	stream.linear.scatter [tilespmem:s25], [sflag:$0x6], $0x2000, $0x38;
	[tilespmem:$0x1F800] =	vst v63  }
0x36: {  	_ = 	snop  }
0x37: {  	[spmem:s12] =	stream.linear.scatter [tilespmem:s25], [sflag:$0x6], $0x2000, $0x38;
	[tilespmem:$0x1F800] =	vst v63  }
0x38: {  	_ = 	snop  }
0x39: {  	[spmem:s13] =	stream.linear.scatter [tilespmem:s25], [sflag:$0x6], $0x2000, $0x38;
	[tilespmem:$0x1F800] =	vst v63  }
0x3a: {  	_ = 	snop  }
0x3b: {  	[spmem:s14] =	stream.linear.scatter [tilespmem:s25], [sflag:$0x6], $0x2000, $0x38;
	[tilespmem:$0x1F800] =	vst v63  }
0x3c: {  	_ = 	snop  }
0x3d: {  	[spmem:s15] =	stream.linear.scatter [tilespmem:s25], [sflag:$0x6], $0x2000, $0x38;
	[tilespmem:$0x1F800] =	vst v63  }
0x3e: {  	_ = 	snop  }
0x3f: {  	[spmem:s16] =	stream.linear.scatter [tilespmem:s25], [sflag:$0x6], $0x2000, $0x38;
	[tilespmem:$0x1F800] =	vst v63  }
0x40: {  	_ = 	snop  }
0x41: {  	[spmem:s17] =	stream.linear.scatter [tilespmem:s25], [sflag:$0x6], $0x2000, $0x38;
	[tilespmem:$0x1F800] =	vst v63  }
0x42: {  	_ = 	snop  }
0x43: {  	[spmem:s18] =	stream.linear.scatter [tilespmem:s25], [sflag:$0x6], $0x2000, $0x38;
	[tilespmem:$0x1F800] =	vst v63  }
0x44: {  	_ =	swait.ge [sflag:s26], $0x2000  }
0x45: {  	[sflag:s26] =	ssyncset.done $0x0  }
0x46: {  	[sflag:s26] =	ssyncadd.s32 $0xFFFFE000  }
0x47: {  	_ =	swait.ge [sflag:s26], $0x2000  }
0x48: {  	[sflag:s26] =	ssyncset.done $0x0  }
0x49: {  	[sflag:s26] =	ssyncadd.s32 $0xFFFFE000  }
0x4a: {  	_ =	swait.ge [sflag:s26], $0x2000  }
0x4b: {  	[sflag:s26] =	ssyncset.done $0x0  }
0x4c: {  	[sflag:s26] =	ssyncadd.s32 $0xFFFFE000  }
0x4d: {  	_ =	swait.ge [sflag:s26], $0x2000  }
0x4e: {  	[sflag:s26] =	ssyncset.done $0x0  }
0x4f: {  	[sflag:s26] =	ssyncadd.s32 $0xFFFFE000  }
0x50: {  	_ =	swait.ge [sflag:s26], $0x2000  }
0x51: {  	[sflag:s26] =	ssyncset.done $0x0  }
0x52: {  	[sflag:s26] =	ssyncadd.s32 $0xFFFFE000  }
0x53: {  	_ =	swait.ge [sflag:s26], $0x2000  }
0x54: {  	[sflag:s26] =	ssyncset.done $0x0  }
0x55: {  	[sflag:s26] =	ssyncadd.s32 $0xFFFFE000  }
0x56: {  	_ =	swait.ge [sflag:s26], $0x2000  }
0x57: {  	[sflag:s26] =	ssyncset.done $0x0  }
0x58: {  	[sflag:s26] =	ssyncadd.s32 $0xFFFFE000  }
0x59: {  	_ =	swait.ge [sflag:s26], $0x2000  }
0x5a: {  	[sflag:s26] =	ssyncset.done $0x0  }
0x5b: {  	[sflag:s26] =	ssyncadd.s32 $0xFFFFE000  }
0x5c: {  	_ =	swait.ge [sflag:s26], $0x2000  }
0x5d: {  	[sflag:s26] =	ssyncset.done $0x0  }
0x5e: {  	[sflag:s26] =	ssyncadd.s32 $0xFFFFE000  }
0x5f: {  	_ =	swait.ge [sflag:s26], $0x2000  }
0x60: {  	[sflag:s26] =	ssyncset.done $0x0  }
0x61: {  	[sflag:s26] =	ssyncadd.s32 $0xFFFFE000  }
0x62: {  	s6 =	simm.s32 $0x100;
	[bflag:$0x0] =	sbarrier.arrive $0xFFFF  }
0x63: {  	[tilespmem:s25], [sflag:$0x3] =	stream.indirect.gather [hbm4b:s1+s21], $0x80, s6, s21, $0xb8;
	[tilespmem:$0x1F800] =	vst v63  }
0x64: {  	_ =	swait.ge [sflag:s29], $0x2000  }
0x65: {  	[sflag:s29] =	ssyncset.done $0x0  }
0x66: {  	[sflag:s29] =	ssyncadd.s32 $0xFFFFE000  }
0x67: {  	[spmem:s3] =	stream.indirect.scatter.add.f32 [tilespmem:s22], [sflag:$0x4], $0x80, s20, s21, $0xb8;
	[tilespmem:$0x1F800] =	vst v63  }
0x68: {  	_ =	swait.ge [sflag:s30], $0x2000  }
0x69: {  	[sflag:s30] =	ssyncset.done $0x0  }
0x6a: {  	s8 =	simm.s32 $0x180;
	[sflag:s30] =	ssyncadd.s32 $0xFFFFE000  }
0x6b: {  	[tilespmem:s22], [sflag:$0x1] =	stream.indirect.gather [hbm4b:s1+s21], $0x80, s8, s21, $0xb8;
	[tilespmem:$0x1F800] =	vst v63  }
0x6c: {  	_ =	swait.ge [sflag:s0], $0x2000  }
0x6d: {  	[sflag:s0] =	ssyncset.done $0x0  }
0x6e: {  	s6 =	simm.s32 $0x2C80;
	[sflag:s0] =	ssyncadd.s32 $0xFFFFE000  }
0x6f: {  	[spmem:s3] =	stream.indirect.scatter.add.f32 [tilespmem:s24], [sflag:$0x5], $0x80, s6, s21, $0xb8;
	[tilespmem:$0x1F800] =	vst v63  }
0x70: {  	_ =	swait.ge [sflag:s23], $0x2000  }
0x71: {  	[sflag:s23] =	ssyncset.done $0x0  }
0x72: {  	s8 =	simm.s32 $0x200;
	[sflag:s23] =	ssyncadd.s32 $0xFFFFE000  }
0x73: {  	[tilespmem:s24], [sflag:$0x2] =	stream.indirect.gather [hbm4b:s1+s21], $0x80, s8, s21, $0xb8;
	[tilespmem:$0x1F800] =	vst v63  }
0x74: {  	_ =	swait.ge [sflag:s31], $0x2000  }
0x75: {  	[sflag:s31] =	ssyncset.done $0x0  }
0x76: {  	s6 =	simm.s32 $0x2D00;
	[sflag:s31] =	ssyncadd.s32 $0xFFFFE000  }
0x77: {  	[spmem:s3] =	stream.indirect.scatter.add.f32 [tilespmem:s25], [sflag:$0x6], $0x80, s6, s21, $0xb8;
	[tilespmem:$0x1F800] =	vst v63  }
0x78: {  	_ =	swait.ge [sflag:s26], $0x2000  }
0x79: {  	[sflag:s26] =	ssyncset.done $0x0  }
0x7a: {  	s8 =	simm.s32 $0x280;
	[sflag:s26] =	ssyncadd.s32 $0xFFFFE000  }
0x7b: {  	[tilespmem:s25], [sflag:$0x3] =	stream.indirect.gather [hbm4b:s1+s21], $0x80, s8, s21, $0xb8;
	[tilespmem:$0x1F800] =	vst v63  }
0x7c: {  	_ =	swait.ge [sflag:s29], $0x2000  }
0x7d: {  	[sflag:s29] =	ssyncset.done $0x0  }
0x7e: {  	s6 =	simm.s32 $0x2D80;
	[sflag:s29] =	ssyncadd.s32 $0xFFFFE000  }
0x7f: {  	[spmem:s3] =	stream.indirect.scatter.add.f32 [tilespmem:s22], [sflag:$0x4], $0x80, s6, s21, $0xb8;
	[tilespmem:$0x1F800] =	vst v63  }
0x80: {  	_ =	swait.ge [sflag:s30], $0x2000  }
0x81: {  	[sflag:s30] =	ssyncset.done $0x0  }
0x82: {  	s8 =	simm.s32 $0x300;
	[sflag:s30] =	ssyncadd.s32 $0xFFFFE000  }
0x83: {  	[tilespmem:s22], [sflag:$0x1] =	stream.indirect.gather [hbm4b:s1+s21], $0x80, s8, s21, $0xb8;
	[tilespmem:$0x1F800] =	vst v63  }
0x84: {  	_ =	swait.ge [sflag:s0], $0x2000  }
0x85: {  	[sflag:s0] =	ssyncset.done $0x0  }
0x86: {  	s6 =	simm.s32 $0x2E00;
	[sflag:s0] =	ssyncadd.s32 $0xFFFFE000  }
0x87: {  	[spmem:s3] =	stream.indirect.scatter.add.f32 [tilespmem:s24], [sflag:$0x5], $0x80, s6, s21, $0xb8;
	[tilespmem:$0x1F800] =	vst v63  }
0x88: {  	_ =	swait.ge [sflag:s23], $0x2000  }
0x89: {  	[sflag:s23] =	ssyncset.done $0x0  }
0x8a: {  	s8 =	simm.s32 $0x380;
	[sflag:s23] =	ssyncadd.s32 $0xFFFFE000  }
0x8b: {  	[tilespmem:s24], [sflag:$0x2] =	stream.indirect.gather [hbm4b:s1+s21], $0x80, s8, s21, $0xb8;
	[tilespmem:$0x1F800] =	vst v63  }
0x8c: {  	_ =	swait.ge [sflag:s31], $0x2000  }
0x8d: {  	[sflag:s31] =	ssyncset.done $0x0  }
0x8e: {  	s5 =	simm.s32 $0x600;
	s6 =	simm.s32 $0x2E80;
	[sflag:s31] =	ssyncadd.s32 $0xFFFFE000  }
.LBB2_4:
0x8f: {  	[spmem:s3] =	stream.indirect.scatter.add.f32 [tilespmem:s25], [sflag:$0x6], $0x80, s6, s21, $0xb8;
	[tilespmem:$0x1F800] =	vst v63  }
0x90: {  	s6 =	smov.u32 s5  }
0x91: {  	p0 =	sne.s32 s5, $0x9000;
	s5 =	sadd.s32 $0x600, s5;
	_ =	swait.ge [sflag:s26], $0x2000  }
0x92: {  	s6 =	sshra.s32 s6, $0x2;
	[sflag:s26] =	ssyncset.done $0x0  }
0x93: {  	s8 =	sadd.s32 $0x280, s6;
	[sflag:s26] =	ssyncadd.s32 $0xFFFFE000  }
0x94: {  	[tilespmem:s25], [sflag:$0x3] =	stream.indirect.gather [hbm4b:s1+s21], $0x80, s8, s21, $0xb8;
	[tilespmem:$0x1F800] =	vst v63  }
0x95: {  	_ =	swait.ge [sflag:s29], $0x2000  }
0x96: {  	[sflag:s29] =	ssyncset.done $0x0  }
0x97: {  	s8 =	sadd.s32 $0x2D80, s6;
	[sflag:s29] =	ssyncadd.s32 $0xFFFFE000  }
0x98: {  	[spmem:s3] =	stream.indirect.scatter.add.f32 [tilespmem:s22], [sflag:$0x4], $0x80, s8, s21, $0xb8;
	[tilespmem:$0x1F800] =	vst v63  }
0x99: {  	_ =	swait.ge [sflag:s30], $0x2000  }
0x9a: {  	[sflag:s30] =	ssyncset.done $0x0  }
0x9b: {  	s8 =	sadd.s32 $0x300, s6;
	[sflag:s30] =	ssyncadd.s32 $0xFFFFE000  }
0x9c: {  	[tilespmem:s22], [sflag:$0x1] =	stream.indirect.gather [hbm4b:s1+s21], $0x80, s8, s21, $0xb8;
	[tilespmem:$0x1F800] =	vst v63  }
0x9d: {  	_ =	swait.ge [sflag:s0], $0x2000  }
0x9e: {  	[sflag:s0] =	ssyncset.done $0x0  }
0x9f: {  	s8 =	sadd.s32 $0x2E00, s6;
	[sflag:s0] =	ssyncadd.s32 $0xFFFFE000  }
0xa0: {  	[spmem:s3] =	stream.indirect.scatter.add.f32 [tilespmem:s24], [sflag:$0x5], $0x80, s8, s21, $0xb8;
	[tilespmem:$0x1F800] =	vst v63  }
0xa1: {  	_ =	swait.ge [sflag:s23], $0x2000  }
0xa2: {  	[sflag:s23] =	ssyncset.done $0x0  }
.Ltmp1:
0xa3: {  	s8 =	sadd.s32 $0x380, s6;
	[sflag:s23] =	ssyncadd.s32 $0xFFFFE000;
	(pc) =	sbr.rel @p0 .LBB2_4-.Ltmp1, $4  }
0xa4: {  	[tilespmem:s24], [sflag:$0x2] =	stream.indirect.gather [hbm4b:s1+s21], $0x80, s8, s21, $0xb8;
	[tilespmem:$0x1F800] =	vst v63  }
0xa5: {  	_ =	swait.ge [sflag:s31], $0x2000  }
0xa6: {  	[sflag:s31] =	ssyncset.done $0x0  }
0xa7: {  	s6 =	sadd.s32 $0x2E80, s6;
	[sflag:s31] =	ssyncadd.s32 $0xFFFFE000  }
0xa8: {  	[spmem:s3] =	stream.indirect.scatter.add.f32 [tilespmem:s25], [sflag:$0x6], $0x80, s6, s21, $0xb8;
	[tilespmem:$0x1F800] =	vst v63  }
0xa9: {  	_ =	swait.ge [sflag:s26], $0x2000  }
0xaa: {  	[sflag:s26] =	ssyncset.done $0x0  }
0xab: {  	[sflag:s26] =	ssyncadd.s32 $0xFFFFE000  }
0xac: {  	[tilespmem:s25], [sflag:$0x3] =	stream.indirect.gather [hbm4b:s1+s21], $0x80, s28, s21, $0xb8;
	[tilespmem:$0x1F800] =	vst v63  }
0xad: {  	_ =	swait.ge [sflag:s29], $0x2000  }
0xae: {  	[sflag:s29] =	ssyncset.done $0x0  }
0xaf: {  	s5 =	simm.s32 $0x5300;
	[sflag:s29] =	ssyncadd.s32 $0xFFFFE000  }
0xb0: {  	[spmem:s3] =	stream.indirect.scatter.add.f32 [tilespmem:s22], [sflag:$0x4], $0x80, s5, s21, $0xb8;
	[tilespmem:$0x1F800] =	vst v63  }
0xb1: {  	_ =	swait.ge [sflag:s30], $0x2000  }
0xb2: {  	[sflag:s30] =	ssyncset.done $0x0  }
0xb3: {  	[sflag:s30] =	ssyncadd.s32 $0xFFFFE000  }
0xb4: {  	[tilespmem:s22], [sflag:$0x1] =	stream.indirect.gather [hbm4b:s1+s21], $0x80, s28, s21, $0xb8;
	[tilespmem:$0x1F800] =	vst v63  }
0xb5: {  	_ =	swait.ge [sflag:s0], $0x2000  }
0xb6: {  	[sflag:s0] =	ssyncset.done $0x0  }
0xb7: {  	s8 =	simm.s32 $0x5380;
	[sflag:s0] =	ssyncadd.s32 $0xFFFFE000  }
0xb8: {  	[spmem:s3] =	stream.indirect.scatter.add.f32 [tilespmem:s24], [sflag:$0x5], $0x80, s8, s21, $0xb8;
	[tilespmem:$0x1F800] =	vst v63  }
0xb9: {  	_ =	swait.ge [sflag:s23], $0x2000  }
0xba: {  	[sflag:s23] =	ssyncset.done $0x0  }
0xbb: {  	[sflag:s23] =	ssyncadd.s32 $0xFFFFE000  }
0xbc: {  	[tilespmem:s24], [sflag:$0x2] =	stream.indirect.gather [hbm4b:s1+s21], $0x80, s28, s21, $0xb8;
	[tilespmem:$0x1F800] =	vst v63  }
0xbd: {  	_ =	swait.ge [sflag:s31], $0x2000  }
0xbe: {  	[sflag:s31] =	ssyncset.done $0x0  }
0xbf: {  	s6 =	simm.s32 $0x5400;
	[sflag:s31] =	ssyncadd.s32 $0xFFFFE000  }
0xc0: {  	[spmem:s3] =	stream.indirect.scatter.add.f32 [tilespmem:s25], [sflag:$0x6], $0x80, s6, s21, $0xb8;
	[tilespmem:$0x1F800] =	vst v63  }
0xc1: {  	_ =	swait.ge [sflag:s26], $0x2000  }
0xc2: {  	[sflag:s26] =	ssyncset.done $0x0  }
0xc3: {  	[sflag:s26] =	ssyncadd.s32 $0xFFFFE000  }
0xc4: {  	_ =	swait.ge [sflag:s29], $0x2000  }
0xc5: {  	[sflag:s29] =	ssyncset.done $0x0  }
0xc6: {  	[sflag:s29] =	ssyncadd.s32 $0xFFFFE000  }
0xc7: {  	_ =	swait.ge [sflag:s0], $0x2000  }
0xc8: {  	s8 =	stileid.u32;
	[sflag:s0] =	ssyncset.done $0x0  }
0xc9: {  	s2 =	sadd.s32 $0x1, s2;
	s5 =	sshll.u32 s8, $0x6;
	[sflag:s0] =	ssyncadd.s32 $0xFFFFE000  }
0xca: {  	p0 =	sne.s32 s2, s9;
	s5 =	sor.u32 $0x1C07, s5;
	[bflag:$0x0] =	sbarrier.arrive $0xFFFF  }
.Ltmp2:
0xcb: {  	s6 =	sshrl.u32 s7, $0x3;
	s8 =	rddreg [dreg:$0x6];
	(pc) =	sbr.rel @p0 .LBB2_1-.Ltmp2, $4  }
0xcc: {  	[hbm:s8], [sflag:s5] =	dma.local [spmem:s6], $0x2800  }
0xcd: {  	_ =	swait.ge [sflag:s19], $0x2800  }
0xce: {  	[sflag:s19] =	ssyncset.done $0x0  }
0xcf: {  	[sflag:s19] =	ssyncadd.s32 $0xFFFFD800  }
0xd0: {  	_ =	sfence.sel $0x180000  }
0xd1: {  	[bflag:$0x0] =	sbarrier.arrive $0xFFFF  }
0xd2: {  	_ =	strace $0x90000059  }
0xd3: {  	s0 =	stileid.u32;
	[bflag:$0x2] =	sbarrier.arrive $0xFFFF  }
0xd4: {  	p0 =	sne.s32 s0, $0x0;
	s0 =	rddreg [dreg:$0x3]  }
0xd5: {  	s0 =	sadd.s32 @!p0 $0x100000, s0  }
0xd6: {  	[sflag:s0] =	ssyncadd.tile.s32 @!p0 $0x1;
	_ =	shalt  }
.Lfunc_end2:
_tile_overlayer_lowered:
.L_overlay_start_2:
0xd7: {  	(tag) =	ssettag $0x2  }
0xd8: {  	s0 =	rddreg [dreg:$0x0];
	s2 =	stileid.u32  }
0xd9: {  	s1 =	rddreg [dreg:$0x1];
	p0 =	sne.s32 s2, $0x0  }
0xda: {  	s3 =	rddreg [dreg:$0x2];
	[bflag:$0x3] =	sbarrier.arrive $0xFFFF;
	s2 =	simm.s32 @!p0 $0x1C07  }
0xdb: {  	[timem:s3], [sflag:s2] =	dma.local @!p0 [hbm:s0], s1  }
0xdc: {  	s0 =	simm.s32 @!p0 $0x7  }
0xdd: {  	_ =	swait.ge @!p0 [sflag:s0], s1  }
0xde: {  	s1 =	ssub.s32 @!p0 $0x0, s1;
	[sflag:s0] =	ssyncset.done @!p0 $0x0  }
0xdf: {  	[sflag:s0] =	ssyncadd.s32 @!p0 s1  }
0xe0: {  	[bflag:$0x3] =	sbarrier.arrive $0xFFFF  }
0xe1: {  	_ =	shalt  }

// kernel: kernel.30.cloned.1.call-start
scs
__scs_entry_jumppad:
0x0: {  	(pc) =	sbr.rel $0x88, $3  }
0x1: {  	(tag) =	ssettag $0x0;
	lr =	simm.s32 $0x1  }
0x2: {  	[smem:$0x3F9B] =	sst lr;
	_ =	strace $0xD0000000  }
0x3: {  	_ = 	snop  }
0x4: {  	_ = 	snop  }
0x5: {  	_ = 	snop  }
0x6: {  	_ = 	snop  }
0x7: {  	_ = 	snop  }
__scs_overlays_trampoline_lowered:
0x8: {  	[smem:$0x3FAA] =	sst s0  }
0x9: {  	[smem:$0x3FAB] =	sst s1  }
0xa: {  	[smem:$0x3FAC] =	sst s2  }
0xb: {  	[smem:$0x3FAD] =	sst s3  }
0xc: {  	[smem:$0x3FAE] =	sst s4  }
0xd: {  	[smem:$0x3FAF] =	sst s5  }
0xe: {  	[smem:$0x3FB0] =	sst s6  }
0xf: {  	[smem:$0x3FB1] =	sst s7  }
0x10: {  	[smem:$0x3FB2] =	sst s8  }
0x11: {  	[smem:$0x3FB3] =	sst s9;
	s0 =	simm.s32 @!p0 $0x0  }
0x12: {  	s1 =	sld [smem:$0x3F99];
	s0 =	simm.s32 @p0 $0x1  }
0x13: {  	[smem:$0x3FB4] =	sst s0;
	s0 =	simm.s32 @!p1 $0x0  }
0x14: {  	s2 =	sld [smem:$0x3F98];
	s0 =	simm.s32 @p1 $0x1  }
0x15: {  	[smem:$0x3FB5] =	sst s0;
	s0 =	simm.s32 @!p2 $0x0  }
0x16: {  	s3 =	sld [smem:$0x3FDB];
	s0 =	simm.s32 @p2 $0x1  }
0x17: {  	s4 =	simm.s32 $0x1BF5;
	[smem:$0x3FB7] =	sst s0  }
0x18: {  	s0 =	sld [smem:$0x3F9A];
	_ =	swait.ge [sflag:s4], $0x0  }
0x19: {  	s7 =	sld [smem:$0x3F9B]  }
0x1a: {  	s8 =	sadd.s32 $0xFFFFE003, lr  }
0x1b: {  	s9 =	sadd.s32 $0xFFFFFEF7, lr;
	s5 =	simm.s32 $0xFFFFFFFF;
	p2 =	slt.u32 s8, $0xFFFFF086  }
0x1c: {  	p1 =	slt.u32 s9, $0xF7A;
	s5 =	simm.s32 @!p2 $0x0  }
0x1d: {  	s5 =	simm.s32 @p1 $0x1;
	p0 =	seq.s32 s7, s2  }
0x1e: {  	s7 =	smul.u32 @!p0 $0xF7A, s2;
	p2 =	seq.s32 @!p0 s5, $0x0  }
0x1f: {  	s9 =	smul.u32 $0xF7A, s1;
	s8 =	simm.s32 @!p0 $0x1BF5;
	p2 =	por !p2, p0  }
0x20: {  	[sflag:s8] =	ssyncset.s32 @!p0 $0xFFFFF086;
	s6 =	sadd.s32 @!p0 s3, s7;
	s7 =	simm.s32 @!p0 $0x108  }
0x21: {  	s3 =	sadd.s32 s3, s9;
	s6 =	sadd.s32 @!p0 $0x88, s6;
	s7 =	simm.s32 @p2 $0x1082  }
0x22: {  	[simem:s7], [sflag:s8] =	dma.local @!p0 [hbm:s6], $0xF7A  }
0x23: {  	s9 =	sor.u32 $0xD0000000, s2;
	s6 =	simm.s32 $0x108;
	_ =	swait.ge @!p0 [sflag:s8], $0x0  }
0x24: {  	s3 =	sadd.s32 $0x88, s3;
	s6 =	simm.s32 @!p1 $0x1082;
	[sflag:s4] =	ssyncset.s32 $0xFFFFF086  }
0x25: {  	[simem:s6], [sflag:s4] =	dma.local [hbm:s3], $0xF7A  }
0x26: {  	[smem:$0x3F9B] =	sst s1;
	(tag) =	ssettag s2;
	_ =	strace s9  }
0x27: {  	s1 =	sld [smem:$0x3FAB]  }
0x28: {  	s2 =	sld [smem:$0x3FAC]  }
0x29: {  	s4 =	sld [smem:$0x3FAE]  }
0x2a: {  	p0 =	seq.s32 s5, $0x0;
	s5 =	sld [smem:$0x3FAF]  }
0x2b: {  	s6 =	sld [smem:$0x3FB0]  }
0x2c: {  	s7 =	sld [smem:$0x3FB1]  }
0x2d: {  	s3 =	simm.s32 $0x108;
	s8 =	sld [smem:$0x3FB2]  }
0x2e: {  	s3 =	simm.s32 @!p0 $0x1082;
	s9 =	sld [smem:$0x3FB3]  }
0x2f: {  	lr =	sadd.s32 s0, s3;
	s0 =	sld [smem:$0x3FAA]  }
0x30: {  	s3 =	sld [smem:$0x3FAD]  }
0x31: {  	[smem:$0x3FB6] =	sst s10  }
0x32: {  	s10 =	sld [smem:$0x3FB4];
	_ =	sdelay $0x3  }
0x33: {  	p0 =	seq.s32 s10, $0x1;
	s10 =	sld [smem:$0x3FB6];
	_ =	sdelay $0x3  }
0x34: {  	[smem:$0x3FB6] =	sst s10  }
0x35: {  	s10 =	sld [smem:$0x3FB5];
	_ =	sdelay $0x3  }
0x36: {  	p1 =	seq.s32 s10, $0x1;
	s10 =	sld [smem:$0x3FB6];
	_ =	sdelay $0x3  }
0x37: {  	[smem:$0x3FB6] =	sst s10  }
0x38: {  	s10 =	sld [smem:$0x3FB7]  }
0x39: {  	_ = 	snop;
	(pc) =	sbr.ind lr, $3  }
0x3a: {  	_ = 	snop  }
0x3b: {  	_ = 	snop  }
0x3c: {  	p2 =	seq.s32 s10, $0x1;
	s10 =	sld [smem:$0x3FB6]  }
0x3d: {  	_ =	shalt  }
0x3e: {  	_ =	shalt  }
0x3f: {  	_ =	shalt  }
0x40: {  	_ =	shalt  }
0x41: {  	_ =	shalt  }
0x42: {  	_ =	shalt  }
0x43: {  	_ =	shalt  }
0x44: {  	_ =	shalt  }
0x45: {  	_ =	shalt  }
0x46: {  	_ =	shalt  }
0x47: {  	_ =	shalt  }
0x48: {  	_ =	shalt  }
0x49: {  	_ =	shalt  }
0x4a: {  	_ =	shalt  }
0x4b: {  	_ =	shalt  }
0x4c: {  	_ =	shalt  }
0x4d: {  	_ =	shalt  }
0x4e: {  	_ =	shalt  }
0x4f: {  	_ =	shalt  }
0x50: {  	_ =	shalt  }
0x51: {  	_ =	shalt  }
0x52: {  	_ =	shalt  }
0x53: {  	_ =	shalt  }
0x54: {  	_ =	shalt  }
0x55: {  	_ =	shalt  }
0x56: {  	_ =	shalt  }
0x57: {  	_ =	shalt  }
0x58: {  	_ =	shalt  }
0x59: {  	_ =	shalt  }
0x5a: {  	_ =	shalt  }
0x5b: {  	_ =	shalt  }
0x5c: {  	_ =	shalt  }
0x5d: {  	_ =	shalt  }
0x5e: {  	_ =	shalt  }
0x5f: {  	_ =	shalt  }
0x60: {  	_ =	shalt  }
0x61: {  	_ =	shalt  }
0x62: {  	_ =	shalt  }
0x63: {  	_ =	shalt  }
0x64: {  	_ =	shalt  }
0x65: {  	_ =	shalt  }
0x66: {  	_ =	shalt  }
0x67: {  	_ =	shalt  }
0x68: {  	_ =	shalt  }
0x69: {  	_ =	shalt  }
0x6a: {  	_ =	shalt  }
0x6b: {  	_ =	shalt  }
0x6c: {  	_ =	shalt  }
0x6d: {  	_ =	shalt  }
0x6e: {  	_ =	shalt  }
0x6f: {  	_ =	shalt  }
0x70: {  	_ =	shalt  }
0x71: {  	_ =	shalt  }
0x72: {  	_ =	shalt  }
0x73: {  	_ =	shalt  }
0x74: {  	_ =	shalt  }
0x75: {  	_ =	shalt  }
0x76: {  	_ =	shalt  }
0x77: {  	_ =	shalt  }
0x78: {  	_ =	shalt  }
0x79: {  	_ =	shalt  }
0x7a: {  	_ =	shalt  }
0x7b: {  	_ =	shalt  }
0x7c: {  	_ =	shalt  }
0x7d: {  	_ =	shalt  }
0x7e: {  	_ =	shalt  }
0x7f: {  	_ =	shalt  }
0x80: {  	_ =	shalt  }
0x81: {  	_ =	shalt  }
0x82: {  	_ =	shalt  }
0x83: {  	_ =	shalt  }
0x84: {  	_ =	shalt  }
0x85: {  	_ =	shalt  }
0x86: {  	_ =	shalt  }
0x87: {  	_ =	shalt  }
.Lfunc_end0:
.L_simem_size_0:
called_computation.6_lowered:
.L_overlay_start_0:
0x88: {  	s2 =	sld [smem:$0x3FD9]  }
0x89: {  	s3 =	sld [smem:$0x3FFE];
	_ =	sdelay $0x1  }
0x8a: {  	s1 =	srdreg.scid  }
0x8b: {  	s0 =	sand.u32 $0x1, s1  }
0x8c: {  	s16 =	sshll.u32 s0, $0xA;
	s2 =	sadd.s32 s3, s2  }
0x8d: {  	s2 =	sadd.s32 s2, s16  }
0x8e: {  	[smem:$0x3FC2] =	sst s2  }
0x8f: {  	_ = 	snop  }
0x90: {  	(tm) =	ssettm $0x1  }
0x91: {  	s17 =	sld [smem:$0x3FFB];
	_ =	sdelay $0x3  }
0x92: {  	_ =	strace s17  }
0x93: {  	s2 =	sld [smem:$0x3FFC];
	_ =	sdelay $0x3  }
0x94: {  	_ =	strace s2  }
0x95: {  	s2 =	sld [smem:$0x3FFD];
	_ =	sdelay $0x3  }
0x96: {  	_ =	strace s2  }
0x97: {  	_ =	strace $0x8FFFFFFF  }
0x98: {  	s18 =	sld [smem:$0x3FDB];
	_ =	sdelay $0x1  }
0x99: {  	s19 =	simm.s32 $_scs_section_size  }
0x9a: {  	s4 =	simm.s32 $_size__tile_overlayer_lowered;
	s5 =	simm.s32 $_tile_overlayer_lowered  }
0x9b: {  	s22 =	simm.s32 $0x1BFF;
	s21 =	sshll.u32 s5, $0x1;
	s2 =	sadd.s32 s19, s18  }
0x9c: {  	s6 =	simm.s32 $0x0;
	s20 =	sshll.u32 s4, $0x1;
	s4 =	sadd.s32 s21, s2  }
0x9d: {  	[timem:s6], [sflag:s22] =	dma.local [hbm:s4], s20  }
0x9e: {  	_ =	swait.ge [sflag:s22], s20  }
0x9f: {  	s3 =	ssub.s32 $0x0, s20;
	[sflag:s22] =	ssyncset.done $0x0  }
0xa0: {  	[sflag:s22] =	ssyncadd.s32 s3;
	_ =	sdelay $0x1  }
0xa1: {  	s23 =	simm.s32 $0x1B8B  }
0xa2: {  	_ =	swait.ge [sflag:s23], $0x1  }
0xa3: {  	[sflag:s23] =	ssyncset.done $0x0  }
0xa4: {  	s25 =	simm.s32 $0x1B8E;
	s24 =	sld [smem:$0x3FFE];
	[sflag:s23] =	ssyncadd.s32 $0xFFFFFFFF  }
0xa5: {  	s26 =	simm.s32 $execute0_lowered;
	[smem:$0x3FD2] =	sst s25  }
0xa6: {  	s4 =	sshll.u32 s26, $0x1;
	_ =	strace $0x80000055;
	[dreg:$0x1] =	wrdreg $0xFFFFFFFF  }
0xa7: {  	s28 =	simm.s32 $_size_execute0_lowered;
	s2 =	sadd.s32 s2, s4;
	[dreg:$0x0] =	wrdreg $0x0  }
0xa8: {  	s4 =	sshll.u32 s28, $0x1;
	[dreg:$0x2] =	wrdreg s2  }
0xa9: {  	[dreg:$0x3] =	wrdreg s4  }
0xaa: {  	[dreg:$0x4] =	wrdreg $0xC0  }
0xab: {  	_ =	task [dreg:s6], $0x5FFFF  }
0xac: {  	[dreg:$0x1] =	wrdreg $0xFFFFFFFF  }
0xad: {  	[dreg:$0x0] =	wrdreg $0x60  }
0xae: {  	[dreg:$0x2] =	wrdreg s24  }
0xaf: {  	[dreg:$0x3] =	wrdreg $0xB8000  }
0xb0: {  	[dreg:$0x4] =	wrdreg $0xA  }
0xb1: {  	_ =	task.clear_ibuf [dreg:s6], $0x5FFFF;
	_ =	strace $0x90000055  }
0xb2: {  	s29 =	simm.s32 $0xA;
	_ =	strace $0x80000057  }
0xb3: {  	_ =	swait.ge [sflag:s29], $0x1  }
0xb4: {  	[sflag:s29] =	ssyncadd.s32 $0xFFFFFFFF  }
0xb5: {  	_ =	strace $0x90000057  }
0xb6: {  	_ =	sfence  }
0xb7: {  	s30 =	sld [smem:$0x0];
	_ =	sdelay $0x2  }
0xb8: {  	s31 =	sshll.u32 s1, $0xD;
	s1 =	sshrl.u32 s1, $0x2  }
0xb9: {  	s3 =	sand.u32 $0x4000, s31;
	s1 =	sadd.s32 s1, s30  }
0xba: {  	s0 =	sor.u32 s3, s0;
	s1 =	sshll.u32 s1, $0x11  }
0xbb: {  	s0 =	sor.u32 s1, s0  }
0xbc: {  	s0 =	sadd.s32 $0x8F2B, s0  }
0xbd: {  	[sflag:s0] =	ssyncadd.remote.s32 $0x1  }
0xbe: {  	_ =	sfence.sel $0xFFFF  }
0xbf: {  	[dreg:$0x0] =	wrdreg $0xFFFFFFFF;
	(pc) =	sbr.abs _section_cstart, $3  }
0xc0: {  	[dreg:$0x1] =	wrdreg $0xFFFFFFFF  }
0xc1: {  	_ =	task.clear_ibuf [dreg:s6], $0x2FFFF;
	_ =	strace $0x9FFFFFFF  }
0xc2: {  	(tm) =	ssettm $0x7FFFFFFF  }
0xc3: {  	_ =	shalt  }
tec
execute0_lowered:
.L_overlay_start_1:
0x0: {  	(tag) =	ssettag $0x1  }
0x1: {  	s0 =	rddreg [dreg:$0x0]  }
0x2: {  	s1 =	rddreg [dreg:$0x1];
	s2 =	srdreg.scid  }
0x3: {  	s3 =	simm.s32 $0x0;
	s8 =	stileid.u32;
	s19 =	simm.s32 $0x7  }
0x4: {  	s20 =	simm.s32 $0x2C00;
	s21 =	simm.s32 $0x40;
	s29 =	simm.s32 $0x1  }
0x5: {  	s30 =	simm.s32 $0x4;
	s31 =	simm.s32 $0x3;
	s6 =	smul.u32 $0x14000, s8  }
0x6: {  	s28 =	simm.s32 $0x2800;
	s2 =	sand.u32 $0x1, s2;
	s22 =	smul.u32 $0x50000, s8  }
0x7: {  	[smem:$0x7FF] =	sst s3;
	s5 =	smul.u32 $0x140000, s2;
	s4 =	sshll.u32 s2, $0x4  }
0x8: {  	_ =	strace $0x80000056;
	s2 =	ssub.s32 $0x2, s2;
	s7 =	sor.u32 s8, s4  }
0x9: {  	s4 =	sadd.s32 $0x6A800, s0;
	s23 =	sshrl.u32 s2, $0x1;
	s7 =	smul.u32 $0x580, s7  }
0xa: {  	s25 =	sshrl.u32 s22, $0x2;
	s22 =	simm.s32 $0x5800;
	s5 =	sadd.s32 s6, s5  }
0xb: {  	s2 =	ssub.s32 s2, s23;
	s23 =	simm.s32 $0x5;
	s7 =	sadd.s32 s7, s0  }
0xc: {  	s5 =	sshrl.u32 s5, $0x3;
	s9 =	smax.u32 s2, $0x1;
	s24 =	sadd.s32 $0x5F800, s7  }
0xd: {  	s0 =	sadd.s32 s5, s0;
	s26 =	sadd.s32 $0x4800, s7;
	[dreg:$0x3] =	wrdreg s24  }
0xe: {  	s2 =	simm.s32 $0x0;
	s0 =	sadd.s32 $0x91A00, s0;
	[dreg:$0x4] =	wrdreg s26  }
0xf: {  	s7 =	sadd.s32 s25, s1;
	s25 =	simm.s32 $0x9800;
	[dreg:$0x5] =	wrdreg s0  }
0x10: {  	s10 =	sadd.s32 $0x2000, s7;
	s11 =	sadd.s32 $0x4000, s7;
	s12 =	sadd.s32 $0x6000, s7  }
0x11: {  	s13 =	sadd.s32 $0x8000, s7;
	s14 =	sadd.s32 $0xA000, s7;
	s15 =	sadd.s32 $0xC000, s7  }
0x12: {  	s16 =	sadd.s32 $0xE000, s7;
	s17 =	sadd.s32 $0x10000, s7;
	s18 =	sadd.s32 $0x12000, s7  }
0x13: {  	v0 =	vimm.f32 $0.0e+00;
	s24 =	simm.s32 $0x7800;
	s26 =	simm.s32 $0x6;
	s0 =	simm.s32 $0x2  }
.LBB2_1:
0x14: {  	s5 =	rddreg [dreg:$0x3]  }
0x15: {  	[tilespmem:s3], [sflag:$0x7] =	stream.linear.gather [hbm4b:s5+s3], $0x2880, $0x38;
	[tilespmem:$0x1F800] =	vst v63  }
0x16: {  	_ =	swait.ge [sflag:s19], $0x2880  }
0x17: {  	[sflag:s19] =	ssyncset.done $0x0  }
0x18: {  	s6 =	rddreg [dreg:$0x4];
	[sflag:s19] =	ssyncadd.s32 $0xFFFFD780  }
0x19: {  	[tilespmem:s20], [sflag:$0x7] =	stream.linear.gather [hbm4b:s6+s3], $0x2880, $0x38;
	[tilespmem:$0x1F800] =	vst v63  }
0x1a: {  	_ =	swait.ge [sflag:s19], $0x2880  }
0x1b: {  	[sflag:s19] =	ssyncset.done $0x0  }
0x1c: {  	[sflag:s19] =	ssyncadd.s32 $0xFFFFD780  }
0x1d: {  	[tilespmem:s22], [sflag:$0x1] =	stream.indirect.gather [hbm4b:s4+s21], $0x80, s3, s21, $0xb8;
	[tilespmem:$0x1F800] =	vst v63  }
0x1e: {  	s8 =	simm.s32 $0x80;
	s5 =	simm.s32 $0x0;
	s6 =	simm.s32 $0x200  }
0x1f: {  	[tilespmem:s24], [sflag:$0x2] =	stream.indirect.gather [hbm4b:s4+s21], $0x80, s8, s21, $0xb8;
	[tilespmem:$0x1F800] =	vst v63  }
.LBB2_2:
0x20: {  	p0 =	sne.s32 s6, $0x7E00;
	[tilespmem:s5+$0x9870] =	vst v0  }
0x21: {  	[tilespmem:s5+$0x9800] =	vst v0  }
0x22: {  	[tilespmem:s5+$0x9810] =	vst v0  }
.Ltmp0:
0x23: {  	[tilespmem:s5+$0x9820] =	vst v0;
	(pc) =	sbr.rel @p0 .LBB2_2-.Ltmp0, $4  }
0x24: {  	[tilespmem:s5+$0x9830] =	vst v0  }
0x25: {  	[tilespmem:s5+$0x9840] =	vst v0  }
0x26: {  	[tilespmem:s5+$0x9850] =	vst v0  }
0x27: {  	[tilespmem:s5+$0x9860] =	vst v0;
	s5 =	sshra.s32 s6, $0x2;
	s6 =	sadd.s32 $0x200, s6  }
0x28: {  	[tilespmem:s5+$0x9870] =	vst v0  }
0x29: {  	[tilespmem:s5+$0x9800] =	vst v0  }
0x2a: {  	[tilespmem:s5+$0x9810] =	vst v0  }
0x2b: {  	[tilespmem:s5+$0x9820] =	vst v0  }
0x2c: {  	[tilespmem:s5+$0x9830] =	vst v0  }
0x2d: {  	[tilespmem:s5+$0x9840] =	vst v0  }
0x2e: {  	[tilespmem:s5+$0x9850] =	vst v0  }
0x2f: {  	[tilespmem:s5+$0x9860] =	vst v0  }
0x30: {  	[spmem:s7] =	stream.linear.scatter [tilespmem:s25], [sflag:$0x6], $0x2000, $0x38;
	[tilespmem:$0x1F800] =	vst v63  }
0x31: {  	_ = 	snop  }
0x32: {  	[spmem:s10] =	stream.linear.scatter [tilespmem:s25], [sflag:$0x6], $0x2000, $0x38;
	[tilespmem:$0x1F800] =	vst v63  }
0x33: {  	_ = 	snop  }
0x34: {  	[spmem:s11] =	stream.linear.scatter [tilespmem:s25], [sflag:$0x6], $0x2000, $0x38;
	[tilespmem:$0x1F800] =	vst v63  }
0x35: {  	_ = 	snop  }
0x36: {  	[spmem:s12] =	stream.linear.scatter [tilespmem:s25], [sflag:$0x6], $0x2000, $0x38;
	[tilespmem:$0x1F800] =	vst v63  }
0x37: {  	_ = 	snop  }
0x38: {  	[spmem:s13] =	stream.linear.scatter [tilespmem:s25], [sflag:$0x6], $0x2000, $0x38;
	[tilespmem:$0x1F800] =	vst v63  }
0x39: {  	_ = 	snop  }
0x3a: {  	[spmem:s14] =	stream.linear.scatter [tilespmem:s25], [sflag:$0x6], $0x2000, $0x38;
	[tilespmem:$0x1F800] =	vst v63  }
0x3b: {  	_ = 	snop  }
0x3c: {  	[spmem:s15] =	stream.linear.scatter [tilespmem:s25], [sflag:$0x6], $0x2000, $0x38;
	[tilespmem:$0x1F800] =	vst v63  }
0x3d: {  	_ = 	snop  }
0x3e: {  	[spmem:s16] =	stream.linear.scatter [tilespmem:s25], [sflag:$0x6], $0x2000, $0x38;
	[tilespmem:$0x1F800] =	vst v63  }
0x3f: {  	_ = 	snop  }
0x40: {  	[spmem:s17] =	stream.linear.scatter [tilespmem:s25], [sflag:$0x6], $0x2000, $0x38;
	[tilespmem:$0x1F800] =	vst v63  }
0x41: {  	_ = 	snop  }
0x42: {  	[spmem:s18] =	stream.linear.scatter [tilespmem:s25], [sflag:$0x6], $0x2000, $0x38;
	[tilespmem:$0x1F800] =	vst v63  }
0x43: {  	_ =	swait.ge [sflag:s26], $0x2000  }
0x44: {  	[sflag:s26] =	ssyncset.done $0x0  }
0x45: {  	[sflag:s26] =	ssyncadd.s32 $0xFFFFE000  }
0x46: {  	_ =	swait.ge [sflag:s26], $0x2000  }
0x47: {  	[sflag:s26] =	ssyncset.done $0x0  }
0x48: {  	[sflag:s26] =	ssyncadd.s32 $0xFFFFE000  }
0x49: {  	_ =	swait.ge [sflag:s26], $0x2000  }
0x4a: {  	[sflag:s26] =	ssyncset.done $0x0  }
0x4b: {  	[sflag:s26] =	ssyncadd.s32 $0xFFFFE000  }
0x4c: {  	_ =	swait.ge [sflag:s26], $0x2000  }
0x4d: {  	[sflag:s26] =	ssyncset.done $0x0  }
0x4e: {  	[sflag:s26] =	ssyncadd.s32 $0xFFFFE000  }
0x4f: {  	_ =	swait.ge [sflag:s26], $0x2000  }
0x50: {  	[sflag:s26] =	ssyncset.done $0x0  }
0x51: {  	[sflag:s26] =	ssyncadd.s32 $0xFFFFE000  }
0x52: {  	_ =	swait.ge [sflag:s26], $0x2000  }
0x53: {  	[sflag:s26] =	ssyncset.done $0x0  }
0x54: {  	[sflag:s26] =	ssyncadd.s32 $0xFFFFE000  }
0x55: {  	_ =	swait.ge [sflag:s26], $0x2000  }
0x56: {  	[sflag:s26] =	ssyncset.done $0x0  }
0x57: {  	[sflag:s26] =	ssyncadd.s32 $0xFFFFE000  }
0x58: {  	_ =	swait.ge [sflag:s26], $0x2000  }
0x59: {  	[sflag:s26] =	ssyncset.done $0x0  }
0x5a: {  	[sflag:s26] =	ssyncadd.s32 $0xFFFFE000  }
0x5b: {  	_ =	swait.ge [sflag:s26], $0x2000  }
0x5c: {  	[sflag:s26] =	ssyncset.done $0x0  }
0x5d: {  	[sflag:s26] =	ssyncadd.s32 $0xFFFFE000  }
0x5e: {  	_ =	swait.ge [sflag:s26], $0x2000  }
0x5f: {  	[sflag:s26] =	ssyncset.done $0x0  }
0x60: {  	[sflag:s26] =	ssyncadd.s32 $0xFFFFE000  }
0x61: {  	s6 =	simm.s32 $0x100;
	[bflag:$0x0] =	sbarrier.arrive $0xFFFF  }
0x62: {  	[tilespmem:s25], [sflag:$0x3] =	stream.indirect.gather [hbm4b:s4+s21], $0x80, s6, s21, $0xb8;
	[tilespmem:$0x1F800] =	vst v63  }
0x63: {  	_ =	swait.ge [sflag:s29], $0x2000  }
0x64: {  	[sflag:s29] =	ssyncset.done $0x0  }
0x65: {  	[sflag:s29] =	ssyncadd.s32 $0xFFFFE000  }
0x66: {  	[spmem:s1] =	stream.indirect.scatter.add.f32 [tilespmem:s22], [sflag:$0x4], $0x80, s20, s21, $0xb8;
	[tilespmem:$0x1F800] =	vst v63  }
0x67: {  	_ =	swait.ge [sflag:s30], $0x2000  }
0x68: {  	[sflag:s30] =	ssyncset.done $0x0  }
0x69: {  	s8 =	simm.s32 $0x180;
	[sflag:s30] =	ssyncadd.s32 $0xFFFFE000  }
0x6a: {  	[tilespmem:s22], [sflag:$0x1] =	stream.indirect.gather [hbm4b:s4+s21], $0x80, s8, s21, $0xb8;
	[tilespmem:$0x1F800] =	vst v63  }
0x6b: {  	_ =	swait.ge [sflag:s0], $0x2000  }
0x6c: {  	[sflag:s0] =	ssyncset.done $0x0  }
0x6d: {  	s6 =	simm.s32 $0x2C80;
	[sflag:s0] =	ssyncadd.s32 $0xFFFFE000  }
0x6e: {  	[spmem:s1] =	stream.indirect.scatter.add.f32 [tilespmem:s24], [sflag:$0x5], $0x80, s6, s21, $0xb8;
	[tilespmem:$0x1F800] =	vst v63  }
0x6f: {  	_ =	swait.ge [sflag:s23], $0x2000  }
0x70: {  	[sflag:s23] =	ssyncset.done $0x0  }
0x71: {  	s8 =	simm.s32 $0x200;
	[sflag:s23] =	ssyncadd.s32 $0xFFFFE000  }
0x72: {  	[tilespmem:s24], [sflag:$0x2] =	stream.indirect.gather [hbm4b:s4+s21], $0x80, s8, s21, $0xb8;
	[tilespmem:$0x1F800] =	vst v63  }
0x73: {  	_ =	swait.ge [sflag:s31], $0x2000  }
0x74: {  	[sflag:s31] =	ssyncset.done $0x0  }
0x75: {  	s6 =	simm.s32 $0x2D00;
	[sflag:s31] =	ssyncadd.s32 $0xFFFFE000  }
0x76: {  	[spmem:s1] =	stream.indirect.scatter.add.f32 [tilespmem:s25], [sflag:$0x6], $0x80, s6, s21, $0xb8;
	[tilespmem:$0x1F800] =	vst v63  }
0x77: {  	_ =	swait.ge [sflag:s26], $0x2000  }
0x78: {  	[sflag:s26] =	ssyncset.done $0x0  }
0x79: {  	s8 =	simm.s32 $0x280;
	[sflag:s26] =	ssyncadd.s32 $0xFFFFE000  }
0x7a: {  	[tilespmem:s25], [sflag:$0x3] =	stream.indirect.gather [hbm4b:s4+s21], $0x80, s8, s21, $0xb8;
	[tilespmem:$0x1F800] =	vst v63  }
0x7b: {  	_ =	swait.ge [sflag:s29], $0x2000  }
0x7c: {  	[sflag:s29] =	ssyncset.done $0x0  }
0x7d: {  	s6 =	simm.s32 $0x2D80;
	[sflag:s29] =	ssyncadd.s32 $0xFFFFE000  }
0x7e: {  	[spmem:s1] =	stream.indirect.scatter.add.f32 [tilespmem:s22], [sflag:$0x4], $0x80, s6, s21, $0xb8;
	[tilespmem:$0x1F800] =	vst v63  }
0x7f: {  	_ =	swait.ge [sflag:s30], $0x2000  }
0x80: {  	[sflag:s30] =	ssyncset.done $0x0  }
0x81: {  	s8 =	simm.s32 $0x300;
	[sflag:s30] =	ssyncadd.s32 $0xFFFFE000  }
0x82: {  	[tilespmem:s22], [sflag:$0x1] =	stream.indirect.gather [hbm4b:s4+s21], $0x80, s8, s21, $0xb8;
	[tilespmem:$0x1F800] =	vst v63  }
0x83: {  	_ =	swait.ge [sflag:s0], $0x2000  }
0x84: {  	[sflag:s0] =	ssyncset.done $0x0  }
0x85: {  	s6 =	simm.s32 $0x2E00;
	[sflag:s0] =	ssyncadd.s32 $0xFFFFE000  }
0x86: {  	[spmem:s1] =	stream.indirect.scatter.add.f32 [tilespmem:s24], [sflag:$0x5], $0x80, s6, s21, $0xb8;
	[tilespmem:$0x1F800] =	vst v63  }
0x87: {  	_ =	swait.ge [sflag:s23], $0x2000  }
0x88: {  	[sflag:s23] =	ssyncset.done $0x0  }
0x89: {  	s8 =	simm.s32 $0x380;
	[sflag:s23] =	ssyncadd.s32 $0xFFFFE000  }
0x8a: {  	[tilespmem:s24], [sflag:$0x2] =	stream.indirect.gather [hbm4b:s4+s21], $0x80, s8, s21, $0xb8;
	[tilespmem:$0x1F800] =	vst v63  }
0x8b: {  	_ =	swait.ge [sflag:s31], $0x2000  }
0x8c: {  	[sflag:s31] =	ssyncset.done $0x0  }
0x8d: {  	s5 =	simm.s32 $0x600;
	s6 =	simm.s32 $0x2E80;
	[sflag:s31] =	ssyncadd.s32 $0xFFFFE000  }
.LBB2_4:
0x8e: {  	[spmem:s1] =	stream.indirect.scatter.add.f32 [tilespmem:s25], [sflag:$0x6], $0x80, s6, s21, $0xb8;
	[tilespmem:$0x1F800] =	vst v63  }
0x8f: {  	s6 =	smov.u32 s5  }
0x90: {  	p0 =	sne.s32 s5, $0x9000;
	s5 =	sadd.s32 $0x600, s5;
	_ =	swait.ge [sflag:s26], $0x2000  }
0x91: {  	s6 =	sshra.s32 s6, $0x2;
	[sflag:s26] =	ssyncset.done $0x0  }
0x92: {  	s8 =	sadd.s32 $0x280, s6;
	[sflag:s26] =	ssyncadd.s32 $0xFFFFE000  }
0x93: {  	[tilespmem:s25], [sflag:$0x3] =	stream.indirect.gather [hbm4b:s4+s21], $0x80, s8, s21, $0xb8;
	[tilespmem:$0x1F800] =	vst v63  }
0x94: {  	_ =	swait.ge [sflag:s29], $0x2000  }
0x95: {  	[sflag:s29] =	ssyncset.done $0x0  }
0x96: {  	s8 =	sadd.s32 $0x2D80, s6;
	[sflag:s29] =	ssyncadd.s32 $0xFFFFE000  }
0x97: {  	[spmem:s1] =	stream.indirect.scatter.add.f32 [tilespmem:s22], [sflag:$0x4], $0x80, s8, s21, $0xb8;
	[tilespmem:$0x1F800] =	vst v63  }
0x98: {  	_ =	swait.ge [sflag:s30], $0x2000  }
0x99: {  	[sflag:s30] =	ssyncset.done $0x0  }
0x9a: {  	s8 =	sadd.s32 $0x300, s6;
	[sflag:s30] =	ssyncadd.s32 $0xFFFFE000  }
0x9b: {  	[tilespmem:s22], [sflag:$0x1] =	stream.indirect.gather [hbm4b:s4+s21], $0x80, s8, s21, $0xb8;
	[tilespmem:$0x1F800] =	vst v63  }
0x9c: {  	_ =	swait.ge [sflag:s0], $0x2000  }
0x9d: {  	[sflag:s0] =	ssyncset.done $0x0  }
0x9e: {  	s8 =	sadd.s32 $0x2E00, s6;
	[sflag:s0] =	ssyncadd.s32 $0xFFFFE000  }
0x9f: {  	[spmem:s1] =	stream.indirect.scatter.add.f32 [tilespmem:s24], [sflag:$0x5], $0x80, s8, s21, $0xb8;
	[tilespmem:$0x1F800] =	vst v63  }
0xa0: {  	_ =	swait.ge [sflag:s23], $0x2000  }
0xa1: {  	[sflag:s23] =	ssyncset.done $0x0  }
.Ltmp1:
0xa2: {  	s8 =	sadd.s32 $0x380, s6;
	[sflag:s23] =	ssyncadd.s32 $0xFFFFE000;
	(pc) =	sbr.rel @p0 .LBB2_4-.Ltmp1, $4  }
0xa3: {  	[tilespmem:s24], [sflag:$0x2] =	stream.indirect.gather [hbm4b:s4+s21], $0x80, s8, s21, $0xb8;
	[tilespmem:$0x1F800] =	vst v63  }
0xa4: {  	_ =	swait.ge [sflag:s31], $0x2000  }
0xa5: {  	[sflag:s31] =	ssyncset.done $0x0  }
0xa6: {  	s6 =	sadd.s32 $0x2E80, s6;
	[sflag:s31] =	ssyncadd.s32 $0xFFFFE000  }
0xa7: {  	[spmem:s1] =	stream.indirect.scatter.add.f32 [tilespmem:s25], [sflag:$0x6], $0x80, s6, s21, $0xb8;
	[tilespmem:$0x1F800] =	vst v63  }
0xa8: {  	_ =	swait.ge [sflag:s26], $0x2000  }
0xa9: {  	[sflag:s26] =	ssyncset.done $0x0  }
0xaa: {  	[sflag:s26] =	ssyncadd.s32 $0xFFFFE000  }
0xab: {  	[tilespmem:s25], [sflag:$0x3] =	stream.indirect.gather [hbm4b:s4+s21], $0x80, s28, s21, $0xb8;
	[tilespmem:$0x1F800] =	vst v63  }
0xac: {  	_ =	swait.ge [sflag:s29], $0x2000  }
0xad: {  	[sflag:s29] =	ssyncset.done $0x0  }
0xae: {  	s5 =	simm.s32 $0x5300;
	[sflag:s29] =	ssyncadd.s32 $0xFFFFE000  }
0xaf: {  	[spmem:s1] =	stream.indirect.scatter.add.f32 [tilespmem:s22], [sflag:$0x4], $0x80, s5, s21, $0xb8;
	[tilespmem:$0x1F800] =	vst v63  }
0xb0: {  	_ =	swait.ge [sflag:s30], $0x2000  }
0xb1: {  	[sflag:s30] =	ssyncset.done $0x0  }
0xb2: {  	[sflag:s30] =	ssyncadd.s32 $0xFFFFE000  }
0xb3: {  	[tilespmem:s22], [sflag:$0x1] =	stream.indirect.gather [hbm4b:s4+s21], $0x80, s28, s21, $0xb8;
	[tilespmem:$0x1F800] =	vst v63  }
0xb4: {  	_ =	swait.ge [sflag:s0], $0x2000  }
0xb5: {  	[sflag:s0] =	ssyncset.done $0x0  }
0xb6: {  	s8 =	simm.s32 $0x5380;
	[sflag:s0] =	ssyncadd.s32 $0xFFFFE000  }
0xb7: {  	[spmem:s1] =	stream.indirect.scatter.add.f32 [tilespmem:s24], [sflag:$0x5], $0x80, s8, s21, $0xb8;
	[tilespmem:$0x1F800] =	vst v63  }
0xb8: {  	_ =	swait.ge [sflag:s23], $0x2000  }
0xb9: {  	[sflag:s23] =	ssyncset.done $0x0  }
0xba: {  	[sflag:s23] =	ssyncadd.s32 $0xFFFFE000  }
0xbb: {  	[tilespmem:s24], [sflag:$0x2] =	stream.indirect.gather [hbm4b:s4+s21], $0x80, s28, s21, $0xb8;
	[tilespmem:$0x1F800] =	vst v63  }
0xbc: {  	_ =	swait.ge [sflag:s31], $0x2000  }
0xbd: {  	[sflag:s31] =	ssyncset.done $0x0  }
0xbe: {  	s6 =	simm.s32 $0x5400;
	[sflag:s31] =	ssyncadd.s32 $0xFFFFE000  }
0xbf: {  	[spmem:s1] =	stream.indirect.scatter.add.f32 [tilespmem:s25], [sflag:$0x6], $0x80, s6, s21, $0xb8;
	[tilespmem:$0x1F800] =	vst v63  }
0xc0: {  	_ =	swait.ge [sflag:s26], $0x2000  }
0xc1: {  	[sflag:s26] =	ssyncset.done $0x0  }
0xc2: {  	[sflag:s26] =	ssyncadd.s32 $0xFFFFE000  }
0xc3: {  	_ =	swait.ge [sflag:s29], $0x2000  }
0xc4: {  	[sflag:s29] =	ssyncset.done $0x0  }
0xc5: {  	[sflag:s29] =	ssyncadd.s32 $0xFFFFE000  }
0xc6: {  	_ =	swait.ge [sflag:s0], $0x2000  }
0xc7: {  	s8 =	stileid.u32;
	[sflag:s0] =	ssyncset.done $0x0  }
0xc8: {  	s2 =	sadd.s32 $0x1, s2;
	s5 =	sshll.u32 s8, $0x6;
	[sflag:s0] =	ssyncadd.s32 $0xFFFFE000  }
0xc9: {  	p0 =	sne.s32 s2, s9;
	s5 =	sor.u32 $0x1C07, s5;
	[bflag:$0x0] =	sbarrier.arrive $0xFFFF  }
.Ltmp2:
0xca: {  	s6 =	sshrl.u32 s7, $0x3;
	s8 =	rddreg [dreg:$0x5];
	(pc) =	sbr.rel @p0 .LBB2_1-.Ltmp2, $4  }
0xcb: {  	[hbm:s8], [sflag:s5] =	dma.local [spmem:s6], $0x2800  }
0xcc: {  	_ =	swait.ge [sflag:s19], $0x2800  }
0xcd: {  	[sflag:s19] =	ssyncset.done $0x0  }
0xce: {  	[sflag:s19] =	ssyncadd.s32 $0xFFFFD800  }
0xcf: {  	_ =	sfence.sel $0x180000  }
0xd0: {  	[bflag:$0x0] =	sbarrier.arrive $0xFFFF  }
0xd1: {  	_ =	strace $0x90000056  }
0xd2: {  	s0 =	stileid.u32;
	[bflag:$0x2] =	sbarrier.arrive $0xFFFF  }
0xd3: {  	p0 =	sne.s32 s0, $0x0;
	s0 =	rddreg [dreg:$0x2]  }
0xd4: {  	s0 =	sadd.s32 @!p0 $0x100000, s0  }
0xd5: {  	[sflag:s0] =	ssyncadd.tile.s32 @!p0 $0x1;
	_ =	shalt  }
.Lfunc_end2:
_tile_overlayer_lowered:
.L_overlay_start_2:
0xd6: {  	(tag) =	ssettag $0x2  }
0xd7: {  	s0 =	rddreg [dreg:$0x0];
	s2 =	stileid.u32  }
0xd8: {  	s1 =	rddreg [dreg:$0x1];
	p0 =	sne.s32 s2, $0x0  }
0xd9: {  	s3 =	rddreg [dreg:$0x2];
	[bflag:$0x3] =	sbarrier.arrive $0xFFFF;
	s2 =	simm.s32 @!p0 $0x1C07  }
0xda: {  	[timem:s3], [sflag:s2] =	dma.local @!p0 [hbm:s0], s1  }
0xdb: {  	s0 =	simm.s32 @!p0 $0x7  }
0xdc: {  	_ =	swait.ge @!p0 [sflag:s0], s1  }
0xdd: {  	s1 =	ssub.s32 @!p0 $0x0, s1;
	[sflag:s0] =	ssyncset.done @!p0 $0x0  }
0xde: {  	[sflag:s0] =	ssyncadd.s32 @!p0 s1  }
0xdf: {  	[bflag:$0x3] =	sbarrier.arrive $0xFFFF  }
0xe0: {  	_ =	shalt  }

</sc_bundles>
